<compile_context>
chip_gen: v7x
topology: tpu7x:2x2x1
jax: 0.10.2.dev20260603
libtpu: 0.0.44.dev20260713+nightly
codegen_flags: <defaults>
</compile_context>

<pallas_src>
import functools
import math

import jax
import jax.numpy as jnp
from jax import lax
from jax.experimental import pallas as pl
from jax.experimental.pallas import tpu as pltpu
from jax.experimental.pallas import tpu_sc as plsc

HIDDEN = 1024
LANES = 16
VECS_PER_ROW = HIDDEN // LANES
SCALE = math.sqrt(HIDDEN)
NBUF = 3
CHUNK = 16


def _make_sc_kernel(rows):
    info = plsc.get_sparse_core_info()
    nc, ns = info.num_cores, info.num_subcores
    nw = nc * ns
    rpw = rows // nw
    n_chunks = rpw // CHUNK
    n_groups = (n_chunks - 1) // NBUF
    mesh = plsc.VectorSubcoreMesh(core_axis_name="c", subcore_axis_name="s")

    @functools.partial(
        pl.kernel,
        mesh=mesh,
        out_type=jax.ShapeDtypeStruct((rows, HIDDEN), jnp.float32),
        scratch_types=[
            pltpu.VMEM((rpw,), jnp.int32),
            *[pltpu.VMEM((CHUNK, HIDDEN), jnp.float32) for _ in range(2 * NBUF)],
            *[pltpu.SemaphoreType.DMA for _ in range(3 * NBUF)],
        ],
    )
    def pe_add(x_hbm, idx_hbm, pe_hbm, out_hbm, idx_v, *bufs_sems):
        xb = bufs_sems[:NBUF]
        pb = bufs_sems[NBUF:2 * NBUF]
        gs = bufs_sems[2 * NBUF:3 * NBUF]
        xs = bufs_sems[3 * NBUF:4 * NBUF]
        osm = bufs_sems[4 * NBUF:5 * NBUF]
        wid = lax.axis_index("s") * nc + lax.axis_index("c")
        base = wid * rpw
        pltpu.sync_copy(idx_hbm.at[pl.ds(base, rpw)], idx_v)

        def start_in(j, b):
            pltpu.async_copy(
                pe_hbm.at[idx_v.at[pl.ds(j * CHUNK, CHUNK)]], pb[b], gs[b]
            )
            pltpu.async_copy(x_hbm.at[pl.ds(base + j * CHUNK, CHUNK)], xb[b], xs[b])

        def wait_in(b):
            pltpu.make_async_copy(
                pe_hbm.at[idx_v.at[pl.ds(0, CHUNK)]], pb[b], gs[b]
            ).wait()
            pltpu.make_async_copy(x_hbm.at[pl.ds(0, CHUNK)], xb[b], xs[b]).wait()

        def wait_out(b):
            pltpu.make_async_copy(pb[b], out_hbm.at[pl.ds(0, CHUNK)], osm[b]).wait()

        def compute(b):
            DEPTH = 8

            def row_body(r, _, b=b):
                vs = {}
                for k in range(VECS_PER_ROW):
                    sl = pl.ds(k * LANES, LANES)
                    vs[k] = xb[b][r, sl] * SCALE
                    if k >= DEPTH:
                        kk = k - DEPTH
                        plsc.addupdate(
                            pb[b].at[r, pl.ds(kk * LANES, LANES)], vs.pop(kk)
                        )
                for k in range(VECS_PER_ROW - DEPTH, VECS_PER_ROW):
                    plsc.addupdate(pb[b].at[r, pl.ds(k * LANES, LANES)], vs.pop(k))
                return 0

            lax.fori_loop(0, CHUNK, row_body, 0)

        def start_out(j, b):
            pltpu.async_copy(
                pb[b], out_hbm.at[pl.ds(base + j * CHUNK, CHUNK)], osm[b]
            )

        start_in(0, 0)
        start_in(1, 1)

        def group_body(g, _):
            for b in range(NBUF):
                j = NBUF * g + b
                wait_in(b)
                compute(b)
                start_out(j, b)
                pb2 = (b + 2) % NBUF
                if b == 0:
                    @pl.when(g > 0)
                    def _():
                        wait_out(pb2)
                        start_in(j + 2, pb2)

                    @pl.when(g == 0)
                    def _():
                        start_in(j + 2, pb2)
                elif b == 1:
                    wait_out(pb2)
                    start_in(j + 2, pb2)
                else:
                    wait_out(pb2)

                    @pl.when(g < n_groups - 1)
                    def _():
                        start_in(j + 2, pb2)
            return 0

        lax.fori_loop(0, n_groups, group_body, 0)
        wait_in(0)
        compute(0)
        start_out(n_chunks - 1, 0)
        wait_out(2)
        wait_out(0)

    return pe_add


def kernel(x, indices, pe):
    b, t, d = x.shape
    rows = b * t
    x2 = x.reshape(rows, d)
    idx = jnp.asarray(indices, jnp.int32).reshape(rows)
    out = _make_sc_kernel(rows)(x2, idx, pe)
    return out.reshape(b, t, d)

# --- scband reference (transcript-rebuilt; emitter-appended) ---
"""Pipeline reference for scband-positional-encoding-57569741636303 (READ-ONLY COPY).

The authoritative reference and input builder live on the scoring server;
editing this copy changes nothing except your own understanding.
"""

import math
import jax, jax.numpy as jnp
import numpy as np

HIDDEN = 1024
MAX_LEN = 8192
BATCH = 4
SEQ = 8192


def make_pe(max_len, d):
    position = jnp.arange(0, max_len, dtype=jnp.float32)[:, None]
    div_term = jnp.exp(jnp.arange(0, d, 2, dtype=jnp.float32) * -(math.log(10000.0) / d))
    pe = jnp.zeros((max_len, d), dtype=jnp.float32)
    pe = pe.at[:, 0::2].set(jnp.sin(position * div_term))
    pe = pe.at[:, 1::2].set(jnp.cos(position * div_term))
    return pe


def setup_inputs(seed: int = 0) -> dict:
    key = jax.random.key(seed)
    k1, k2 = jax.random.split(key)
    x = jax.random.normal(k1, (BATCH, SEQ, HIDDEN), dtype=jnp.float32)
    indices = jax.random.randint(k2, (BATCH, SEQ), 0, MAX_LEN, dtype=jnp.int64 if jax.config.jax_enable_x64 else jnp.int32)
    pe = make_pe(MAX_LEN, HIDDEN)
    return {"x": x, "indices": indices, "pe": pe}


def reference(x, indices, pe):
    # mode='add', scaled=False -> x_scale = sqrt(hidden_channels)
    x_scale = math.sqrt(HIDDEN)
    b, t = x.shape[0], x.shape[1]
    # torch.index_select(self.pe, 0, indices.view(-1)).view(B, T, -1)
    pe_gathered = jnp.take(pe, indices.reshape(-1), axis=0).reshape(b, t, -1)
    out = x * x_scale + pe_gathered[:, : x.shape[1]]
    # dropout_p = 0.0 -> identity
    return out

if __name__ == "__main__":
    import jax
    _d = setup_inputs()
    print(jax.jit(kernel)(*tuple(_d.values())))

</pallas_src>

<mosaic_0001>
#map = affine_map<(d0, d1) -> (0, 0)>
#map1 = affine_map<(d0, d1) -> (0)>
module attributes {stable_mosaic.version = 14 : i64} {
  func.func @pe_add(%arg0: i32, %arg1: i32, %arg2: memref<32768x1024xf32, #tpu.memory_space<hbm>>, %arg3: memref<32768xi32, #tpu.memory_space<hbm>>, %arg4: memref<8192x1024xf32, #tpu.memory_space<hbm>>, %arg5: memref<32768x1024xf32, #tpu.memory_space<hbm>>, %arg6: memref<1024xi32, #tpu.memory_space<vmem>>, %arg7: memref<16x1024xf32, #tpu.memory_space<vmem>>, %arg8: memref<16x1024xf32, #tpu.memory_space<vmem>>, %arg9: memref<16x1024xf32, #tpu.memory_space<vmem>>, %arg10: memref<16x1024xf32, #tpu.memory_space<vmem>>, %arg11: memref<16x1024xf32, #tpu.memory_space<vmem>>, %arg12: memref<16x1024xf32, #tpu.memory_space<vmem>>, %arg13: memref<!tpu.dma_semaphore, #tpu.memory_space<semaphore_mem>>, %arg14: memref<!tpu.dma_semaphore, #tpu.memory_space<semaphore_mem>>, %arg15: memref<!tpu.dma_semaphore, #tpu.memory_space<semaphore_mem>>, %arg16: memref<!tpu.dma_semaphore, #tpu.memory_space<semaphore_mem>>, %arg17: memref<!tpu.dma_semaphore, #tpu.memory_space<semaphore_mem>>, %arg18: memref<!tpu.dma_semaphore, #tpu.memory_space<semaphore_mem>>, %arg19: memref<!tpu.dma_semaphore, #tpu.memory_space<semaphore_mem>>, %arg20: memref<!tpu.dma_semaphore, #tpu.memory_space<semaphore_mem>>, %arg21: memref<!tpu.dma_semaphore, #tpu.memory_space<semaphore_mem>>) attributes {dimension_semantics = [#tpu.dimension_semantics<core_parallel>, #tpu.dimension_semantics<subcore_parallel>], iteration_bounds = array<i64: 2, 16>, scalar_prefetch = 0 : i64, scratch_operands = 16 : i64, tpu.core_type = #tpu.core_type<sc_vector_subcore>, window_params = [{transform_indices = #map}, {transform_indices = #map1}, {transform_indices = #map}, {transform_indices = #map}]} {
    %mul3A = arith.constant 2 : i32
    %mul3A_0 = arith.muli %arg1, %mul3A : i32
    %add3A = arith.addi %mul3A_0, %arg0 : i32
    %mul3A_1 = arith.constant 1024 : i32
    %mul3A_2 = arith.muli %add3A, %mul3A_1 : i32
    "tpu.region"() ({
      %run_scoped3A = tpu.sem_alloc : memref<!tpu.dma_semaphore, #tpu.memory_space<semaphore_mem>>
      %dma_start3A_65 = tpu.memref_slice %arg3[%mul3A_2] : memref<32768xi32, #tpu.memory_space<hbm>> -> memref<1024xi32, #tpu.memory_space<hbm>>
      %dma_start3A_66 = tpu.memref_slice %arg3[%mul3A_2] : memref<32768xi32, #tpu.memory_space<hbm>> -> memref<1024xi32, #tpu.memory_space<hbm>>
      tpu.enqueue_dma source(%dma_start3A_66 : memref<1024xi32, #tpu.memory_space<hbm>>) target(%arg6 : memref<1024xi32, #tpu.memory_space<vmem>>) target_semaphore(%run_scoped3A : memref<!tpu.dma_semaphore, #tpu.memory_space<semaphore_mem>>)
      %dma_wait3A_67 = tpu.memref_slice %arg3[%mul3A_2] : memref<32768xi32, #tpu.memory_space<hbm>> -> memref<1024xi32, #tpu.memory_space<hbm>>
      %dma_wait3A_68 = tpu.memref_slice %arg3[%mul3A_2] : memref<32768xi32, #tpu.memory_space<hbm>> -> memref<1024xi32, #tpu.memory_space<hbm>>
      tpu.wait_dma2 semaphore(%run_scoped3A : memref<!tpu.dma_semaphore, #tpu.memory_space<semaphore_mem>>) src(%dma_wait3A_68 : memref<1024xi32, #tpu.memory_space<hbm>>) dst(%arg6 : memref<1024xi32, #tpu.memory_space<vmem>>)
      tpu.yield
    }) : () -> ()
    %dma_start3A = arith.constant 0 : i32
    %dma_start3A_3 = tpu.memref_slice %arg6[%dma_start3A] : memref<1024xi32, #tpu.memory_space<vmem>> -> memref<16xi32, #tpu.memory_space<vmem>>
    %dma_start3A_4 = arith.constant 0 : i32
    %dma_start3A_5 = arith.constant 0 : i32
    %dma_start3A_6 = tpu.memref_slice %arg4[%dma_start3A_4, %dma_start3A_5] : memref<8192x1024xf32, #tpu.memory_space<hbm>> -> memref<8192x1024xf32, #tpu.memory_space<hbm>>
    tpu.enqueue_indirect_dma source(%dma_start3A_6 : memref<8192x1024xf32, #tpu.memory_space<hbm>>) target(%arg10 : memref<16x1024xf32, #tpu.memory_space<vmem>>) offsets(%dma_start3A_3 : memref<16xi32, #tpu.memory_space<vmem>>) semaphore(%arg13 : memref<!tpu.dma_semaphore, #tpu.memory_space<semaphore_mem>>)
    %add3A_7 = arith.constant 0 : i32
    %add3A_8 = arith.addi %mul3A_2, %add3A_7 : i32
    %dma_start3A_9 = arith.constant 0 : i32
    %dma_start3A_10 = tpu.memref_slice %arg2[%add3A_8, %dma_start3A_9] : memref<32768x1024xf32, #tpu.memory_space<hbm>> -> memref<16x1024xf32, #tpu.memory_space<hbm>>
    %dma_start3A_11 = arith.constant 0 : i32
    %dma_start3A_12 = tpu.memref_slice %arg2[%add3A_8, %dma_start3A_11] : memref<32768x1024xf32, #tpu.memory_space<hbm>> -> memref<16x1024xf32, #tpu.memory_space<hbm>>
    tpu.enqueue_dma source(%dma_start3A_12 : memref<16x1024xf32, #tpu.memory_space<hbm>>) target(%arg7 : memref<16x1024xf32, #tpu.memory_space<vmem>>) target_semaphore(%arg16 : memref<!tpu.dma_semaphore, #tpu.memory_space<semaphore_mem>>)
    %dma_start3A_13 = arith.constant 16 : i32
    %dma_start3A_14 = tpu.memref_slice %arg6[%dma_start3A_13] : memref<1024xi32, #tpu.memory_space<vmem>> -> memref<16xi32, #tpu.memory_space<vmem>>
    %dma_start3A_15 = arith.constant 0 : i32
    %dma_start3A_16 = arith.constant 0 : i32
    %dma_start3A_17 = tpu.memref_slice %arg4[%dma_start3A_15, %dma_start3A_16] : memref<8192x1024xf32, #tpu.memory_space<hbm>> -> memref<8192x1024xf32, #tpu.memory_space<hbm>>
    tpu.enqueue_indirect_dma source(%dma_start3A_17 : memref<8192x1024xf32, #tpu.memory_space<hbm>>) target(%arg11 : memref<16x1024xf32, #tpu.memory_space<vmem>>) offsets(%dma_start3A_14 : memref<16xi32, #tpu.memory_space<vmem>>) semaphore(%arg14 : memref<!tpu.dma_semaphore, #tpu.memory_space<semaphore_mem>>)
    %add3A_18 = arith.constant 16 : i32
    %add3A_19 = arith.addi %mul3A_2, %add3A_18 : i32
    %dma_start3A_20 = arith.constant 0 : i32
    %dma_start3A_21 = tpu.memref_slice %arg2[%add3A_19, %dma_start3A_20] : memref<32768x1024xf32, #tpu.memory_space<hbm>> -> memref<16x1024xf32, #tpu.memory_space<hbm>>
    %dma_start3A_22 = arith.constant 0 : i32
    %dma_start3A_23 = tpu.memref_slice %arg2[%add3A_19, %dma_start3A_22] : memref<32768x1024xf32, #tpu.memory_space<hbm>> -> memref<16x1024xf32, #tpu.memory_space<hbm>>
    tpu.enqueue_dma source(%dma_start3A_23 : memref<16x1024xf32, #tpu.memory_space<hbm>>) target(%arg8 : memref<16x1024xf32, #tpu.memory_space<vmem>>) target_semaphore(%arg17 : memref<!tpu.dma_semaphore, #tpu.memory_space<semaphore_mem>>)
    %scan3A = arith.constant 0 : i32
    %scan3A_24 = arith.constant 0 : i32
    %scan3A_25 = arith.constant 21 : i32
    %scan3A_26 = arith.addi %scan3A_24, %scan3A_25 : i32
    %scan3A_27 = arith.constant 1 : i32
    %scan3A_28 = scf.for %scan3A_65 = %scan3A_24 to %scan3A_26 step %scan3A_27 iter_args(%scan3A_66 = %scan3A) -> (i32)  : i32 {
      %mul3A_67 = arith.constant 3 : i32
      %mul3A_68 = arith.muli %mul3A_67, %scan3A_65 : i32
      %add3A_69 = arith.constant 0 : i32
      %add3A_70 = arith.addi %mul3A_68, %add3A_69 : i32
      %dma_wait3A_71 = arith.constant 0 : i32
      %dma_wait3A_72 = tpu.memref_slice %arg6[%dma_wait3A_71] : memref<1024xi32, #tpu.memory_space<vmem>> -> memref<16xi32, #tpu.memory_space<vmem>>
      %dma_wait3A_73 = arith.constant 0 : i32
      %dma_wait3A_74 = arith.constant 0 : i32
      %dma_wait3A_75 = tpu.memref_slice %arg4[%dma_wait3A_73, %dma_wait3A_74] : memref<8192x1024xf32, #tpu.memory_space<hbm>> -> memref<8192x1024xf32, #tpu.memory_space<hbm>>
      tpu.wait_indirect_dma semaphore(%arg13 : memref<!tpu.dma_semaphore, #tpu.memory_space<semaphore_mem>>) src(%dma_wait3A_75 : memref<8192x1024xf32, #tpu.memory_space<hbm>>) dst(%arg10 : memref<16x1024xf32, #tpu.memory_space<vmem>>)
      %dma_wait3A_76 = arith.constant 0 : i32
      %dma_wait3A_77 = arith.constant 0 : i32
      %dma_wait3A_78 = tpu.memref_slice %arg2[%dma_wait3A_76, %dma_wait3A_77] : memref<32768x1024xf32, #tpu.memory_space<hbm>> -> memref<16x1024xf32, #tpu.memory_space<hbm>>
      %dma_wait3A_79 = arith.constant 0 : i32
      %dma_wait3A_80 = arith.constant 0 : i32
      %dma_wait3A_81 = tpu.memref_slice %arg2[%dma_wait3A_79, %dma_wait3A_80] : memref<32768x1024xf32, #tpu.memory_space<hbm>> -> memref<16x1024xf32, #tpu.memory_space<hbm>>
      tpu.wait_dma2 semaphore(%arg16 : memref<!tpu.dma_semaphore, #tpu.memory_space<semaphore_mem>>) src(%dma_wait3A_81 : memref<16x1024xf32, #tpu.memory_space<hbm>>) dst(%arg7 : memref<16x1024xf32, #tpu.memory_space<vmem>>)
      %scan3A_82 = arith.constant 0 : i32
      %scan3A_83 = arith.constant 0 : i32
      %scan3A_84 = arith.constant 16 : i32
      %scan3A_85 = arith.addi %scan3A_83, %scan3A_84 : i32
      %scan3A_86 = arith.constant 1 : i32
      %scan3A_87 = scf.for %scan3A_192 = %scan3A_83 to %scan3A_85 step %scan3A_86 iter_args(%scan3A_193 = %scan3A_82) -> (i32)  : i32 {
        %get3A = arith.index_cast %scan3A_192 : i32 to index
        %get3A_194 = arith.constant 0 : index
        %get3A_195 = tpu.vector_load %arg7[%get3A, %get3A_194] {strides = array<i32>} : memref<16x1024xf32, #tpu.memory_space<vmem>>, vector<1x16xf32>,
        %get3A_196 = vector.shape_cast %get3A_195 : vector<1x16xf32> to vector<16xf32>
        %mul3A_197 = arith.constant 3.200000e+01 : f32
        %mul3A_198 = vector.broadcast %mul3A_197 : f32 to vector<16xf32>
        %mul3A_199 = arith.mulf %get3A_196, %mul3A_198 : vector<16xf32>
        %get3A_200 = arith.index_cast %scan3A_192 : i32 to index
        %get3A_201 = arith.constant 16 : index
        %get3A_202 = tpu.vector_load %arg7[%get3A_200, %get3A_201] {strides = array<i32>} : memref<16x1024xf32, #tpu.memory_space<vmem>>, vector<1x16xf32>,
        %get3A_203 = vector.shape_cast %get3A_202 : vector<1x16xf32> to vector<16xf32>
        %mul3A_204 = arith.constant 3.200000e+01 : f32
        %mul3A_205 = vector.broadcast %mul3A_204 : f32 to vector<16xf32>
        %mul3A_206 = arith.mulf %get3A_203, %mul3A_205 : vector<16xf32>
        %get3A_207 = arith.index_cast %scan3A_192 : i32 to index
        %get3A_208 = arith.constant 32 : index
        %get3A_209 = tpu.vector_load %arg7[%get3A_207, %get3A_208] {strides = array<i32>} : memref<16x1024xf32, #tpu.memory_space<vmem>>, vector<1x16xf32>,
        %get3A_210 = vector.shape_cast %get3A_209 : vector<1x16xf32> to vector<16xf32>
        %mul3A_211 = arith.constant 3.200000e+01 : f32
        %mul3A_212 = vector.broadcast %mul3A_211 : f32 to vector<16xf32>
        %mul3A_213 = arith.mulf %get3A_210, %mul3A_212 : vector<16xf32>
        %get3A_214 = arith.index_cast %scan3A_192 : i32 to index
        %get3A_215 = arith.constant 48 : index
        %get3A_216 = tpu.vector_load %arg7[%get3A_214, %get3A_215] {strides = array<i32>} : memref<16x1024xf32, #tpu.memory_space<vmem>>, vector<1x16xf32>,
        %get3A_217 = vector.shape_cast %get3A_216 : vector<1x16xf32> to vector<16xf32>
        %mul3A_218 = arith.constant 3.200000e+01 : f32
        %mul3A_219 = vector.broadcast %mul3A_218 : f32 to vector<16xf32>
        %mul3A_220 = arith.mulf %get3A_217, %mul3A_219 : vector<16xf32>
        %get3A_221 = arith.index_cast %scan3A_192 : i32 to index
        %get3A_222 = arith.constant 64 : index
        %get3A_223 = tpu.vector_load %arg7[%get3A_221, %get3A_222] {strides = array<i32>} : memref<16x1024xf32, #tpu.memory_space<vmem>>, vector<1x16xf32>,
        %get3A_224 = vector.shape_cast %get3A_223 : vector<1x16xf32> to vector<16xf32>
        %mul3A_225 = arith.constant 3.200000e+01 : f32
        %mul3A_226 = vector.broadcast %mul3A_225 : f32 to vector<16xf32>
        %mul3A_227 = arith.mulf %get3A_224, %mul3A_226 : vector<16xf32>
        %get3A_228 = arith.index_cast %scan3A_192 : i32 to index
        %get3A_229 = arith.constant 80 : index
        %get3A_230 = tpu.vector_load %arg7[%get3A_228, %get3A_229] {strides = array<i32>} : memref<16x1024xf32, #tpu.memory_space<vmem>>, vector<1x16xf32>,
        %get3A_231 = vector.shape_cast %get3A_230 : vector<1x16xf32> to vector<16xf32>
        %mul3A_232 = arith.constant 3.200000e+01 : f32
        %mul3A_233 = vector.broadcast %mul3A_232 : f32 to vector<16xf32>
        %mul3A_234 = arith.mulf %get3A_231, %mul3A_233 : vector<16xf32>
        %get3A_235 = arith.index_cast %scan3A_192 : i32 to index
        %get3A_236 = arith.constant 96 : index
        %get3A_237 = tpu.vector_load %arg7[%get3A_235, %get3A_236] {strides = array<i32>} : memref<16x1024xf32, #tpu.memory_space<vmem>>, vector<1x16xf32>,
        %get3A_238 = vector.shape_cast %get3A_237 : vector<1x16xf32> to vector<16xf32>
        %mul3A_239 = arith.constant 3.200000e+01 : f32
        %mul3A_240 = vector.broadcast %mul3A_239 : f32 to vector<16xf32>
        %mul3A_241 = arith.mulf %get3A_238, %mul3A_240 : vector<16xf32>
        %get3A_242 = arith.index_cast %scan3A_192 : i32 to index
        %get3A_243 = arith.constant 112 : index
        %get3A_244 = tpu.vector_load %arg7[%get3A_242, %get3A_243] {strides = array<i32>} : memref<16x1024xf32, #tpu.memory_space<vmem>>, vector<1x16xf32>,
        %get3A_245 = vector.shape_cast %get3A_244 : vector<1x16xf32> to vector<16xf32>
        %mul3A_246 = arith.constant 3.200000e+01 : f32
        %mul3A_247 = vector.broadcast %mul3A_246 : f32 to vector<16xf32>
        %mul3A_248 = arith.mulf %get3A_245, %mul3A_247 : vector<16xf32>
        %get3A_249 = arith.index_cast %scan3A_192 : i32 to index
        %get3A_250 = arith.constant 128 : index
        %get3A_251 = tpu.vector_load %arg7[%get3A_249, %get3A_250] {strides = array<i32>} : memref<16x1024xf32, #tpu.memory_space<vmem>>, vector<1x16xf32>,
        %get3A_252 = vector.shape_cast %get3A_251 : vector<1x16xf32> to vector<16xf32>
        %mul3A_253 = arith.constant 3.200000e+01 : f32
        %mul3A_254 = vector.broadcast %mul3A_253 : f32 to vector<16xf32>
        %mul3A_255 = arith.mulf %get3A_252, %mul3A_254 : vector<16xf32>
        %swap3A = arith.index_cast %scan3A_192 : i32 to index
        %swap3A_256 = arith.constant 0 : index
        %swap3A_257 = tpu.vector_load %arg10[%swap3A, %swap3A_256] {strides = array<i32>} : memref<16x1024xf32, #tpu.memory_space<vmem>>, vector<1x16xf32>,
        %swap3A_258 = vector.shape_cast %swap3A_257 : vector<1x16xf32> to vector<16xf32>
        %swap3A_259 = vector.shape_cast %mul3A_199 : vector<16xf32> to vector<1x16xf32>
        tpu.vector_store %arg10[%swap3A, %swap3A_256], %swap3A_259 {add = true, strides = array<i32>} : memref<16x1024xf32, #tpu.memory_space<vmem>>, vector<1x16xf32>,
        %get3A_260 = arith.index_cast %scan3A_192 : i32 to index
        %get3A_261 = arith.constant 144 : index
        %get3A_262 = tpu.vector_load %arg7[%get3A_260, %get3A_261] {strides = array<i32>} : memref<16x1024xf32, #tpu.memory_space<vmem>>, vector<1x16xf32>,
        %get3A_263 = vector.shape_cast %get3A_262 : vector<1x16xf32> to vector<16xf32>
        %mul3A_264 = arith.constant 3.200000e+01 : f32
        %mul3A_265 = vector.broadcast %mul3A_264 : f32 to vector<16xf32>
        %mul3A_266 = arith.mulf %get3A_263, %mul3A_265 : vector<16xf32>
        %swap3A_267 = arith.index_cast %scan3A_192 : i32 to index
        %swap3A_268 = arith.constant 16 : index
        %swap3A_269 = tpu.vector_load %arg10[%swap3A_267, %swap3A_268] {strides = array<i32>} : memref<16x1024xf32, #tpu.memory_space<vmem>>, vector<1x16xf32>,
        %swap3A_270 = vector.shape_cast %swap3A_269 : vector<1x16xf32> to vector<16xf32>
        %swap3A_271 = vector.shape_cast %mul3A_206 : vector<16xf32> to vector<1x16xf32>
        tpu.vector_store %arg10[%swap3A_267, %swap3A_268], %swap3A_271 {add = true, strides = array<i32>} : memref<16x1024xf32, #tpu.memory_space<vmem>>, vector<1x16xf32>,
        %get3A_272 = arith.index_cast %scan3A_192 : i32 to index
        %get3A_273 = arith.constant 160 : index
        %get3A_274 = tpu.vector_load %arg7[%get3A_272, %get3A_273] {strides = array<i32>} : memref<16x1024xf32, #tpu.memory_space<vmem>>, vector<1x16xf32>,
        %get3A_275 = vector.shape_cast %get3A_274 : vector<1x16xf32> to vector<16xf32>
        %mul3A_276 = arith.constant 3.200000e+01 : f32
        %mul3A_277 = vector.broadcast %mul3A_276 : f32 to vector<16xf32>
        %mul3A_278 = arith.mulf %get3A_275, %mul3A_277 : vector<16xf32>
        %swap3A_279 = arith.index_cast %scan3A_192 : i32 to index
        %swap3A_280 = arith.constant 32 : index
        %swap3A_281 = tpu.vector_load %arg10[%swap3A_279, %swap3A_280] {strides = array<i32>} : memref<16x1024xf32, #tpu.memory_space<vmem>>, vector<1x16xf32>,
        %swap3A_282 = vector.shape_cast %swap3A_281 : vector<1x16xf32> to vector<16xf32>
        %swap3A_283 = vector.shape_cast %mul3A_213 : vector<16xf32> to vector<1x16xf32>
        tpu.vector_store %arg10[%swap3A_279, %swap3A_280], %swap3A_283 {add = true, strides = array<i32>} : memref<16x1024xf32, #tpu.memory_space<vmem>>, vector<1x16xf32>,
        %get3A_284 = arith.index_cast %scan3A_192 : i32 to index
        %get3A_285 = arith.constant 176 : index
        %get3A_286 = tpu.vector_load %arg7[%get3A_284, %get3A_285] {strides = array<i32>} : memref<16x1024xf32, #tpu.memory_space<vmem>>, vector<1x16xf32>,
        %get3A_287 = vector.shape_cast %get3A_286 : vector<1x16xf32> to vector<16xf32>
        %mul3A_288 = arith.constant 3.200000e+01 : f32
        %mul3A_289 = vector.broadcast %mul3A_288 : f32 to vector<16xf32>
        %mul3A_290 = arith.mulf %get3A_287, %mul3A_289 : vector<16xf32>
        %swap3A_291 = arith.index_cast %scan3A_192 : i32 to index
        %swap3A_292 = arith.constant 48 : index
        %swap3A_293 = tpu.vector_load %arg10[%swap3A_291, %swap3A_292] {strides = array<i32>} : memref<16x1024xf32, #tpu.memory_space<vmem>>, vector<1x16xf32>,
        %swap3A_294 = vector.shape_cast %swap3A_293 : vector<1x16xf32> to vector<16xf32>
        %swap3A_295 = vector.shape_cast %mul3A_220 : vector<16xf32> to vector<1x16xf32>
        tpu.vector_store %arg10[%swap3A_291, %swap3A_292], %swap3A_295 {add = true, strides = array<i32>} : memref<16x1024xf32, #tpu.memory_space<vmem>>, vector<1x16xf32>,
        %get3A_296 = arith.index_cast %scan3A_192 : i32 to index
        %get3A_297 = arith.constant 192 : index
        %get3A_298 = tpu.vector_load %arg7[%get3A_296, %get3A_297] {strides = array<i32>} : memref<16x1024xf32, #tpu.memory_space<vmem>>, vector<1x16xf32>,
        %get3A_299 = vector.shape_cast %get3A_298 : vector<1x16xf32> to vector<16xf32>
        %mul3A_300 = arith.constant 3.200000e+01 : f32
        %mul3A_301 = vector.broadcast %mul3A_300 : f32 to vector<16xf32>
        %mul3A_302 = arith.mulf %get3A_299, %mul3A_301 : vector<16xf32>
        %swap3A_303 = arith.index_cast %scan3A_192 : i32 to index
        %swap3A_304 = arith.constant 64 : index
        %swap3A_305 = tpu.vector_load %arg10[%swap3A_303, %swap3A_304] {strides = array<i32>} : memref<16x1024xf32, #tpu.memory_space<vmem>>, vector<1x16xf32>,
        %swap3A_306 = vector.shape_cast %swap3A_305 : vector<1x16xf32> to vector<16xf32>
        %swap3A_307 = vector.shape_cast %mul3A_227 : vector<16xf32> to vector<1x16xf32>
        tpu.vector_store %arg10[%swap3A_303, %swap3A_304], %swap3A_307 {add = true, strides = array<i32>} : memref<16x1024xf32, #tpu.memory_space<vmem>>, vector<1x16xf32>,
        %get3A_308 = arith.index_cast %scan3A_192 : i32 to index
        %get3A_309 = arith.constant 208 : index
        %get3A_310 = tpu.vector_load %arg7[%get3A_308, %get3A_309] {strides = array<i32>} : memref<16x1024xf32, #tpu.memory_space<vmem>>, vector<1x16xf32>,
        %get3A_311 = vector.shape_cast %get3A_310 : vector<1x16xf32> to vector<16xf32>
        %mul3A_312 = arith.constant 3.200000e+01 : f32
        %mul3A_313 = vector.broadcast %mul3A_312 : f32 to vector<16xf32>
        %mul3A_314 = arith.mulf %get3A_311, %mul3A_313 : vector<16xf32>
        %swap3A_315 = arith.index_cast %scan3A_192 : i32 to index
        %swap3A_316 = arith.constant 80 : index
        %swap3A_317 = tpu.vector_load %arg10[%swap3A_315, %swap3A_316] {strides = array<i32>} : memref<16x1024xf32, #tpu.memory_space<vmem>>, vector<1x16xf32>,
        %swap3A_318 = vector.shape_cast %swap3A_317 : vector<1x16xf32> to vector<16xf32>
        %swap3A_319 = vector.shape_cast %mul3A_234 : vector<16xf32> to vector<1x16xf32>
        tpu.vector_store %arg10[%swap3A_315, %swap3A_316], %swap3A_319 {add = true, strides = array<i32>} : memref<16x1024xf32, #tpu.memory_space<vmem>>, vector<1x16xf32>,
        %get3A_320 = arith.index_cast %scan3A_192 : i32 to index
        %get3A_321 = arith.constant 224 : index
        %get3A_322 = tpu.vector_load %arg7[%get3A_320, %get3A_321] {strides = array<i32>} : memref<16x1024xf32, #tpu.memory_space<vmem>>, vector<1x16xf32>,
        %get3A_323 = vector.shape_cast %get3A_322 : vector<1x16xf32> to vector<16xf32>
        %mul3A_324 = arith.constant 3.200000e+01 : f32
        %mul3A_325 = vector.broadcast %mul3A_324 : f32 to vector<16xf32>
        %mul3A_326 = arith.mulf %get3A_323, %mul3A_325 : vector<16xf32>
        %swap3A_327 = arith.index_cast %scan3A_192 : i32 to index
        %swap3A_328 = arith.constant 96 : index
        %swap3A_329 = tpu.vector_load %arg10[%swap3A_327, %swap3A_328] {strides = array<i32>} : memref<16x1024xf32, #tpu.memory_space<vmem>>, vector<1x16xf32>,
        %swap3A_330 = vector.shape_cast %swap3A_329 : vector<1x16xf32> to vector<16xf32>
        %swap3A_331 = vector.shape_cast %mul3A_241 : vector<16xf32> to vector<1x16xf32>
        tpu.vector_store %arg10[%swap3A_327, %swap3A_328], %swap3A_331 {add = true, strides = array<i32>} : memref<16x1024xf32, #tpu.memory_space<vmem>>, vector<1x16xf32>,
        %get3A_332 = arith.index_cast %scan3A_192 : i32 to index
        %get3A_333 = arith.constant 240 : index
        %get3A_334 = tpu.vector_load %arg7[%get3A_332, %get3A_333] {strides = array<i32>} : memref<16x1024xf32, #tpu.memory_space<vmem>>, vector<1x16xf32>,
        %get3A_335 = vector.shape_cast %get3A_334 : vector<1x16xf32> to vector<16xf32>
        %mul3A_336 = arith.constant 3.200000e+01 : f32
        %mul3A_337 = vector.broadcast %mul3A_336 : f32 to vector<16xf32>
        %mul3A_338 = arith.mulf %get3A_335, %mul3A_337 : vector<16xf32>
        %swap3A_339 = arith.index_cast %scan3A_192 : i32 to index
        %swap3A_340 = arith.constant 112 : index
        %swap3A_341 = tpu.vector_load %arg10[%swap3A_339, %swap3A_340] {strides = array<i32>} : memref<16x1024xf32, #tpu.memory_space<vmem>>, vector<1x16xf32>,
        %swap3A_342 = vector.shape_cast %swap3A_341 : vector<1x16xf32> to vector<16xf32>
        %swap3A_343 = vector.shape_cast %mul3A_248 : vector<16xf32> to vector<1x16xf32>
        tpu.vector_store %arg10[%swap3A_339, %swap3A_340], %swap3A_343 {add = true, strides = array<i32>} : memref<16x1024xf32, #tpu.memory_space<vmem>>, vector<1x16xf32>,
        %get3A_344 = arith.index_cast %scan3A_192 : i32 to index
        %get3A_345 = arith.constant 256 : index
        %get3A_346 = tpu.vector_load %arg7[%get3A_344, %get3A_345] {strides = array<i32>} : memref<16x1024xf32, #tpu.memory_space<vmem>>, vector<1x16xf32>,
        %get3A_347 = vector.shape_cast %get3A_346 : vector<1x16xf32> to vector<16xf32>
        %mul3A_348 = arith.constant 3.200000e+01 : f32
        %mul3A_349 = vector.broadcast %mul3A_348 : f32 to vector<16xf32>
        %mul3A_350 = arith.mulf %get3A_347, %mul3A_349 : vector<16xf32>
        %swap3A_351 = arith.index_cast %scan3A_192 : i32 to index
        %swap3A_352 = arith.constant 128 : index
        %swap3A_353 = tpu.vector_load %arg10[%swap3A_351, %swap3A_352] {strides = array<i32>} : memref<16x1024xf32, #tpu.memory_space<vmem>>, vector<1x16xf32>,
        %swap3A_354 = vector.shape_cast %swap3A_353 : vector<1x16xf32> to vector<16xf32>
        %swap3A_355 = vector.shape_cast %mul3A_255 : vector<16xf32> to vector<1x16xf32>
        tpu.vector_store %arg10[%swap3A_351, %swap3A_352], %swap3A_355 {add = true, strides = array<i32>} : memref<16x1024xf32, #tpu.memory_space<vmem>>, vector<1x16xf32>,
        %get3A_356 = arith.index_cast %scan3A_192 : i32 to index
        %get3A_357 = arith.constant 272 : index
        %get3A_358 = tpu.vector_load %arg7[%get3A_356, %get3A_357] {strides = array<i32>} : memref<16x1024xf32, #tpu.memory_space<vmem>>, vector<1x16xf32>,
        %get3A_359 = vector.shape_cast %get3A_358 : vector<1x16xf32> to vector<16xf32>
        %mul3A_360 = arith.constant 3.200000e+01 : f32
        %mul3A_361 = vector.broadcast %mul3A_360 : f32 to vector<16xf32>
        %mul3A_362 = arith.mulf %get3A_359, %mul3A_361 : vector<16xf32>
        %swap3A_363 = arith.index_cast %scan3A_192 : i32 to index
        %swap3A_364 = arith.constant 144 : index
        %swap3A_365 = tpu.vector_load %arg10[%swap3A_363, %swap3A_364] {strides = array<i32>} : memref<16x1024xf32, #tpu.memory_space<vmem>>, vector<1x16xf32>,
        %swap3A_366 = vector.shape_cast %swap3A_365 : vector<1x16xf32> to vector<16xf32>
        %swap3A_367 = vector.shape_cast %mul3A_266 : vector<16xf32> to vector<1x16xf32>
        tpu.vector_store %arg10[%swap3A_363, %swap3A_364], %swap3A_367 {add = true, strides = array<i32>} : memref<16x1024xf32, #tpu.memory_space<vmem>>, vector<1x16xf32>,
        %get3A_368 = arith.index_cast %scan3A_192 : i32 to index
        %get3A_369 = arith.constant 288 : index
        %get3A_370 = tpu.vector_load %arg7[%get3A_368, %get3A_369] {strides = array<i32>} : memref<16x1024xf32, #tpu.memory_space<vmem>>, vector<1x16xf32>,
        %get3A_371 = vector.shape_cast %get3A_370 : vector<1x16xf32> to vector<16xf32>
        %mul3A_372 = arith.constant 3.200000e+01 : f32
        %mul3A_373 = vector.broadcast %mul3A_372 : f32 to vector<16xf32>
        %mul3A_374 = arith.mulf %get3A_371, %mul3A_373 : vector<16xf32>
        %swap3A_375 = arith.index_cast %scan3A_192 : i32 to index
        %swap3A_376 = arith.constant 160 : index
        %swap3A_377 = tpu.vector_load %arg10[%swap3A_375, %swap3A_376] {strides = array<i32>} : memref<16x1024xf32, #tpu.memory_space<vmem>>, vector<1x16xf32>,
        %swap3A_378 = vector.shape_cast %swap3A_377 : vector<1x16xf32> to vector<16xf32>
        %swap3A_379 = vector.shape_cast %mul3A_278 : vector<16xf32> to vector<1x16xf32>
        tpu.vector_store %arg10[%swap3A_375, %swap3A_376], %swap3A_379 {add = true, strides = array<i32>} : memref<16x1024xf32, #tpu.memory_space<vmem>>, vector<1x16xf32>,
        %get3A_380 = arith.index_cast %scan3A_192 : i32 to index
        %get3A_381 = arith.constant 304 : index
        %get3A_382 = tpu.vector_load %arg7[%get3A_380, %get3A_381] {strides = array<i32>} : memref<16x1024xf32, #tpu.memory_space<vmem>>, vector<1x16xf32>,
        %get3A_383 = vector.shape_cast %get3A_382 : vector<1x16xf32> to vector<16xf32>
        %mul3A_384 = arith.constant 3.200000e+01 : f32
        %mul3A_385 = vector.broadcast %mul3A_384 : f32 to vector<16xf32>
        %mul3A_386 = arith.mulf %get3A_383, %mul3A_385 : vector<16xf32>
        %swap3A_387 = arith.index_cast %scan3A_192 : i32 to index
        %swap3A_388 = arith.constant 176 : index
        %swap3A_389 = tpu.vector_load %arg10[%swap3A_387, %swap3A_388] {strides = array<i32>} : memref<16x1024xf32, #tpu.memory_space<vmem>>, vector<1x16xf32>,
        %swap3A_390 = vector.shape_cast %swap3A_389 : vector<1x16xf32> to vector<16xf32>
        %swap3A_391 = vector.shape_cast %mul3A_290 : vector<16xf32> to vector<1x16xf32>
        tpu.vector_store %arg10[%swap3A_387, %swap3A_388], %swap3A_391 {add = true, strides = array<i32>} : memref<16x1024xf32, #tpu.memory_space<vmem>>, vector<1x16xf32>,
        %get3A_392 = arith.index_cast %scan3A_192 : i32 to index
        %get3A_393 = arith.constant 320 : index
        %get3A_394 = tpu.vector_load %arg7[%get3A_392, %get3A_393] {strides = array<i32>} : memref<16x1024xf32, #tpu.memory_space<vmem>>, vector<1x16xf32>,
        %get3A_395 = vector.shape_cast %get3A_394 : vector<1x16xf32> to vector<16xf32>
        %mul3A_396 = arith.constant 3.200000e+01 : f32
        %mul3A_397 = vector.broadcast %mul3A_396 : f32 to vector<16xf32>
        %mul3A_398 = arith.mulf %get3A_395, %mul3A_397 : vector<16xf32>
        %swap3A_399 = arith.index_cast %scan3A_192 : i32 to index
        %swap3A_400 = arith.constant 192 : index
        %swap3A_401 = tpu.vector_load %arg10[%swap3A_399, %swap3A_400] {strides = array<i32>} : memref<16x1024xf32, #tpu.memory_space<vmem>>, vector<1x16xf32>,
        %swap3A_402 = vector.shape_cast %swap3A_401 : vector<1x16xf32> to vector<16xf32>
        %swap3A_403 = vector.shape_cast %mul3A_302 : vector<16xf32> to vector<1x16xf32>
        tpu.vector_store %arg10[%swap3A_399, %swap3A_400], %swap3A_403 {add = true, strides = array<i32>} : memref<16x1024xf32, #tpu.memory_space<vmem>>, vector<1x16xf32>,
        %get3A_404 = arith.index_cast %scan3A_192 : i32 to index
        %get3A_405 = arith.constant 336 : index
        %get3A_406 = tpu.vector_load %arg7[%get3A_404, %get3A_405] {strides = array<i32>} : memref<16x1024xf32, #tpu.memory_space<vmem>>, vector<1x16xf32>,
        %get3A_407 = vector.shape_cast %get3A_406 : vector<1x16xf32> to vector<16xf32>
        %mul3A_408 = arith.constant 3.200000e+01 : f32
        %mul3A_409 = vector.broadcast %mul3A_408 : f32 to vector<16xf32>
        %mul3A_410 = arith.mulf %get3A_407, %mul3A_409 : vector<16xf32>
        %swap3A_411 = arith.index_cast %scan3A_192 : i32 to index
        %swap3A_412 = arith.constant 208 : index
        %swap3A_413 = tpu.vector_load %arg10[%swap3A_411, %swap3A_412] {strides = array<i32>} : memref<16x1024xf32, #tpu.memory_space<vmem>>, vector<1x16xf32>,
        %swap3A_414 = vector.shape_cast %swap3A_413 : vector<1x16xf32> to vector<16xf32>
        %swap3A_415 = vector.shape_cast %mul3A_314 : vector<16xf32> to vector<1x16xf32>
        tpu.vector_store %arg10[%swap3A_411, %swap3A_412], %swap3A_415 {add = true, strides = array<i32>} : memref<16x1024xf32, #tpu.memory_space<vmem>>, vector<1x16xf32>,
        %get3A_416 = arith.index_cast %scan3A_192 : i32 to index
        %get3A_417 = arith.constant 352 : index
        %get3A_418 = tpu.vector_load %arg7[%get3A_416, %get3A_417] {strides = array<i32>} : memref<16x1024xf32, #tpu.memory_space<vmem>>, vector<1x16xf32>,
        %get3A_419 = vector.shape_cast %get3A_418 : vector<1x16xf32> to vector<16xf32>
        %mul3A_420 = arith.constant 3.200000e+01 : f32
        %mul3A_421 = vector.broadcast %mul3A_420 : f32 to vector<16xf32>
        %mul3A_422 = arith.mulf %get3A_419, %mul3A_421 : vector<16xf32>
        %swap3A_423 = arith.index_cast %scan3A_192 : i32 to index
        %swap3A_424 = arith.constant 224 : index
        %swap3A_425 = tpu.vector_load %arg10[%swap3A_423, %swap3A_424] {strides = array<i32>} : memref<16x1024xf32, #tpu.memory_space<vmem>>, vector<1x16xf32>,
        %swap3A_426 = vector.shape_cast %swap3A_425 : vector<1x16xf32> to vector<16xf32>
        %swap3A_427 = vector.shape_cast %mul3A_326 : vector<16xf32> to vector<1x16xf32>
        tpu.vector_store %arg10[%swap3A_423, %swap3A_424], %swap3A_427 {add = true, strides = array<i32>} : memref<16x1024xf32, #tpu.memory_space<vmem>>, vector<1x16xf32>,
        %get3A_428 = arith.index_cast %scan3A_192 : i32 to index
        %get3A_429 = arith.constant 368 : index
        %get3A_430 = tpu.vector_load %arg7[%get3A_428, %get3A_429] {strides = array<i32>} : memref<16x1024xf32, #tpu.memory_space<vmem>>, vector<1x16xf32>,
        %get3A_431 = vector.shape_cast %get3A_430 : vector<1x16xf32> to vector<16xf32>
        %mul3A_432 = arith.constant 3.200000e+01 : f32
        %mul3A_433 = vector.broadcast %mul3A_432 : f32 to vector<16xf32>
        %mul3A_434 = arith.mulf %get3A_431, %mul3A_433 : vector<16xf32>
        %swap3A_435 = arith.index_cast %scan3A_192 : i32 to index
        %swap3A_436 = arith.constant 240 : index
        %swap3A_437 = tpu.vector_load %arg10[%swap3A_435, %swap3A_436] {strides = array<i32>} : memref<16x1024xf32, #tpu.memory_space<vmem>>, vector<1x16xf32>,
        %swap3A_438 = vector.shape_cast %swap3A_437 : vector<1x16xf32> to vector<16xf32>
        %swap3A_439 = vector.shape_cast %mul3A_338 : vector<16xf32> to vector<1x16xf32>
        tpu.vector_store %arg10[%swap3A_435, %swap3A_436], %swap3A_439 {add = true, strides = array<i32>} : memref<16x1024xf32, #tpu.memory_space<vmem>>, vector<1x16xf32>,
        %get3A_440 = arith.index_cast %scan3A_192 : i32 to index
        %get3A_441 = arith.constant 384 : index
        %get3A_442 = tpu.vector_load %arg7[%get3A_440, %get3A_441] {strides = array<i32>} : memref<16x1024xf32, #tpu.memory_space<vmem>>, vector<1x16xf32>,
        %get3A_443 = vector.shape_cast %get3A_442 : vector<1x16xf32> to vector<16xf32>
        %mul3A_444 = arith.constant 3.200000e+01 : f32
        %mul3A_445 = vector.broadcast %mul3A_444 : f32 to vector<16xf32>
        %mul3A_446 = arith.mulf %get3A_443, %mul3A_445 : vector<16xf32>
        %swap3A_447 = arith.index_cast %scan3A_192 : i32 to index
        %swap3A_448 = arith.constant 256 : index
        %swap3A_449 = tpu.vector_load %arg10[%swap3A_447, %swap3A_448] {strides = array<i32>} : memref<16x1024xf32, #tpu.memory_space<vmem>>, vector<1x16xf32>,
        %swap3A_450 = vector.shape_cast %swap3A_449 : vector<1x16xf32> to vector<16xf32>
        %swap3A_451 = vector.shape_cast %mul3A_350 : vector<16xf32> to vector<1x16xf32>
        tpu.vector_store %arg10[%swap3A_447, %swap3A_448], %swap3A_451 {add = true, strides = array<i32>} : memref<16x1024xf32, #tpu.memory_space<vmem>>, vector<1x16xf32>,
        %get3A_452 = arith.index_cast %scan3A_192 : i32 to index
        %get3A_453 = arith.constant 400 : index
        %get3A_454 = tpu.vector_load %arg7[%get3A_452, %get3A_453] {strides = array<i32>} : memref<16x1024xf32, #tpu.memory_space<vmem>>, vector<1x16xf32>,
        %get3A_455 = vector.shape_cast %get3A_454 : vector<1x16xf32> to vector<16xf32>
        %mul3A_456 = arith.constant 3.200000e+01 : f32
        %mul3A_457 = vector.broadcast %mul3A_456 : f32 to vector<16xf32>
        %mul3A_458 = arith.mulf %get3A_455, %mul3A_457 : vector<16xf32>
        %swap3A_459 = arith.index_cast %scan3A_192 : i32 to index
        %swap3A_460 = arith.constant 272 : index
        %swap3A_461 = tpu.vector_load %arg10[%swap3A_459, %swap3A_460] {strides = array<i32>} : memref<16x1024xf32, #tpu.memory_space<vmem>>, vector<1x16xf32>,
        %swap3A_462 = vector.shape_cast %swap3A_461 : vector<1x16xf32> to vector<16xf32>
        %swap3A_463 = vector.shape_cast %mul3A_362 : vector<16xf32> to vector<1x16xf32>
        tpu.vector_store %arg10[%swap3A_459, %swap3A_460], %swap3A_463 {add = true, strides = array<i32>} : memref<16x1024xf32, #tpu.memory_space<vmem>>, vector<1x16xf32>,
        %get3A_464 = arith.index_cast %scan3A_192 : i32 to index
        %get3A_465 = arith.constant 416 : index
        %get3A_466 = tpu.vector_load %arg7[%get3A_464, %get3A_465] {strides = array<i32>} : memref<16x1024xf32, #tpu.memory_space<vmem>>, vector<1x16xf32>,
        %get3A_467 = vector.shape_cast %get3A_466 : vector<1x16xf32> to vector<16xf32>
        %mul3A_468 = arith.constant 3.200000e+01 : f32
        %mul3A_469 = vector.broadcast %mul3A_468 : f32 to vector<16xf32>
        %mul3A_470 = arith.mulf %get3A_467, %mul3A_469 : vector<16xf32>
        %swap3A_471 = arith.index_cast %scan3A_192 : i32 to index
        %swap3A_472 = arith.constant 288 : index
        %swap3A_473 = tpu.vector_load %arg10[%swap3A_471, %swap3A_472] {strides = array<i32>} : memref<16x1024xf32, #tpu.memory_space<vmem>>, vector<1x16xf32>,
        %swap3A_474 = vector.shape_cast %swap3A_473 : vector<1x16xf32> to vector<16xf32>
        %swap3A_475 = vector.shape_cast %mul3A_374 : vector<16xf32> to vector<1x16xf32>
        tpu.vector_store %arg10[%swap3A_471, %swap3A_472], %swap3A_475 {add = true, strides = array<i32>} : memref<16x1024xf32, #tpu.memory_space<vmem>>, vector<1x16xf32>,
        %get3A_476 = arith.index_cast %scan3A_192 : i32 to index
        %get3A_477 = arith.constant 432 : index
        %get3A_478 = tpu.vector_load %arg7[%get3A_476, %get3A_477] {strides = array<i32>} : memref<16x1024xf32, #tpu.memory_space<vmem>>, vector<1x16xf32>,
        %get3A_479 = vector.shape_cast %get3A_478 : vector<1x16xf32> to vector<16xf32>
        %mul3A_480 = arith.constant 3.200000e+01 : f32
        %mul3A_481 = vector.broadcast %mul3A_480 : f32 to vector<16xf32>
        %mul3A_482 = arith.mulf %get3A_479, %mul3A_481 : vector<16xf32>
        %swap3A_483 = arith.index_cast %scan3A_192 : i32 to index
        %swap3A_484 = arith.constant 304 : index
        %swap3A_485 = tpu.vector_load %arg10[%swap3A_483, %swap3A_484] {strides = array<i32>} : memref<16x1024xf32, #tpu.memory_space<vmem>>, vector<1x16xf32>,
        %swap3A_486 = vector.shape_cast %swap3A_485 : vector<1x16xf32> to vector<16xf32>
        %swap3A_487 = vector.shape_cast %mul3A_386 : vector<16xf32> to vector<1x16xf32>
        tpu.vector_store %arg10[%swap3A_483, %swap3A_484], %swap3A_487 {add = true, strides = array<i32>} : memref<16x1024xf32, #tpu.memory_space<vmem>>, vector<1x16xf32>,
        %get3A_488 = arith.index_cast %scan3A_192 : i32 to index
        %get3A_489 = arith.constant 448 : index
        %get3A_490 = tpu.vector_load %arg7[%get3A_488, %get3A_489] {strides = array<i32>} : memref<16x1024xf32, #tpu.memory_space<vmem>>, vector<1x16xf32>,
        %get3A_491 = vector.shape_cast %get3A_490 : vector<1x16xf32> to vector<16xf32>
        %mul3A_492 = arith.constant 3.200000e+01 : f32
        %mul3A_493 = vector.broadcast %mul3A_492 : f32 to vector<16xf32>
        %mul3A_494 = arith.mulf %get3A_491, %mul3A_493 : vector<16xf32>
        %swap3A_495 = arith.index_cast %scan3A_192 : i32 to index
        %swap3A_496 = arith.constant 320 : index
        %swap3A_497 = tpu.vector_load %arg10[%swap3A_495, %swap3A_496] {strides = array<i32>} : memref<16x1024xf32, #tpu.memory_space<vmem>>, vector<1x16xf32>,
        %swap3A_498 = vector.shape_cast %swap3A_497 : vector<1x16xf32> to vector<16xf32>
        %swap3A_499 = vector.shape_cast %mul3A_398 : vector<16xf32> to vector<1x16xf32>
        tpu.vector_store %arg10[%swap3A_495, %swap3A_496], %swap3A_499 {add = true, strides = array<i32>} : memref<16x1024xf32, #tpu.memory_space<vmem>>, vector<1x16xf32>,
        %get3A_500 = arith.index_cast %scan3A_192 : i32 to index
        %get3A_501 = arith.constant 464 : index
        %get3A_502 = tpu.vector_load %arg7[%get3A_500, %get3A_501] {strides = array<i32>} : memref<16x1024xf32, #tpu.memory_space<vmem>>, vector<1x16xf32>,
        %get3A_503 = vector.shape_cast %get3A_502 : vector<1x16xf32> to vector<16xf32>
        %mul3A_504 = arith.constant 3.200000e+01 : f32
        %mul3A_505 = vector.broadcast %mul3A_504 : f32 to vector<16xf32>
        %mul3A_506 = arith.mulf %get3A_503, %mul3A_505 : vector<16xf32>
        %swap3A_507 = arith.index_cast %scan3A_192 : i32 to index
        %swap3A_508 = arith.constant 336 : index
        %swap3A_509 = tpu.vector_load %arg10[%swap3A_507, %swap3A_508] {strides = array<i32>} : memref<16x1024xf32, #tpu.memory_space<vmem>>, vector<1x16xf32>,
        %swap3A_510 = vector.shape_cast %swap3A_509 : vector<1x16xf32> to vector<16xf32>
        %swap3A_511 = vector.shape_cast %mul3A_410 : vector<16xf32> to vector<1x16xf32>
        tpu.vector_store %arg10[%swap3A_507, %swap3A_508], %swap3A_511 {add = true, strides = array<i32>} : memref<16x1024xf32, #tpu.memory_space<vmem>>, vector<1x16xf32>,
        %get3A_512 = arith.index_cast %scan3A_192 : i32 to index
        %get3A_513 = arith.constant 480 : index
        %get3A_514 = tpu.vector_load %arg7[%get3A_512, %get3A_513] {strides = array<i32>} : memref<16x1024xf32, #tpu.memory_space<vmem>>, vector<1x16xf32>,
        %get3A_515 = vector.shape_cast %get3A_514 : vector<1x16xf32> to vector<16xf32>
        %mul3A_516 = arith.constant 3.200000e+01 : f32
        %mul3A_517 = vector.broadcast %mul3A_516 : f32 to vector<16xf32>
        %mul3A_518 = arith.mulf %get3A_515, %mul3A_517 : vector<16xf32>
        %swap3A_519 = arith.index_cast %scan3A_192 : i32 to index
        %swap3A_520 = arith.constant 352 : index
        %swap3A_521 = tpu.vector_load %arg10[%swap3A_519, %swap3A_520] {strides = array<i32>} : memref<16x1024xf32, #tpu.memory_space<vmem>>, vector<1x16xf32>,
        %swap3A_522 = vector.shape_cast %swap3A_521 : vector<1x16xf32> to vector<16xf32>
        %swap3A_523 = vector.shape_cast %mul3A_422 : vector<16xf32> to vector<1x16xf32>
        tpu.vector_store %arg10[%swap3A_519, %swap3A_520], %swap3A_523 {add = true, strides = array<i32>} : memref<16x1024xf32, #tpu.memory_space<vmem>>, vector<1x16xf32>,
        %get3A_524 = arith.index_cast %scan3A_192 : i32 to index
        %get3A_525 = arith.constant 496 : index
        %get3A_526 = tpu.vector_load %arg7[%get3A_524, %get3A_525] {strides = array<i32>} : memref<16x1024xf32, #tpu.memory_space<vmem>>, vector<1x16xf32>,
        %get3A_527 = vector.shape_cast %get3A_526 : vector<1x16xf32> to vector<16xf32>
        %mul3A_528 = arith.constant 3.200000e+01 : f32
        %mul3A_529 = vector.broadcast %mul3A_528 : f32 to vector<16xf32>
        %mul3A_530 = arith.mulf %get3A_527, %mul3A_529 : vector<16xf32>
        %swap3A_531 = arith.index_cast %scan3A_192 : i32 to index
        %swap3A_532 = arith.constant 368 : index
        %swap3A_533 = tpu.vector_load %arg10[%swap3A_531, %swap3A_532] {strides = array<i32>} : memref<16x1024xf32, #tpu.memory_space<vmem>>, vector<1x16xf32>,
        %swap3A_534 = vector.shape_cast %swap3A_533 : vector<1x16xf32> to vector<16xf32>
        %swap3A_535 = vector.shape_cast %mul3A_434 : vector<16xf32> to vector<1x16xf32>
        tpu.vector_store %arg10[%swap3A_531, %swap3A_532], %swap3A_535 {add = true, strides = array<i32>} : memref<16x1024xf32, #tpu.memory_space<vmem>>, vector<1x16xf32>,
        %get3A_536 = arith.index_cast %scan3A_192 : i32 to index
        %get3A_537 = arith.constant 512 : index
        %get3A_538 = tpu.vector_load %arg7[%get3A_536, %get3A_537] {strides = array<i32>} : memref<16x1024xf32, #tpu.memory_space<vmem>>, vector<1x16xf32>,
        %get3A_539 = vector.shape_cast %get3A_538 : vector<1x16xf32> to vector<16xf32>
        %mul3A_540 = arith.constant 3.200000e+01 : f32
        %mul3A_541 = vector.broadcast %mul3A_540 : f32 to vector<16xf32>
        %mul3A_542 = arith.mulf %get3A_539, %mul3A_541 : vector<16xf32>
        %swap3A_543 = arith.index_cast %scan3A_192 : i32 to index
        %swap3A_544 = arith.constant 384 : index
        %swap3A_545 = tpu.vector_load %arg10[%swap3A_543, %swap3A_544] {strides = array<i32>} : memref<16x1024xf32, #tpu.memory_space<vmem>>, vector<1x16xf32>,
        %swap3A_546 = vector.shape_cast %swap3A_545 : vector<1x16xf32> to vector<16xf32>
        %swap3A_547 = vector.shape_cast %mul3A_446 : vector<16xf32> to vector<1x16xf32>
        tpu.vector_store %arg10[%swap3A_543, %swap3A_544], %swap3A_547 {add = true, strides = array<i32>} : memref<16x1024xf32, #tpu.memory_space<vmem>>, vector<1x16xf32>,
        %get3A_548 = arith.index_cast %scan3A_192 : i32 to index
        %get3A_549 = arith.constant 528 : index
        %get3A_550 = tpu.vector_load %arg7[%get3A_548, %get3A_549] {strides = array<i32>} : memref<16x1024xf32, #tpu.memory_space<vmem>>, vector<1x16xf32>,
        %get3A_551 = vector.shape_cast %get3A_550 : vector<1x16xf32> to vector<16xf32>
        %mul3A_552 = arith.constant 3.200000e+01 : f32
        %mul3A_553 = vector.broadcast %mul3A_552 : f32 to vector<16xf32>
        %mul3A_554 = arith.mulf %get3A_551, %mul3A_553 : vector<16xf32>
        %swap3A_555 = arith.index_cast %scan3A_192 : i32 to index
        %swap3A_556 = arith.constant 400 : index
        %swap3A_557 = tpu.vector_load %arg10[%swap3A_555, %swap3A_556] {strides = array<i32>} : memref<16x1024xf32, #tpu.memory_space<vmem>>, vector<1x16xf32>,
        %swap3A_558 = vector.shape_cast %swap3A_557 : vector<1x16xf32> to vector<16xf32>
        %swap3A_559 = vector.shape_cast %mul3A_458 : vector<16xf32> to vector<1x16xf32>
        tpu.vector_store %arg10[%swap3A_555, %swap3A_556], %swap3A_559 {add = true, strides = array<i32>} : memref<16x1024xf32, #tpu.memory_space<vmem>>, vector<1x16xf32>,
        %get3A_560 = arith.index_cast %scan3A_192 : i32 to index
        %get3A_561 = arith.constant 544 : index
        %get3A_562 = tpu.vector_load %arg7[%get3A_560, %get3A_561] {strides = array<i32>} : memref<16x1024xf32, #tpu.memory_space<vmem>>, vector<1x16xf32>,
        %get3A_563 = vector.shape_cast %get3A_562 : vector<1x16xf32> to vector<16xf32>
        %mul3A_564 = arith.constant 3.200000e+01 : f32
        %mul3A_565 = vector.broadcast %mul3A_564 : f32 to vector<16xf32>
        %mul3A_566 = arith.mulf %get3A_563, %mul3A_565 : vector<16xf32>
        %swap3A_567 = arith.index_cast %scan3A_192 : i32 to index
        %swap3A_568 = arith.constant 416 : index
        %swap3A_569 = tpu.vector_load %arg10[%swap3A_567, %swap3A_568] {strides = array<i32>} : memref<16x1024xf32, #tpu.memory_space<vmem>>, vector<1x16xf32>,
        %swap3A_570 = vector.shape_cast %swap3A_569 : vector<1x16xf32> to vector<16xf32>
        %swap3A_571 = vector.shape_cast %mul3A_470 : vector<16xf32> to vector<1x16xf32>
        tpu.vector_store %arg10[%swap3A_567, %swap3A_568], %swap3A_571 {add = true, strides = array<i32>} : memref<16x1024xf32, #tpu.memory_space<vmem>>, vector<1x16xf32>,
        %get3A_572 = arith.index_cast %scan3A_192 : i32 to index
        %get3A_573 = arith.constant 560 : index
        %get3A_574 = tpu.vector_load %arg7[%get3A_572, %get3A_573] {strides = array<i32>} : memref<16x1024xf32, #tpu.memory_space<vmem>>, vector<1x16xf32>,
        %get3A_575 = vector.shape_cast %get3A_574 : vector<1x16xf32> to vector<16xf32>
        %mul3A_576 = arith.constant 3.200000e+01 : f32
        %mul3A_577 = vector.broadcast %mul3A_576 : f32 to vector<16xf32>
        %mul3A_578 = arith.mulf %get3A_575, %mul3A_577 : vector<16xf32>
        %swap3A_579 = arith.index_cast %scan3A_192 : i32 to index
        %swap3A_580 = arith.constant 432 : index
        %swap3A_581 = tpu.vector_load %arg10[%swap3A_579, %swap3A_580] {strides = array<i32>} : memref<16x1024xf32, #tpu.memory_space<vmem>>, vector<1x16xf32>,
        %swap3A_582 = vector.shape_cast %swap3A_581 : vector<1x16xf32> to vector<16xf32>
        %swap3A_583 = vector.shape_cast %mul3A_482 : vector<16xf32> to vector<1x16xf32>
        tpu.vector_store %arg10[%swap3A_579, %swap3A_580], %swap3A_583 {add = true, strides = array<i32>} : memref<16x1024xf32, #tpu.memory_space<vmem>>, vector<1x16xf32>,
        %get3A_584 = arith.index_cast %scan3A_192 : i32 to index
        %get3A_585 = arith.constant 576 : index
        %get3A_586 = tpu.vector_load %arg7[%get3A_584, %get3A_585] {strides = array<i32>} : memref<16x1024xf32, #tpu.memory_space<vmem>>, vector<1x16xf32>,
        %get3A_587 = vector.shape_cast %get3A_586 : vector<1x16xf32> to vector<16xf32>
        %mul3A_588 = arith.constant 3.200000e+01 : f32
        %mul3A_589 = vector.broadcast %mul3A_588 : f32 to vector<16xf32>
        %mul3A_590 = arith.mulf %get3A_587, %mul3A_589 : vector<16xf32>
        %swap3A_591 = arith.index_cast %scan3A_192 : i32 to index
        %swap3A_592 = arith.constant 448 : index
        %swap3A_593 = tpu.vector_load %arg10[%swap3A_591, %swap3A_592] {strides = array<i32>} : memref<16x1024xf32, #tpu.memory_space<vmem>>, vector<1x16xf32>,
        %swap3A_594 = vector.shape_cast %swap3A_593 : vector<1x16xf32> to vector<16xf32>
        %swap3A_595 = vector.shape_cast %mul3A_494 : vector<16xf32> to vector<1x16xf32>
        tpu.vector_store %arg10[%swap3A_591, %swap3A_592], %swap3A_595 {add = true, strides = array<i32>} : memref<16x1024xf32, #tpu.memory_space<vmem>>, vector<1x16xf32>,
        %get3A_596 = arith.index_cast %scan3A_192 : i32 to index
        %get3A_597 = arith.constant 592 : index
        %get3A_598 = tpu.vector_load %arg7[%get3A_596, %get3A_597] {strides = array<i32>} : memref<16x1024xf32, #tpu.memory_space<vmem>>, vector<1x16xf32>,
        %get3A_599 = vector.shape_cast %get3A_598 : vector<1x16xf32> to vector<16xf32>
        %mul3A_600 = arith.constant 3.200000e+01 : f32
        %mul3A_601 = vector.broadcast %mul3A_600 : f32 to vector<16xf32>
        %mul3A_602 = arith.mulf %get3A_599, %mul3A_601 : vector<16xf32>
        %swap3A_603 = arith.index_cast %scan3A_192 : i32 to index
        %swap3A_604 = arith.constant 464 : index
        %swap3A_605 = tpu.vector_load %arg10[%swap3A_603, %swap3A_604] {strides = array<i32>} : memref<16x1024xf32, #tpu.memory_space<vmem>>, vector<1x16xf32>,
        %swap3A_606 = vector.shape_cast %swap3A_605 : vector<1x16xf32> to vector<16xf32>
        %swap3A_607 = vector.shape_cast %mul3A_506 : vector<16xf32> to vector<1x16xf32>
        tpu.vector_store %arg10[%swap3A_603, %swap3A_604], %swap3A_607 {add = true, strides = array<i32>} : memref<16x1024xf32, #tpu.memory_space<vmem>>, vector<1x16xf32>,
        %get3A_608 = arith.index_cast %scan3A_192 : i32 to index
        %get3A_609 = arith.constant 608 : index
        %get3A_610 = tpu.vector_load %arg7[%get3A_608, %get3A_609] {strides = array<i32>} : memref<16x1024xf32, #tpu.memory_space<vmem>>, vector<1x16xf32>,
        %get3A_611 = vector.shape_cast %get3A_610 : vector<1x16xf32> to vector<16xf32>
        %mul3A_612 = arith.constant 3.200000e+01 : f32
        %mul3A_613 = vector.broadcast %mul3A_612 : f32 to vector<16xf32>
        %mul3A_614 = arith.mulf %get3A_611, %mul3A_613 : vector<16xf32>
        %swap3A_615 = arith.index_cast %scan3A_192 : i32 to index
        %swap3A_616 = arith.constant 480 : index
        %swap3A_617 = tpu.vector_load %arg10[%swap3A_615, %swap3A_616] {strides = array<i32>} : memref<16x1024xf32, #tpu.memory_space<vmem>>, vector<1x16xf32>,
        %swap3A_618 = vector.shape_cast %swap3A_617 : vector<1x16xf32> to vector<16xf32>
        %swap3A_619 = vector.shape_cast %mul3A_518 : vector<16xf32> to vector<1x16xf32>
        tpu.vector_store %arg10[%swap3A_615, %swap3A_616], %swap3A_619 {add = true, strides = array<i32>} : memref<16x1024xf32, #tpu.memory_space<vmem>>, vector<1x16xf32>,
        %get3A_620 = arith.index_cast %scan3A_192 : i32 to index
        %get3A_621 = arith.constant 624 : index
        %get3A_622 = tpu.vector_load %arg7[%get3A_620, %get3A_621] {strides = array<i32>} : memref<16x1024xf32, #tpu.memory_space<vmem>>, vector<1x16xf32>,
        %get3A_623 = vector.shape_cast %get3A_622 : vector<1x16xf32> to vector<16xf32>
        %mul3A_624 = arith.constant 3.200000e+01 : f32
        %mul3A_625 = vector.broadcast %mul3A_624 : f32 to vector<16xf32>
        %mul3A_626 = arith.mulf %get3A_623, %mul3A_625 : vector<16xf32>
        %swap3A_627 = arith.index_cast %scan3A_192 : i32 to index
        %swap3A_628 = arith.constant 496 : index
        %swap3A_629 = tpu.vector_load %arg10[%swap3A_627, %swap3A_628] {strides = array<i32>} : memref<16x1024xf32, #tpu.memory_space<vmem>>, vector<1x16xf32>,
        %swap3A_630 = vector.shape_cast %swap3A_629 : vector<1x16xf32> to vector<16xf32>
        %swap3A_631 = vector.shape_cast %mul3A_530 : vector<16xf32> to vector<1x16xf32>
        tpu.vector_store %arg10[%swap3A_627, %swap3A_628], %swap3A_631 {add = true, strides = array<i32>} : memref<16x1024xf32, #tpu.memory_space<vmem>>, vector<1x16xf32>,
        %get3A_632 = arith.index_cast %scan3A_192 : i32 to index
        %get3A_633 = arith.constant 640 : index
        %get3A_634 = tpu.vector_load %arg7[%get3A_632, %get3A_633] {strides = array<i32>} : memref<16x1024xf32, #tpu.memory_space<vmem>>, vector<1x16xf32>,
        %get3A_635 = vector.shape_cast %get3A_634 : vector<1x16xf32> to vector<16xf32>
        %mul3A_636 = arith.constant 3.200000e+01 : f32
        %mul3A_637 = vector.broadcast %mul3A_636 : f32 to vector<16xf32>
        %mul3A_638 = arith.mulf %get3A_635, %mul3A_637 : vector<16xf32>
        %swap3A_639 = arith.index_cast %scan3A_192 : i32 to index
        %swap3A_640 = arith.constant 512 : index
        %swap3A_641 = tpu.vector_load %arg10[%swap3A_639, %swap3A_640] {strides = array<i32>} : memref<16x1024xf32, #tpu.memory_space<vmem>>, vector<1x16xf32>,
        %swap3A_642 = vector.shape_cast %swap3A_641 : vector<1x16xf32> to vector<16xf32>
        %swap3A_643 = vector.shape_cast %mul3A_542 : vector<16xf32> to vector<1x16xf32>
        tpu.vector_store %arg10[%swap3A_639, %swap3A_640], %swap3A_643 {add = true, strides = array<i32>} : memref<16x1024xf32, #tpu.memory_space<vmem>>, vector<1x16xf32>,
        %get3A_644 = arith.index_cast %scan3A_192 : i32 to index
        %get3A_645 = arith.constant 656 : index
        %get3A_646 = tpu.vector_load %arg7[%get3A_644, %get3A_645] {strides = array<i32>} : memref<16x1024xf32, #tpu.memory_space<vmem>>, vector<1x16xf32>,
        %get3A_647 = vector.shape_cast %get3A_646 : vector<1x16xf32> to vector<16xf32>
        %mul3A_648 = arith.constant 3.200000e+01 : f32
        %mul3A_649 = vector.broadcast %mul3A_648 : f32 to vector<16xf32>
        %mul3A_650 = arith.mulf %get3A_647, %mul3A_649 : vector<16xf32>
        %swap3A_651 = arith.index_cast %scan3A_192 : i32 to index
        %swap3A_652 = arith.constant 528 : index
        %swap3A_653 = tpu.vector_load %arg10[%swap3A_651, %swap3A_652] {strides = array<i32>} : memref<16x1024xf32, #tpu.memory_space<vmem>>, vector<1x16xf32>,
        %swap3A_654 = vector.shape_cast %swap3A_653 : vector<1x16xf32> to vector<16xf32>
        %swap3A_655 = vector.shape_cast %mul3A_554 : vector<16xf32> to vector<1x16xf32>
        tpu.vector_store %arg10[%swap3A_651, %swap3A_652], %swap3A_655 {add = true, strides = array<i32>} : memref<16x1024xf32, #tpu.memory_space<vmem>>, vector<1x16xf32>,
        %get3A_656 = arith.index_cast %scan3A_192 : i32 to index
        %get3A_657 = arith.constant 672 : index
        %get3A_658 = tpu.vector_load %arg7[%get3A_656, %get3A_657] {strides = array<i32>} : memref<16x1024xf32, #tpu.memory_space<vmem>>, vector<1x16xf32>,
        %get3A_659 = vector.shape_cast %get3A_658 : vector<1x16xf32> to vector<16xf32>
        %mul3A_660 = arith.constant 3.200000e+01 : f32
        %mul3A_661 = vector.broadcast %mul3A_660 : f32 to vector<16xf32>
        %mul3A_662 = arith.mulf %get3A_659, %mul3A_661 : vector<16xf32>
        %swap3A_663 = arith.index_cast %scan3A_192 : i32 to index
        %swap3A_664 = arith.constant 544 : index
        %swap3A_665 = tpu.vector_load %arg10[%swap3A_663, %swap3A_664] {strides = array<i32>} : memref<16x1024xf32, #tpu.memory_space<vmem>>, vector<1x16xf32>,
        %swap3A_666 = vector.shape_cast %swap3A_665 : vector<1x16xf32> to vector<16xf32>
        %swap3A_667 = vector.shape_cast %mul3A_566 : vector<16xf32> to vector<1x16xf32>
        tpu.vector_store %arg10[%swap3A_663, %swap3A_664], %swap3A_667 {add = true, strides = array<i32>} : memref<16x1024xf32, #tpu.memory_space<vmem>>, vector<1x16xf32>,
        %get3A_668 = arith.index_cast %scan3A_192 : i32 to index
        %get3A_669 = arith.constant 688 : index
        %get3A_670 = tpu.vector_load %arg7[%get3A_668, %get3A_669] {strides = array<i32>} : memref<16x1024xf32, #tpu.memory_space<vmem>>, vector<1x16xf32>,
        %get3A_671 = vector.shape_cast %get3A_670 : vector<1x16xf32> to vector<16xf32>
        %mul3A_672 = arith.constant 3.200000e+01 : f32
        %mul3A_673 = vector.broadcast %mul3A_672 : f32 to vector<16xf32>
        %mul3A_674 = arith.mulf %get3A_671, %mul3A_673 : vector<16xf32>
        %swap3A_675 = arith.index_cast %scan3A_192 : i32 to index
        %swap3A_676 = arith.constant 560 : index
        %swap3A_677 = tpu.vector_load %arg10[%swap3A_675, %swap3A_676] {strides = array<i32>} : memref<16x1024xf32, #tpu.memory_space<vmem>>, vector<1x16xf32>,
        %swap3A_678 = vector.shape_cast %swap3A_677 : vector<1x16xf32> to vector<16xf32>
        %swap3A_679 = vector.shape_cast %mul3A_578 : vector<16xf32> to vector<1x16xf32>
        tpu.vector_store %arg10[%swap3A_675, %swap3A_676], %swap3A_679 {add = true, strides = array<i32>} : memref<16x1024xf32, #tpu.memory_space<vmem>>, vector<1x16xf32>,
        %get3A_680 = arith.index_cast %scan3A_192 : i32 to index
        %get3A_681 = arith.constant 704 : index
        %get3A_682 = tpu.vector_load %arg7[%get3A_680, %get3A_681] {strides = array<i32>} : memref<16x1024xf32, #tpu.memory_space<vmem>>, vector<1x16xf32>,
        %get3A_683 = vector.shape_cast %get3A_682 : vector<1x16xf32> to vector<16xf32>
        %mul3A_684 = arith.constant 3.200000e+01 : f32
        %mul3A_685 = vector.broadcast %mul3A_684 : f32 to vector<16xf32>
        %mul3A_686 = arith.mulf %get3A_683, %mul3A_685 : vector<16xf32>
        %swap3A_687 = arith.index_cast %scan3A_192 : i32 to index
        %swap3A_688 = arith.constant 576 : index
        %swap3A_689 = tpu.vector_load %arg10[%swap3A_687, %swap3A_688] {strides = array<i32>} : memref<16x1024xf32, #tpu.memory_space<vmem>>, vector<1x16xf32>,
        %swap3A_690 = vector.shape_cast %swap3A_689 : vector<1x16xf32> to vector<16xf32>
        %swap3A_691 = vector.shape_cast %mul3A_590 : vector<16xf32> to vector<1x16xf32>
        tpu.vector_store %arg10[%swap3A_687, %swap3A_688], %swap3A_691 {add = true, strides = array<i32>} : memref<16x1024xf32, #tpu.memory_space<vmem>>, vector<1x16xf32>,
        %get3A_692 = arith.index_cast %scan3A_192 : i32 to index
        %get3A_693 = arith.constant 720 : index
        %get3A_694 = tpu.vector_load %arg7[%get3A_692, %get3A_693] {strides = array<i32>} : memref<16x1024xf32, #tpu.memory_space<vmem>>, vector<1x16xf32>,
        %get3A_695 = vector.shape_cast %get3A_694 : vector<1x16xf32> to vector<16xf32>
        %mul3A_696 = arith.constant 3.200000e+01 : f32
        %mul3A_697 = vector.broadcast %mul3A_696 : f32 to vector<16xf32>
        %mul3A_698 = arith.mulf %get3A_695, %mul3A_697 : vector<16xf32>
        %swap3A_699 = arith.index_cast %scan3A_192 : i32 to index
        %swap3A_700 = arith.constant 592 : index
        %swap3A_701 = tpu.vector_load %arg10[%swap3A_699, %swap3A_700] {strides = array<i32>} : memref<16x1024xf32, #tpu.memory_space<vmem>>, vector<1x16xf32>,
        %swap3A_702 = vector.shape_cast %swap3A_701 : vector<1x16xf32> to vector<16xf32>
        %swap3A_703 = vector.shape_cast %mul3A_602 : vector<16xf32> to vector<1x16xf32>
        tpu.vector_store %arg10[%swap3A_699, %swap3A_700], %swap3A_703 {add = true, strides = array<i32>} : memref<16x1024xf32, #tpu.memory_space<vmem>>, vector<1x16xf32>,
        %get3A_704 = arith.index_cast %scan3A_192 : i32 to index
        %get3A_705 = arith.constant 736 : index
        %get3A_706 = tpu.vector_load %arg7[%get3A_704, %get3A_705] {strides = array<i32>} : memref<16x1024xf32, #tpu.memory_space<vmem>>, vector<1x16xf32>,
        %get3A_707 = vector.shape_cast %get3A_706 : vector<1x16xf32> to vector<16xf32>
        %mul3A_708 = arith.constant 3.200000e+01 : f32
        %mul3A_709 = vector.broadcast %mul3A_708 : f32 to vector<16xf32>
        %mul3A_710 = arith.mulf %get3A_707, %mul3A_709 : vector<16xf32>
        %swap3A_711 = arith.index_cast %scan3A_192 : i32 to index
        %swap3A_712 = arith.constant 608 : index
        %swap3A_713 = tpu.vector_load %arg10[%swap3A_711, %swap3A_712] {strides = array<i32>} : memref<16x1024xf32, #tpu.memory_space<vmem>>, vector<1x16xf32>,
        %swap3A_714 = vector.shape_cast %swap3A_713 : vector<1x16xf32> to vector<16xf32>
        %swap3A_715 = vector.shape_cast %mul3A_614 : vector<16xf32> to vector<1x16xf32>
        tpu.vector_store %arg10[%swap3A_711, %swap3A_712], %swap3A_715 {add = true, strides = array<i32>} : memref<16x1024xf32, #tpu.memory_space<vmem>>, vector<1x16xf32>,
        %get3A_716 = arith.index_cast %scan3A_192 : i32 to index
        %get3A_717 = arith.constant 752 : index
        %get3A_718 = tpu.vector_load %arg7[%get3A_716, %get3A_717] {strides = array<i32>} : memref<16x1024xf32, #tpu.memory_space<vmem>>, vector<1x16xf32>,
        %get3A_719 = vector.shape_cast %get3A_718 : vector<1x16xf32> to vector<16xf32>
        %mul3A_720 = arith.constant 3.200000e+01 : f32
        %mul3A_721 = vector.broadcast %mul3A_720 : f32 to vector<16xf32>
        %mul3A_722 = arith.mulf %get3A_719, %mul3A_721 : vector<16xf32>
        %swap3A_723 = arith.index_cast %scan3A_192 : i32 to index
        %swap3A_724 = arith.constant 624 : index
        %swap3A_725 = tpu.vector_load %arg10[%swap3A_723, %swap3A_724] {strides = array<i32>} : memref<16x1024xf32, #tpu.memory_space<vmem>>, vector<1x16xf32>,
        %swap3A_726 = vector.shape_cast %swap3A_725 : vector<1x16xf32> to vector<16xf32>
        %swap3A_727 = vector.shape_cast %mul3A_626 : vector<16xf32> to vector<1x16xf32>
        tpu.vector_store %arg10[%swap3A_723, %swap3A_724], %swap3A_727 {add = true, strides = array<i32>} : memref<16x1024xf32, #tpu.memory_space<vmem>>, vector<1x16xf32>,
        %get3A_728 = arith.index_cast %scan3A_192 : i32 to index
        %get3A_729 = arith.constant 768 : index
        %get3A_730 = tpu.vector_load %arg7[%get3A_728, %get3A_729] {strides = array<i32>} : memref<16x1024xf32, #tpu.memory_space<vmem>>, vector<1x16xf32>,
        %get3A_731 = vector.shape_cast %get3A_730 : vector<1x16xf32> to vector<16xf32>
        %mul3A_732 = arith.constant 3.200000e+01 : f32
        %mul3A_733 = vector.broadcast %mul3A_732 : f32 to vector<16xf32>
        %mul3A_734 = arith.mulf %get3A_731, %mul3A_733 : vector<16xf32>
        %swap3A_735 = arith.index_cast %scan3A_192 : i32 to index
        %swap3A_736 = arith.constant 640 : index
        %swap3A_737 = tpu.vector_load %arg10[%swap3A_735, %swap3A_736] {strides = array<i32>} : memref<16x1024xf32, #tpu.memory_space<vmem>>, vector<1x16xf32>,
        %swap3A_738 = vector.shape_cast %swap3A_737 : vector<1x16xf32> to vector<16xf32>
        %swap3A_739 = vector.shape_cast %mul3A_638 : vector<16xf32> to vector<1x16xf32>
        tpu.vector_store %arg10[%swap3A_735, %swap3A_736], %swap3A_739 {add = true, strides = array<i32>} : memref<16x1024xf32, #tpu.memory_space<vmem>>, vector<1x16xf32>,
        %get3A_740 = arith.index_cast %scan3A_192 : i32 to index
        %get3A_741 = arith.constant 784 : index
        %get3A_742 = tpu.vector_load %arg7[%get3A_740, %get3A_741] {strides = array<i32>} : memref<16x1024xf32, #tpu.memory_space<vmem>>, vector<1x16xf32>,
        %get3A_743 = vector.shape_cast %get3A_742 : vector<1x16xf32> to vector<16xf32>
        %mul3A_744 = arith.constant 3.200000e+01 : f32
        %mul3A_745 = vector.broadcast %mul3A_744 : f32 to vector<16xf32>
        %mul3A_746 = arith.mulf %get3A_743, %mul3A_745 : vector<16xf32>
        %swap3A_747 = arith.index_cast %scan3A_192 : i32 to index
        %swap3A_748 = arith.constant 656 : index
        %swap3A_749 = tpu.vector_load %arg10[%swap3A_747, %swap3A_748] {strides = array<i32>} : memref<16x1024xf32, #tpu.memory_space<vmem>>, vector<1x16xf32>,
        %swap3A_750 = vector.shape_cast %swap3A_749 : vector<1x16xf32> to vector<16xf32>
        %swap3A_751 = vector.shape_cast %mul3A_650 : vector<16xf32> to vector<1x16xf32>
        tpu.vector_store %arg10[%swap3A_747, %swap3A_748], %swap3A_751 {add = true, strides = array<i32>} : memref<16x1024xf32, #tpu.memory_space<vmem>>, vector<1x16xf32>,
        %get3A_752 = arith.index_cast %scan3A_192 : i32 to index
        %get3A_753 = arith.constant 800 : index
        %get3A_754 = tpu.vector_load %arg7[%get3A_752, %get3A_753] {strides = array<i32>} : memref<16x1024xf32, #tpu.memory_space<vmem>>, vector<1x16xf32>,
        %get3A_755 = vector.shape_cast %get3A_754 : vector<1x16xf32> to vector<16xf32>
        %mul3A_756 = arith.constant 3.200000e+01 : f32
        %mul3A_757 = vector.broadcast %mul3A_756 : f32 to vector<16xf32>
        %mul3A_758 = arith.mulf %get3A_755, %mul3A_757 : vector<16xf32>
        %swap3A_759 = arith.index_cast %scan3A_192 : i32 to index
        %swap3A_760 = arith.constant 672 : index
        %swap3A_761 = tpu.vector_load %arg10[%swap3A_759, %swap3A_760] {strides = array<i32>} : memref<16x1024xf32, #tpu.memory_space<vmem>>, vector<1x16xf32>,
        %swap3A_762 = vector.shape_cast %swap3A_761 : vector<1x16xf32> to vector<16xf32>
        %swap3A_763 = vector.shape_cast %mul3A_662 : vector<16xf32> to vector<1x16xf32>
        tpu.vector_store %arg10[%swap3A_759, %swap3A_760], %swap3A_763 {add = true, strides = array<i32>} : memref<16x1024xf32, #tpu.memory_space<vmem>>, vector<1x16xf32>,
        %get3A_764 = arith.index_cast %scan3A_192 : i32 to index
        %get3A_765 = arith.constant 816 : index
        %get3A_766 = tpu.vector_load %arg7[%get3A_764, %get3A_765] {strides = array<i32>} : memref<16x1024xf32, #tpu.memory_space<vmem>>, vector<1x16xf32>,
        %get3A_767 = vector.shape_cast %get3A_766 : vector<1x16xf32> to vector<16xf32>
        %mul3A_768 = arith.constant 3.200000e+01 : f32
        %mul3A_769 = vector.broadcast %mul3A_768 : f32 to vector<16xf32>
        %mul3A_770 = arith.mulf %get3A_767, %mul3A_769 : vector<16xf32>
        %swap3A_771 = arith.index_cast %scan3A_192 : i32 to index
        %swap3A_772 = arith.constant 688 : index
        %swap3A_773 = tpu.vector_load %arg10[%swap3A_771, %swap3A_772] {strides = array<i32>} : memref<16x1024xf32, #tpu.memory_space<vmem>>, vector<1x16xf32>,
        %swap3A_774 = vector.shape_cast %swap3A_773 : vector<1x16xf32> to vector<16xf32>
        %swap3A_775 = vector.shape_cast %mul3A_674 : vector<16xf32> to vector<1x16xf32>
        tpu.vector_store %arg10[%swap3A_771, %swap3A_772], %swap3A_775 {add = true, strides = array<i32>} : memref<16x1024xf32, #tpu.memory_space<vmem>>, vector<1x16xf32>,
        %get3A_776 = arith.index_cast %scan3A_192 : i32 to index
        %get3A_777 = arith.constant 832 : index
        %get3A_778 = tpu.vector_load %arg7[%get3A_776, %get3A_777] {strides = array<i32>} : memref<16x1024xf32, #tpu.memory_space<vmem>>, vector<1x16xf32>,
        %get3A_779 = vector.shape_cast %get3A_778 : vector<1x16xf32> to vector<16xf32>
        %mul3A_780 = arith.constant 3.200000e+01 : f32
        %mul3A_781 = vector.broadcast %mul3A_780 : f32 to vector<16xf32>
        %mul3A_782 = arith.mulf %get3A_779, %mul3A_781 : vector<16xf32>
        %swap3A_783 = arith.index_cast %scan3A_192 : i32 to index
        %swap3A_784 = arith.constant 704 : index
        %swap3A_785 = tpu.vector_load %arg10[%swap3A_783, %swap3A_784] {strides = array<i32>} : memref<16x1024xf32, #tpu.memory_space<vmem>>, vector<1x16xf32>,
        %swap3A_786 = vector.shape_cast %swap3A_785 : vector<1x16xf32> to vector<16xf32>
        %swap3A_787 = vector.shape_cast %mul3A_686 : vector<16xf32> to vector<1x16xf32>
        tpu.vector_store %arg10[%swap3A_783, %swap3A_784], %swap3A_787 {add = true, strides = array<i32>} : memref<16x1024xf32, #tpu.memory_space<vmem>>, vector<1x16xf32>,
        %get3A_788 = arith.index_cast %scan3A_192 : i32 to index
        %get3A_789 = arith.constant 848 : index
        %get3A_790 = tpu.vector_load %arg7[%get3A_788, %get3A_789] {strides = array<i32>} : memref<16x1024xf32, #tpu.memory_space<vmem>>, vector<1x16xf32>,
        %get3A_791 = vector.shape_cast %get3A_790 : vector<1x16xf32> to vector<16xf32>
        %mul3A_792 = arith.constant 3.200000e+01 : f32
        %mul3A_793 = vector.broadcast %mul3A_792 : f32 to vector<16xf32>
        %mul3A_794 = arith.mulf %get3A_791, %mul3A_793 : vector<16xf32>
        %swap3A_795 = arith.index_cast %scan3A_192 : i32 to index
        %swap3A_796 = arith.constant 720 : index
        %swap3A_797 = tpu.vector_load %arg10[%swap3A_795, %swap3A_796] {strides = array<i32>} : memref<16x1024xf32, #tpu.memory_space<vmem>>, vector<1x16xf32>,
        %swap3A_798 = vector.shape_cast %swap3A_797 : vector<1x16xf32> to vector<16xf32>
        %swap3A_799 = vector.shape_cast %mul3A_698 : vector<16xf32> to vector<1x16xf32>
        tpu.vector_store %arg10[%swap3A_795, %swap3A_796], %swap3A_799 {add = true, strides = array<i32>} : memref<16x1024xf32, #tpu.memory_space<vmem>>, vector<1x16xf32>,
        %get3A_800 = arith.index_cast %scan3A_192 : i32 to index
        %get3A_801 = arith.constant 864 : index
        %get3A_802 = tpu.vector_load %arg7[%get3A_800, %get3A_801] {strides = array<i32>} : memref<16x1024xf32, #tpu.memory_space<vmem>>, vector<1x16xf32>,
        %get3A_803 = vector.shape_cast %get3A_802 : vector<1x16xf32> to vector<16xf32>
        %mul3A_804 = arith.constant 3.200000e+01 : f32
        %mul3A_805 = vector.broadcast %mul3A_804 : f32 to vector<16xf32>
        %mul3A_806 = arith.mulf %get3A_803, %mul3A_805 : vector<16xf32>
        %swap3A_807 = arith.index_cast %scan3A_192 : i32 to index
        %swap3A_808 = arith.constant 736 : index
        %swap3A_809 = tpu.vector_load %arg10[%swap3A_807, %swap3A_808] {strides = array<i32>} : memref<16x1024xf32, #tpu.memory_space<vmem>>, vector<1x16xf32>,
        %swap3A_810 = vector.shape_cast %swap3A_809 : vector<1x16xf32> to vector<16xf32>
        %swap3A_811 = vector.shape_cast %mul3A_710 : vector<16xf32> to vector<1x16xf32>
        tpu.vector_store %arg10[%swap3A_807, %swap3A_808], %swap3A_811 {add = true, strides = array<i32>} : memref<16x1024xf32, #tpu.memory_space<vmem>>, vector<1x16xf32>,
        %get3A_812 = arith.index_cast %scan3A_192 : i32 to index
        %get3A_813 = arith.constant 880 : index
        %get3A_814 = tpu.vector_load %arg7[%get3A_812, %get3A_813] {strides = array<i32>} : memref<16x1024xf32, #tpu.memory_space<vmem>>, vector<1x16xf32>,
        %get3A_815 = vector.shape_cast %get3A_814 : vector<1x16xf32> to vector<16xf32>
        %mul3A_816 = arith.constant 3.200000e+01 : f32
        %mul3A_817 = vector.broadcast %mul3A_816 : f32 to vector<16xf32>
        %mul3A_818 = arith.mulf %get3A_815, %mul3A_817 : vector<16xf32>
        %swap3A_819 = arith.index_cast %scan3A_192 : i32 to index
        %swap3A_820 = arith.constant 752 : index
        %swap3A_821 = tpu.vector_load %arg10[%swap3A_819, %swap3A_820] {strides = array<i32>} : memref<16x1024xf32, #tpu.memory_space<vmem>>, vector<1x16xf32>,
        %swap3A_822 = vector.shape_cast %swap3A_821 : vector<1x16xf32> to vector<16xf32>
        %swap3A_823 = vector.shape_cast %mul3A_722 : vector<16xf32> to vector<1x16xf32>
        tpu.vector_store %arg10[%swap3A_819, %swap3A_820], %swap3A_823 {add = true, strides = array<i32>} : memref<16x1024xf32, #tpu.memory_space<vmem>>, vector<1x16xf32>,
        %get3A_824 = arith.index_cast %scan3A_192 : i32 to index
        %get3A_825 = arith.constant 896 : index
        %get3A_826 = tpu.vector_load %arg7[%get3A_824, %get3A_825] {strides = array<i32>} : memref<16x1024xf32, #tpu.memory_space<vmem>>, vector<1x16xf32>,
        %get3A_827 = vector.shape_cast %get3A_826 : vector<1x16xf32> to vector<16xf32>
        %mul3A_828 = arith.constant 3.200000e+01 : f32
        %mul3A_829 = vector.broadcast %mul3A_828 : f32 to vector<16xf32>
        %mul3A_830 = arith.mulf %get3A_827, %mul3A_829 : vector<16xf32>
        %swap3A_831 = arith.index_cast %scan3A_192 : i32 to index
        %swap3A_832 = arith.constant 768 : index
        %swap3A_833 = tpu.vector_load %arg10[%swap3A_831, %swap3A_832] {strides = array<i32>} : memref<16x1024xf32, #tpu.memory_space<vmem>>, vector<1x16xf32>,
        %swap3A_834 = vector.shape_cast %swap3A_833 : vector<1x16xf32> to vector<16xf32>
        %swap3A_835 = vector.shape_cast %mul3A_734 : vector<16xf32> to vector<1x16xf32>
        tpu.vector_store %arg10[%swap3A_831, %swap3A_832], %swap3A_835 {add = true, strides = array<i32>} : memref<16x1024xf32, #tpu.memory_space<vmem>>, vector<1x16xf32>,
        %get3A_836 = arith.index_cast %scan3A_192 : i32 to index
        %get3A_837 = arith.constant 912 : index
        %get3A_838 = tpu.vector_load %arg7[%get3A_836, %get3A_837] {strides = array<i32>} : memref<16x1024xf32, #tpu.memory_space<vmem>>, vector<1x16xf32>,
        %get3A_839 = vector.shape_cast %get3A_838 : vector<1x16xf32> to vector<16xf32>
        %mul3A_840 = arith.constant 3.200000e+01 : f32
        %mul3A_841 = vector.broadcast %mul3A_840 : f32 to vector<16xf32>
        %mul3A_842 = arith.mulf %get3A_839, %mul3A_841 : vector<16xf32>
        %swap3A_843 = arith.index_cast %scan3A_192 : i32 to index
        %swap3A_844 = arith.constant 784 : index
        %swap3A_845 = tpu.vector_load %arg10[%swap3A_843, %swap3A_844] {strides = array<i32>} : memref<16x1024xf32, #tpu.memory_space<vmem>>, vector<1x16xf32>,
        %swap3A_846 = vector.shape_cast %swap3A_845 : vector<1x16xf32> to vector<16xf32>
        %swap3A_847 = vector.shape_cast %mul3A_746 : vector<16xf32> to vector<1x16xf32>
        tpu.vector_store %arg10[%swap3A_843, %swap3A_844], %swap3A_847 {add = true, strides = array<i32>} : memref<16x1024xf32, #tpu.memory_space<vmem>>, vector<1x16xf32>,
        %get3A_848 = arith.index_cast %scan3A_192 : i32 to index
        %get3A_849 = arith.constant 928 : index
        %get3A_850 = tpu.vector_load %arg7[%get3A_848, %get3A_849] {strides = array<i32>} : memref<16x1024xf32, #tpu.memory_space<vmem>>, vector<1x16xf32>,
        %get3A_851 = vector.shape_cast %get3A_850 : vector<1x16xf32> to vector<16xf32>
        %mul3A_852 = arith.constant 3.200000e+01 : f32
        %mul3A_853 = vector.broadcast %mul3A_852 : f32 to vector<16xf32>
        %mul3A_854 = arith.mulf %get3A_851, %mul3A_853 : vector<16xf32>
        %swap3A_855 = arith.index_cast %scan3A_192 : i32 to index
        %swap3A_856 = arith.constant 800 : index
        %swap3A_857 = tpu.vector_load %arg10[%swap3A_855, %swap3A_856] {strides = array<i32>} : memref<16x1024xf32, #tpu.memory_space<vmem>>, vector<1x16xf32>,
        %swap3A_858 = vector.shape_cast %swap3A_857 : vector<1x16xf32> to vector<16xf32>
        %swap3A_859 = vector.shape_cast %mul3A_758 : vector<16xf32> to vector<1x16xf32>
        tpu.vector_store %arg10[%swap3A_855, %swap3A_856], %swap3A_859 {add = true, strides = array<i32>} : memref<16x1024xf32, #tpu.memory_space<vmem>>, vector<1x16xf32>,
        %get3A_860 = arith.index_cast %scan3A_192 : i32 to index
        %get3A_861 = arith.constant 944 : index
        %get3A_862 = tpu.vector_load %arg7[%get3A_860, %get3A_861] {strides = array<i32>} : memref<16x1024xf32, #tpu.memory_space<vmem>>, vector<1x16xf32>,
        %get3A_863 = vector.shape_cast %get3A_862 : vector<1x16xf32> to vector<16xf32>
        %mul3A_864 = arith.constant 3.200000e+01 : f32
        %mul3A_865 = vector.broadcast %mul3A_864 : f32 to vector<16xf32>
        %mul3A_866 = arith.mulf %get3A_863, %mul3A_865 : vector<16xf32>
        %swap3A_867 = arith.index_cast %scan3A_192 : i32 to index
        %swap3A_868 = arith.constant 816 : index
        %swap3A_869 = tpu.vector_load %arg10[%swap3A_867, %swap3A_868] {strides = array<i32>} : memref<16x1024xf32, #tpu.memory_space<vmem>>, vector<1x16xf32>,
        %swap3A_870 = vector.shape_cast %swap3A_869 : vector<1x16xf32> to vector<16xf32>
        %swap3A_871 = vector.shape_cast %mul3A_770 : vector<16xf32> to vector<1x16xf32>
        tpu.vector_store %arg10[%swap3A_867, %swap3A_868], %swap3A_871 {add = true, strides = array<i32>} : memref<16x1024xf32, #tpu.memory_space<vmem>>, vector<1x16xf32>,
        %get3A_872 = arith.index_cast %scan3A_192 : i32 to index
        %get3A_873 = arith.constant 960 : index
        %get3A_874 = tpu.vector_load %arg7[%get3A_872, %get3A_873] {strides = array<i32>} : memref<16x1024xf32, #tpu.memory_space<vmem>>, vector<1x16xf32>,
        %get3A_875 = vector.shape_cast %get3A_874 : vector<1x16xf32> to vector<16xf32>
        %mul3A_876 = arith.constant 3.200000e+01 : f32
        %mul3A_877 = vector.broadcast %mul3A_876 : f32 to vector<16xf32>
        %mul3A_878 = arith.mulf %get3A_875, %mul3A_877 : vector<16xf32>
        %swap3A_879 = arith.index_cast %scan3A_192 : i32 to index
        %swap3A_880 = arith.constant 832 : index
        %swap3A_881 = tpu.vector_load %arg10[%swap3A_879, %swap3A_880] {strides = array<i32>} : memref<16x1024xf32, #tpu.memory_space<vmem>>, vector<1x16xf32>,
        %swap3A_882 = vector.shape_cast %swap3A_881 : vector<1x16xf32> to vector<16xf32>
        %swap3A_883 = vector.shape_cast %mul3A_782 : vector<16xf32> to vector<1x16xf32>
        tpu.vector_store %arg10[%swap3A_879, %swap3A_880], %swap3A_883 {add = true, strides = array<i32>} : memref<16x1024xf32, #tpu.memory_space<vmem>>, vector<1x16xf32>,
        %get3A_884 = arith.index_cast %scan3A_192 : i32 to index
        %get3A_885 = arith.constant 976 : index
        %get3A_886 = tpu.vector_load %arg7[%get3A_884, %get3A_885] {strides = array<i32>} : memref<16x1024xf32, #tpu.memory_space<vmem>>, vector<1x16xf32>,
        %get3A_887 = vector.shape_cast %get3A_886 : vector<1x16xf32> to vector<16xf32>
        %mul3A_888 = arith.constant 3.200000e+01 : f32
        %mul3A_889 = vector.broadcast %mul3A_888 : f32 to vector<16xf32>
        %mul3A_890 = arith.mulf %get3A_887, %mul3A_889 : vector<16xf32>
        %swap3A_891 = arith.index_cast %scan3A_192 : i32 to index
        %swap3A_892 = arith.constant 848 : index
        %swap3A_893 = tpu.vector_load %arg10[%swap3A_891, %swap3A_892] {strides = array<i32>} : memref<16x1024xf32, #tpu.memory_space<vmem>>, vector<1x16xf32>,
        %swap3A_894 = vector.shape_cast %swap3A_893 : vector<1x16xf32> to vector<16xf32>
        %swap3A_895 = vector.shape_cast %mul3A_794 : vector<16xf32> to vector<1x16xf32>
        tpu.vector_store %arg10[%swap3A_891, %swap3A_892], %swap3A_895 {add = true, strides = array<i32>} : memref<16x1024xf32, #tpu.memory_space<vmem>>, vector<1x16xf32>,
        %get3A_896 = arith.index_cast %scan3A_192 : i32 to index
        %get3A_897 = arith.constant 992 : index
        %get3A_898 = tpu.vector_load %arg7[%get3A_896, %get3A_897] {strides = array<i32>} : memref<16x1024xf32, #tpu.memory_space<vmem>>, vector<1x16xf32>,
        %get3A_899 = vector.shape_cast %get3A_898 : vector<1x16xf32> to vector<16xf32>
        %mul3A_900 = arith.constant 3.200000e+01 : f32
        %mul3A_901 = vector.broadcast %mul3A_900 : f32 to vector<16xf32>
        %mul3A_902 = arith.mulf %get3A_899, %mul3A_901 : vector<16xf32>
        %swap3A_903 = arith.index_cast %scan3A_192 : i32 to index
        %swap3A_904 = arith.constant 864 : index
        %swap3A_905 = tpu.vector_load %arg10[%swap3A_903, %swap3A_904] {strides = array<i32>} : memref<16x1024xf32, #tpu.memory_space<vmem>>, vector<1x16xf32>,
        %swap3A_906 = vector.shape_cast %swap3A_905 : vector<1x16xf32> to vector<16xf32>
        %swap3A_907 = vector.shape_cast %mul3A_806 : vector<16xf32> to vector<1x16xf32>
        tpu.vector_store %arg10[%swap3A_903, %swap3A_904], %swap3A_907 {add = true, strides = array<i32>} : memref<16x1024xf32, #tpu.memory_space<vmem>>, vector<1x16xf32>,
        %get3A_908 = arith.index_cast %scan3A_192 : i32 to index
        %get3A_909 = arith.constant 1008 : index
        %get3A_910 = tpu.vector_load %arg7[%get3A_908, %get3A_909] {strides = array<i32>} : memref<16x1024xf32, #tpu.memory_space<vmem>>, vector<1x16xf32>,
        %get3A_911 = vector.shape_cast %get3A_910 : vector<1x16xf32> to vector<16xf32>
        %mul3A_912 = arith.constant 3.200000e+01 : f32
        %mul3A_913 = vector.broadcast %mul3A_912 : f32 to vector<16xf32>
        %mul3A_914 = arith.mulf %get3A_911, %mul3A_913 : vector<16xf32>
        %swap3A_915 = arith.index_cast %scan3A_192 : i32 to index
        %swap3A_916 = arith.constant 880 : index
        %swap3A_917 = tpu.vector_load %arg10[%swap3A_915, %swap3A_916] {strides = array<i32>} : memref<16x1024xf32, #tpu.memory_space<vmem>>, vector<1x16xf32>,
        %swap3A_918 = vector.shape_cast %swap3A_917 : vector<1x16xf32> to vector<16xf32>
        %swap3A_919 = vector.shape_cast %mul3A_818 : vector<16xf32> to vector<1x16xf32>
        tpu.vector_store %arg10[%swap3A_915, %swap3A_916], %swap3A_919 {add = true, strides = array<i32>} : memref<16x1024xf32, #tpu.memory_space<vmem>>, vector<1x16xf32>,
        %swap3A_920 = arith.index_cast %scan3A_192 : i32 to index
        %swap3A_921 = arith.constant 896 : index
        %swap3A_922 = tpu.vector_load %arg10[%swap3A_920, %swap3A_921] {strides = array<i32>} : memref<16x1024xf32, #tpu.memory_space<vmem>>, vector<1x16xf32>,
        %swap3A_923 = vector.shape_cast %swap3A_922 : vector<1x16xf32> to vector<16xf32>
        %swap3A_924 = vector.shape_cast %mul3A_830 : vector<16xf32> to vector<1x16xf32>
        tpu.vector_store %arg10[%swap3A_920, %swap3A_921], %swap3A_924 {add = true, strides = array<i32>} : memref<16x1024xf32, #tpu.memory_space<vmem>>, vector<1x16xf32>,
        %swap3A_925 = arith.index_cast %scan3A_192 : i32 to index
        %swap3A_926 = arith.constant 912 : index
        %swap3A_927 = tpu.vector_load %arg10[%swap3A_925, %swap3A_926] {strides = array<i32>} : memref<16x1024xf32, #tpu.memory_space<vmem>>, vector<1x16xf32>,
        %swap3A_928 = vector.shape_cast %swap3A_927 : vector<1x16xf32> to vector<16xf32>
        %swap3A_929 = vector.shape_cast %mul3A_842 : vector<16xf32> to vector<1x16xf32>
        tpu.vector_store %arg10[%swap3A_925, %swap3A_926], %swap3A_929 {add = true, strides = array<i32>} : memref<16x1024xf32, #tpu.memory_space<vmem>>, vector<1x16xf32>,
        %swap3A_930 = arith.index_cast %scan3A_192 : i32 to index
        %swap3A_931 = arith.constant 928 : index
        %swap3A_932 = tpu.vector_load %arg10[%swap3A_930, %swap3A_931] {strides = array<i32>} : memref<16x1024xf32, #tpu.memory_space<vmem>>, vector<1x16xf32>,
        %swap3A_933 = vector.shape_cast %swap3A_932 : vector<1x16xf32> to vector<16xf32>
        %swap3A_934 = vector.shape_cast %mul3A_854 : vector<16xf32> to vector<1x16xf32>
        tpu.vector_store %arg10[%swap3A_930, %swap3A_931], %swap3A_934 {add = true, strides = array<i32>} : memref<16x1024xf32, #tpu.memory_space<vmem>>, vector<1x16xf32>,
        %swap3A_935 = arith.index_cast %scan3A_192 : i32 to index
        %swap3A_936 = arith.constant 944 : index
        %swap3A_937 = tpu.vector_load %arg10[%swap3A_935, %swap3A_936] {strides = array<i32>} : memref<16x1024xf32, #tpu.memory_space<vmem>>, vector<1x16xf32>,
        %swap3A_938 = vector.shape_cast %swap3A_937 : vector<1x16xf32> to vector<16xf32>
        %swap3A_939 = vector.shape_cast %mul3A_866 : vector<16xf32> to vector<1x16xf32>
        tpu.vector_store %arg10[%swap3A_935, %swap3A_936], %swap3A_939 {add = true, strides = array<i32>} : memref<16x1024xf32, #tpu.memory_space<vmem>>, vector<1x16xf32>,
        %swap3A_940 = arith.index_cast %scan3A_192 : i32 to index
        %swap3A_941 = arith.constant 960 : index
        %swap3A_942 = tpu.vector_load %arg10[%swap3A_940, %swap3A_941] {strides = array<i32>} : memref<16x1024xf32, #tpu.memory_space<vmem>>, vector<1x16xf32>,
        %swap3A_943 = vector.shape_cast %swap3A_942 : vector<1x16xf32> to vector<16xf32>
        %swap3A_944 = vector.shape_cast %mul3A_878 : vector<16xf32> to vector<1x16xf32>
        tpu.vector_store %arg10[%swap3A_940, %swap3A_941], %swap3A_944 {add = true, strides = array<i32>} : memref<16x1024xf32, #tpu.memory_space<vmem>>, vector<1x16xf32>,
        %swap3A_945 = arith.index_cast %scan3A_192 : i32 to index
        %swap3A_946 = arith.constant 976 : index
        %swap3A_947 = tpu.vector_load %arg10[%swap3A_945, %swap3A_946] {strides = array<i32>} : memref<16x1024xf32, #tpu.memory_space<vmem>>, vector<1x16xf32>,
        %swap3A_948 = vector.shape_cast %swap3A_947 : vector<1x16xf32> to vector<16xf32>
        %swap3A_949 = vector.shape_cast %mul3A_890 : vector<16xf32> to vector<1x16xf32>
        tpu.vector_store %arg10[%swap3A_945, %swap3A_946], %swap3A_949 {add = true, strides = array<i32>} : memref<16x1024xf32, #tpu.memory_space<vmem>>, vector<1x16xf32>,
        %swap3A_950 = arith.index_cast %scan3A_192 : i32 to index
        %swap3A_951 = arith.constant 992 : index
        %swap3A_952 = tpu.vector_load %arg10[%swap3A_950, %swap3A_951] {strides = array<i32>} : memref<16x1024xf32, #tpu.memory_space<vmem>>, vector<1x16xf32>,
        %swap3A_953 = vector.shape_cast %swap3A_952 : vector<1x16xf32> to vector<16xf32>
        %swap3A_954 = vector.shape_cast %mul3A_902 : vector<16xf32> to vector<1x16xf32>
        tpu.vector_store %arg10[%swap3A_950, %swap3A_951], %swap3A_954 {add = true, strides = array<i32>} : memref<16x1024xf32, #tpu.memory_space<vmem>>, vector<1x16xf32>,
        %swap3A_955 = arith.index_cast %scan3A_192 : i32 to index
        %swap3A_956 = arith.constant 1008 : index
        %swap3A_957 = tpu.vector_load %arg10[%swap3A_955, %swap3A_956] {strides = array<i32>} : memref<16x1024xf32, #tpu.memory_space<vmem>>, vector<1x16xf32>,
        %swap3A_958 = vector.shape_cast %swap3A_957 : vector<1x16xf32> to vector<16xf32>
        %swap3A_959 = vector.shape_cast %mul3A_914 : vector<16xf32> to vector<1x16xf32>
        tpu.vector_store %arg10[%swap3A_955, %swap3A_956], %swap3A_959 {add = true, strides = array<i32>} : memref<16x1024xf32, #tpu.memory_space<vmem>>, vector<1x16xf32>,
        %scan3A_960 = arith.constant 0 : i32
        scf.yield %scan3A_960 : i32
      }
      %scan3A_88 = arith.constant 16 : i32
      %mul3A_89 = arith.constant 16 : i32
      %mul3A_90 = arith.muli %add3A_70, %mul3A_89 : i32
      %add3A_91 = arith.addi %mul3A_2, %mul3A_90 : i32
      %dma_start3A_92 = arith.constant 0 : i32
      %dma_start3A_93 = tpu.memref_slice %arg5[%add3A_91, %dma_start3A_92] : memref<32768x1024xf32, #tpu.memory_space<hbm>> -> memref<16x1024xf32, #tpu.memory_space<hbm>>
      %dma_start3A_94 = arith.constant 0 : i32
      %dma_start3A_95 = tpu.memref_slice %arg5[%add3A_91, %dma_start3A_94] : memref<32768x1024xf32, #tpu.memory_space<hbm>> -> memref<16x1024xf32, #tpu.memory_space<hbm>>
      tpu.enqueue_dma source(%arg10 : memref<16x1024xf32, #tpu.memory_space<vmem>>) target(%dma_start3A_95 : memref<16x1024xf32, #tpu.memory_space<hbm>>) target_semaphore(%arg19 : memref<!tpu.dma_semaphore, #tpu.memory_space<semaphore_mem>>)
      %gt3A = arith.constant 0 : i32
      %gt3A_96 = arith.cmpi sgt, %scan3A_65, %gt3A : i32
      %convert_element_type3A = arith.extui %gt3A_96 : i1 to i32
      %cond3A = arith.constant 0 : i32
      %cond3A_97 = arith.cmpi ne, %convert_element_type3A, %cond3A : i32
      scf.if %cond3A_97 {
        %dma_wait3A_192 = arith.constant 0 : i32
        %dma_wait3A_193 = arith.constant 0 : i32
        %dma_wait3A_194 = tpu.memref_slice %arg5[%dma_wait3A_192, %dma_wait3A_193] : memref<32768x1024xf32, #tpu.memory_space<hbm>> -> memref<16x1024xf32, #tpu.memory_space<hbm>>
        %dma_wait3A_195 = arith.constant 0 : i32
        %dma_wait3A_196 = arith.constant 0 : i32
        %dma_wait3A_197 = tpu.memref_slice %arg5[%dma_wait3A_195, %dma_wait3A_196] : memref<32768x1024xf32, #tpu.memory_space<hbm>> -> memref<16x1024xf32, #tpu.memory_space<hbm>>
        tpu.wait_dma2 semaphore(%arg21 : memref<!tpu.dma_semaphore, #tpu.memory_space<semaphore_mem>>) src(%arg12 : memref<16x1024xf32, #tpu.memory_space<vmem>>) dst(%dma_wait3A_197 : memref<16x1024xf32, #tpu.memory_space<hbm>>)
        %add3A_198 = arith.constant 2 : i32
        %add3A_199 = arith.addi %add3A_70, %add3A_198 : i32
        %mul3A_200 = arith.constant 16 : i32
        %mul3A_201 = arith.muli %add3A_199, %mul3A_200 : i32
        %dma_start3A_202 = tpu.memref_slice %arg6[%mul3A_201] : memref<1024xi32, #tpu.memory_space<vmem>> -> memref<16xi32, #tpu.memory_space<vmem>>
        %dma_start3A_203 = arith.constant 0 : i32
        %dma_start3A_204 = arith.constant 0 : i32
        %dma_start3A_205 = tpu.memref_slice %arg4[%dma_start3A_203, %dma_start3A_204] : memref<8192x1024xf32, #tpu.memory_space<hbm>> -> memref<8192x1024xf32, #tpu.memory_space<hbm>>
        tpu.enqueue_indirect_dma source(%dma_start3A_205 : memref<8192x1024xf32, #tpu.memory_space<hbm>>) target(%arg12 : memref<16x1024xf32, #tpu.memory_space<vmem>>) offsets(%dma_start3A_202 : memref<16xi32, #tpu.memory_space<vmem>>) semaphore(%arg15 : memref<!tpu.dma_semaphore, #tpu.memory_space<semaphore_mem>>)
        %mul3A_206 = arith.constant 16 : i32
        %mul3A_207 = arith.muli %add3A_199, %mul3A_206 : i32
        %add3A_208 = arith.addi %mul3A_2, %mul3A_207 : i32
        %dma_start3A_209 = arith.constant 0 : i32
        %dma_start3A_210 = tpu.memref_slice %arg2[%add3A_208, %dma_start3A_209] : memref<32768x1024xf32, #tpu.memory_space<hbm>> -> memref<16x1024xf32, #tpu.memory_space<hbm>>
        %dma_start3A_211 = arith.constant 0 : i32
        %dma_start3A_212 = tpu.memref_slice %arg2[%add3A_208, %dma_start3A_211] : memref<32768x1024xf32, #tpu.memory_space<hbm>> -> memref<16x1024xf32, #tpu.memory_space<hbm>>
        tpu.enqueue_dma source(%dma_start3A_212 : memref<16x1024xf32, #tpu.memory_space<hbm>>) target(%arg9 : memref<16x1024xf32, #tpu.memory_space<vmem>>) target_semaphore(%arg18 : memref<!tpu.dma_semaphore, #tpu.memory_space<semaphore_mem>>)
      } else {
      }
      %eq3A = arith.constant 0 : i32
      %eq3A_98 = arith.cmpi eq, %scan3A_65, %eq3A : i32
      %convert_element_type3A_99 = arith.extui %eq3A_98 : i1 to i32
      %cond3A_100 = arith.constant 0 : i32
      %cond3A_101 = arith.cmpi ne, %convert_element_type3A_99, %cond3A_100 : i32
      scf.if %cond3A_101 {
        %add3A_192 = arith.constant 2 : i32
        %add3A_193 = arith.addi %add3A_70, %add3A_192 : i32
        %mul3A_194 = arith.constant 16 : i32
        %mul3A_195 = arith.muli %add3A_193, %mul3A_194 : i32
        %dma_start3A_196 = tpu.memref_slice %arg6[%mul3A_195] : memref<1024xi32, #tpu.memory_space<vmem>> -> memref<16xi32, #tpu.memory_space<vmem>>
        %dma_start3A_197 = arith.constant 0 : i32
        %dma_start3A_198 = arith.constant 0 : i32
        %dma_start3A_199 = tpu.memref_slice %arg4[%dma_start3A_197, %dma_start3A_198] : memref<8192x1024xf32, #tpu.memory_space<hbm>> -> memref<8192x1024xf32, #tpu.memory_space<hbm>>
        tpu.enqueue_indirect_dma source(%dma_start3A_199 : memref<8192x1024xf32, #tpu.memory_space<hbm>>) target(%arg12 : memref<16x1024xf32, #tpu.memory_space<vmem>>) offsets(%dma_start3A_196 : memref<16xi32, #tpu.memory_space<vmem>>) semaphore(%arg15 : memref<!tpu.dma_semaphore, #tpu.memory_space<semaphore_mem>>)
        %mul3A_200 = arith.constant 16 : i32
        %mul3A_201 = arith.muli %add3A_193, %mul3A_200 : i32
        %add3A_202 = arith.addi %mul3A_2, %mul3A_201 : i32
        %dma_start3A_203 = arith.constant 0 : i32
        %dma_start3A_204 = tpu.memref_slice %arg2[%add3A_202, %dma_start3A_203] : memref<32768x1024xf32, #tpu.memory_space<hbm>> -> memref<16x1024xf32, #tpu.memory_space<hbm>>
        %dma_start3A_205 = arith.constant 0 : i32
        %dma_start3A_206 = tpu.memref_slice %arg2[%add3A_202, %dma_start3A_205] : memref<32768x1024xf32, #tpu.memory_space<hbm>> -> memref<16x1024xf32, #tpu.memory_space<hbm>>
        tpu.enqueue_dma source(%dma_start3A_206 : memref<16x1024xf32, #tpu.memory_space<hbm>>) target(%arg9 : memref<16x1024xf32, #tpu.memory_space<vmem>>) target_semaphore(%arg18 : memref<!tpu.dma_semaphore, #tpu.memory_space<semaphore_mem>>)
      } else {
      }
      %mul3A_102 = arith.constant 3 : i32
      %mul3A_103 = arith.muli %mul3A_102, %scan3A_65 : i32
      %add3A_104 = arith.constant 1 : i32
      %add3A_105 = arith.addi %mul3A_103, %add3A_104 : i32
      %dma_wait3A_106 = arith.constant 0 : i32
      %dma_wait3A_107 = tpu.memref_slice %arg6[%dma_wait3A_106] : memref<1024xi32, #tpu.memory_space<vmem>> -> memref<16xi32, #tpu.memory_space<vmem>>
      %dma_wait3A_108 = arith.constant 0 : i32
      %dma_wait3A_109 = arith.constant 0 : i32
      %dma_wait3A_110 = tpu.memref_slice %arg4[%dma_wait3A_108, %dma_wait3A_109] : memref<8192x1024xf32, #tpu.memory_space<hbm>> -> memref<8192x1024xf32, #tpu.memory_space<hbm>>
      tpu.wait_indirect_dma semaphore(%arg14 : memref<!tpu.dma_semaphore, #tpu.memory_space<semaphore_mem>>) src(%dma_wait3A_110 : memref<8192x1024xf32, #tpu.memory_space<hbm>>) dst(%arg11 : memref<16x1024xf32, #tpu.memory_space<vmem>>)
      %dma_wait3A_111 = arith.constant 0 : i32
      %dma_wait3A_112 = arith.constant 0 : i32
      %dma_wait3A_113 = tpu.memref_slice %arg2[%dma_wait3A_111, %dma_wait3A_112] : memref<32768x1024xf32, #tpu.memory_space<hbm>> -> memref<16x1024xf32, #tpu.memory_space<hbm>>
      %dma_wait3A_114 = arith.constant 0 : i32
      %dma_wait3A_115 = arith.constant 0 : i32
      %dma_wait3A_116 = tpu.memref_slice %arg2[%dma_wait3A_114, %dma_wait3A_115] : memref<32768x1024xf32, #tpu.memory_space<hbm>> -> memref<16x1024xf32, #tpu.memory_space<hbm>>
      tpu.wait_dma2 semaphore(%arg17 : memref<!tpu.dma_semaphore, #tpu.memory_space<semaphore_mem>>) src(%dma_wait3A_116 : memref<16x1024xf32, #tpu.memory_space<hbm>>) dst(%arg8 : memref<16x1024xf32, #tpu.memory_space<vmem>>)
      %scan3A_117 = arith.constant 0 : i32
      %scan3A_118 = arith.constant 0 : i32
      %scan3A_119 = arith.constant 16 : i32
      %scan3A_120 = arith.addi %scan3A_118, %scan3A_119 : i32
      %scan3A_121 = arith.constant 1 : i32
      %scan3A_122 = scf.for %scan3A_192 = %scan3A_118 to %scan3A_120 step %scan3A_121 iter_args(%scan3A_193 = %scan3A_117) -> (i32)  : i32 {
        %get3A = arith.index_cast %scan3A_192 : i32 to index
        %get3A_194 = arith.constant 0 : index
        %get3A_195 = tpu.vector_load %arg8[%get3A, %get3A_194] {strides = array<i32>} : memref<16x1024xf32, #tpu.memory_space<vmem>>, vector<1x16xf32>,
        %get3A_196 = vector.shape_cast %get3A_195 : vector<1x16xf32> to vector<16xf32>
        %mul3A_197 = arith.constant 3.200000e+01 : f32
        %mul3A_198 = vector.broadcast %mul3A_197 : f32 to vector<16xf32>
        %mul3A_199 = arith.mulf %get3A_196, %mul3A_198 : vector<16xf32>
        %get3A_200 = arith.index_cast %scan3A_192 : i32 to index
        %get3A_201 = arith.constant 16 : index
        %get3A_202 = tpu.vector_load %arg8[%get3A_200, %get3A_201] {strides = array<i32>} : memref<16x1024xf32, #tpu.memory_space<vmem>>, vector<1x16xf32>,
        %get3A_203 = vector.shape_cast %get3A_202 : vector<1x16xf32> to vector<16xf32>
        %mul3A_204 = arith.constant 3.200000e+01 : f32
        %mul3A_205 = vector.broadcast %mul3A_204 : f32 to vector<16xf32>
        %mul3A_206 = arith.mulf %get3A_203, %mul3A_205 : vector<16xf32>
        %get3A_207 = arith.index_cast %scan3A_192 : i32 to index
        %get3A_208 = arith.constant 32 : index
        %get3A_209 = tpu.vector_load %arg8[%get3A_207, %get3A_208] {strides = array<i32>} : memref<16x1024xf32, #tpu.memory_space<vmem>>, vector<1x16xf32>,
        %get3A_210 = vector.shape_cast %get3A_209 : vector<1x16xf32> to vector<16xf32>
        %mul3A_211 = arith.constant 3.200000e+01 : f32
        %mul3A_212 = vector.broadcast %mul3A_211 : f32 to vector<16xf32>
        %mul3A_213 = arith.mulf %get3A_210, %mul3A_212 : vector<16xf32>
        %get3A_214 = arith.index_cast %scan3A_192 : i32 to index
        %get3A_215 = arith.constant 48 : index
        %get3A_216 = tpu.vector_load %arg8[%get3A_214, %get3A_215] {strides = array<i32>} : memref<16x1024xf32, #tpu.memory_space<vmem>>, vector<1x16xf32>,
        %get3A_217 = vector.shape_cast %get3A_216 : vector<1x16xf32> to vector<16xf32>
        %mul3A_218 = arith.constant 3.200000e+01 : f32
        %mul3A_219 = vector.broadcast %mul3A_218 : f32 to vector<16xf32>
        %mul3A_220 = arith.mulf %get3A_217, %mul3A_219 : vector<16xf32>
        %get3A_221 = arith.index_cast %scan3A_192 : i32 to index
        %get3A_222 = arith.constant 64 : index
        %get3A_223 = tpu.vector_load %arg8[%get3A_221, %get3A_222] {strides = array<i32>} : memref<16x1024xf32, #tpu.memory_space<vmem>>, vector<1x16xf32>,
        %get3A_224 = vector.shape_cast %get3A_223 : vector<1x16xf32> to vector<16xf32>
        %mul3A_225 = arith.constant 3.200000e+01 : f32
        %mul3A_226 = vector.broadcast %mul3A_225 : f32 to vector<16xf32>
        %mul3A_227 = arith.mulf %get3A_224, %mul3A_226 : vector<16xf32>
        %get3A_228 = arith.index_cast %scan3A_192 : i32 to index
        %get3A_229 = arith.constant 80 : index
        %get3A_230 = tpu.vector_load %arg8[%get3A_228, %get3A_229] {strides = array<i32>} : memref<16x1024xf32, #tpu.memory_space<vmem>>, vector<1x16xf32>,
        %get3A_231 = vector.shape_cast %get3A_230 : vector<1x16xf32> to vector<16xf32>
        %mul3A_232 = arith.constant 3.200000e+01 : f32
        %mul3A_233 = vector.broadcast %mul3A_232 : f32 to vector<16xf32>
        %mul3A_234 = arith.mulf %get3A_231, %mul3A_233 : vector<16xf32>
        %get3A_235 = arith.index_cast %scan3A_192 : i32 to index
        %get3A_236 = arith.constant 96 : index
        %get3A_237 = tpu.vector_load %arg8[%get3A_235, %get3A_236] {strides = array<i32>} : memref<16x1024xf32, #tpu.memory_space<vmem>>, vector<1x16xf32>,
        %get3A_238 = vector.shape_cast %get3A_237 : vector<1x16xf32> to vector<16xf32>
        %mul3A_239 = arith.constant 3.200000e+01 : f32
        %mul3A_240 = vector.broadcast %mul3A_239 : f32 to vector<16xf32>
        %mul3A_241 = arith.mulf %get3A_238, %mul3A_240 : vector<16xf32>
        %get3A_242 = arith.index_cast %scan3A_192 : i32 to index
        %get3A_243 = arith.constant 112 : index
        %get3A_244 = tpu.vector_load %arg8[%get3A_242, %get3A_243] {strides = array<i32>} : memref<16x1024xf32, #tpu.memory_space<vmem>>, vector<1x16xf32>,
        %get3A_245 = vector.shape_cast %get3A_244 : vector<1x16xf32> to vector<16xf32>
        %mul3A_246 = arith.constant 3.200000e+01 : f32
        %mul3A_247 = vector.broadcast %mul3A_246 : f32 to vector<16xf32>
        %mul3A_248 = arith.mulf %get3A_245, %mul3A_247 : vector<16xf32>
        %get3A_249 = arith.index_cast %scan3A_192 : i32 to index
        %get3A_250 = arith.constant 128 : index
        %get3A_251 = tpu.vector_load %arg8[%get3A_249, %get3A_250] {strides = array<i32>} : memref<16x1024xf32, #tpu.memory_space<vmem>>, vector<1x16xf32>,
        %get3A_252 = vector.shape_cast %get3A_251 : vector<1x16xf32> to vector<16xf32>
        %mul3A_253 = arith.constant 3.200000e+01 : f32
        %mul3A_254 = vector.broadcast %mul3A_253 : f32 to vector<16xf32>
        %mul3A_255 = arith.mulf %get3A_252, %mul3A_254 : vector<16xf32>
        %swap3A = arith.index_cast %scan3A_192 : i32 to index
        %swap3A_256 = arith.constant 0 : index
        %swap3A_257 = tpu.vector_load %arg11[%swap3A, %swap3A_256] {strides = array<i32>} : memref<16x1024xf32, #tpu.memory_space<vmem>>, vector<1x16xf32>,
        %swap3A_258 = vector.shape_cast %swap3A_257 : vector<1x16xf32> to vector<16xf32>
        %swap3A_259 = vector.shape_cast %mul3A_199 : vector<16xf32> to vector<1x16xf32>
        tpu.vector_store %arg11[%swap3A, %swap3A_256], %swap3A_259 {add = true, strides = array<i32>} : memref<16x1024xf32, #tpu.memory_space<vmem>>, vector<1x16xf32>,
        %get3A_260 = arith.index_cast %scan3A_192 : i32 to index
        %get3A_261 = arith.constant 144 : index
        %get3A_262 = tpu.vector_load %arg8[%get3A_260, %get3A_261] {strides = array<i32>} : memref<16x1024xf32, #tpu.memory_space<vmem>>, vector<1x16xf32>,
        %get3A_263 = vector.shape_cast %get3A_262 : vector<1x16xf32> to vector<16xf32>
        %mul3A_264 = arith.constant 3.200000e+01 : f32
        %mul3A_265 = vector.broadcast %mul3A_264 : f32 to vector<16xf32>
        %mul3A_266 = arith.mulf %get3A_263, %mul3A_265 : vector<16xf32>
        %swap3A_267 = arith.index_cast %scan3A_192 : i32 to index
        %swap3A_268 = arith.constant 16 : index
        %swap3A_269 = tpu.vector_load %arg11[%swap3A_267, %swap3A_268] {strides = array<i32>} : memref<16x1024xf32, #tpu.memory_space<vmem>>, vector<1x16xf32>,
        %swap3A_270 = vector.shape_cast %swap3A_269 : vector<1x16xf32> to vector<16xf32>
        %swap3A_271 = vector.shape_cast %mul3A_206 : vector<16xf32> to vector<1x16xf32>
        tpu.vector_store %arg11[%swap3A_267, %swap3A_268], %swap3A_271 {add = true, strides = array<i32>} : memref<16x1024xf32, #tpu.memory_space<vmem>>, vector<1x16xf32>,
        %get3A_272 = arith.index_cast %scan3A_192 : i32 to index
        %get3A_273 = arith.constant 160 : index
        %get3A_274 = tpu.vector_load %arg8[%get3A_272, %get3A_273] {strides = array<i32>} : memref<16x1024xf32, #tpu.memory_space<vmem>>, vector<1x16xf32>,
        %get3A_275 = vector.shape_cast %get3A_274 : vector<1x16xf32> to vector<16xf32>
        %mul3A_276 = arith.constant 3.200000e+01 : f32
        %mul3A_277 = vector.broadcast %mul3A_276 : f32 to vector<16xf32>
        %mul3A_278 = arith.mulf %get3A_275, %mul3A_277 : vector<16xf32>
        %swap3A_279 = arith.index_cast %scan3A_192 : i32 to index
        %swap3A_280 = arith.constant 32 : index
        %swap3A_281 = tpu.vector_load %arg11[%swap3A_279, %swap3A_280] {strides = array<i32>} : memref<16x1024xf32, #tpu.memory_space<vmem>>, vector<1x16xf32>,
        %swap3A_282 = vector.shape_cast %swap3A_281 : vector<1x16xf32> to vector<16xf32>
        %swap3A_283 = vector.shape_cast %mul3A_213 : vector<16xf32> to vector<1x16xf32>
        tpu.vector_store %arg11[%swap3A_279, %swap3A_280], %swap3A_283 {add = true, strides = array<i32>} : memref<16x1024xf32, #tpu.memory_space<vmem>>, vector<1x16xf32>,
        %get3A_284 = arith.index_cast %scan3A_192 : i32 to index
        %get3A_285 = arith.constant 176 : index
        %get3A_286 = tpu.vector_load %arg8[%get3A_284, %get3A_285] {strides = array<i32>} : memref<16x1024xf32, #tpu.memory_space<vmem>>, vector<1x16xf32>,
        %get3A_287 = vector.shape_cast %get3A_286 : vector<1x16xf32> to vector<16xf32>
        %mul3A_288 = arith.constant 3.200000e+01 : f32
        %mul3A_289 = vector.broadcast %mul3A_288 : f32 to vector<16xf32>
        %mul3A_290 = arith.mulf %get3A_287, %mul3A_289 : vector<16xf32>
        %swap3A_291 = arith.index_cast %scan3A_192 : i32 to index
        %swap3A_292 = arith.constant 48 : index
        %swap3A_293 = tpu.vector_load %arg11[%swap3A_291, %swap3A_292] {strides = array<i32>} : memref<16x1024xf32, #tpu.memory_space<vmem>>, vector<1x16xf32>,
        %swap3A_294 = vector.shape_cast %swap3A_293 : vector<1x16xf32> to vector<16xf32>
        %swap3A_295 = vector.shape_cast %mul3A_220 : vector<16xf32> to vector<1x16xf32>
        tpu.vector_store %arg11[%swap3A_291, %swap3A_292], %swap3A_295 {add = true, strides = array<i32>} : memref<16x1024xf32, #tpu.memory_space<vmem>>, vector<1x16xf32>,
        %get3A_296 = arith.index_cast %scan3A_192 : i32 to index
        %get3A_297 = arith.constant 192 : index
        %get3A_298 = tpu.vector_load %arg8[%get3A_296, %get3A_297] {strides = array<i32>} : memref<16x1024xf32, #tpu.memory_space<vmem>>, vector<1x16xf32>,
        %get3A_299 = vector.shape_cast %get3A_298 : vector<1x16xf32> to vector<16xf32>
        %mul3A_300 = arith.constant 3.200000e+01 : f32
        %mul3A_301 = vector.broadcast %mul3A_300 : f32 to vector<16xf32>
        %mul3A_302 = arith.mulf %get3A_299, %mul3A_301 : vector<16xf32>
        %swap3A_303 = arith.index_cast %scan3A_192 : i32 to index
        %swap3A_304 = arith.constant 64 : index
        %swap3A_305 = tpu.vector_load %arg11[%swap3A_303, %swap3A_304] {strides = array<i32>} : memref<16x1024xf32, #tpu.memory_space<vmem>>, vector<1x16xf32>,
        %swap3A_306 = vector.shape_cast %swap3A_305 : vector<1x16xf32> to vector<16xf32>
        %swap3A_307 = vector.shape_cast %mul3A_227 : vector<16xf32> to vector<1x16xf32>
        tpu.vector_store %arg11[%swap3A_303, %swap3A_304], %swap3A_307 {add = true, strides = array<i32>} : memref<16x1024xf32, #tpu.memory_space<vmem>>, vector<1x16xf32>,
        %get3A_308 = arith.index_cast %scan3A_192 : i32 to index
        %get3A_309 = arith.constant 208 : index
        %get3A_310 = tpu.vector_load %arg8[%get3A_308, %get3A_309] {strides = array<i32>} : memref<16x1024xf32, #tpu.memory_space<vmem>>, vector<1x16xf32>,
        %get3A_311 = vector.shape_cast %get3A_310 : vector<1x16xf32> to vector<16xf32>
        %mul3A_312 = arith.constant 3.200000e+01 : f32
        %mul3A_313 = vector.broadcast %mul3A_312 : f32 to vector<16xf32>
        %mul3A_314 = arith.mulf %get3A_311, %mul3A_313 : vector<16xf32>
        %swap3A_315 = arith.index_cast %scan3A_192 : i32 to index
        %swap3A_316 = arith.constant 80 : index
        %swap3A_317 = tpu.vector_load %arg11[%swap3A_315, %swap3A_316] {strides = array<i32>} : memref<16x1024xf32, #tpu.memory_space<vmem>>, vector<1x16xf32>,
        %swap3A_318 = vector.shape_cast %swap3A_317 : vector<1x16xf32> to vector<16xf32>
        %swap3A_319 = vector.shape_cast %mul3A_234 : vector<16xf32> to vector<1x16xf32>
        tpu.vector_store %arg11[%swap3A_315, %swap3A_316], %swap3A_319 {add = true, strides = array<i32>} : memref<16x1024xf32, #tpu.memory_space<vmem>>, vector<1x16xf32>,
        %get3A_320 = arith.index_cast %scan3A_192 : i32 to index
        %get3A_321 = arith.constant 224 : index
        %get3A_322 = tpu.vector_load %arg8[%get3A_320, %get3A_321] {strides = array<i32>} : memref<16x1024xf32, #tpu.memory_space<vmem>>, vector<1x16xf32>,
        %get3A_323 = vector.shape_cast %get3A_322 : vector<1x16xf32> to vector<16xf32>
        %mul3A_324 = arith.constant 3.200000e+01 : f32
        %mul3A_325 = vector.broadcast %mul3A_324 : f32 to vector<16xf32>
        %mul3A_326 = arith.mulf %get3A_323, %mul3A_325 : vector<16xf32>
        %swap3A_327 = arith.index_cast %scan3A_192 : i32 to index
        %swap3A_328 = arith.constant 96 : index
        %swap3A_329 = tpu.vector_load %arg11[%swap3A_327, %swap3A_328] {strides = array<i32>} : memref<16x1024xf32, #tpu.memory_space<vmem>>, vector<1x16xf32>,
        %swap3A_330 = vector.shape_cast %swap3A_329 : vector<1x16xf32> to vector<16xf32>
        %swap3A_331 = vector.shape_cast %mul3A_241 : vector<16xf32> to vector<1x16xf32>
        tpu.vector_store %arg11[%swap3A_327, %swap3A_328], %swap3A_331 {add = true, strides = array<i32>} : memref<16x1024xf32, #tpu.memory_space<vmem>>, vector<1x16xf32>,
        %get3A_332 = arith.index_cast %scan3A_192 : i32 to index
        %get3A_333 = arith.constant 240 : index
        %get3A_334 = tpu.vector_load %arg8[%get3A_332, %get3A_333] {strides = array<i32>} : memref<16x1024xf32, #tpu.memory_space<vmem>>, vector<1x16xf32>,
        %get3A_335 = vector.shape_cast %get3A_334 : vector<1x16xf32> to vector<16xf32>
        %mul3A_336 = arith.constant 3.200000e+01 : f32
        %mul3A_337 = vector.broadcast %mul3A_336 : f32 to vector<16xf32>
        %mul3A_338 = arith.mulf %get3A_335, %mul3A_337 : vector<16xf32>
        %swap3A_339 = arith.index_cast %scan3A_192 : i32 to index
        %swap3A_340 = arith.constant 112 : index
        %swap3A_341 = tpu.vector_load %arg11[%swap3A_339, %swap3A_340] {strides = array<i32>} : memref<16x1024xf32, #tpu.memory_space<vmem>>, vector<1x16xf32>,
        %swap3A_342 = vector.shape_cast %swap3A_341 : vector<1x16xf32> to vector<16xf32>
        %swap3A_343 = vector.shape_cast %mul3A_248 : vector<16xf32> to vector<1x16xf32>
        tpu.vector_store %arg11[%swap3A_339, %swap3A_340], %swap3A_343 {add = true, strides = array<i32>} : memref<16x1024xf32, #tpu.memory_space<vmem>>, vector<1x16xf32>,
        %get3A_344 = arith.index_cast %scan3A_192 : i32 to index
        %get3A_345 = arith.constant 256 : index
        %get3A_346 = tpu.vector_load %arg8[%get3A_344, %get3A_345] {strides = array<i32>} : memref<16x1024xf32, #tpu.memory_space<vmem>>, vector<1x16xf32>,
        %get3A_347 = vector.shape_cast %get3A_346 : vector<1x16xf32> to vector<16xf32>
        %mul3A_348 = arith.constant 3.200000e+01 : f32
        %mul3A_349 = vector.broadcast %mul3A_348 : f32 to vector<16xf32>
        %mul3A_350 = arith.mulf %get3A_347, %mul3A_349 : vector<16xf32>
        %swap3A_351 = arith.index_cast %scan3A_192 : i32 to index
        %swap3A_352 = arith.constant 128 : index
        %swap3A_353 = tpu.vector_load %arg11[%swap3A_351, %swap3A_352] {strides = array<i32>} : memref<16x1024xf32, #tpu.memory_space<vmem>>, vector<1x16xf32>,
        %swap3A_354 = vector.shape_cast %swap3A_353 : vector<1x16xf32> to vector<16xf32>
        %swap3A_355 = vector.shape_cast %mul3A_255 : vector<16xf32> to vector<1x16xf32>
        tpu.vector_store %arg11[%swap3A_351, %swap3A_352], %swap3A_355 {add = true, strides = array<i32>} : memref<16x1024xf32, #tpu.memory_space<vmem>>, vector<1x16xf32>,
        %get3A_356 = arith.index_cast %scan3A_192 : i32 to index
        %get3A_357 = arith.constant 272 : index
        %get3A_358 = tpu.vector_load %arg8[%get3A_356, %get3A_357] {strides = array<i32>} : memref<16x1024xf32, #tpu.memory_space<vmem>>, vector<1x16xf32>,
        %get3A_359 = vector.shape_cast %get3A_358 : vector<1x16xf32> to vector<16xf32>
        %mul3A_360 = arith.constant 3.200000e+01 : f32
        %mul3A_361 = vector.broadcast %mul3A_360 : f32 to vector<16xf32>
        %mul3A_362 = arith.mulf %get3A_359, %mul3A_361 : vector<16xf32>
        %swap3A_363 = arith.index_cast %scan3A_192 : i32 to index
        %swap3A_364 = arith.constant 144 : index
        %swap3A_365 = tpu.vector_load %arg11[%swap3A_363, %swap3A_364] {strides = array<i32>} : memref<16x1024xf32, #tpu.memory_space<vmem>>, vector<1x16xf32>,
        %swap3A_366 = vector.shape_cast %swap3A_365 : vector<1x16xf32> to vector<16xf32>
        %swap3A_367 = vector.shape_cast %mul3A_266 : vector<16xf32> to vector<1x16xf32>
        tpu.vector_store %arg11[%swap3A_363, %swap3A_364], %swap3A_367 {add = true, strides = array<i32>} : memref<16x1024xf32, #tpu.memory_space<vmem>>, vector<1x16xf32>,
        %get3A_368 = arith.index_cast %scan3A_192 : i32 to index
        %get3A_369 = arith.constant 288 : index
        %get3A_370 = tpu.vector_load %arg8[%get3A_368, %get3A_369] {strides = array<i32>} : memref<16x1024xf32, #tpu.memory_space<vmem>>, vector<1x16xf32>,
        %get3A_371 = vector.shape_cast %get3A_370 : vector<1x16xf32> to vector<16xf32>
        %mul3A_372 = arith.constant 3.200000e+01 : f32
        %mul3A_373 = vector.broadcast %mul3A_372 : f32 to vector<16xf32>
        %mul3A_374 = arith.mulf %get3A_371, %mul3A_373 : vector<16xf32>
        %swap3A_375 = arith.index_cast %scan3A_192 : i32 to index
        %swap3A_376 = arith.constant 160 : index
        %swap3A_377 = tpu.vector_load %arg11[%swap3A_375, %swap3A_376] {strides = array<i32>} : memref<16x1024xf32, #tpu.memory_space<vmem>>, vector<1x16xf32>,
        %swap3A_378 = vector.shape_cast %swap3A_377 : vector<1x16xf32> to vector<16xf32>
        %swap3A_379 = vector.shape_cast %mul3A_278 : vector<16xf32> to vector<1x16xf32>
        tpu.vector_store %arg11[%swap3A_375, %swap3A_376], %swap3A_379 {add = true, strides = array<i32>} : memref<16x1024xf32, #tpu.memory_space<vmem>>, vector<1x16xf32>,
        %get3A_380 = arith.index_cast %scan3A_192 : i32 to index
        %get3A_381 = arith.constant 304 : index
        %get3A_382 = tpu.vector_load %arg8[%get3A_380, %get3A_381] {strides = array<i32>} : memref<16x1024xf32, #tpu.memory_space<vmem>>, vector<1x16xf32>,
        %get3A_383 = vector.shape_cast %get3A_382 : vector<1x16xf32> to vector<16xf32>
        %mul3A_384 = arith.constant 3.200000e+01 : f32
        %mul3A_385 = vector.broadcast %mul3A_384 : f32 to vector<16xf32>
        %mul3A_386 = arith.mulf %get3A_383, %mul3A_385 : vector<16xf32>
        %swap3A_387 = arith.index_cast %scan3A_192 : i32 to index
        %swap3A_388 = arith.constant 176 : index
        %swap3A_389 = tpu.vector_load %arg11[%swap3A_387, %swap3A_388] {strides = array<i32>} : memref<16x1024xf32, #tpu.memory_space<vmem>>, vector<1x16xf32>,
        %swap3A_390 = vector.shape_cast %swap3A_389 : vector<1x16xf32> to vector<16xf32>
        %swap3A_391 = vector.shape_cast %mul3A_290 : vector<16xf32> to vector<1x16xf32>
        tpu.vector_store %arg11[%swap3A_387, %swap3A_388], %swap3A_391 {add = true, strides = array<i32>} : memref<16x1024xf32, #tpu.memory_space<vmem>>, vector<1x16xf32>,
        %get3A_392 = arith.index_cast %scan3A_192 : i32 to index
        %get3A_393 = arith.constant 320 : index
        %get3A_394 = tpu.vector_load %arg8[%get3A_392, %get3A_393] {strides = array<i32>} : memref<16x1024xf32, #tpu.memory_space<vmem>>, vector<1x16xf32>,
        %get3A_395 = vector.shape_cast %get3A_394 : vector<1x16xf32> to vector<16xf32>
        %mul3A_396 = arith.constant 3.200000e+01 : f32
        %mul3A_397 = vector.broadcast %mul3A_396 : f32 to vector<16xf32>
        %mul3A_398 = arith.mulf %get3A_395, %mul3A_397 : vector<16xf32>
        %swap3A_399 = arith.index_cast %scan3A_192 : i32 to index
        %swap3A_400 = arith.constant 192 : index
        %swap3A_401 = tpu.vector_load %arg11[%swap3A_399, %swap3A_400] {strides = array<i32>} : memref<16x1024xf32, #tpu.memory_space<vmem>>, vector<1x16xf32>,
        %swap3A_402 = vector.shape_cast %swap3A_401 : vector<1x16xf32> to vector<16xf32>
        %swap3A_403 = vector.shape_cast %mul3A_302 : vector<16xf32> to vector<1x16xf32>
        tpu.vector_store %arg11[%swap3A_399, %swap3A_400], %swap3A_403 {add = true, strides = array<i32>} : memref<16x1024xf32, #tpu.memory_space<vmem>>, vector<1x16xf32>,
        %get3A_404 = arith.index_cast %scan3A_192 : i32 to index
        %get3A_405 = arith.constant 336 : index
        %get3A_406 = tpu.vector_load %arg8[%get3A_404, %get3A_405] {strides = array<i32>} : memref<16x1024xf32, #tpu.memory_space<vmem>>, vector<1x16xf32>,
        %get3A_407 = vector.shape_cast %get3A_406 : vector<1x16xf32> to vector<16xf32>
        %mul3A_408 = arith.constant 3.200000e+01 : f32
        %mul3A_409 = vector.broadcast %mul3A_408 : f32 to vector<16xf32>
        %mul3A_410 = arith.mulf %get3A_407, %mul3A_409 : vector<16xf32>
        %swap3A_411 = arith.index_cast %scan3A_192 : i32 to index
        %swap3A_412 = arith.constant 208 : index
        %swap3A_413 = tpu.vector_load %arg11[%swap3A_411, %swap3A_412] {strides = array<i32>} : memref<16x1024xf32, #tpu.memory_space<vmem>>, vector<1x16xf32>,
        %swap3A_414 = vector.shape_cast %swap3A_413 : vector<1x16xf32> to vector<16xf32>
        %swap3A_415 = vector.shape_cast %mul3A_314 : vector<16xf32> to vector<1x16xf32>
        tpu.vector_store %arg11[%swap3A_411, %swap3A_412], %swap3A_415 {add = true, strides = array<i32>} : memref<16x1024xf32, #tpu.memory_space<vmem>>, vector<1x16xf32>,
        %get3A_416 = arith.index_cast %scan3A_192 : i32 to index
        %get3A_417 = arith.constant 352 : index
        %get3A_418 = tpu.vector_load %arg8[%get3A_416, %get3A_417] {strides = array<i32>} : memref<16x1024xf32, #tpu.memory_space<vmem>>, vector<1x16xf32>,
        %get3A_419 = vector.shape_cast %get3A_418 : vector<1x16xf32> to vector<16xf32>
        %mul3A_420 = arith.constant 3.200000e+01 : f32
        %mul3A_421 = vector.broadcast %mul3A_420 : f32 to vector<16xf32>
        %mul3A_422 = arith.mulf %get3A_419, %mul3A_421 : vector<16xf32>
        %swap3A_423 = arith.index_cast %scan3A_192 : i32 to index
        %swap3A_424 = arith.constant 224 : index
        %swap3A_425 = tpu.vector_load %arg11[%swap3A_423, %swap3A_424] {strides = array<i32>} : memref<16x1024xf32, #tpu.memory_space<vmem>>, vector<1x16xf32>,
        %swap3A_426 = vector.shape_cast %swap3A_425 : vector<1x16xf32> to vector<16xf32>
        %swap3A_427 = vector.shape_cast %mul3A_326 : vector<16xf32> to vector<1x16xf32>
        tpu.vector_store %arg11[%swap3A_423, %swap3A_424], %swap3A_427 {add = true, strides = array<i32>} : memref<16x1024xf32, #tpu.memory_space<vmem>>, vector<1x16xf32>,
        %get3A_428 = arith.index_cast %scan3A_192 : i32 to index
        %get3A_429 = arith.constant 368 : index
        %get3A_430 = tpu.vector_load %arg8[%get3A_428, %get3A_429] {strides = array<i32>} : memref<16x1024xf32, #tpu.memory_space<vmem>>, vector<1x16xf32>,
        %get3A_431 = vector.shape_cast %get3A_430 : vector<1x16xf32> to vector<16xf32>
        %mul3A_432 = arith.constant 3.200000e+01 : f32
        %mul3A_433 = vector.broadcast %mul3A_432 : f32 to vector<16xf32>
        %mul3A_434 = arith.mulf %get3A_431, %mul3A_433 : vector<16xf32>
        %swap3A_435 = arith.index_cast %scan3A_192 : i32 to index
        %swap3A_436 = arith.constant 240 : index
        %swap3A_437 = tpu.vector_load %arg11[%swap3A_435, %swap3A_436] {strides = array<i32>} : memref<16x1024xf32, #tpu.memory_space<vmem>>, vector<1x16xf32>,
        %swap3A_438 = vector.shape_cast %swap3A_437 : vector<1x16xf32> to vector<16xf32>
        %swap3A_439 = vector.shape_cast %mul3A_338 : vector<16xf32> to vector<1x16xf32>
        tpu.vector_store %arg11[%swap3A_435, %swap3A_436], %swap3A_439 {add = true, strides = array<i32>} : memref<16x1024xf32, #tpu.memory_space<vmem>>, vector<1x16xf32>,
        %get3A_440 = arith.index_cast %scan3A_192 : i32 to index
        %get3A_441 = arith.constant 384 : index
        %get3A_442 = tpu.vector_load %arg8[%get3A_440, %get3A_441] {strides = array<i32>} : memref<16x1024xf32, #tpu.memory_space<vmem>>, vector<1x16xf32>,
        %get3A_443 = vector.shape_cast %get3A_442 : vector<1x16xf32> to vector<16xf32>
        %mul3A_444 = arith.constant 3.200000e+01 : f32
        %mul3A_445 = vector.broadcast %mul3A_444 : f32 to vector<16xf32>
        %mul3A_446 = arith.mulf %get3A_443, %mul3A_445 : vector<16xf32>
        %swap3A_447 = arith.index_cast %scan3A_192 : i32 to index
        %swap3A_448 = arith.constant 256 : index
        %swap3A_449 = tpu.vector_load %arg11[%swap3A_447, %swap3A_448] {strides = array<i32>} : memref<16x1024xf32, #tpu.memory_space<vmem>>, vector<1x16xf32>,
        %swap3A_450 = vector.shape_cast %swap3A_449 : vector<1x16xf32> to vector<16xf32>
        %swap3A_451 = vector.shape_cast %mul3A_350 : vector<16xf32> to vector<1x16xf32>
        tpu.vector_store %arg11[%swap3A_447, %swap3A_448], %swap3A_451 {add = true, strides = array<i32>} : memref<16x1024xf32, #tpu.memory_space<vmem>>, vector<1x16xf32>,
        %get3A_452 = arith.index_cast %scan3A_192 : i32 to index
        %get3A_453 = arith.constant 400 : index
        %get3A_454 = tpu.vector_load %arg8[%get3A_452, %get3A_453] {strides = array<i32>} : memref<16x1024xf32, #tpu.memory_space<vmem>>, vector<1x16xf32>,
        %get3A_455 = vector.shape_cast %get3A_454 : vector<1x16xf32> to vector<16xf32>
        %mul3A_456 = arith.constant 3.200000e+01 : f32
        %mul3A_457 = vector.broadcast %mul3A_456 : f32 to vector<16xf32>
        %mul3A_458 = arith.mulf %get3A_455, %mul3A_457 : vector<16xf32>
        %swap3A_459 = arith.index_cast %scan3A_192 : i32 to index
        %swap3A_460 = arith.constant 272 : index
        %swap3A_461 = tpu.vector_load %arg11[%swap3A_459, %swap3A_460] {strides = array<i32>} : memref<16x1024xf32, #tpu.memory_space<vmem>>, vector<1x16xf32>,
        %swap3A_462 = vector.shape_cast %swap3A_461 : vector<1x16xf32> to vector<16xf32>
        %swap3A_463 = vector.shape_cast %mul3A_362 : vector<16xf32> to vector<1x16xf32>
        tpu.vector_store %arg11[%swap3A_459, %swap3A_460], %swap3A_463 {add = true, strides = array<i32>} : memref<16x1024xf32, #tpu.memory_space<vmem>>, vector<1x16xf32>,
        %get3A_464 = arith.index_cast %scan3A_192 : i32 to index
        %get3A_465 = arith.constant 416 : index
        %get3A_466 = tpu.vector_load %arg8[%get3A_464, %get3A_465] {strides = array<i32>} : memref<16x1024xf32, #tpu.memory_space<vmem>>, vector<1x16xf32>,
        %get3A_467 = vector.shape_cast %get3A_466 : vector<1x16xf32> to vector<16xf32>
        %mul3A_468 = arith.constant 3.200000e+01 : f32
        %mul3A_469 = vector.broadcast %mul3A_468 : f32 to vector<16xf32>
        %mul3A_470 = arith.mulf %get3A_467, %mul3A_469 : vector<16xf32>
        %swap3A_471 = arith.index_cast %scan3A_192 : i32 to index
        %swap3A_472 = arith.constant 288 : index
        %swap3A_473 = tpu.vector_load %arg11[%swap3A_471, %swap3A_472] {strides = array<i32>} : memref<16x1024xf32, #tpu.memory_space<vmem>>, vector<1x16xf32>,
        %swap3A_474 = vector.shape_cast %swap3A_473 : vector<1x16xf32> to vector<16xf32>
        %swap3A_475 = vector.shape_cast %mul3A_374 : vector<16xf32> to vector<1x16xf32>
        tpu.vector_store %arg11[%swap3A_471, %swap3A_472], %swap3A_475 {add = true, strides = array<i32>} : memref<16x1024xf32, #tpu.memory_space<vmem>>, vector<1x16xf32>,
        %get3A_476 = arith.index_cast %scan3A_192 : i32 to index
        %get3A_477 = arith.constant 432 : index
        %get3A_478 = tpu.vector_load %arg8[%get3A_476, %get3A_477] {strides = array<i32>} : memref<16x1024xf32, #tpu.memory_space<vmem>>, vector<1x16xf32>,
        %get3A_479 = vector.shape_cast %get3A_478 : vector<1x16xf32> to vector<16xf32>
        %mul3A_480 = arith.constant 3.200000e+01 : f32
        %mul3A_481 = vector.broadcast %mul3A_480 : f32 to vector<16xf32>
        %mul3A_482 = arith.mulf %get3A_479, %mul3A_481 : vector<16xf32>
        %swap3A_483 = arith.index_cast %scan3A_192 : i32 to index
        %swap3A_484 = arith.constant 304 : index
        %swap3A_485 = tpu.vector_load %arg11[%swap3A_483, %swap3A_484] {strides = array<i32>} : memref<16x1024xf32, #tpu.memory_space<vmem>>, vector<1x16xf32>,
        %swap3A_486 = vector.shape_cast %swap3A_485 : vector<1x16xf32> to vector<16xf32>
        %swap3A_487 = vector.shape_cast %mul3A_386 : vector<16xf32> to vector<1x16xf32>
        tpu.vector_store %arg11[%swap3A_483, %swap3A_484], %swap3A_487 {add = true, strides = array<i32>} : memref<16x1024xf32, #tpu.memory_space<vmem>>, vector<1x16xf32>,
        %get3A_488 = arith.index_cast %scan3A_192 : i32 to index
        %get3A_489 = arith.constant 448 : index
        %get3A_490 = tpu.vector_load %arg8[%get3A_488, %get3A_489] {strides = array<i32>} : memref<16x1024xf32, #tpu.memory_space<vmem>>, vector<1x16xf32>,
        %get3A_491 = vector.shape_cast %get3A_490 : vector<1x16xf32> to vector<16xf32>
        %mul3A_492 = arith.constant 3.200000e+01 : f32
        %mul3A_493 = vector.broadcast %mul3A_492 : f32 to vector<16xf32>
        %mul3A_494 = arith.mulf %get3A_491, %mul3A_493 : vector<16xf32>
        %swap3A_495 = arith.index_cast %scan3A_192 : i32 to index
        %swap3A_496 = arith.constant 320 : index
        %swap3A_497 = tpu.vector_load %arg11[%swap3A_495, %swap3A_496] {strides = array<i32>} : memref<16x1024xf32, #tpu.memory_space<vmem>>, vector<1x16xf32>,
        %swap3A_498 = vector.shape_cast %swap3A_497 : vector<1x16xf32> to vector<16xf32>
        %swap3A_499 = vector.shape_cast %mul3A_398 : vector<16xf32> to vector<1x16xf32>
        tpu.vector_store %arg11[%swap3A_495, %swap3A_496], %swap3A_499 {add = true, strides = array<i32>} : memref<16x1024xf32, #tpu.memory_space<vmem>>, vector<1x16xf32>,
        %get3A_500 = arith.index_cast %scan3A_192 : i32 to index
        %get3A_501 = arith.constant 464 : index
        %get3A_502 = tpu.vector_load %arg8[%get3A_500, %get3A_501] {strides = array<i32>} : memref<16x1024xf32, #tpu.memory_space<vmem>>, vector<1x16xf32>,
        %get3A_503 = vector.shape_cast %get3A_502 : vector<1x16xf32> to vector<16xf32>
        %mul3A_504 = arith.constant 3.200000e+01 : f32
        %mul3A_505 = vector.broadcast %mul3A_504 : f32 to vector<16xf32>
        %mul3A_506 = arith.mulf %get3A_503, %mul3A_505 : vector<16xf32>
        %swap3A_507 = arith.index_cast %scan3A_192 : i32 to index
        %swap3A_508 = arith.constant 336 : index
        %swap3A_509 = tpu.vector_load %arg11[%swap3A_507, %swap3A_508] {strides = array<i32>} : memref<16x1024xf32, #tpu.memory_space<vmem>>, vector<1x16xf32>,
        %swap3A_510 = vector.shape_cast %swap3A_509 : vector<1x16xf32> to vector<16xf32>
        %swap3A_511 = vector.shape_cast %mul3A_410 : vector<16xf32> to vector<1x16xf32>
        tpu.vector_store %arg11[%swap3A_507, %swap3A_508], %swap3A_511 {add = true, strides = array<i32>} : memref<16x1024xf32, #tpu.memory_space<vmem>>, vector<1x16xf32>,
        %get3A_512 = arith.index_cast %scan3A_192 : i32 to index
        %get3A_513 = arith.constant 480 : index
        %get3A_514 = tpu.vector_load %arg8[%get3A_512, %get3A_513] {strides = array<i32>} : memref<16x1024xf32, #tpu.memory_space<vmem>>, vector<1x16xf32>,
        %get3A_515 = vector.shape_cast %get3A_514 : vector<1x16xf32> to vector<16xf32>
        %mul3A_516 = arith.constant 3.200000e+01 : f32
        %mul3A_517 = vector.broadcast %mul3A_516 : f32 to vector<16xf32>
        %mul3A_518 = arith.mulf %get3A_515, %mul3A_517 : vector<16xf32>
        %swap3A_519 = arith.index_cast %scan3A_192 : i32 to index
        %swap3A_520 = arith.constant 352 : index
        %swap3A_521 = tpu.vector_load %arg11[%swap3A_519, %swap3A_520] {strides = array<i32>} : memref<16x1024xf32, #tpu.memory_space<vmem>>, vector<1x16xf32>,
        %swap3A_522 = vector.shape_cast %swap3A_521 : vector<1x16xf32> to vector<16xf32>
        %swap3A_523 = vector.shape_cast %mul3A_422 : vector<16xf32> to vector<1x16xf32>
        tpu.vector_store %arg11[%swap3A_519, %swap3A_520], %swap3A_523 {add = true, strides = array<i32>} : memref<16x1024xf32, #tpu.memory_space<vmem>>, vector<1x16xf32>,
        %get3A_524 = arith.index_cast %scan3A_192 : i32 to index
        %get3A_525 = arith.constant 496 : index
        %get3A_526 = tpu.vector_load %arg8[%get3A_524, %get3A_525] {strides = array<i32>} : memref<16x1024xf32, #tpu.memory_space<vmem>>, vector<1x16xf32>,
        %get3A_527 = vector.shape_cast %get3A_526 : vector<1x16xf32> to vector<16xf32>
        %mul3A_528 = arith.constant 3.200000e+01 : f32
        %mul3A_529 = vector.broadcast %mul3A_528 : f32 to vector<16xf32>
        %mul3A_530 = arith.mulf %get3A_527, %mul3A_529 : vector<16xf32>
        %swap3A_531 = arith.index_cast %scan3A_192 : i32 to index
        %swap3A_532 = arith.constant 368 : index
        %swap3A_533 = tpu.vector_load %arg11[%swap3A_531, %swap3A_532] {strides = array<i32>} : memref<16x1024xf32, #tpu.memory_space<vmem>>, vector<1x16xf32>,
        %swap3A_534 = vector.shape_cast %swap3A_533 : vector<1x16xf32> to vector<16xf32>
        %swap3A_535 = vector.shape_cast %mul3A_434 : vector<16xf32> to vector<1x16xf32>
        tpu.vector_store %arg11[%swap3A_531, %swap3A_532], %swap3A_535 {add = true, strides = array<i32>} : memref<16x1024xf32, #tpu.memory_space<vmem>>, vector<1x16xf32>,
        %get3A_536 = arith.index_cast %scan3A_192 : i32 to index
        %get3A_537 = arith.constant 512 : index
        %get3A_538 = tpu.vector_load %arg8[%get3A_536, %get3A_537] {strides = array<i32>} : memref<16x1024xf32, #tpu.memory_space<vmem>>, vector<1x16xf32>,
        %get3A_539 = vector.shape_cast %get3A_538 : vector<1x16xf32> to vector<16xf32>
        %mul3A_540 = arith.constant 3.200000e+01 : f32
        %mul3A_541 = vector.broadcast %mul3A_540 : f32 to vector<16xf32>
        %mul3A_542 = arith.mulf %get3A_539, %mul3A_541 : vector<16xf32>
        %swap3A_543 = arith.index_cast %scan3A_192 : i32 to index
        %swap3A_544 = arith.constant 384 : index
        %swap3A_545 = tpu.vector_load %arg11[%swap3A_543, %swap3A_544] {strides = array<i32>} : memref<16x1024xf32, #tpu.memory_space<vmem>>, vector<1x16xf32>,
        %swap3A_546 = vector.shape_cast %swap3A_545 : vector<1x16xf32> to vector<16xf32>
        %swap3A_547 = vector.shape_cast %mul3A_446 : vector<16xf32> to vector<1x16xf32>
        tpu.vector_store %arg11[%swap3A_543, %swap3A_544], %swap3A_547 {add = true, strides = array<i32>} : memref<16x1024xf32, #tpu.memory_space<vmem>>, vector<1x16xf32>,
        %get3A_548 = arith.index_cast %scan3A_192 : i32 to index
        %get3A_549 = arith.constant 528 : index
        %get3A_550 = tpu.vector_load %arg8[%get3A_548, %get3A_549] {strides = array<i32>} : memref<16x1024xf32, #tpu.memory_space<vmem>>, vector<1x16xf32>,
        %get3A_551 = vector.shape_cast %get3A_550 : vector<1x16xf32> to vector<16xf32>
        %mul3A_552 = arith.constant 3.200000e+01 : f32
        %mul3A_553 = vector.broadcast %mul3A_552 : f32 to vector<16xf32>
        %mul3A_554 = arith.mulf %get3A_551, %mul3A_553 : vector<16xf32>
        %swap3A_555 = arith.index_cast %scan3A_192 : i32 to index
        %swap3A_556 = arith.constant 400 : index
        %swap3A_557 = tpu.vector_load %arg11[%swap3A_555, %swap3A_556] {strides = array<i32>} : memref<16x1024xf32, #tpu.memory_space<vmem>>, vector<1x16xf32>,
        %swap3A_558 = vector.shape_cast %swap3A_557 : vector<1x16xf32> to vector<16xf32>
        %swap3A_559 = vector.shape_cast %mul3A_458 : vector<16xf32> to vector<1x16xf32>
        tpu.vector_store %arg11[%swap3A_555, %swap3A_556], %swap3A_559 {add = true, strides = array<i32>} : memref<16x1024xf32, #tpu.memory_space<vmem>>, vector<1x16xf32>,
        %get3A_560 = arith.index_cast %scan3A_192 : i32 to index
        %get3A_561 = arith.constant 544 : index
        %get3A_562 = tpu.vector_load %arg8[%get3A_560, %get3A_561] {strides = array<i32>} : memref<16x1024xf32, #tpu.memory_space<vmem>>, vector<1x16xf32>,
        %get3A_563 = vector.shape_cast %get3A_562 : vector<1x16xf32> to vector<16xf32>
        %mul3A_564 = arith.constant 3.200000e+01 : f32
        %mul3A_565 = vector.broadcast %mul3A_564 : f32 to vector<16xf32>
        %mul3A_566 = arith.mulf %get3A_563, %mul3A_565 : vector<16xf32>
        %swap3A_567 = arith.index_cast %scan3A_192 : i32 to index
        %swap3A_568 = arith.constant 416 : index
        %swap3A_569 = tpu.vector_load %arg11[%swap3A_567, %swap3A_568] {strides = array<i32>} : memref<16x1024xf32, #tpu.memory_space<vmem>>, vector<1x16xf32>,
        %swap3A_570 = vector.shape_cast %swap3A_569 : vector<1x16xf32> to vector<16xf32>
        %swap3A_571 = vector.shape_cast %mul3A_470 : vector<16xf32> to vector<1x16xf32>
        tpu.vector_store %arg11[%swap3A_567, %swap3A_568], %swap3A_571 {add = true, strides = array<i32>} : memref<16x1024xf32, #tpu.memory_space<vmem>>, vector<1x16xf32>,
        %get3A_572 = arith.index_cast %scan3A_192 : i32 to index
        %get3A_573 = arith.constant 560 : index
        %get3A_574 = tpu.vector_load %arg8[%get3A_572, %get3A_573] {strides = array<i32>} : memref<16x1024xf32, #tpu.memory_space<vmem>>, vector<1x16xf32>,
        %get3A_575 = vector.shape_cast %get3A_574 : vector<1x16xf32> to vector<16xf32>
        %mul3A_576 = arith.constant 3.200000e+01 : f32
        %mul3A_577 = vector.broadcast %mul3A_576 : f32 to vector<16xf32>
        %mul3A_578 = arith.mulf %get3A_575, %mul3A_577 : vector<16xf32>
        %swap3A_579 = arith.index_cast %scan3A_192 : i32 to index
        %swap3A_580 = arith.constant 432 : index
        %swap3A_581 = tpu.vector_load %arg11[%swap3A_579, %swap3A_580] {strides = array<i32>} : memref<16x1024xf32, #tpu.memory_space<vmem>>, vector<1x16xf32>,
        %swap3A_582 = vector.shape_cast %swap3A_581 : vector<1x16xf32> to vector<16xf32>
        %swap3A_583 = vector.shape_cast %mul3A_482 : vector<16xf32> to vector<1x16xf32>
        tpu.vector_store %arg11[%swap3A_579, %swap3A_580], %swap3A_583 {add = true, strides = array<i32>} : memref<16x1024xf32, #tpu.memory_space<vmem>>, vector<1x16xf32>,
        %get3A_584 = arith.index_cast %scan3A_192 : i32 to index
        %get3A_585 = arith.constant 576 : index
        %get3A_586 = tpu.vector_load %arg8[%get3A_584, %get3A_585] {strides = array<i32>} : memref<16x1024xf32, #tpu.memory_space<vmem>>, vector<1x16xf32>,
        %get3A_587 = vector.shape_cast %get3A_586 : vector<1x16xf32> to vector<16xf32>
        %mul3A_588 = arith.constant 3.200000e+01 : f32
        %mul3A_589 = vector.broadcast %mul3A_588 : f32 to vector<16xf32>
        %mul3A_590 = arith.mulf %get3A_587, %mul3A_589 : vector<16xf32>
        %swap3A_591 = arith.index_cast %scan3A_192 : i32 to index
        %swap3A_592 = arith.constant 448 : index
        %swap3A_593 = tpu.vector_load %arg11[%swap3A_591, %swap3A_592] {strides = array<i32>} : memref<16x1024xf32, #tpu.memory_space<vmem>>, vector<1x16xf32>,
        %swap3A_594 = vector.shape_cast %swap3A_593 : vector<1x16xf32> to vector<16xf32>
        %swap3A_595 = vector.shape_cast %mul3A_494 : vector<16xf32> to vector<1x16xf32>
        tpu.vector_store %arg11[%swap3A_591, %swap3A_592], %swap3A_595 {add = true, strides = array<i32>} : memref<16x1024xf32, #tpu.memory_space<vmem>>, vector<1x16xf32>,
        %get3A_596 = arith.index_cast %scan3A_192 : i32 to index
        %get3A_597 = arith.constant 592 : index
        %get3A_598 = tpu.vector_load %arg8[%get3A_596, %get3A_597] {strides = array<i32>} : memref<16x1024xf32, #tpu.memory_space<vmem>>, vector<1x16xf32>,
        %get3A_599 = vector.shape_cast %get3A_598 : vector<1x16xf32> to vector<16xf32>
        %mul3A_600 = arith.constant 3.200000e+01 : f32
        %mul3A_601 = vector.broadcast %mul3A_600 : f32 to vector<16xf32>
        %mul3A_602 = arith.mulf %get3A_599, %mul3A_601 : vector<16xf32>
        %swap3A_603 = arith.index_cast %scan3A_192 : i32 to index
        %swap3A_604 = arith.constant 464 : index
        %swap3A_605 = tpu.vector_load %arg11[%swap3A_603, %swap3A_604] {strides = array<i32>} : memref<16x1024xf32, #tpu.memory_space<vmem>>, vector<1x16xf32>,
        %swap3A_606 = vector.shape_cast %swap3A_605 : vector<1x16xf32> to vector<16xf32>
        %swap3A_607 = vector.shape_cast %mul3A_506 : vector<16xf32> to vector<1x16xf32>
        tpu.vector_store %arg11[%swap3A_603, %swap3A_604], %swap3A_607 {add = true, strides = array<i32>} : memref<16x1024xf32, #tpu.memory_space<vmem>>, vector<1x16xf32>,
        %get3A_608 = arith.index_cast %scan3A_192 : i32 to index
        %get3A_609 = arith.constant 608 : index
        %get3A_610 = tpu.vector_load %arg8[%get3A_608, %get3A_609] {strides = array<i32>} : memref<16x1024xf32, #tpu.memory_space<vmem>>, vector<1x16xf32>,
        %get3A_611 = vector.shape_cast %get3A_610 : vector<1x16xf32> to vector<16xf32>
        %mul3A_612 = arith.constant 3.200000e+01 : f32
        %mul3A_613 = vector.broadcast %mul3A_612 : f32 to vector<16xf32>
        %mul3A_614 = arith.mulf %get3A_611, %mul3A_613 : vector<16xf32>
        %swap3A_615 = arith.index_cast %scan3A_192 : i32 to index
        %swap3A_616 = arith.constant 480 : index
        %swap3A_617 = tpu.vector_load %arg11[%swap3A_615, %swap3A_616] {strides = array<i32>} : memref<16x1024xf32, #tpu.memory_space<vmem>>, vector<1x16xf32>,
        %swap3A_618 = vector.shape_cast %swap3A_617 : vector<1x16xf32> to vector<16xf32>
        %swap3A_619 = vector.shape_cast %mul3A_518 : vector<16xf32> to vector<1x16xf32>
        tpu.vector_store %arg11[%swap3A_615, %swap3A_616], %swap3A_619 {add = true, strides = array<i32>} : memref<16x1024xf32, #tpu.memory_space<vmem>>, vector<1x16xf32>,
        %get3A_620 = arith.index_cast %scan3A_192 : i32 to index
        %get3A_621 = arith.constant 624 : index
        %get3A_622 = tpu.vector_load %arg8[%get3A_620, %get3A_621] {strides = array<i32>} : memref<16x1024xf32, #tpu.memory_space<vmem>>, vector<1x16xf32>,
        %get3A_623 = vector.shape_cast %get3A_622 : vector<1x16xf32> to vector<16xf32>
        %mul3A_624 = arith.constant 3.200000e+01 : f32
        %mul3A_625 = vector.broadcast %mul3A_624 : f32 to vector<16xf32>
        %mul3A_626 = arith.mulf %get3A_623, %mul3A_625 : vector<16xf32>
        %swap3A_627 = arith.index_cast %scan3A_192 : i32 to index
        %swap3A_628 = arith.constant 496 : index
        %swap3A_629 = tpu.vector_load %arg11[%swap3A_627, %swap3A_628] {strides = array<i32>} : memref<16x1024xf32, #tpu.memory_space<vmem>>, vector<1x16xf32>,
        %swap3A_630 = vector.shape_cast %swap3A_629 : vector<1x16xf32> to vector<16xf32>
        %swap3A_631 = vector.shape_cast %mul3A_530 : vector<16xf32> to vector<1x16xf32>
        tpu.vector_store %arg11[%swap3A_627, %swap3A_628], %swap3A_631 {add = true, strides = array<i32>} : memref<16x1024xf32, #tpu.memory_space<vmem>>, vector<1x16xf32>,
        %get3A_632 = arith.index_cast %scan3A_192 : i32 to index
        %get3A_633 = arith.constant 640 : index
        %get3A_634 = tpu.vector_load %arg8[%get3A_632, %get3A_633] {strides = array<i32>} : memref<16x1024xf32, #tpu.memory_space<vmem>>, vector<1x16xf32>,
        %get3A_635 = vector.shape_cast %get3A_634 : vector<1x16xf32> to vector<16xf32>
        %mul3A_636 = arith.constant 3.200000e+01 : f32
        %mul3A_637 = vector.broadcast %mul3A_636 : f32 to vector<16xf32>
        %mul3A_638 = arith.mulf %get3A_635, %mul3A_637 : vector<16xf32>
        %swap3A_639 = arith.index_cast %scan3A_192 : i32 to index
        %swap3A_640 = arith.constant 512 : index
        %swap3A_641 = tpu.vector_load %arg11[%swap3A_639, %swap3A_640] {strides = array<i32>} : memref<16x1024xf32, #tpu.memory_space<vmem>>, vector<1x16xf32>,
        %swap3A_642 = vector.shape_cast %swap3A_641 : vector<1x16xf32> to vector<16xf32>
        %swap3A_643 = vector.shape_cast %mul3A_542 : vector<16xf32> to vector<1x16xf32>
        tpu.vector_store %arg11[%swap3A_639, %swap3A_640], %swap3A_643 {add = true, strides = array<i32>} : memref<16x1024xf32, #tpu.memory_space<vmem>>, vector<1x16xf32>,
        %get3A_644 = arith.index_cast %scan3A_192 : i32 to index
        %get3A_645 = arith.constant 656 : index
        %get3A_646 = tpu.vector_load %arg8[%get3A_644, %get3A_645] {strides = array<i32>} : memref<16x1024xf32, #tpu.memory_space<vmem>>, vector<1x16xf32>,
        %get3A_647 = vector.shape_cast %get3A_646 : vector<1x16xf32> to vector<16xf32>
        %mul3A_648 = arith.constant 3.200000e+01 : f32
        %mul3A_649 = vector.broadcast %mul3A_648 : f32 to vector<16xf32>
        %mul3A_650 = arith.mulf %get3A_647, %mul3A_649 : vector<16xf32>
        %swap3A_651 = arith.index_cast %scan3A_192 : i32 to index
        %swap3A_652 = arith.constant 528 : index
        %swap3A_653 = tpu.vector_load %arg11[%swap3A_651, %swap3A_652] {strides = array<i32>} : memref<16x1024xf32, #tpu.memory_space<vmem>>, vector<1x16xf32>,
        %swap3A_654 = vector.shape_cast %swap3A_653 : vector<1x16xf32> to vector<16xf32>
        %swap3A_655 = vector.shape_cast %mul3A_554 : vector<16xf32> to vector<1x16xf32>
        tpu.vector_store %arg11[%swap3A_651, %swap3A_652], %swap3A_655 {add = true, strides = array<i32>} : memref<16x1024xf32, #tpu.memory_space<vmem>>, vector<1x16xf32>,
        %get3A_656 = arith.index_cast %scan3A_192 : i32 to index
        %get3A_657 = arith.constant 672 : index
        %get3A_658 = tpu.vector_load %arg8[%get3A_656, %get3A_657] {strides = array<i32>} : memref<16x1024xf32, #tpu.memory_space<vmem>>, vector<1x16xf32>,
        %get3A_659 = vector.shape_cast %get3A_658 : vector<1x16xf32> to vector<16xf32>
        %mul3A_660 = arith.constant 3.200000e+01 : f32
        %mul3A_661 = vector.broadcast %mul3A_660 : f32 to vector<16xf32>
        %mul3A_662 = arith.mulf %get3A_659, %mul3A_661 : vector<16xf32>
        %swap3A_663 = arith.index_cast %scan3A_192 : i32 to index
        %swap3A_664 = arith.constant 544 : index
        %swap3A_665 = tpu.vector_load %arg11[%swap3A_663, %swap3A_664] {strides = array<i32>} : memref<16x1024xf32, #tpu.memory_space<vmem>>, vector<1x16xf32>,
        %swap3A_666 = vector.shape_cast %swap3A_665 : vector<1x16xf32> to vector<16xf32>
        %swap3A_667 = vector.shape_cast %mul3A_566 : vector<16xf32> to vector<1x16xf32>
        tpu.vector_store %arg11[%swap3A_663, %swap3A_664], %swap3A_667 {add = true, strides = array<i32>} : memref<16x1024xf32, #tpu.memory_space<vmem>>, vector<1x16xf32>,
        %get3A_668 = arith.index_cast %scan3A_192 : i32 to index
        %get3A_669 = arith.constant 688 : index
        %get3A_670 = tpu.vector_load %arg8[%get3A_668, %get3A_669] {strides = array<i32>} : memref<16x1024xf32, #tpu.memory_space<vmem>>, vector<1x16xf32>,
        %get3A_671 = vector.shape_cast %get3A_670 : vector<1x16xf32> to vector<16xf32>
        %mul3A_672 = arith.constant 3.200000e+01 : f32
        %mul3A_673 = vector.broadcast %mul3A_672 : f32 to vector<16xf32>
        %mul3A_674 = arith.mulf %get3A_671, %mul3A_673 : vector<16xf32>
        %swap3A_675 = arith.index_cast %scan3A_192 : i32 to index
        %swap3A_676 = arith.constant 560 : index
        %swap3A_677 = tpu.vector_load %arg11[%swap3A_675, %swap3A_676] {strides = array<i32>} : memref<16x1024xf32, #tpu.memory_space<vmem>>, vector<1x16xf32>,
        %swap3A_678 = vector.shape_cast %swap3A_677 : vector<1x16xf32> to vector<16xf32>
        %swap3A_679 = vector.shape_cast %mul3A_578 : vector<16xf32> to vector<1x16xf32>
        tpu.vector_store %arg11[%swap3A_675, %swap3A_676], %swap3A_679 {add = true, strides = array<i32>} : memref<16x1024xf32, #tpu.memory_space<vmem>>, vector<1x16xf32>,
        %get3A_680 = arith.index_cast %scan3A_192 : i32 to index
        %get3A_681 = arith.constant 704 : index
        %get3A_682 = tpu.vector_load %arg8[%get3A_680, %get3A_681] {strides = array<i32>} : memref<16x1024xf32, #tpu.memory_space<vmem>>, vector<1x16xf32>,
        %get3A_683 = vector.shape_cast %get3A_682 : vector<1x16xf32> to vector<16xf32>
        %mul3A_684 = arith.constant 3.200000e+01 : f32
        %mul3A_685 = vector.broadcast %mul3A_684 : f32 to vector<16xf32>
        %mul3A_686 = arith.mulf %get3A_683, %mul3A_685 : vector<16xf32>
        %swap3A_687 = arith.index_cast %scan3A_192 : i32 to index
        %swap3A_688 = arith.constant 576 : index
        %swap3A_689 = tpu.vector_load %arg11[%swap3A_687, %swap3A_688] {strides = array<i32>} : memref<16x1024xf32, #tpu.memory_space<vmem>>, vector<1x16xf32>,
        %swap3A_690 = vector.shape_cast %swap3A_689 : vector<1x16xf32> to vector<16xf32>
        %swap3A_691 = vector.shape_cast %mul3A_590 : vector<16xf32> to vector<1x16xf32>
        tpu.vector_store %arg11[%swap3A_687, %swap3A_688], %swap3A_691 {add = true, strides = array<i32>} : memref<16x1024xf32, #tpu.memory_space<vmem>>, vector<1x16xf32>,
        %get3A_692 = arith.index_cast %scan3A_192 : i32 to index
        %get3A_693 = arith.constant 720 : index
        %get3A_694 = tpu.vector_load %arg8[%get3A_692, %get3A_693] {strides = array<i32>} : memref<16x1024xf32, #tpu.memory_space<vmem>>, vector<1x16xf32>,
        %get3A_695 = vector.shape_cast %get3A_694 : vector<1x16xf32> to vector<16xf32>
        %mul3A_696 = arith.constant 3.200000e+01 : f32
        %mul3A_697 = vector.broadcast %mul3A_696 : f32 to vector<16xf32>
        %mul3A_698 = arith.mulf %get3A_695, %mul3A_697 : vector<16xf32>
        %swap3A_699 = arith.index_cast %scan3A_192 : i32 to index
        %swap3A_700 = arith.constant 592 : index
        %swap3A_701 = tpu.vector_load %arg11[%swap3A_699, %swap3A_700] {strides = array<i32>} : memref<16x1024xf32, #tpu.memory_space<vmem>>, vector<1x16xf32>,
        %swap3A_702 = vector.shape_cast %swap3A_701 : vector<1x16xf32> to vector<16xf32>
        %swap3A_703 = vector.shape_cast %mul3A_602 : vector<16xf32> to vector<1x16xf32>
        tpu.vector_store %arg11[%swap3A_699, %swap3A_700], %swap3A_703 {add = true, strides = array<i32>} : memref<16x1024xf32, #tpu.memory_space<vmem>>, vector<1x16xf32>,
        %get3A_704 = arith.index_cast %scan3A_192 : i32 to index
        %get3A_705 = arith.constant 736 : index
        %get3A_706 = tpu.vector_load %arg8[%get3A_704, %get3A_705] {strides = array<i32>} : memref<16x1024xf32, #tpu.memory_space<vmem>>, vector<1x16xf32>,
        %get3A_707 = vector.shape_cast %get3A_706 : vector<1x16xf32> to vector<16xf32>
        %mul3A_708 = arith.constant 3.200000e+01 : f32
        %mul3A_709 = vector.broadcast %mul3A_708 : f32 to vector<16xf32>
        %mul3A_710 = arith.mulf %get3A_707, %mul3A_709 : vector<16xf32>
        %swap3A_711 = arith.index_cast %scan3A_192 : i32 to index
        %swap3A_712 = arith.constant 608 : index
        %swap3A_713 = tpu.vector_load %arg11[%swap3A_711, %swap3A_712] {strides = array<i32>} : memref<16x1024xf32, #tpu.memory_space<vmem>>, vector<1x16xf32>,
        %swap3A_714 = vector.shape_cast %swap3A_713 : vector<1x16xf32> to vector<16xf32>
        %swap3A_715 = vector.shape_cast %mul3A_614 : vector<16xf32> to vector<1x16xf32>
        tpu.vector_store %arg11[%swap3A_711, %swap3A_712], %swap3A_715 {add = true, strides = array<i32>} : memref<16x1024xf32, #tpu.memory_space<vmem>>, vector<1x16xf32>,
        %get3A_716 = arith.index_cast %scan3A_192 : i32 to index
        %get3A_717 = arith.constant 752 : index
        %get3A_718 = tpu.vector_load %arg8[%get3A_716, %get3A_717] {strides = array<i32>} : memref<16x1024xf32, #tpu.memory_space<vmem>>, vector<1x16xf32>,
        %get3A_719 = vector.shape_cast %get3A_718 : vector<1x16xf32> to vector<16xf32>
        %mul3A_720 = arith.constant 3.200000e+01 : f32
        %mul3A_721 = vector.broadcast %mul3A_720 : f32 to vector<16xf32>
        %mul3A_722 = arith.mulf %get3A_719, %mul3A_721 : vector<16xf32>
        %swap3A_723 = arith.index_cast %scan3A_192 : i32 to index
        %swap3A_724 = arith.constant 624 : index
        %swap3A_725 = tpu.vector_load %arg11[%swap3A_723, %swap3A_724] {strides = array<i32>} : memref<16x1024xf32, #tpu.memory_space<vmem>>, vector<1x16xf32>,
        %swap3A_726 = vector.shape_cast %swap3A_725 : vector<1x16xf32> to vector<16xf32>
        %swap3A_727 = vector.shape_cast %mul3A_626 : vector<16xf32> to vector<1x16xf32>
        tpu.vector_store %arg11[%swap3A_723, %swap3A_724], %swap3A_727 {add = true, strides = array<i32>} : memref<16x1024xf32, #tpu.memory_space<vmem>>, vector<1x16xf32>,
        %get3A_728 = arith.index_cast %scan3A_192 : i32 to index
        %get3A_729 = arith.constant 768 : index
        %get3A_730 = tpu.vector_load %arg8[%get3A_728, %get3A_729] {strides = array<i32>} : memref<16x1024xf32, #tpu.memory_space<vmem>>, vector<1x16xf32>,
        %get3A_731 = vector.shape_cast %get3A_730 : vector<1x16xf32> to vector<16xf32>
        %mul3A_732 = arith.constant 3.200000e+01 : f32
        %mul3A_733 = vector.broadcast %mul3A_732 : f32 to vector<16xf32>
        %mul3A_734 = arith.mulf %get3A_731, %mul3A_733 : vector<16xf32>
        %swap3A_735 = arith.index_cast %scan3A_192 : i32 to index
        %swap3A_736 = arith.constant 640 : index
        %swap3A_737 = tpu.vector_load %arg11[%swap3A_735, %swap3A_736] {strides = array<i32>} : memref<16x1024xf32, #tpu.memory_space<vmem>>, vector<1x16xf32>,
        %swap3A_738 = vector.shape_cast %swap3A_737 : vector<1x16xf32> to vector<16xf32>
        %swap3A_739 = vector.shape_cast %mul3A_638 : vector<16xf32> to vector<1x16xf32>
        tpu.vector_store %arg11[%swap3A_735, %swap3A_736], %swap3A_739 {add = true, strides = array<i32>} : memref<16x1024xf32, #tpu.memory_space<vmem>>, vector<1x16xf32>,
        %get3A_740 = arith.index_cast %scan3A_192 : i32 to index
        %get3A_741 = arith.constant 784 : index
        %get3A_742 = tpu.vector_load %arg8[%get3A_740, %get3A_741] {strides = array<i32>} : memref<16x1024xf32, #tpu.memory_space<vmem>>, vector<1x16xf32>,
        %get3A_743 = vector.shape_cast %get3A_742 : vector<1x16xf32> to vector<16xf32>
        %mul3A_744 = arith.constant 3.200000e+01 : f32
        %mul3A_745 = vector.broadcast %mul3A_744 : f32 to vector<16xf32>
        %mul3A_746 = arith.mulf %get3A_743, %mul3A_745 : vector<16xf32>
        %swap3A_747 = arith.index_cast %scan3A_192 : i32 to index
        %swap3A_748 = arith.constant 656 : index
        %swap3A_749 = tpu.vector_load %arg11[%swap3A_747, %swap3A_748] {strides = array<i32>} : memref<16x1024xf32, #tpu.memory_space<vmem>>, vector<1x16xf32>,
        %swap3A_750 = vector.shape_cast %swap3A_749 : vector<1x16xf32> to vector<16xf32>
        %swap3A_751 = vector.shape_cast %mul3A_650 : vector<16xf32> to vector<1x16xf32>
        tpu.vector_store %arg11[%swap3A_747, %swap3A_748], %swap3A_751 {add = true, strides = array<i32>} : memref<16x1024xf32, #tpu.memory_space<vmem>>, vector<1x16xf32>,
        %get3A_752 = arith.index_cast %scan3A_192 : i32 to index
        %get3A_753 = arith.constant 800 : index
        %get3A_754 = tpu.vector_load %arg8[%get3A_752, %get3A_753] {strides = array<i32>} : memref<16x1024xf32, #tpu.memory_space<vmem>>, vector<1x16xf32>,
        %get3A_755 = vector.shape_cast %get3A_754 : vector<1x16xf32> to vector<16xf32>
        %mul3A_756 = arith.constant 3.200000e+01 : f32
        %mul3A_757 = vector.broadcast %mul3A_756 : f32 to vector<16xf32>
        %mul3A_758 = arith.mulf %get3A_755, %mul3A_757 : vector<16xf32>
        %swap3A_759 = arith.index_cast %scan3A_192 : i32 to index
        %swap3A_760 = arith.constant 672 : index
        %swap3A_761 = tpu.vector_load %arg11[%swap3A_759, %swap3A_760] {strides = array<i32>} : memref<16x1024xf32, #tpu.memory_space<vmem>>, vector<1x16xf32>,
        %swap3A_762 = vector.shape_cast %swap3A_761 : vector<1x16xf32> to vector<16xf32>
        %swap3A_763 = vector.shape_cast %mul3A_662 : vector<16xf32> to vector<1x16xf32>
        tpu.vector_store %arg11[%swap3A_759, %swap3A_760], %swap3A_763 {add = true, strides = array<i32>} : memref<16x1024xf32, #tpu.memory_space<vmem>>, vector<1x16xf32>,
        %get3A_764 = arith.index_cast %scan3A_192 : i32 to index
        %get3A_765 = arith.constant 816 : index
        %get3A_766 = tpu.vector_load %arg8[%get3A_764, %get3A_765] {strides = array<i32>} : memref<16x1024xf32, #tpu.memory_space<vmem>>, vector<1x16xf32>,
        %get3A_767 = vector.shape_cast %get3A_766 : vector<1x16xf32> to vector<16xf32>
        %mul3A_768 = arith.constant 3.200000e+01 : f32
        %mul3A_769 = vector.broadcast %mul3A_768 : f32 to vector<16xf32>
        %mul3A_770 = arith.mulf %get3A_767, %mul3A_769 : vector<16xf32>
        %swap3A_771 = arith.index_cast %scan3A_192 : i32 to index
        %swap3A_772 = arith.constant 688 : index
        %swap3A_773 = tpu.vector_load %arg11[%swap3A_771, %swap3A_772] {strides = array<i32>} : memref<16x1024xf32, #tpu.memory_space<vmem>>, vector<1x16xf32>,
        %swap3A_774 = vector.shape_cast %swap3A_773 : vector<1x16xf32> to vector<16xf32>
        %swap3A_775 = vector.shape_cast %mul3A_674 : vector<16xf32> to vector<1x16xf32>
        tpu.vector_store %arg11[%swap3A_771, %swap3A_772], %swap3A_775 {add = true, strides = array<i32>} : memref<16x1024xf32, #tpu.memory_space<vmem>>, vector<1x16xf32>,
        %get3A_776 = arith.index_cast %scan3A_192 : i32 to index
        %get3A_777 = arith.constant 832 : index
        %get3A_778 = tpu.vector_load %arg8[%get3A_776, %get3A_777] {strides = array<i32>} : memref<16x1024xf32, #tpu.memory_space<vmem>>, vector<1x16xf32>,
        %get3A_779 = vector.shape_cast %get3A_778 : vector<1x16xf32> to vector<16xf32>
        %mul3A_780 = arith.constant 3.200000e+01 : f32
        %mul3A_781 = vector.broadcast %mul3A_780 : f32 to vector<16xf32>
        %mul3A_782 = arith.mulf %get3A_779, %mul3A_781 : vector<16xf32>
        %swap3A_783 = arith.index_cast %scan3A_192 : i32 to index
        %swap3A_784 = arith.constant 704 : index
        %swap3A_785 = tpu.vector_load %arg11[%swap3A_783, %swap3A_784] {strides = array<i32>} : memref<16x1024xf32, #tpu.memory_space<vmem>>, vector<1x16xf32>,
        %swap3A_786 = vector.shape_cast %swap3A_785 : vector<1x16xf32> to vector<16xf32>
        %swap3A_787 = vector.shape_cast %mul3A_686 : vector<16xf32> to vector<1x16xf32>
        tpu.vector_store %arg11[%swap3A_783, %swap3A_784], %swap3A_787 {add = true, strides = array<i32>} : memref<16x1024xf32, #tpu.memory_space<vmem>>, vector<1x16xf32>,
        %get3A_788 = arith.index_cast %scan3A_192 : i32 to index
        %get3A_789 = arith.constant 848 : index
        %get3A_790 = tpu.vector_load %arg8[%get3A_788, %get3A_789] {strides = array<i32>} : memref<16x1024xf32, #tpu.memory_space<vmem>>, vector<1x16xf32>,
        %get3A_791 = vector.shape_cast %get3A_790 : vector<1x16xf32> to vector<16xf32>
        %mul3A_792 = arith.constant 3.200000e+01 : f32
        %mul3A_793 = vector.broadcast %mul3A_792 : f32 to vector<16xf32>
        %mul3A_794 = arith.mulf %get3A_791, %mul3A_793 : vector<16xf32>
        %swap3A_795 = arith.index_cast %scan3A_192 : i32 to index
        %swap3A_796 = arith.constant 720 : index
        %swap3A_797 = tpu.vector_load %arg11[%swap3A_795, %swap3A_796] {strides = array<i32>} : memref<16x1024xf32, #tpu.memory_space<vmem>>, vector<1x16xf32>,
        %swap3A_798 = vector.shape_cast %swap3A_797 : vector<1x16xf32> to vector<16xf32>
        %swap3A_799 = vector.shape_cast %mul3A_698 : vector<16xf32> to vector<1x16xf32>
        tpu.vector_store %arg11[%swap3A_795, %swap3A_796], %swap3A_799 {add = true, strides = array<i32>} : memref<16x1024xf32, #tpu.memory_space<vmem>>, vector<1x16xf32>,
        %get3A_800 = arith.index_cast %scan3A_192 : i32 to index
        %get3A_801 = arith.constant 864 : index
        %get3A_802 = tpu.vector_load %arg8[%get3A_800, %get3A_801] {strides = array<i32>} : memref<16x1024xf32, #tpu.memory_space<vmem>>, vector<1x16xf32>,
        %get3A_803 = vector.shape_cast %get3A_802 : vector<1x16xf32> to vector<16xf32>
        %mul3A_804 = arith.constant 3.200000e+01 : f32
        %mul3A_805 = vector.broadcast %mul3A_804 : f32 to vector<16xf32>
        %mul3A_806 = arith.mulf %get3A_803, %mul3A_805 : vector<16xf32>
        %swap3A_807 = arith.index_cast %scan3A_192 : i32 to index
        %swap3A_808 = arith.constant 736 : index
        %swap3A_809 = tpu.vector_load %arg11[%swap3A_807, %swap3A_808] {strides = array<i32>} : memref<16x1024xf32, #tpu.memory_space<vmem>>, vector<1x16xf32>,
        %swap3A_810 = vector.shape_cast %swap3A_809 : vector<1x16xf32> to vector<16xf32>
        %swap3A_811 = vector.shape_cast %mul3A_710 : vector<16xf32> to vector<1x16xf32>
        tpu.vector_store %arg11[%swap3A_807, %swap3A_808], %swap3A_811 {add = true, strides = array<i32>} : memref<16x1024xf32, #tpu.memory_space<vmem>>, vector<1x16xf32>,
        %get3A_812 = arith.index_cast %scan3A_192 : i32 to index
        %get3A_813 = arith.constant 880 : index
        %get3A_814 = tpu.vector_load %arg8[%get3A_812, %get3A_813] {strides = array<i32>} : memref<16x1024xf32, #tpu.memory_space<vmem>>, vector<1x16xf32>,
        %get3A_815 = vector.shape_cast %get3A_814 : vector<1x16xf32> to vector<16xf32>
        %mul3A_816 = arith.constant 3.200000e+01 : f32
        %mul3A_817 = vector.broadcast %mul3A_816 : f32 to vector<16xf32>
        %mul3A_818 = arith.mulf %get3A_815, %mul3A_817 : vector<16xf32>
        %swap3A_819 = arith.index_cast %scan3A_192 : i32 to index
        %swap3A_820 = arith.constant 752 : index
        %swap3A_821 = tpu.vector_load %arg11[%swap3A_819, %swap3A_820] {strides = array<i32>} : memref<16x1024xf32, #tpu.memory_space<vmem>>, vector<1x16xf32>,
        %swap3A_822 = vector.shape_cast %swap3A_821 : vector<1x16xf32> to vector<16xf32>
        %swap3A_823 = vector.shape_cast %mul3A_722 : vector<16xf32> to vector<1x16xf32>
        tpu.vector_store %arg11[%swap3A_819, %swap3A_820], %swap3A_823 {add = true, strides = array<i32>} : memref<16x1024xf32, #tpu.memory_space<vmem>>, vector<1x16xf32>,
        %get3A_824 = arith.index_cast %scan3A_192 : i32 to index
        %get3A_825 = arith.constant 896 : index
        %get3A_826 = tpu.vector_load %arg8[%get3A_824, %get3A_825] {strides = array<i32>} : memref<16x1024xf32, #tpu.memory_space<vmem>>, vector<1x16xf32>,
        %get3A_827 = vector.shape_cast %get3A_826 : vector<1x16xf32> to vector<16xf32>
        %mul3A_828 = arith.constant 3.200000e+01 : f32
        %mul3A_829 = vector.broadcast %mul3A_828 : f32 to vector<16xf32>
        %mul3A_830 = arith.mulf %get3A_827, %mul3A_829 : vector<16xf32>
        %swap3A_831 = arith.index_cast %scan3A_192 : i32 to index
        %swap3A_832 = arith.constant 768 : index
        %swap3A_833 = tpu.vector_load %arg11[%swap3A_831, %swap3A_832] {strides = array<i32>} : memref<16x1024xf32, #tpu.memory_space<vmem>>, vector<1x16xf32>,
        %swap3A_834 = vector.shape_cast %swap3A_833 : vector<1x16xf32> to vector<16xf32>
        %swap3A_835 = vector.shape_cast %mul3A_734 : vector<16xf32> to vector<1x16xf32>
        tpu.vector_store %arg11[%swap3A_831, %swap3A_832], %swap3A_835 {add = true, strides = array<i32>} : memref<16x1024xf32, #tpu.memory_space<vmem>>, vector<1x16xf32>,
        %get3A_836 = arith.index_cast %scan3A_192 : i32 to index
        %get3A_837 = arith.constant 912 : index
        %get3A_838 = tpu.vector_load %arg8[%get3A_836, %get3A_837] {strides = array<i32>} : memref<16x1024xf32, #tpu.memory_space<vmem>>, vector<1x16xf32>,
        %get3A_839 = vector.shape_cast %get3A_838 : vector<1x16xf32> to vector<16xf32>
        %mul3A_840 = arith.constant 3.200000e+01 : f32
        %mul3A_841 = vector.broadcast %mul3A_840 : f32 to vector<16xf32>
        %mul3A_842 = arith.mulf %get3A_839, %mul3A_841 : vector<16xf32>
        %swap3A_843 = arith.index_cast %scan3A_192 : i32 to index
        %swap3A_844 = arith.constant 784 : index
        %swap3A_845 = tpu.vector_load %arg11[%swap3A_843, %swap3A_844] {strides = array<i32>} : memref<16x1024xf32, #tpu.memory_space<vmem>>, vector<1x16xf32>,
        %swap3A_846 = vector.shape_cast %swap3A_845 : vector<1x16xf32> to vector<16xf32>
        %swap3A_847 = vector.shape_cast %mul3A_746 : vector<16xf32> to vector<1x16xf32>
        tpu.vector_store %arg11[%swap3A_843, %swap3A_844], %swap3A_847 {add = true, strides = array<i32>} : memref<16x1024xf32, #tpu.memory_space<vmem>>, vector<1x16xf32>,
        %get3A_848 = arith.index_cast %scan3A_192 : i32 to index
        %get3A_849 = arith.constant 928 : index
        %get3A_850 = tpu.vector_load %arg8[%get3A_848, %get3A_849] {strides = array<i32>} : memref<16x1024xf32, #tpu.memory_space<vmem>>, vector<1x16xf32>,
        %get3A_851 = vector.shape_cast %get3A_850 : vector<1x16xf32> to vector<16xf32>
        %mul3A_852 = arith.constant 3.200000e+01 : f32
        %mul3A_853 = vector.broadcast %mul3A_852 : f32 to vector<16xf32>
        %mul3A_854 = arith.mulf %get3A_851, %mul3A_853 : vector<16xf32>
        %swap3A_855 = arith.index_cast %scan3A_192 : i32 to index
        %swap3A_856 = arith.constant 800 : index
        %swap3A_857 = tpu.vector_load %arg11[%swap3A_855, %swap3A_856] {strides = array<i32>} : memref<16x1024xf32, #tpu.memory_space<vmem>>, vector<1x16xf32>,
        %swap3A_858 = vector.shape_cast %swap3A_857 : vector<1x16xf32> to vector<16xf32>
        %swap3A_859 = vector.shape_cast %mul3A_758 : vector<16xf32> to vector<1x16xf32>
        tpu.vector_store %arg11[%swap3A_855, %swap3A_856], %swap3A_859 {add = true, strides = array<i32>} : memref<16x1024xf32, #tpu.memory_space<vmem>>, vector<1x16xf32>,
        %get3A_860 = arith.index_cast %scan3A_192 : i32 to index
        %get3A_861 = arith.constant 944 : index
        %get3A_862 = tpu.vector_load %arg8[%get3A_860, %get3A_861] {strides = array<i32>} : memref<16x1024xf32, #tpu.memory_space<vmem>>, vector<1x16xf32>,
        %get3A_863 = vector.shape_cast %get3A_862 : vector<1x16xf32> to vector<16xf32>
        %mul3A_864 = arith.constant 3.200000e+01 : f32
        %mul3A_865 = vector.broadcast %mul3A_864 : f32 to vector<16xf32>
        %mul3A_866 = arith.mulf %get3A_863, %mul3A_865 : vector<16xf32>
        %swap3A_867 = arith.index_cast %scan3A_192 : i32 to index
        %swap3A_868 = arith.constant 816 : index
        %swap3A_869 = tpu.vector_load %arg11[%swap3A_867, %swap3A_868] {strides = array<i32>} : memref<16x1024xf32, #tpu.memory_space<vmem>>, vector<1x16xf32>,
        %swap3A_870 = vector.shape_cast %swap3A_869 : vector<1x16xf32> to vector<16xf32>
        %swap3A_871 = vector.shape_cast %mul3A_770 : vector<16xf32> to vector<1x16xf32>
        tpu.vector_store %arg11[%swap3A_867, %swap3A_868], %swap3A_871 {add = true, strides = array<i32>} : memref<16x1024xf32, #tpu.memory_space<vmem>>, vector<1x16xf32>,
        %get3A_872 = arith.index_cast %scan3A_192 : i32 to index
        %get3A_873 = arith.constant 960 : index
        %get3A_874 = tpu.vector_load %arg8[%get3A_872, %get3A_873] {strides = array<i32>} : memref<16x1024xf32, #tpu.memory_space<vmem>>, vector<1x16xf32>,
        %get3A_875 = vector.shape_cast %get3A_874 : vector<1x16xf32> to vector<16xf32>
        %mul3A_876 = arith.constant 3.200000e+01 : f32
        %mul3A_877 = vector.broadcast %mul3A_876 : f32 to vector<16xf32>
        %mul3A_878 = arith.mulf %get3A_875, %mul3A_877 : vector<16xf32>
        %swap3A_879 = arith.index_cast %scan3A_192 : i32 to index
        %swap3A_880 = arith.constant 832 : index
        %swap3A_881 = tpu.vector_load %arg11[%swap3A_879, %swap3A_880] {strides = array<i32>} : memref<16x1024xf32, #tpu.memory_space<vmem>>, vector<1x16xf32>,
        %swap3A_882 = vector.shape_cast %swap3A_881 : vector<1x16xf32> to vector<16xf32>
        %swap3A_883 = vector.shape_cast %mul3A_782 : vector<16xf32> to vector<1x16xf32>
        tpu.vector_store %arg11[%swap3A_879, %swap3A_880], %swap3A_883 {add = true, strides = array<i32>} : memref<16x1024xf32, #tpu.memory_space<vmem>>, vector<1x16xf32>,
        %get3A_884 = arith.index_cast %scan3A_192 : i32 to index
        %get3A_885 = arith.constant 976 : index
        %get3A_886 = tpu.vector_load %arg8[%get3A_884, %get3A_885] {strides = array<i32>} : memref<16x1024xf32, #tpu.memory_space<vmem>>, vector<1x16xf32>,
        %get3A_887 = vector.shape_cast %get3A_886 : vector<1x16xf32> to vector<16xf32>
        %mul3A_888 = arith.constant 3.200000e+01 : f32
        %mul3A_889 = vector.broadcast %mul3A_888 : f32 to vector<16xf32>
        %mul3A_890 = arith.mulf %get3A_887, %mul3A_889 : vector<16xf32>
        %swap3A_891 = arith.index_cast %scan3A_192 : i32 to index
        %swap3A_892 = arith.constant 848 : index
        %swap3A_893 = tpu.vector_load %arg11[%swap3A_891, %swap3A_892] {strides = array<i32>} : memref<16x1024xf32, #tpu.memory_space<vmem>>, vector<1x16xf32>,
        %swap3A_894 = vector.shape_cast %swap3A_893 : vector<1x16xf32> to vector<16xf32>
        %swap3A_895 = vector.shape_cast %mul3A_794 : vector<16xf32> to vector<1x16xf32>
        tpu.vector_store %arg11[%swap3A_891, %swap3A_892], %swap3A_895 {add = true, strides = array<i32>} : memref<16x1024xf32, #tpu.memory_space<vmem>>, vector<1x16xf32>,
        %get3A_896 = arith.index_cast %scan3A_192 : i32 to index
        %get3A_897 = arith.constant 992 : index
        %get3A_898 = tpu.vector_load %arg8[%get3A_896, %get3A_897] {strides = array<i32>} : memref<16x1024xf32, #tpu.memory_space<vmem>>, vector<1x16xf32>,
        %get3A_899 = vector.shape_cast %get3A_898 : vector<1x16xf32> to vector<16xf32>
        %mul3A_900 = arith.constant 3.200000e+01 : f32
        %mul3A_901 = vector.broadcast %mul3A_900 : f32 to vector<16xf32>
        %mul3A_902 = arith.mulf %get3A_899, %mul3A_901 : vector<16xf32>
        %swap3A_903 = arith.index_cast %scan3A_192 : i32 to index
        %swap3A_904 = arith.constant 864 : index
        %swap3A_905 = tpu.vector_load %arg11[%swap3A_903, %swap3A_904] {strides = array<i32>} : memref<16x1024xf32, #tpu.memory_space<vmem>>, vector<1x16xf32>,
        %swap3A_906 = vector.shape_cast %swap3A_905 : vector<1x16xf32> to vector<16xf32>
        %swap3A_907 = vector.shape_cast %mul3A_806 : vector<16xf32> to vector<1x16xf32>
        tpu.vector_store %arg11[%swap3A_903, %swap3A_904], %swap3A_907 {add = true, strides = array<i32>} : memref<16x1024xf32, #tpu.memory_space<vmem>>, vector<1x16xf32>,
        %get3A_908 = arith.index_cast %scan3A_192 : i32 to index
        %get3A_909 = arith.constant 1008 : index
        %get3A_910 = tpu.vector_load %arg8[%get3A_908, %get3A_909] {strides = array<i32>} : memref<16x1024xf32, #tpu.memory_space<vmem>>, vector<1x16xf32>,
        %get3A_911 = vector.shape_cast %get3A_910 : vector<1x16xf32> to vector<16xf32>
        %mul3A_912 = arith.constant 3.200000e+01 : f32
        %mul3A_913 = vector.broadcast %mul3A_912 : f32 to vector<16xf32>
        %mul3A_914 = arith.mulf %get3A_911, %mul3A_913 : vector<16xf32>
        %swap3A_915 = arith.index_cast %scan3A_192 : i32 to index
        %swap3A_916 = arith.constant 880 : index
        %swap3A_917 = tpu.vector_load %arg11[%swap3A_915, %swap3A_916] {strides = array<i32>} : memref<16x1024xf32, #tpu.memory_space<vmem>>, vector<1x16xf32>,
        %swap3A_918 = vector.shape_cast %swap3A_917 : vector<1x16xf32> to vector<16xf32>
        %swap3A_919 = vector.shape_cast %mul3A_818 : vector<16xf32> to vector<1x16xf32>
        tpu.vector_store %arg11[%swap3A_915, %swap3A_916], %swap3A_919 {add = true, strides = array<i32>} : memref<16x1024xf32, #tpu.memory_space<vmem>>, vector<1x16xf32>,
        %swap3A_920 = arith.index_cast %scan3A_192 : i32 to index
        %swap3A_921 = arith.constant 896 : index
        %swap3A_922 = tpu.vector_load %arg11[%swap3A_920, %swap3A_921] {strides = array<i32>} : memref<16x1024xf32, #tpu.memory_space<vmem>>, vector<1x16xf32>,
        %swap3A_923 = vector.shape_cast %swap3A_922 : vector<1x16xf32> to vector<16xf32>
        %swap3A_924 = vector.shape_cast %mul3A_830 : vector<16xf32> to vector<1x16xf32>
        tpu.vector_store %arg11[%swap3A_920, %swap3A_921], %swap3A_924 {add = true, strides = array<i32>} : memref<16x1024xf32, #tpu.memory_space<vmem>>, vector<1x16xf32>,
        %swap3A_925 = arith.index_cast %scan3A_192 : i32 to index
        %swap3A_926 = arith.constant 912 : index
        %swap3A_927 = tpu.vector_load %arg11[%swap3A_925, %swap3A_926] {strides = array<i32>} : memref<16x1024xf32, #tpu.memory_space<vmem>>, vector<1x16xf32>,
        %swap3A_928 = vector.shape_cast %swap3A_927 : vector<1x16xf32> to vector<16xf32>
        %swap3A_929 = vector.shape_cast %mul3A_842 : vector<16xf32> to vector<1x16xf32>
        tpu.vector_store %arg11[%swap3A_925, %swap3A_926], %swap3A_929 {add = true, strides = array<i32>} : memref<16x1024xf32, #tpu.memory_space<vmem>>, vector<1x16xf32>,
        %swap3A_930 = arith.index_cast %scan3A_192 : i32 to index
        %swap3A_931 = arith.constant 928 : index
        %swap3A_932 = tpu.vector_load %arg11[%swap3A_930, %swap3A_931] {strides = array<i32>} : memref<16x1024xf32, #tpu.memory_space<vmem>>, vector<1x16xf32>,
        %swap3A_933 = vector.shape_cast %swap3A_932 : vector<1x16xf32> to vector<16xf32>
        %swap3A_934 = vector.shape_cast %mul3A_854 : vector<16xf32> to vector<1x16xf32>
        tpu.vector_store %arg11[%swap3A_930, %swap3A_931], %swap3A_934 {add = true, strides = array<i32>} : memref<16x1024xf32, #tpu.memory_space<vmem>>, vector<1x16xf32>,
        %swap3A_935 = arith.index_cast %scan3A_192 : i32 to index
        %swap3A_936 = arith.constant 944 : index
        %swap3A_937 = tpu.vector_load %arg11[%swap3A_935, %swap3A_936] {strides = array<i32>} : memref<16x1024xf32, #tpu.memory_space<vmem>>, vector<1x16xf32>,
        %swap3A_938 = vector.shape_cast %swap3A_937 : vector<1x16xf32> to vector<16xf32>
        %swap3A_939 = vector.shape_cast %mul3A_866 : vector<16xf32> to vector<1x16xf32>
        tpu.vector_store %arg11[%swap3A_935, %swap3A_936], %swap3A_939 {add = true, strides = array<i32>} : memref<16x1024xf32, #tpu.memory_space<vmem>>, vector<1x16xf32>,
        %swap3A_940 = arith.index_cast %scan3A_192 : i32 to index
        %swap3A_941 = arith.constant 960 : index
        %swap3A_942 = tpu.vector_load %arg11[%swap3A_940, %swap3A_941] {strides = array<i32>} : memref<16x1024xf32, #tpu.memory_space<vmem>>, vector<1x16xf32>,
        %swap3A_943 = vector.shape_cast %swap3A_942 : vector<1x16xf32> to vector<16xf32>
        %swap3A_944 = vector.shape_cast %mul3A_878 : vector<16xf32> to vector<1x16xf32>
        tpu.vector_store %arg11[%swap3A_940, %swap3A_941], %swap3A_944 {add = true, strides = array<i32>} : memref<16x1024xf32, #tpu.memory_space<vmem>>, vector<1x16xf32>,
        %swap3A_945 = arith.index_cast %scan3A_192 : i32 to index
        %swap3A_946 = arith.constant 976 : index
        %swap3A_947 = tpu.vector_load %arg11[%swap3A_945, %swap3A_946] {strides = array<i32>} : memref<16x1024xf32, #tpu.memory_space<vmem>>, vector<1x16xf32>,
        %swap3A_948 = vector.shape_cast %swap3A_947 : vector<1x16xf32> to vector<16xf32>
        %swap3A_949 = vector.shape_cast %mul3A_890 : vector<16xf32> to vector<1x16xf32>
        tpu.vector_store %arg11[%swap3A_945, %swap3A_946], %swap3A_949 {add = true, strides = array<i32>} : memref<16x1024xf32, #tpu.memory_space<vmem>>, vector<1x16xf32>,
        %swap3A_950 = arith.index_cast %scan3A_192 : i32 to index
        %swap3A_951 = arith.constant 992 : index
        %swap3A_952 = tpu.vector_load %arg11[%swap3A_950, %swap3A_951] {strides = array<i32>} : memref<16x1024xf32, #tpu.memory_space<vmem>>, vector<1x16xf32>,
        %swap3A_953 = vector.shape_cast %swap3A_952 : vector<1x16xf32> to vector<16xf32>
        %swap3A_954 = vector.shape_cast %mul3A_902 : vector<16xf32> to vector<1x16xf32>
        tpu.vector_store %arg11[%swap3A_950, %swap3A_951], %swap3A_954 {add = true, strides = array<i32>} : memref<16x1024xf32, #tpu.memory_space<vmem>>, vector<1x16xf32>,
        %swap3A_955 = arith.index_cast %scan3A_192 : i32 to index
        %swap3A_956 = arith.constant 1008 : index
        %swap3A_957 = tpu.vector_load %arg11[%swap3A_955, %swap3A_956] {strides = array<i32>} : memref<16x1024xf32, #tpu.memory_space<vmem>>, vector<1x16xf32>,
        %swap3A_958 = vector.shape_cast %swap3A_957 : vector<1x16xf32> to vector<16xf32>
        %swap3A_959 = vector.shape_cast %mul3A_914 : vector<16xf32> to vector<1x16xf32>
        tpu.vector_store %arg11[%swap3A_955, %swap3A_956], %swap3A_959 {add = true, strides = array<i32>} : memref<16x1024xf32, #tpu.memory_space<vmem>>, vector<1x16xf32>,
        %scan3A_960 = arith.constant 0 : i32
        scf.yield %scan3A_960 : i32
      }
      %scan3A_123 = arith.constant 16 : i32
      %mul3A_124 = arith.constant 16 : i32
      %mul3A_125 = arith.muli %add3A_105, %mul3A_124 : i32
      %add3A_126 = arith.addi %mul3A_2, %mul3A_125 : i32
      %dma_start3A_127 = arith.constant 0 : i32
      %dma_start3A_128 = tpu.memref_slice %arg5[%add3A_126, %dma_start3A_127] : memref<32768x1024xf32, #tpu.memory_space<hbm>> -> memref<16x1024xf32, #tpu.memory_space<hbm>>
      %dma_start3A_129 = arith.constant 0 : i32
      %dma_start3A_130 = tpu.memref_slice %arg5[%add3A_126, %dma_start3A_129] : memref<32768x1024xf32, #tpu.memory_space<hbm>> -> memref<16x1024xf32, #tpu.memory_space<hbm>>
      tpu.enqueue_dma source(%arg11 : memref<16x1024xf32, #tpu.memory_space<vmem>>) target(%dma_start3A_130 : memref<16x1024xf32, #tpu.memory_space<hbm>>) target_semaphore(%arg20 : memref<!tpu.dma_semaphore, #tpu.memory_space<semaphore_mem>>)
      %dma_wait3A_131 = arith.constant 0 : i32
      %dma_wait3A_132 = arith.constant 0 : i32
      %dma_wait3A_133 = tpu.memref_slice %arg5[%dma_wait3A_131, %dma_wait3A_132] : memref<32768x1024xf32, #tpu.memory_space<hbm>> -> memref<16x1024xf32, #tpu.memory_space<hbm>>
      %dma_wait3A_134 = arith.constant 0 : i32
      %dma_wait3A_135 = arith.constant 0 : i32
      %dma_wait3A_136 = tpu.memref_slice %arg5[%dma_wait3A_134, %dma_wait3A_135] : memref<32768x1024xf32, #tpu.memory_space<hbm>> -> memref<16x1024xf32, #tpu.memory_space<hbm>>
      tpu.wait_dma2 semaphore(%arg19 : memref<!tpu.dma_semaphore, #tpu.memory_space<semaphore_mem>>) src(%arg10 : memref<16x1024xf32, #tpu.memory_space<vmem>>) dst(%dma_wait3A_136 : memref<16x1024xf32, #tpu.memory_space<hbm>>)
      %add3A_137 = arith.constant 2 : i32
      %add3A_138 = arith.addi %add3A_105, %add3A_137 : i32
      %mul3A_139 = arith.constant 16 : i32
      %mul3A_140 = arith.muli %add3A_138, %mul3A_139 : i32
      %dma_start3A_141 = tpu.memref_slice %arg6[%mul3A_140] : memref<1024xi32, #tpu.memory_space<vmem>> -> memref<16xi32, #tpu.memory_space<vmem>>
      %dma_start3A_142 = arith.constant 0 : i32
      %dma_start3A_143 = arith.constant 0 : i32
      %dma_start3A_144 = tpu.memref_slice %arg4[%dma_start3A_142, %dma_start3A_143] : memref<8192x1024xf32, #tpu.memory_space<hbm>> -> memref<8192x1024xf32, #tpu.memory_space<hbm>>
      tpu.enqueue_indirect_dma source(%dma_start3A_144 : memref<8192x1024xf32, #tpu.memory_space<hbm>>) target(%arg10 : memref<16x1024xf32, #tpu.memory_space<vmem>>) offsets(%dma_start3A_141 : memref<16xi32, #tpu.memory_space<vmem>>) semaphore(%arg13 : memref<!tpu.dma_semaphore, #tpu.memory_space<semaphore_mem>>)
      %mul3A_145 = arith.constant 16 : i32
      %mul3A_146 = arith.muli %add3A_138, %mul3A_145 : i32
      %add3A_147 = arith.addi %mul3A_2, %mul3A_146 : i32
      %dma_start3A_148 = arith.constant 0 : i32
      %dma_start3A_149 = tpu.memref_slice %arg2[%add3A_147, %dma_start3A_148] : memref<32768x1024xf32, #tpu.memory_space<hbm>> -> memref<16x1024xf32, #tpu.memory_space<hbm>>
      %dma_start3A_150 = arith.constant 0 : i32
      %dma_start3A_151 = tpu.memref_slice %arg2[%add3A_147, %dma_start3A_150] : memref<32768x1024xf32, #tpu.memory_space<hbm>> -> memref<16x1024xf32, #tpu.memory_space<hbm>>
      tpu.enqueue_dma source(%dma_start3A_151 : memref<16x1024xf32, #tpu.memory_space<hbm>>) target(%arg7 : memref<16x1024xf32, #tpu.memory_space<vmem>>) target_semaphore(%arg16 : memref<!tpu.dma_semaphore, #tpu.memory_space<semaphore_mem>>)
      %mul3A_152 = arith.constant 3 : i32
      %mul3A_153 = arith.muli %mul3A_152, %scan3A_65 : i32
      %add3A_154 = arith.constant 2 : i32
      %add3A_155 = arith.addi %mul3A_153, %add3A_154 : i32
      %dma_wait3A_156 = arith.constant 0 : i32
      %dma_wait3A_157 = tpu.memref_slice %arg6[%dma_wait3A_156] : memref<1024xi32, #tpu.memory_space<vmem>> -> memref<16xi32, #tpu.memory_space<vmem>>
      %dma_wait3A_158 = arith.constant 0 : i32
      %dma_wait3A_159 = arith.constant 0 : i32
      %dma_wait3A_160 = tpu.memref_slice %arg4[%dma_wait3A_158, %dma_wait3A_159] : memref<8192x1024xf32, #tpu.memory_space<hbm>> -> memref<8192x1024xf32, #tpu.memory_space<hbm>>
      tpu.wait_indirect_dma semaphore(%arg15 : memref<!tpu.dma_semaphore, #tpu.memory_space<semaphore_mem>>) src(%dma_wait3A_160 : memref<8192x1024xf32, #tpu.memory_space<hbm>>) dst(%arg12 : memref<16x1024xf32, #tpu.memory_space<vmem>>)
      %dma_wait3A_161 = arith.constant 0 : i32
      %dma_wait3A_162 = arith.constant 0 : i32
      %dma_wait3A_163 = tpu.memref_slice %arg2[%dma_wait3A_161, %dma_wait3A_162] : memref<32768x1024xf32, #tpu.memory_space<hbm>> -> memref<16x1024xf32, #tpu.memory_space<hbm>>
      %dma_wait3A_164 = arith.constant 0 : i32
      %dma_wait3A_165 = arith.constant 0 : i32
      %dma_wait3A_166 = tpu.memref_slice %arg2[%dma_wait3A_164, %dma_wait3A_165] : memref<32768x1024xf32, #tpu.memory_space<hbm>> -> memref<16x1024xf32, #tpu.memory_space<hbm>>
      tpu.wait_dma2 semaphore(%arg18 : memref<!tpu.dma_semaphore, #tpu.memory_space<semaphore_mem>>) src(%dma_wait3A_166 : memref<16x1024xf32, #tpu.memory_space<hbm>>) dst(%arg9 : memref<16x1024xf32, #tpu.memory_space<vmem>>)
      %scan3A_167 = arith.constant 0 : i32
      %scan3A_168 = arith.constant 0 : i32
      %scan3A_169 = arith.constant 16 : i32
      %scan3A_170 = arith.addi %scan3A_168, %scan3A_169 : i32
      %scan3A_171 = arith.constant 1 : i32
      %scan3A_172 = scf.for %scan3A_192 = %scan3A_168 to %scan3A_170 step %scan3A_171 iter_args(%scan3A_193 = %scan3A_167) -> (i32)  : i32 {
        %get3A = arith.index_cast %scan3A_192 : i32 to index
        %get3A_194 = arith.constant 0 : index
        %get3A_195 = tpu.vector_load %arg9[%get3A, %get3A_194] {strides = array<i32>} : memref<16x1024xf32, #tpu.memory_space<vmem>>, vector<1x16xf32>,
        %get3A_196 = vector.shape_cast %get3A_195 : vector<1x16xf32> to vector<16xf32>
        %mul3A_197 = arith.constant 3.200000e+01 : f32
        %mul3A_198 = vector.broadcast %mul3A_197 : f32 to vector<16xf32>
        %mul3A_199 = arith.mulf %get3A_196, %mul3A_198 : vector<16xf32>
        %get3A_200 = arith.index_cast %scan3A_192 : i32 to index
        %get3A_201 = arith.constant 16 : index
        %get3A_202 = tpu.vector_load %arg9[%get3A_200, %get3A_201] {strides = array<i32>} : memref<16x1024xf32, #tpu.memory_space<vmem>>, vector<1x16xf32>,
        %get3A_203 = vector.shape_cast %get3A_202 : vector<1x16xf32> to vector<16xf32>
        %mul3A_204 = arith.constant 3.200000e+01 : f32
        %mul3A_205 = vector.broadcast %mul3A_204 : f32 to vector<16xf32>
        %mul3A_206 = arith.mulf %get3A_203, %mul3A_205 : vector<16xf32>
        %get3A_207 = arith.index_cast %scan3A_192 : i32 to index
        %get3A_208 = arith.constant 32 : index
        %get3A_209 = tpu.vector_load %arg9[%get3A_207, %get3A_208] {strides = array<i32>} : memref<16x1024xf32, #tpu.memory_space<vmem>>, vector<1x16xf32>,
        %get3A_210 = vector.shape_cast %get3A_209 : vector<1x16xf32> to vector<16xf32>
        %mul3A_211 = arith.constant 3.200000e+01 : f32
        %mul3A_212 = vector.broadcast %mul3A_211 : f32 to vector<16xf32>
        %mul3A_213 = arith.mulf %get3A_210, %mul3A_212 : vector<16xf32>
        %get3A_214 = arith.index_cast %scan3A_192 : i32 to index
        %get3A_215 = arith.constant 48 : index
        %get3A_216 = tpu.vector_load %arg9[%get3A_214, %get3A_215] {strides = array<i32>} : memref<16x1024xf32, #tpu.memory_space<vmem>>, vector<1x16xf32>,
        %get3A_217 = vector.shape_cast %get3A_216 : vector<1x16xf32> to vector<16xf32>
        %mul3A_218 = arith.constant 3.200000e+01 : f32
        %mul3A_219 = vector.broadcast %mul3A_218 : f32 to vector<16xf32>
        %mul3A_220 = arith.mulf %get3A_217, %mul3A_219 : vector<16xf32>
        %get3A_221 = arith.index_cast %scan3A_192 : i32 to index
        %get3A_222 = arith.constant 64 : index
        %get3A_223 = tpu.vector_load %arg9[%get3A_221, %get3A_222] {strides = array<i32>} : memref<16x1024xf32, #tpu.memory_space<vmem>>, vector<1x16xf32>,
        %get3A_224 = vector.shape_cast %get3A_223 : vector<1x16xf32> to vector<16xf32>
        %mul3A_225 = arith.constant 3.200000e+01 : f32
        %mul3A_226 = vector.broadcast %mul3A_225 : f32 to vector<16xf32>
        %mul3A_227 = arith.mulf %get3A_224, %mul3A_226 : vector<16xf32>
        %get3A_228 = arith.index_cast %scan3A_192 : i32 to index
        %get3A_229 = arith.constant 80 : index
        %get3A_230 = tpu.vector_load %arg9[%get3A_228, %get3A_229] {strides = array<i32>} : memref<16x1024xf32, #tpu.memory_space<vmem>>, vector<1x16xf32>,
        %get3A_231 = vector.shape_cast %get3A_230 : vector<1x16xf32> to vector<16xf32>
        %mul3A_232 = arith.constant 3.200000e+01 : f32
        %mul3A_233 = vector.broadcast %mul3A_232 : f32 to vector<16xf32>
        %mul3A_234 = arith.mulf %get3A_231, %mul3A_233 : vector<16xf32>
        %get3A_235 = arith.index_cast %scan3A_192 : i32 to index
        %get3A_236 = arith.constant 96 : index
        %get3A_237 = tpu.vector_load %arg9[%get3A_235, %get3A_236] {strides = array<i32>} : memref<16x1024xf32, #tpu.memory_space<vmem>>, vector<1x16xf32>,
        %get3A_238 = vector.shape_cast %get3A_237 : vector<1x16xf32> to vector<16xf32>
        %mul3A_239 = arith.constant 3.200000e+01 : f32
        %mul3A_240 = vector.broadcast %mul3A_239 : f32 to vector<16xf32>
        %mul3A_241 = arith.mulf %get3A_238, %mul3A_240 : vector<16xf32>
        %get3A_242 = arith.index_cast %scan3A_192 : i32 to index
        %get3A_243 = arith.constant 112 : index
        %get3A_244 = tpu.vector_load %arg9[%get3A_242, %get3A_243] {strides = array<i32>} : memref<16x1024xf32, #tpu.memory_space<vmem>>, vector<1x16xf32>,
        %get3A_245 = vector.shape_cast %get3A_244 : vector<1x16xf32> to vector<16xf32>
        %mul3A_246 = arith.constant 3.200000e+01 : f32
        %mul3A_247 = vector.broadcast %mul3A_246 : f32 to vector<16xf32>
        %mul3A_248 = arith.mulf %get3A_245, %mul3A_247 : vector<16xf32>
        %get3A_249 = arith.index_cast %scan3A_192 : i32 to index
        %get3A_250 = arith.constant 128 : index
        %get3A_251 = tpu.vector_load %arg9[%get3A_249, %get3A_250] {strides = array<i32>} : memref<16x1024xf32, #tpu.memory_space<vmem>>, vector<1x16xf32>,
        %get3A_252 = vector.shape_cast %get3A_251 : vector<1x16xf32> to vector<16xf32>
        %mul3A_253 = arith.constant 3.200000e+01 : f32
        %mul3A_254 = vector.broadcast %mul3A_253 : f32 to vector<16xf32>
        %mul3A_255 = arith.mulf %get3A_252, %mul3A_254 : vector<16xf32>
        %swap3A = arith.index_cast %scan3A_192 : i32 to index
        %swap3A_256 = arith.constant 0 : index
        %swap3A_257 = tpu.vector_load %arg12[%swap3A, %swap3A_256] {strides = array<i32>} : memref<16x1024xf32, #tpu.memory_space<vmem>>, vector<1x16xf32>,
        %swap3A_258 = vector.shape_cast %swap3A_257 : vector<1x16xf32> to vector<16xf32>
        %swap3A_259 = vector.shape_cast %mul3A_199 : vector<16xf32> to vector<1x16xf32>
        tpu.vector_store %arg12[%swap3A, %swap3A_256], %swap3A_259 {add = true, strides = array<i32>} : memref<16x1024xf32, #tpu.memory_space<vmem>>, vector<1x16xf32>,
        %get3A_260 = arith.index_cast %scan3A_192 : i32 to index
        %get3A_261 = arith.constant 144 : index
        %get3A_262 = tpu.vector_load %arg9[%get3A_260, %get3A_261] {strides = array<i32>} : memref<16x1024xf32, #tpu.memory_space<vmem>>, vector<1x16xf32>,
        %get3A_263 = vector.shape_cast %get3A_262 : vector<1x16xf32> to vector<16xf32>
        %mul3A_264 = arith.constant 3.200000e+01 : f32
        %mul3A_265 = vector.broadcast %mul3A_264 : f32 to vector<16xf32>
        %mul3A_266 = arith.mulf %get3A_263, %mul3A_265 : vector<16xf32>
        %swap3A_267 = arith.index_cast %scan3A_192 : i32 to index
        %swap3A_268 = arith.constant 16 : index
        %swap3A_269 = tpu.vector_load %arg12[%swap3A_267, %swap3A_268] {strides = array<i32>} : memref<16x1024xf32, #tpu.memory_space<vmem>>, vector<1x16xf32>,
        %swap3A_270 = vector.shape_cast %swap3A_269 : vector<1x16xf32> to vector<16xf32>
        %swap3A_271 = vector.shape_cast %mul3A_206 : vector<16xf32> to vector<1x16xf32>
        tpu.vector_store %arg12[%swap3A_267, %swap3A_268], %swap3A_271 {add = true, strides = array<i32>} : memref<16x1024xf32, #tpu.memory_space<vmem>>, vector<1x16xf32>,
        %get3A_272 = arith.index_cast %scan3A_192 : i32 to index
        %get3A_273 = arith.constant 160 : index
        %get3A_274 = tpu.vector_load %arg9[%get3A_272, %get3A_273] {strides = array<i32>} : memref<16x1024xf32, #tpu.memory_space<vmem>>, vector<1x16xf32>,
        %get3A_275 = vector.shape_cast %get3A_274 : vector<1x16xf32> to vector<16xf32>
        %mul3A_276 = arith.constant 3.200000e+01 : f32
        %mul3A_277 = vector.broadcast %mul3A_276 : f32 to vector<16xf32>
        %mul3A_278 = arith.mulf %get3A_275, %mul3A_277 : vector<16xf32>
        %swap3A_279 = arith.index_cast %scan3A_192 : i32 to index
        %swap3A_280 = arith.constant 32 : index
        %swap3A_281 = tpu.vector_load %arg12[%swap3A_279, %swap3A_280] {strides = array<i32>} : memref<16x1024xf32, #tpu.memory_space<vmem>>, vector<1x16xf32>,
        %swap3A_282 = vector.shape_cast %swap3A_281 : vector<1x16xf32> to vector<16xf32>
        %swap3A_283 = vector.shape_cast %mul3A_213 : vector<16xf32> to vector<1x16xf32>
        tpu.vector_store %arg12[%swap3A_279, %swap3A_280], %swap3A_283 {add = true, strides = array<i32>} : memref<16x1024xf32, #tpu.memory_space<vmem>>, vector<1x16xf32>,
        %get3A_284 = arith.index_cast %scan3A_192 : i32 to index
        %get3A_285 = arith.constant 176 : index
        %get3A_286 = tpu.vector_load %arg9[%get3A_284, %get3A_285] {strides = array<i32>} : memref<16x1024xf32, #tpu.memory_space<vmem>>, vector<1x16xf32>,
        %get3A_287 = vector.shape_cast %get3A_286 : vector<1x16xf32> to vector<16xf32>
        %mul3A_288 = arith.constant 3.200000e+01 : f32
        %mul3A_289 = vector.broadcast %mul3A_288 : f32 to vector<16xf32>
        %mul3A_290 = arith.mulf %get3A_287, %mul3A_289 : vector<16xf32>
        %swap3A_291 = arith.index_cast %scan3A_192 : i32 to index
        %swap3A_292 = arith.constant 48 : index
        %swap3A_293 = tpu.vector_load %arg12[%swap3A_291, %swap3A_292] {strides = array<i32>} : memref<16x1024xf32, #tpu.memory_space<vmem>>, vector<1x16xf32>,
        %swap3A_294 = vector.shape_cast %swap3A_293 : vector<1x16xf32> to vector<16xf32>
        %swap3A_295 = vector.shape_cast %mul3A_220 : vector<16xf32> to vector<1x16xf32>
        tpu.vector_store %arg12[%swap3A_291, %swap3A_292], %swap3A_295 {add = true, strides = array<i32>} : memref<16x1024xf32, #tpu.memory_space<vmem>>, vector<1x16xf32>,
        %get3A_296 = arith.index_cast %scan3A_192 : i32 to index
        %get3A_297 = arith.constant 192 : index
        %get3A_298 = tpu.vector_load %arg9[%get3A_296, %get3A_297] {strides = array<i32>} : memref<16x1024xf32, #tpu.memory_space<vmem>>, vector<1x16xf32>,
        %get3A_299 = vector.shape_cast %get3A_298 : vector<1x16xf32> to vector<16xf32>
        %mul3A_300 = arith.constant 3.200000e+01 : f32
        %mul3A_301 = vector.broadcast %mul3A_300 : f32 to vector<16xf32>
        %mul3A_302 = arith.mulf %get3A_299, %mul3A_301 : vector<16xf32>
        %swap3A_303 = arith.index_cast %scan3A_192 : i32 to index
        %swap3A_304 = arith.constant 64 : index
        %swap3A_305 = tpu.vector_load %arg12[%swap3A_303, %swap3A_304] {strides = array<i32>} : memref<16x1024xf32, #tpu.memory_space<vmem>>, vector<1x16xf32>,
        %swap3A_306 = vector.shape_cast %swap3A_305 : vector<1x16xf32> to vector<16xf32>
        %swap3A_307 = vector.shape_cast %mul3A_227 : vector<16xf32> to vector<1x16xf32>
        tpu.vector_store %arg12[%swap3A_303, %swap3A_304], %swap3A_307 {add = true, strides = array<i32>} : memref<16x1024xf32, #tpu.memory_space<vmem>>, vector<1x16xf32>,
        %get3A_308 = arith.index_cast %scan3A_192 : i32 to index
        %get3A_309 = arith.constant 208 : index
        %get3A_310 = tpu.vector_load %arg9[%get3A_308, %get3A_309] {strides = array<i32>} : memref<16x1024xf32, #tpu.memory_space<vmem>>, vector<1x16xf32>,
        %get3A_311 = vector.shape_cast %get3A_310 : vector<1x16xf32> to vector<16xf32>
        %mul3A_312 = arith.constant 3.200000e+01 : f32
        %mul3A_313 = vector.broadcast %mul3A_312 : f32 to vector<16xf32>
        %mul3A_314 = arith.mulf %get3A_311, %mul3A_313 : vector<16xf32>
        %swap3A_315 = arith.index_cast %scan3A_192 : i32 to index
        %swap3A_316 = arith.constant 80 : index
        %swap3A_317 = tpu.vector_load %arg12[%swap3A_315, %swap3A_316] {strides = array<i32>} : memref<16x1024xf32, #tpu.memory_space<vmem>>, vector<1x16xf32>,
        %swap3A_318 = vector.shape_cast %swap3A_317 : vector<1x16xf32> to vector<16xf32>
        %swap3A_319 = vector.shape_cast %mul3A_234 : vector<16xf32> to vector<1x16xf32>
        tpu.vector_store %arg12[%swap3A_315, %swap3A_316], %swap3A_319 {add = true, strides = array<i32>} : memref<16x1024xf32, #tpu.memory_space<vmem>>, vector<1x16xf32>,
        %get3A_320 = arith.index_cast %scan3A_192 : i32 to index
        %get3A_321 = arith.constant 224 : index
        %get3A_322 = tpu.vector_load %arg9[%get3A_320, %get3A_321] {strides = array<i32>} : memref<16x1024xf32, #tpu.memory_space<vmem>>, vector<1x16xf32>,
        %get3A_323 = vector.shape_cast %get3A_322 : vector<1x16xf32> to vector<16xf32>
        %mul3A_324 = arith.constant 3.200000e+01 : f32
        %mul3A_325 = vector.broadcast %mul3A_324 : f32 to vector<16xf32>
        %mul3A_326 = arith.mulf %get3A_323, %mul3A_325 : vector<16xf32>
        %swap3A_327 = arith.index_cast %scan3A_192 : i32 to index
        %swap3A_328 = arith.constant 96 : index
        %swap3A_329 = tpu.vector_load %arg12[%swap3A_327, %swap3A_328] {strides = array<i32>} : memref<16x1024xf32, #tpu.memory_space<vmem>>, vector<1x16xf32>,
        %swap3A_330 = vector.shape_cast %swap3A_329 : vector<1x16xf32> to vector<16xf32>
        %swap3A_331 = vector.shape_cast %mul3A_241 : vector<16xf32> to vector<1x16xf32>
        tpu.vector_store %arg12[%swap3A_327, %swap3A_328], %swap3A_331 {add = true, strides = array<i32>} : memref<16x1024xf32, #tpu.memory_space<vmem>>, vector<1x16xf32>,
        %get3A_332 = arith.index_cast %scan3A_192 : i32 to index
        %get3A_333 = arith.constant 240 : index
        %get3A_334 = tpu.vector_load %arg9[%get3A_332, %get3A_333] {strides = array<i32>} : memref<16x1024xf32, #tpu.memory_space<vmem>>, vector<1x16xf32>,
        %get3A_335 = vector.shape_cast %get3A_334 : vector<1x16xf32> to vector<16xf32>
        %mul3A_336 = arith.constant 3.200000e+01 : f32
        %mul3A_337 = vector.broadcast %mul3A_336 : f32 to vector<16xf32>
        %mul3A_338 = arith.mulf %get3A_335, %mul3A_337 : vector<16xf32>
        %swap3A_339 = arith.index_cast %scan3A_192 : i32 to index
        %swap3A_340 = arith.constant 112 : index
        %swap3A_341 = tpu.vector_load %arg12[%swap3A_339, %swap3A_340] {strides = array<i32>} : memref<16x1024xf32, #tpu.memory_space<vmem>>, vector<1x16xf32>,
        %swap3A_342 = vector.shape_cast %swap3A_341 : vector<1x16xf32> to vector<16xf32>
        %swap3A_343 = vector.shape_cast %mul3A_248 : vector<16xf32> to vector<1x16xf32>
        tpu.vector_store %arg12[%swap3A_339, %swap3A_340], %swap3A_343 {add = true, strides = array<i32>} : memref<16x1024xf32, #tpu.memory_space<vmem>>, vector<1x16xf32>,
        %get3A_344 = arith.index_cast %scan3A_192 : i32 to index
        %get3A_345 = arith.constant 256 : index
        %get3A_346 = tpu.vector_load %arg9[%get3A_344, %get3A_345] {strides = array<i32>} : memref<16x1024xf32, #tpu.memory_space<vmem>>, vector<1x16xf32>,
        %get3A_347 = vector.shape_cast %get3A_346 : vector<1x16xf32> to vector<16xf32>
        %mul3A_348 = arith.constant 3.200000e+01 : f32
        %mul3A_349 = vector.broadcast %mul3A_348 : f32 to vector<16xf32>
        %mul3A_350 = arith.mulf %get3A_347, %mul3A_349 : vector<16xf32>
        %swap3A_351 = arith.index_cast %scan3A_192 : i32 to index
        %swap3A_352 = arith.constant 128 : index
        %swap3A_353 = tpu.vector_load %arg12[%swap3A_351, %swap3A_352] {strides = array<i32>} : memref<16x1024xf32, #tpu.memory_space<vmem>>, vector<1x16xf32>,
        %swap3A_354 = vector.shape_cast %swap3A_353 : vector<1x16xf32> to vector<16xf32>
        %swap3A_355 = vector.shape_cast %mul3A_255 : vector<16xf32> to vector<1x16xf32>
        tpu.vector_store %arg12[%swap3A_351, %swap3A_352], %swap3A_355 {add = true, strides = array<i32>} : memref<16x1024xf32, #tpu.memory_space<vmem>>, vector<1x16xf32>,
        %get3A_356 = arith.index_cast %scan3A_192 : i32 to index
        %get3A_357 = arith.constant 272 : index
        %get3A_358 = tpu.vector_load %arg9[%get3A_356, %get3A_357] {strides = array<i32>} : memref<16x1024xf32, #tpu.memory_space<vmem>>, vector<1x16xf32>,
        %get3A_359 = vector.shape_cast %get3A_358 : vector<1x16xf32> to vector<16xf32>
        %mul3A_360 = arith.constant 3.200000e+01 : f32
        %mul3A_361 = vector.broadcast %mul3A_360 : f32 to vector<16xf32>
        %mul3A_362 = arith.mulf %get3A_359, %mul3A_361 : vector<16xf32>
        %swap3A_363 = arith.index_cast %scan3A_192 : i32 to index
        %swap3A_364 = arith.constant 144 : index
        %swap3A_365 = tpu.vector_load %arg12[%swap3A_363, %swap3A_364] {strides = array<i32>} : memref<16x1024xf32, #tpu.memory_space<vmem>>, vector<1x16xf32>,
        %swap3A_366 = vector.shape_cast %swap3A_365 : vector<1x16xf32> to vector<16xf32>
        %swap3A_367 = vector.shape_cast %mul3A_266 : vector<16xf32> to vector<1x16xf32>
        tpu.vector_store %arg12[%swap3A_363, %swap3A_364], %swap3A_367 {add = true, strides = array<i32>} : memref<16x1024xf32, #tpu.memory_space<vmem>>, vector<1x16xf32>,
        %get3A_368 = arith.index_cast %scan3A_192 : i32 to index
        %get3A_369 = arith.constant 288 : index
        %get3A_370 = tpu.vector_load %arg9[%get3A_368, %get3A_369] {strides = array<i32>} : memref<16x1024xf32, #tpu.memory_space<vmem>>, vector<1x16xf32>,
        %get3A_371 = vector.shape_cast %get3A_370 : vector<1x16xf32> to vector<16xf32>
        %mul3A_372 = arith.constant 3.200000e+01 : f32
        %mul3A_373 = vector.broadcast %mul3A_372 : f32 to vector<16xf32>
        %mul3A_374 = arith.mulf %get3A_371, %mul3A_373 : vector<16xf32>
        %swap3A_375 = arith.index_cast %scan3A_192 : i32 to index
        %swap3A_376 = arith.constant 160 : index
        %swap3A_377 = tpu.vector_load %arg12[%swap3A_375, %swap3A_376] {strides = array<i32>} : memref<16x1024xf32, #tpu.memory_space<vmem>>, vector<1x16xf32>,
        %swap3A_378 = vector.shape_cast %swap3A_377 : vector<1x16xf32> to vector<16xf32>
        %swap3A_379 = vector.shape_cast %mul3A_278 : vector<16xf32> to vector<1x16xf32>
        tpu.vector_store %arg12[%swap3A_375, %swap3A_376], %swap3A_379 {add = true, strides = array<i32>} : memref<16x1024xf32, #tpu.memory_space<vmem>>, vector<1x16xf32>,
        %get3A_380 = arith.index_cast %scan3A_192 : i32 to index
        %get3A_381 = arith.constant 304 : index
        %get3A_382 = tpu.vector_load %arg9[%get3A_380, %get3A_381] {strides = array<i32>} : memref<16x1024xf32, #tpu.memory_space<vmem>>, vector<1x16xf32>,
        %get3A_383 = vector.shape_cast %get3A_382 : vector<1x16xf32> to vector<16xf32>
        %mul3A_384 = arith.constant 3.200000e+01 : f32
        %mul3A_385 = vector.broadcast %mul3A_384 : f32 to vector<16xf32>
        %mul3A_386 = arith.mulf %get3A_383, %mul3A_385 : vector<16xf32>
        %swap3A_387 = arith.index_cast %scan3A_192 : i32 to index
        %swap3A_388 = arith.constant 176 : index
        %swap3A_389 = tpu.vector_load %arg12[%swap3A_387, %swap3A_388] {strides = array<i32>} : memref<16x1024xf32, #tpu.memory_space<vmem>>, vector<1x16xf32>,
        %swap3A_390 = vector.shape_cast %swap3A_389 : vector<1x16xf32> to vector<16xf32>
        %swap3A_391 = vector.shape_cast %mul3A_290 : vector<16xf32> to vector<1x16xf32>
        tpu.vector_store %arg12[%swap3A_387, %swap3A_388], %swap3A_391 {add = true, strides = array<i32>} : memref<16x1024xf32, #tpu.memory_space<vmem>>, vector<1x16xf32>,
        %get3A_392 = arith.index_cast %scan3A_192 : i32 to index
        %get3A_393 = arith.constant 320 : index
        %get3A_394 = tpu.vector_load %arg9[%get3A_392, %get3A_393] {strides = array<i32>} : memref<16x1024xf32, #tpu.memory_space<vmem>>, vector<1x16xf32>,
        %get3A_395 = vector.shape_cast %get3A_394 : vector<1x16xf32> to vector<16xf32>
        %mul3A_396 = arith.constant 3.200000e+01 : f32
        %mul3A_397 = vector.broadcast %mul3A_396 : f32 to vector<16xf32>
        %mul3A_398 = arith.mulf %get3A_395, %mul3A_397 : vector<16xf32>
        %swap3A_399 = arith.index_cast %scan3A_192 : i32 to index
        %swap3A_400 = arith.constant 192 : index
        %swap3A_401 = tpu.vector_load %arg12[%swap3A_399, %swap3A_400] {strides = array<i32>} : memref<16x1024xf32, #tpu.memory_space<vmem>>, vector<1x16xf32>,
        %swap3A_402 = vector.shape_cast %swap3A_401 : vector<1x16xf32> to vector<16xf32>
        %swap3A_403 = vector.shape_cast %mul3A_302 : vector<16xf32> to vector<1x16xf32>
        tpu.vector_store %arg12[%swap3A_399, %swap3A_400], %swap3A_403 {add = true, strides = array<i32>} : memref<16x1024xf32, #tpu.memory_space<vmem>>, vector<1x16xf32>,
        %get3A_404 = arith.index_cast %scan3A_192 : i32 to index
        %get3A_405 = arith.constant 336 : index
        %get3A_406 = tpu.vector_load %arg9[%get3A_404, %get3A_405] {strides = array<i32>} : memref<16x1024xf32, #tpu.memory_space<vmem>>, vector<1x16xf32>,
        %get3A_407 = vector.shape_cast %get3A_406 : vector<1x16xf32> to vector<16xf32>
        %mul3A_408 = arith.constant 3.200000e+01 : f32
        %mul3A_409 = vector.broadcast %mul3A_408 : f32 to vector<16xf32>
        %mul3A_410 = arith.mulf %get3A_407, %mul3A_409 : vector<16xf32>
        %swap3A_411 = arith.index_cast %scan3A_192 : i32 to index
        %swap3A_412 = arith.constant 208 : index
        %swap3A_413 = tpu.vector_load %arg12[%swap3A_411, %swap3A_412] {strides = array<i32>} : memref<16x1024xf32, #tpu.memory_space<vmem>>, vector<1x16xf32>,
        %swap3A_414 = vector.shape_cast %swap3A_413 : vector<1x16xf32> to vector<16xf32>
        %swap3A_415 = vector.shape_cast %mul3A_314 : vector<16xf32> to vector<1x16xf32>
        tpu.vector_store %arg12[%swap3A_411, %swap3A_412], %swap3A_415 {add = true, strides = array<i32>} : memref<16x1024xf32, #tpu.memory_space<vmem>>, vector<1x16xf32>,
        %get3A_416 = arith.index_cast %scan3A_192 : i32 to index
        %get3A_417 = arith.constant 352 : index
        %get3A_418 = tpu.vector_load %arg9[%get3A_416, %get3A_417] {strides = array<i32>} : memref<16x1024xf32, #tpu.memory_space<vmem>>, vector<1x16xf32>,
        %get3A_419 = vector.shape_cast %get3A_418 : vector<1x16xf32> to vector<16xf32>
        %mul3A_420 = arith.constant 3.200000e+01 : f32
        %mul3A_421 = vector.broadcast %mul3A_420 : f32 to vector<16xf32>
        %mul3A_422 = arith.mulf %get3A_419, %mul3A_421 : vector<16xf32>
        %swap3A_423 = arith.index_cast %scan3A_192 : i32 to index
        %swap3A_424 = arith.constant 224 : index
        %swap3A_425 = tpu.vector_load %arg12[%swap3A_423, %swap3A_424] {strides = array<i32>} : memref<16x1024xf32, #tpu.memory_space<vmem>>, vector<1x16xf32>,
        %swap3A_426 = vector.shape_cast %swap3A_425 : vector<1x16xf32> to vector<16xf32>
        %swap3A_427 = vector.shape_cast %mul3A_326 : vector<16xf32> to vector<1x16xf32>
        tpu.vector_store %arg12[%swap3A_423, %swap3A_424], %swap3A_427 {add = true, strides = array<i32>} : memref<16x1024xf32, #tpu.memory_space<vmem>>, vector<1x16xf32>,
        %get3A_428 = arith.index_cast %scan3A_192 : i32 to index
        %get3A_429 = arith.constant 368 : index
        %get3A_430 = tpu.vector_load %arg9[%get3A_428, %get3A_429] {strides = array<i32>} : memref<16x1024xf32, #tpu.memory_space<vmem>>, vector<1x16xf32>,
        %get3A_431 = vector.shape_cast %get3A_430 : vector<1x16xf32> to vector<16xf32>
        %mul3A_432 = arith.constant 3.200000e+01 : f32
        %mul3A_433 = vector.broadcast %mul3A_432 : f32 to vector<16xf32>
        %mul3A_434 = arith.mulf %get3A_431, %mul3A_433 : vector<16xf32>
        %swap3A_435 = arith.index_cast %scan3A_192 : i32 to index
        %swap3A_436 = arith.constant 240 : index
        %swap3A_437 = tpu.vector_load %arg12[%swap3A_435, %swap3A_436] {strides = array<i32>} : memref<16x1024xf32, #tpu.memory_space<vmem>>, vector<1x16xf32>,
        %swap3A_438 = vector.shape_cast %swap3A_437 : vector<1x16xf32> to vector<16xf32>
        %swap3A_439 = vector.shape_cast %mul3A_338 : vector<16xf32> to vector<1x16xf32>
        tpu.vector_store %arg12[%swap3A_435, %swap3A_436], %swap3A_439 {add = true, strides = array<i32>} : memref<16x1024xf32, #tpu.memory_space<vmem>>, vector<1x16xf32>,
        %get3A_440 = arith.index_cast %scan3A_192 : i32 to index
        %get3A_441 = arith.constant 384 : index
        %get3A_442 = tpu.vector_load %arg9[%get3A_440, %get3A_441] {strides = array<i32>} : memref<16x1024xf32, #tpu.memory_space<vmem>>, vector<1x16xf32>,
        %get3A_443 = vector.shape_cast %get3A_442 : vector<1x16xf32> to vector<16xf32>
        %mul3A_444 = arith.constant 3.200000e+01 : f32
        %mul3A_445 = vector.broadcast %mul3A_444 : f32 to vector<16xf32>
        %mul3A_446 = arith.mulf %get3A_443, %mul3A_445 : vector<16xf32>
        %swap3A_447 = arith.index_cast %scan3A_192 : i32 to index
        %swap3A_448 = arith.constant 256 : index
        %swap3A_449 = tpu.vector_load %arg12[%swap3A_447, %swap3A_448] {strides = array<i32>} : memref<16x1024xf32, #tpu.memory_space<vmem>>, vector<1x16xf32>,
        %swap3A_450 = vector.shape_cast %swap3A_449 : vector<1x16xf32> to vector<16xf32>
        %swap3A_451 = vector.shape_cast %mul3A_350 : vector<16xf32> to vector<1x16xf32>
        tpu.vector_store %arg12[%swap3A_447, %swap3A_448], %swap3A_451 {add = true, strides = array<i32>} : memref<16x1024xf32, #tpu.memory_space<vmem>>, vector<1x16xf32>,
        %get3A_452 = arith.index_cast %scan3A_192 : i32 to index
        %get3A_453 = arith.constant 400 : index
        %get3A_454 = tpu.vector_load %arg9[%get3A_452, %get3A_453] {strides = array<i32>} : memref<16x1024xf32, #tpu.memory_space<vmem>>, vector<1x16xf32>,
        %get3A_455 = vector.shape_cast %get3A_454 : vector<1x16xf32> to vector<16xf32>
        %mul3A_456 = arith.constant 3.200000e+01 : f32
        %mul3A_457 = vector.broadcast %mul3A_456 : f32 to vector<16xf32>
        %mul3A_458 = arith.mulf %get3A_455, %mul3A_457 : vector<16xf32>
        %swap3A_459 = arith.index_cast %scan3A_192 : i32 to index
        %swap3A_460 = arith.constant 272 : index
        %swap3A_461 = tpu.vector_load %arg12[%swap3A_459, %swap3A_460] {strides = array<i32>} : memref<16x1024xf32, #tpu.memory_space<vmem>>, vector<1x16xf32>,
        %swap3A_462 = vector.shape_cast %swap3A_461 : vector<1x16xf32> to vector<16xf32>
        %swap3A_463 = vector.shape_cast %mul3A_362 : vector<16xf32> to vector<1x16xf32>
        tpu.vector_store %arg12[%swap3A_459, %swap3A_460], %swap3A_463 {add = true, strides = array<i32>} : memref<16x1024xf32, #tpu.memory_space<vmem>>, vector<1x16xf32>,
        %get3A_464 = arith.index_cast %scan3A_192 : i32 to index
        %get3A_465 = arith.constant 416 : index
        %get3A_466 = tpu.vector_load %arg9[%get3A_464, %get3A_465] {strides = array<i32>} : memref<16x1024xf32, #tpu.memory_space<vmem>>, vector<1x16xf32>,
        %get3A_467 = vector.shape_cast %get3A_466 : vector<1x16xf32> to vector<16xf32>
        %mul3A_468 = arith.constant 3.200000e+01 : f32
        %mul3A_469 = vector.broadcast %mul3A_468 : f32 to vector<16xf32>
        %mul3A_470 = arith.mulf %get3A_467, %mul3A_469 : vector<16xf32>
        %swap3A_471 = arith.index_cast %scan3A_192 : i32 to index
        %swap3A_472 = arith.constant 288 : index
        %swap3A_473 = tpu.vector_load %arg12[%swap3A_471, %swap3A_472] {strides = array<i32>} : memref<16x1024xf32, #tpu.memory_space<vmem>>, vector<1x16xf32>,
        %swap3A_474 = vector.shape_cast %swap3A_473 : vector<1x16xf32> to vector<16xf32>
        %swap3A_475 = vector.shape_cast %mul3A_374 : vector<16xf32> to vector<1x16xf32>
        tpu.vector_store %arg12[%swap3A_471, %swap3A_472], %swap3A_475 {add = true, strides = array<i32>} : memref<16x1024xf32, #tpu.memory_space<vmem>>, vector<1x16xf32>,
        %get3A_476 = arith.index_cast %scan3A_192 : i32 to index
        %get3A_477 = arith.constant 432 : index
        %get3A_478 = tpu.vector_load %arg9[%get3A_476, %get3A_477] {strides = array<i32>} : memref<16x1024xf32, #tpu.memory_space<vmem>>, vector<1x16xf32>,
        %get3A_479 = vector.shape_cast %get3A_478 : vector<1x16xf32> to vector<16xf32>
        %mul3A_480 = arith.constant 3.200000e+01 : f32
        %mul3A_481 = vector.broadcast %mul3A_480 : f32 to vector<16xf32>
        %mul3A_482 = arith.mulf %get3A_479, %mul3A_481 : vector<16xf32>
        %swap3A_483 = arith.index_cast %scan3A_192 : i32 to index
        %swap3A_484 = arith.constant 304 : index
        %swap3A_485 = tpu.vector_load %arg12[%swap3A_483, %swap3A_484] {strides = array<i32>} : memref<16x1024xf32, #tpu.memory_space<vmem>>, vector<1x16xf32>,
        %swap3A_486 = vector.shape_cast %swap3A_485 : vector<1x16xf32> to vector<16xf32>
        %swap3A_487 = vector.shape_cast %mul3A_386 : vector<16xf32> to vector<1x16xf32>
        tpu.vector_store %arg12[%swap3A_483, %swap3A_484], %swap3A_487 {add = true, strides = array<i32>} : memref<16x1024xf32, #tpu.memory_space<vmem>>, vector<1x16xf32>,
        %get3A_488 = arith.index_cast %scan3A_192 : i32 to index
        %get3A_489 = arith.constant 448 : index
        %get3A_490 = tpu.vector_load %arg9[%get3A_488, %get3A_489] {strides = array<i32>} : memref<16x1024xf32, #tpu.memory_space<vmem>>, vector<1x16xf32>,
        %get3A_491 = vector.shape_cast %get3A_490 : vector<1x16xf32> to vector<16xf32>
        %mul3A_492 = arith.constant 3.200000e+01 : f32
        %mul3A_493 = vector.broadcast %mul3A_492 : f32 to vector<16xf32>
        %mul3A_494 = arith.mulf %get3A_491, %mul3A_493 : vector<16xf32>
        %swap3A_495 = arith.index_cast %scan3A_192 : i32 to index
        %swap3A_496 = arith.constant 320 : index
        %swap3A_497 = tpu.vector_load %arg12[%swap3A_495, %swap3A_496] {strides = array<i32>} : memref<16x1024xf32, #tpu.memory_space<vmem>>, vector<1x16xf32>,
        %swap3A_498 = vector.shape_cast %swap3A_497 : vector<1x16xf32> to vector<16xf32>
        %swap3A_499 = vector.shape_cast %mul3A_398 : vector<16xf32> to vector<1x16xf32>
        tpu.vector_store %arg12[%swap3A_495, %swap3A_496], %swap3A_499 {add = true, strides = array<i32>} : memref<16x1024xf32, #tpu.memory_space<vmem>>, vector<1x16xf32>,
        %get3A_500 = arith.index_cast %scan3A_192 : i32 to index
        %get3A_501 = arith.constant 464 : index
        %get3A_502 = tpu.vector_load %arg9[%get3A_500, %get3A_501] {strides = array<i32>} : memref<16x1024xf32, #tpu.memory_space<vmem>>, vector<1x16xf32>,
        %get3A_503 = vector.shape_cast %get3A_502 : vector<1x16xf32> to vector<16xf32>
        %mul3A_504 = arith.constant 3.200000e+01 : f32
        %mul3A_505 = vector.broadcast %mul3A_504 : f32 to vector<16xf32>
        %mul3A_506 = arith.mulf %get3A_503, %mul3A_505 : vector<16xf32>
        %swap3A_507 = arith.index_cast %scan3A_192 : i32 to index
        %swap3A_508 = arith.constant 336 : index
        %swap3A_509 = tpu.vector_load %arg12[%swap3A_507, %swap3A_508] {strides = array<i32>} : memref<16x1024xf32, #tpu.memory_space<vmem>>, vector<1x16xf32>,
        %swap3A_510 = vector.shape_cast %swap3A_509 : vector<1x16xf32> to vector<16xf32>
        %swap3A_511 = vector.shape_cast %mul3A_410 : vector<16xf32> to vector<1x16xf32>
        tpu.vector_store %arg12[%swap3A_507, %swap3A_508], %swap3A_511 {add = true, strides = array<i32>} : memref<16x1024xf32, #tpu.memory_space<vmem>>, vector<1x16xf32>,
        %get3A_512 = arith.index_cast %scan3A_192 : i32 to index
        %get3A_513 = arith.constant 480 : index
        %get3A_514 = tpu.vector_load %arg9[%get3A_512, %get3A_513] {strides = array<i32>} : memref<16x1024xf32, #tpu.memory_space<vmem>>, vector<1x16xf32>,
        %get3A_515 = vector.shape_cast %get3A_514 : vector<1x16xf32> to vector<16xf32>
        %mul3A_516 = arith.constant 3.200000e+01 : f32
        %mul3A_517 = vector.broadcast %mul3A_516 : f32 to vector<16xf32>
        %mul3A_518 = arith.mulf %get3A_515, %mul3A_517 : vector<16xf32>
        %swap3A_519 = arith.index_cast %scan3A_192 : i32 to index
        %swap3A_520 = arith.constant 352 : index
        %swap3A_521 = tpu.vector_load %arg12[%swap3A_519, %swap3A_520] {strides = array<i32>} : memref<16x1024xf32, #tpu.memory_space<vmem>>, vector<1x16xf32>,
        %swap3A_522 = vector.shape_cast %swap3A_521 : vector<1x16xf32> to vector<16xf32>
        %swap3A_523 = vector.shape_cast %mul3A_422 : vector<16xf32> to vector<1x16xf32>
        tpu.vector_store %arg12[%swap3A_519, %swap3A_520], %swap3A_523 {add = true, strides = array<i32>} : memref<16x1024xf32, #tpu.memory_space<vmem>>, vector<1x16xf32>,
        %get3A_524 = arith.index_cast %scan3A_192 : i32 to index
        %get3A_525 = arith.constant 496 : index
        %get3A_526 = tpu.vector_load %arg9[%get3A_524, %get3A_525] {strides = array<i32>} : memref<16x1024xf32, #tpu.memory_space<vmem>>, vector<1x16xf32>,
        %get3A_527 = vector.shape_cast %get3A_526 : vector<1x16xf32> to vector<16xf32>
        %mul3A_528 = arith.constant 3.200000e+01 : f32
        %mul3A_529 = vector.broadcast %mul3A_528 : f32 to vector<16xf32>
        %mul3A_530 = arith.mulf %get3A_527, %mul3A_529 : vector<16xf32>
        %swap3A_531 = arith.index_cast %scan3A_192 : i32 to index
        %swap3A_532 = arith.constant 368 : index
        %swap3A_533 = tpu.vector_load %arg12[%swap3A_531, %swap3A_532] {strides = array<i32>} : memref<16x1024xf32, #tpu.memory_space<vmem>>, vector<1x16xf32>,
        %swap3A_534 = vector.shape_cast %swap3A_533 : vector<1x16xf32> to vector<16xf32>
        %swap3A_535 = vector.shape_cast %mul3A_434 : vector<16xf32> to vector<1x16xf32>
        tpu.vector_store %arg12[%swap3A_531, %swap3A_532], %swap3A_535 {add = true, strides = array<i32>} : memref<16x1024xf32, #tpu.memory_space<vmem>>, vector<1x16xf32>,
        %get3A_536 = arith.index_cast %scan3A_192 : i32 to index
        %get3A_537 = arith.constant 512 : index
        %get3A_538 = tpu.vector_load %arg9[%get3A_536, %get3A_537] {strides = array<i32>} : memref<16x1024xf32, #tpu.memory_space<vmem>>, vector<1x16xf32>,
        %get3A_539 = vector.shape_cast %get3A_538 : vector<1x16xf32> to vector<16xf32>
        %mul3A_540 = arith.constant 3.200000e+01 : f32
        %mul3A_541 = vector.broadcast %mul3A_540 : f32 to vector<16xf32>
        %mul3A_542 = arith.mulf %get3A_539, %mul3A_541 : vector<16xf32>
        %swap3A_543 = arith.index_cast %scan3A_192 : i32 to index
        %swap3A_544 = arith.constant 384 : index
        %swap3A_545 = tpu.vector_load %arg12[%swap3A_543, %swap3A_544] {strides = array<i32>} : memref<16x1024xf32, #tpu.memory_space<vmem>>, vector<1x16xf32>,
        %swap3A_546 = vector.shape_cast %swap3A_545 : vector<1x16xf32> to vector<16xf32>
        %swap3A_547 = vector.shape_cast %mul3A_446 : vector<16xf32> to vector<1x16xf32>
        tpu.vector_store %arg12[%swap3A_543, %swap3A_544], %swap3A_547 {add = true, strides = array<i32>} : memref<16x1024xf32, #tpu.memory_space<vmem>>, vector<1x16xf32>,
        %get3A_548 = arith.index_cast %scan3A_192 : i32 to index
        %get3A_549 = arith.constant 528 : index
        %get3A_550 = tpu.vector_load %arg9[%get3A_548, %get3A_549] {strides = array<i32>} : memref<16x1024xf32, #tpu.memory_space<vmem>>, vector<1x16xf32>,
        %get3A_551 = vector.shape_cast %get3A_550 : vector<1x16xf32> to vector<16xf32>
        %mul3A_552 = arith.constant 3.200000e+01 : f32
        %mul3A_553 = vector.broadcast %mul3A_552 : f32 to vector<16xf32>
        %mul3A_554 = arith.mulf %get3A_551, %mul3A_553 : vector<16xf32>
        %swap3A_555 = arith.index_cast %scan3A_192 : i32 to index
        %swap3A_556 = arith.constant 400 : index
        %swap3A_557 = tpu.vector_load %arg12[%swap3A_555, %swap3A_556] {strides = array<i32>} : memref<16x1024xf32, #tpu.memory_space<vmem>>, vector<1x16xf32>,
        %swap3A_558 = vector.shape_cast %swap3A_557 : vector<1x16xf32> to vector<16xf32>
        %swap3A_559 = vector.shape_cast %mul3A_458 : vector<16xf32> to vector<1x16xf32>
        tpu.vector_store %arg12[%swap3A_555, %swap3A_556], %swap3A_559 {add = true, strides = array<i32>} : memref<16x1024xf32, #tpu.memory_space<vmem>>, vector<1x16xf32>,
        %get3A_560 = arith.index_cast %scan3A_192 : i32 to index
        %get3A_561 = arith.constant 544 : index
        %get3A_562 = tpu.vector_load %arg9[%get3A_560, %get3A_561] {strides = array<i32>} : memref<16x1024xf32, #tpu.memory_space<vmem>>, vector<1x16xf32>,
        %get3A_563 = vector.shape_cast %get3A_562 : vector<1x16xf32> to vector<16xf32>
        %mul3A_564 = arith.constant 3.200000e+01 : f32
        %mul3A_565 = vector.broadcast %mul3A_564 : f32 to vector<16xf32>
        %mul3A_566 = arith.mulf %get3A_563, %mul3A_565 : vector<16xf32>
        %swap3A_567 = arith.index_cast %scan3A_192 : i32 to index
        %swap3A_568 = arith.constant 416 : index
        %swap3A_569 = tpu.vector_load %arg12[%swap3A_567, %swap3A_568] {strides = array<i32>} : memref<16x1024xf32, #tpu.memory_space<vmem>>, vector<1x16xf32>,
        %swap3A_570 = vector.shape_cast %swap3A_569 : vector<1x16xf32> to vector<16xf32>
        %swap3A_571 = vector.shape_cast %mul3A_470 : vector<16xf32> to vector<1x16xf32>
        tpu.vector_store %arg12[%swap3A_567, %swap3A_568], %swap3A_571 {add = true, strides = array<i32>} : memref<16x1024xf32, #tpu.memory_space<vmem>>, vector<1x16xf32>,
        %get3A_572 = arith.index_cast %scan3A_192 : i32 to index
        %get3A_573 = arith.constant 560 : index
        %get3A_574 = tpu.vector_load %arg9[%get3A_572, %get3A_573] {strides = array<i32>} : memref<16x1024xf32, #tpu.memory_space<vmem>>, vector<1x16xf32>,
        %get3A_575 = vector.shape_cast %get3A_574 : vector<1x16xf32> to vector<16xf32>
        %mul3A_576 = arith.constant 3.200000e+01 : f32
        %mul3A_577 = vector.broadcast %mul3A_576 : f32 to vector<16xf32>
        %mul3A_578 = arith.mulf %get3A_575, %mul3A_577 : vector<16xf32>
        %swap3A_579 = arith.index_cast %scan3A_192 : i32 to index
        %swap3A_580 = arith.constant 432 : index
        %swap3A_581 = tpu.vector_load %arg12[%swap3A_579, %swap3A_580] {strides = array<i32>} : memref<16x1024xf32, #tpu.memory_space<vmem>>, vector<1x16xf32>,
        %swap3A_582 = vector.shape_cast %swap3A_581 : vector<1x16xf32> to vector<16xf32>
        %swap3A_583 = vector.shape_cast %mul3A_482 : vector<16xf32> to vector<1x16xf32>
        tpu.vector_store %arg12[%swap3A_579, %swap3A_580], %swap3A_583 {add = true, strides = array<i32>} : memref<16x1024xf32, #tpu.memory_space<vmem>>, vector<1x16xf32>,
        %get3A_584 = arith.index_cast %scan3A_192 : i32 to index
        %get3A_585 = arith.constant 576 : index
        %get3A_586 = tpu.vector_load %arg9[%get3A_584, %get3A_585] {strides = array<i32>} : memref<16x1024xf32, #tpu.memory_space<vmem>>, vector<1x16xf32>,
        %get3A_587 = vector.shape_cast %get3A_586 : vector<1x16xf32> to vector<16xf32>
        %mul3A_588 = arith.constant 3.200000e+01 : f32
        %mul3A_589 = vector.broadcast %mul3A_588 : f32 to vector<16xf32>
        %mul3A_590 = arith.mulf %get3A_587, %mul3A_589 : vector<16xf32>
        %swap3A_591 = arith.index_cast %scan3A_192 : i32 to index
        %swap3A_592 = arith.constant 448 : index
        %swap3A_593 = tpu.vector_load %arg12[%swap3A_591, %swap3A_592] {strides = array<i32>} : memref<16x1024xf32, #tpu.memory_space<vmem>>, vector<1x16xf32>,
        %swap3A_594 = vector.shape_cast %swap3A_593 : vector<1x16xf32> to vector<16xf32>
        %swap3A_595 = vector.shape_cast %mul3A_494 : vector<16xf32> to vector<1x16xf32>
        tpu.vector_store %arg12[%swap3A_591, %swap3A_592], %swap3A_595 {add = true, strides = array<i32>} : memref<16x1024xf32, #tpu.memory_space<vmem>>, vector<1x16xf32>,
        %get3A_596 = arith.index_cast %scan3A_192 : i32 to index
        %get3A_597 = arith.constant 592 : index
        %get3A_598 = tpu.vector_load %arg9[%get3A_596, %get3A_597] {strides = array<i32>} : memref<16x1024xf32, #tpu.memory_space<vmem>>, vector<1x16xf32>,
        %get3A_599 = vector.shape_cast %get3A_598 : vector<1x16xf32> to vector<16xf32>
        %mul3A_600 = arith.constant 3.200000e+01 : f32
        %mul3A_601 = vector.broadcast %mul3A_600 : f32 to vector<16xf32>
        %mul3A_602 = arith.mulf %get3A_599, %mul3A_601 : vector<16xf32>
        %swap3A_603 = arith.index_cast %scan3A_192 : i32 to index
        %swap3A_604 = arith.constant 464 : index
        %swap3A_605 = tpu.vector_load %arg12[%swap3A_603, %swap3A_604] {strides = array<i32>} : memref<16x1024xf32, #tpu.memory_space<vmem>>, vector<1x16xf32>,
        %swap3A_606 = vector.shape_cast %swap3A_605 : vector<1x16xf32> to vector<16xf32>
        %swap3A_607 = vector.shape_cast %mul3A_506 : vector<16xf32> to vector<1x16xf32>
        tpu.vector_store %arg12[%swap3A_603, %swap3A_604], %swap3A_607 {add = true, strides = array<i32>} : memref<16x1024xf32, #tpu.memory_space<vmem>>, vector<1x16xf32>,
        %get3A_608 = arith.index_cast %scan3A_192 : i32 to index
        %get3A_609 = arith.constant 608 : index
        %get3A_610 = tpu.vector_load %arg9[%get3A_608, %get3A_609] {strides = array<i32>} : memref<16x1024xf32, #tpu.memory_space<vmem>>, vector<1x16xf32>,
        %get3A_611 = vector.shape_cast %get3A_610 : vector<1x16xf32> to vector<16xf32>
        %mul3A_612 = arith.constant 3.200000e+01 : f32
        %mul3A_613 = vector.broadcast %mul3A_612 : f32 to vector<16xf32>
        %mul3A_614 = arith.mulf %get3A_611, %mul3A_613 : vector<16xf32>
        %swap3A_615 = arith.index_cast %scan3A_192 : i32 to index
        %swap3A_616 = arith.constant 480 : index
        %swap3A_617 = tpu.vector_load %arg12[%swap3A_615, %swap3A_616] {strides = array<i32>} : memref<16x1024xf32, #tpu.memory_space<vmem>>, vector<1x16xf32>,
        %swap3A_618 = vector.shape_cast %swap3A_617 : vector<1x16xf32> to vector<16xf32>
        %swap3A_619 = vector.shape_cast %mul3A_518 : vector<16xf32> to vector<1x16xf32>
        tpu.vector_store %arg12[%swap3A_615, %swap3A_616], %swap3A_619 {add = true, strides = array<i32>} : memref<16x1024xf32, #tpu.memory_space<vmem>>, vector<1x16xf32>,
        %get3A_620 = arith.index_cast %scan3A_192 : i32 to index
        %get3A_621 = arith.constant 624 : index
        %get3A_622 = tpu.vector_load %arg9[%get3A_620, %get3A_621] {strides = array<i32>} : memref<16x1024xf32, #tpu.memory_space<vmem>>, vector<1x16xf32>,
        %get3A_623 = vector.shape_cast %get3A_622 : vector<1x16xf32> to vector<16xf32>
        %mul3A_624 = arith.constant 3.200000e+01 : f32
        %mul3A_625 = vector.broadcast %mul3A_624 : f32 to vector<16xf32>
        %mul3A_626 = arith.mulf %get3A_623, %mul3A_625 : vector<16xf32>
        %swap3A_627 = arith.index_cast %scan3A_192 : i32 to index
        %swap3A_628 = arith.constant 496 : index
        %swap3A_629 = tpu.vector_load %arg12[%swap3A_627, %swap3A_628] {strides = array<i32>} : memref<16x1024xf32, #tpu.memory_space<vmem>>, vector<1x16xf32>,
        %swap3A_630 = vector.shape_cast %swap3A_629 : vector<1x16xf32> to vector<16xf32>
        %swap3A_631 = vector.shape_cast %mul3A_530 : vector<16xf32> to vector<1x16xf32>
        tpu.vector_store %arg12[%swap3A_627, %swap3A_628], %swap3A_631 {add = true, strides = array<i32>} : memref<16x1024xf32, #tpu.memory_space<vmem>>, vector<1x16xf32>,
        %get3A_632 = arith.index_cast %scan3A_192 : i32 to index
        %get3A_633 = arith.constant 640 : index
        %get3A_634 = tpu.vector_load %arg9[%get3A_632, %get3A_633] {strides = array<i32>} : memref<16x1024xf32, #tpu.memory_space<vmem>>, vector<1x16xf32>,
        %get3A_635 = vector.shape_cast %get3A_634 : vector<1x16xf32> to vector<16xf32>
        %mul3A_636 = arith.constant 3.200000e+01 : f32
        %mul3A_637 = vector.broadcast %mul3A_636 : f32 to vector<16xf32>
        %mul3A_638 = arith.mulf %get3A_635, %mul3A_637 : vector<16xf32>
        %swap3A_639 = arith.index_cast %scan3A_192 : i32 to index
        %swap3A_640 = arith.constant 512 : index
        %swap3A_641 = tpu.vector_load %arg12[%swap3A_639, %swap3A_640] {strides = array<i32>} : memref<16x1024xf32, #tpu.memory_space<vmem>>, vector<1x16xf32>,
        %swap3A_642 = vector.shape_cast %swap3A_641 : vector<1x16xf32> to vector<16xf32>
        %swap3A_643 = vector.shape_cast %mul3A_542 : vector<16xf32> to vector<1x16xf32>
        tpu.vector_store %arg12[%swap3A_639, %swap3A_640], %swap3A_643 {add = true, strides = array<i32>} : memref<16x1024xf32, #tpu.memory_space<vmem>>, vector<1x16xf32>,
        %get3A_644 = arith.index_cast %scan3A_192 : i32 to index
        %get3A_645 = arith.constant 656 : index
        %get3A_646 = tpu.vector_load %arg9[%get3A_644, %get3A_645] {strides = array<i32>} : memref<16x1024xf32, #tpu.memory_space<vmem>>, vector<1x16xf32>,
        %get3A_647 = vector.shape_cast %get3A_646 : vector<1x16xf32> to vector<16xf32>
        %mul3A_648 = arith.constant 3.200000e+01 : f32
        %mul3A_649 = vector.broadcast %mul3A_648 : f32 to vector<16xf32>
        %mul3A_650 = arith.mulf %get3A_647, %mul3A_649 : vector<16xf32>
        %swap3A_651 = arith.index_cast %scan3A_192 : i32 to index
        %swap3A_652 = arith.constant 528 : index
        %swap3A_653 = tpu.vector_load %arg12[%swap3A_651, %swap3A_652] {strides = array<i32>} : memref<16x1024xf32, #tpu.memory_space<vmem>>, vector<1x16xf32>,
        %swap3A_654 = vector.shape_cast %swap3A_653 : vector<1x16xf32> to vector<16xf32>
        %swap3A_655 = vector.shape_cast %mul3A_554 : vector<16xf32> to vector<1x16xf32>
        tpu.vector_store %arg12[%swap3A_651, %swap3A_652], %swap3A_655 {add = true, strides = array<i32>} : memref<16x1024xf32, #tpu.memory_space<vmem>>, vector<1x16xf32>,
        %get3A_656 = arith.index_cast %scan3A_192 : i32 to index
        %get3A_657 = arith.constant 672 : index
        %get3A_658 = tpu.vector_load %arg9[%get3A_656, %get3A_657] {strides = array<i32>} : memref<16x1024xf32, #tpu.memory_space<vmem>>, vector<1x16xf32>,
        %get3A_659 = vector.shape_cast %get3A_658 : vector<1x16xf32> to vector<16xf32>
        %mul3A_660 = arith.constant 3.200000e+01 : f32
        %mul3A_661 = vector.broadcast %mul3A_660 : f32 to vector<16xf32>
        %mul3A_662 = arith.mulf %get3A_659, %mul3A_661 : vector<16xf32>
        %swap3A_663 = arith.index_cast %scan3A_192 : i32 to index
        %swap3A_664 = arith.constant 544 : index
        %swap3A_665 = tpu.vector_load %arg12[%swap3A_663, %swap3A_664] {strides = array<i32>} : memref<16x1024xf32, #tpu.memory_space<vmem>>, vector<1x16xf32>,
        %swap3A_666 = vector.shape_cast %swap3A_665 : vector<1x16xf32> to vector<16xf32>
        %swap3A_667 = vector.shape_cast %mul3A_566 : vector<16xf32> to vector<1x16xf32>
        tpu.vector_store %arg12[%swap3A_663, %swap3A_664], %swap3A_667 {add = true, strides = array<i32>} : memref<16x1024xf32, #tpu.memory_space<vmem>>, vector<1x16xf32>,
        %get3A_668 = arith.index_cast %scan3A_192 : i32 to index
        %get3A_669 = arith.constant 688 : index
        %get3A_670 = tpu.vector_load %arg9[%get3A_668, %get3A_669] {strides = array<i32>} : memref<16x1024xf32, #tpu.memory_space<vmem>>, vector<1x16xf32>,
        %get3A_671 = vector.shape_cast %get3A_670 : vector<1x16xf32> to vector<16xf32>
        %mul3A_672 = arith.constant 3.200000e+01 : f32
        %mul3A_673 = vector.broadcast %mul3A_672 : f32 to vector<16xf32>
        %mul3A_674 = arith.mulf %get3A_671, %mul3A_673 : vector<16xf32>
        %swap3A_675 = arith.index_cast %scan3A_192 : i32 to index
        %swap3A_676 = arith.constant 560 : index
        %swap3A_677 = tpu.vector_load %arg12[%swap3A_675, %swap3A_676] {strides = array<i32>} : memref<16x1024xf32, #tpu.memory_space<vmem>>, vector<1x16xf32>,
        %swap3A_678 = vector.shape_cast %swap3A_677 : vector<1x16xf32> to vector<16xf32>
        %swap3A_679 = vector.shape_cast %mul3A_578 : vector<16xf32> to vector<1x16xf32>
        tpu.vector_store %arg12[%swap3A_675, %swap3A_676], %swap3A_679 {add = true, strides = array<i32>} : memref<16x1024xf32, #tpu.memory_space<vmem>>, vector<1x16xf32>,
        %get3A_680 = arith.index_cast %scan3A_192 : i32 to index
        %get3A_681 = arith.constant 704 : index
        %get3A_682 = tpu.vector_load %arg9[%get3A_680, %get3A_681] {strides = array<i32>} : memref<16x1024xf32, #tpu.memory_space<vmem>>, vector<1x16xf32>,
        %get3A_683 = vector.shape_cast %get3A_682 : vector<1x16xf32> to vector<16xf32>
        %mul3A_684 = arith.constant 3.200000e+01 : f32
        %mul3A_685 = vector.broadcast %mul3A_684 : f32 to vector<16xf32>
        %mul3A_686 = arith.mulf %get3A_683, %mul3A_685 : vector<16xf32>
        %swap3A_687 = arith.index_cast %scan3A_192 : i32 to index
        %swap3A_688 = arith.constant 576 : index
        %swap3A_689 = tpu.vector_load %arg12[%swap3A_687, %swap3A_688] {strides = array<i32>} : memref<16x1024xf32, #tpu.memory_space<vmem>>, vector<1x16xf32>,
        %swap3A_690 = vector.shape_cast %swap3A_689 : vector<1x16xf32> to vector<16xf32>
        %swap3A_691 = vector.shape_cast %mul3A_590 : vector<16xf32> to vector<1x16xf32>
        tpu.vector_store %arg12[%swap3A_687, %swap3A_688], %swap3A_691 {add = true, strides = array<i32>} : memref<16x1024xf32, #tpu.memory_space<vmem>>, vector<1x16xf32>,
        %get3A_692 = arith.index_cast %scan3A_192 : i32 to index
        %get3A_693 = arith.constant 720 : index
        %get3A_694 = tpu.vector_load %arg9[%get3A_692, %get3A_693] {strides = array<i32>} : memref<16x1024xf32, #tpu.memory_space<vmem>>, vector<1x16xf32>,
        %get3A_695 = vector.shape_cast %get3A_694 : vector<1x16xf32> to vector<16xf32>
        %mul3A_696 = arith.constant 3.200000e+01 : f32
        %mul3A_697 = vector.broadcast %mul3A_696 : f32 to vector<16xf32>
        %mul3A_698 = arith.mulf %get3A_695, %mul3A_697 : vector<16xf32>
        %swap3A_699 = arith.index_cast %scan3A_192 : i32 to index
        %swap3A_700 = arith.constant 592 : index
        %swap3A_701 = tpu.vector_load %arg12[%swap3A_699, %swap3A_700] {strides = array<i32>} : memref<16x1024xf32, #tpu.memory_space<vmem>>, vector<1x16xf32>,
        %swap3A_702 = vector.shape_cast %swap3A_701 : vector<1x16xf32> to vector<16xf32>
        %swap3A_703 = vector.shape_cast %mul3A_602 : vector<16xf32> to vector<1x16xf32>
        tpu.vector_store %arg12[%swap3A_699, %swap3A_700], %swap3A_703 {add = true, strides = array<i32>} : memref<16x1024xf32, #tpu.memory_space<vmem>>, vector<1x16xf32>,
        %get3A_704 = arith.index_cast %scan3A_192 : i32 to index
        %get3A_705 = arith.constant 736 : index
        %get3A_706 = tpu.vector_load %arg9[%get3A_704, %get3A_705] {strides = array<i32>} : memref<16x1024xf32, #tpu.memory_space<vmem>>, vector<1x16xf32>,
        %get3A_707 = vector.shape_cast %get3A_706 : vector<1x16xf32> to vector<16xf32>
        %mul3A_708 = arith.constant 3.200000e+01 : f32
        %mul3A_709 = vector.broadcast %mul3A_708 : f32 to vector<16xf32>
        %mul3A_710 = arith.mulf %get3A_707, %mul3A_709 : vector<16xf32>
        %swap3A_711 = arith.index_cast %scan3A_192 : i32 to index
        %swap3A_712 = arith.constant 608 : index
        %swap3A_713 = tpu.vector_load %arg12[%swap3A_711, %swap3A_712] {strides = array<i32>} : memref<16x1024xf32, #tpu.memory_space<vmem>>, vector<1x16xf32>,
        %swap3A_714 = vector.shape_cast %swap3A_713 : vector<1x16xf32> to vector<16xf32>
        %swap3A_715 = vector.shape_cast %mul3A_614 : vector<16xf32> to vector<1x16xf32>
        tpu.vector_store %arg12[%swap3A_711, %swap3A_712], %swap3A_715 {add = true, strides = array<i32>} : memref<16x1024xf32, #tpu.memory_space<vmem>>, vector<1x16xf32>,
        %get3A_716 = arith.index_cast %scan3A_192 : i32 to index
        %get3A_717 = arith.constant 752 : index
        %get3A_718 = tpu.vector_load %arg9[%get3A_716, %get3A_717] {strides = array<i32>} : memref<16x1024xf32, #tpu.memory_space<vmem>>, vector<1x16xf32>,
        %get3A_719 = vector.shape_cast %get3A_718 : vector<1x16xf32> to vector<16xf32>
        %mul3A_720 = arith.constant 3.200000e+01 : f32
        %mul3A_721 = vector.broadcast %mul3A_720 : f32 to vector<16xf32>
        %mul3A_722 = arith.mulf %get3A_719, %mul3A_721 : vector<16xf32>
        %swap3A_723 = arith.index_cast %scan3A_192 : i32 to index
        %swap3A_724 = arith.constant 624 : index
        %swap3A_725 = tpu.vector_load %arg12[%swap3A_723, %swap3A_724] {strides = array<i32>} : memref<16x1024xf32, #tpu.memory_space<vmem>>, vector<1x16xf32>,
        %swap3A_726 = vector.shape_cast %swap3A_725 : vector<1x16xf32> to vector<16xf32>
        %swap3A_727 = vector.shape_cast %mul3A_626 : vector<16xf32> to vector<1x16xf32>
        tpu.vector_store %arg12[%swap3A_723, %swap3A_724], %swap3A_727 {add = true, strides = array<i32>} : memref<16x1024xf32, #tpu.memory_space<vmem>>, vector<1x16xf32>,
        %get3A_728 = arith.index_cast %scan3A_192 : i32 to index
        %get3A_729 = arith.constant 768 : index
        %get3A_730 = tpu.vector_load %arg9[%get3A_728, %get3A_729] {strides = array<i32>} : memref<16x1024xf32, #tpu.memory_space<vmem>>, vector<1x16xf32>,
        %get3A_731 = vector.shape_cast %get3A_730 : vector<1x16xf32> to vector<16xf32>
        %mul3A_732 = arith.constant 3.200000e+01 : f32
        %mul3A_733 = vector.broadcast %mul3A_732 : f32 to vector<16xf32>
        %mul3A_734 = arith.mulf %get3A_731, %mul3A_733 : vector<16xf32>
        %swap3A_735 = arith.index_cast %scan3A_192 : i32 to index
        %swap3A_736 = arith.constant 640 : index
        %swap3A_737 = tpu.vector_load %arg12[%swap3A_735, %swap3A_736] {strides = array<i32>} : memref<16x1024xf32, #tpu.memory_space<vmem>>, vector<1x16xf32>,
        %swap3A_738 = vector.shape_cast %swap3A_737 : vector<1x16xf32> to vector<16xf32>
        %swap3A_739 = vector.shape_cast %mul3A_638 : vector<16xf32> to vector<1x16xf32>
        tpu.vector_store %arg12[%swap3A_735, %swap3A_736], %swap3A_739 {add = true, strides = array<i32>} : memref<16x1024xf32, #tpu.memory_space<vmem>>, vector<1x16xf32>,
        %get3A_740 = arith.index_cast %scan3A_192 : i32 to index
        %get3A_741 = arith.constant 784 : index
        %get3A_742 = tpu.vector_load %arg9[%get3A_740, %get3A_741] {strides = array<i32>} : memref<16x1024xf32, #tpu.memory_space<vmem>>, vector<1x16xf32>,
        %get3A_743 = vector.shape_cast %get3A_742 : vector<1x16xf32> to vector<16xf32>
        %mul3A_744 = arith.constant 3.200000e+01 : f32
        %mul3A_745 = vector.broadcast %mul3A_744 : f32 to vector<16xf32>
        %mul3A_746 = arith.mulf %get3A_743, %mul3A_745 : vector<16xf32>
        %swap3A_747 = arith.index_cast %scan3A_192 : i32 to index
        %swap3A_748 = arith.constant 656 : index
        %swap3A_749 = tpu.vector_load %arg12[%swap3A_747, %swap3A_748] {strides = array<i32>} : memref<16x1024xf32, #tpu.memory_space<vmem>>, vector<1x16xf32>,
        %swap3A_750 = vector.shape_cast %swap3A_749 : vector<1x16xf32> to vector<16xf32>
        %swap3A_751 = vector.shape_cast %mul3A_650 : vector<16xf32> to vector<1x16xf32>
        tpu.vector_store %arg12[%swap3A_747, %swap3A_748], %swap3A_751 {add = true, strides = array<i32>} : memref<16x1024xf32, #tpu.memory_space<vmem>>, vector<1x16xf32>,
        %get3A_752 = arith.index_cast %scan3A_192 : i32 to index
        %get3A_753 = arith.constant 800 : index
        %get3A_754 = tpu.vector_load %arg9[%get3A_752, %get3A_753] {strides = array<i32>} : memref<16x1024xf32, #tpu.memory_space<vmem>>, vector<1x16xf32>,
        %get3A_755 = vector.shape_cast %get3A_754 : vector<1x16xf32> to vector<16xf32>
        %mul3A_756 = arith.constant 3.200000e+01 : f32
        %mul3A_757 = vector.broadcast %mul3A_756 : f32 to vector<16xf32>
        %mul3A_758 = arith.mulf %get3A_755, %mul3A_757 : vector<16xf32>
        %swap3A_759 = arith.index_cast %scan3A_192 : i32 to index
        %swap3A_760 = arith.constant 672 : index
        %swap3A_761 = tpu.vector_load %arg12[%swap3A_759, %swap3A_760] {strides = array<i32>} : memref<16x1024xf32, #tpu.memory_space<vmem>>, vector<1x16xf32>,
        %swap3A_762 = vector.shape_cast %swap3A_761 : vector<1x16xf32> to vector<16xf32>
        %swap3A_763 = vector.shape_cast %mul3A_662 : vector<16xf32> to vector<1x16xf32>
        tpu.vector_store %arg12[%swap3A_759, %swap3A_760], %swap3A_763 {add = true, strides = array<i32>} : memref<16x1024xf32, #tpu.memory_space<vmem>>, vector<1x16xf32>,
        %get3A_764 = arith.index_cast %scan3A_192 : i32 to index
        %get3A_765 = arith.constant 816 : index
        %get3A_766 = tpu.vector_load %arg9[%get3A_764, %get3A_765] {strides = array<i32>} : memref<16x1024xf32, #tpu.memory_space<vmem>>, vector<1x16xf32>,
        %get3A_767 = vector.shape_cast %get3A_766 : vector<1x16xf32> to vector<16xf32>
        %mul3A_768 = arith.constant 3.200000e+01 : f32
        %mul3A_769 = vector.broadcast %mul3A_768 : f32 to vector<16xf32>
        %mul3A_770 = arith.mulf %get3A_767, %mul3A_769 : vector<16xf32>
        %swap3A_771 = arith.index_cast %scan3A_192 : i32 to index
        %swap3A_772 = arith.constant 688 : index
        %swap3A_773 = tpu.vector_load %arg12[%swap3A_771, %swap3A_772] {strides = array<i32>} : memref<16x1024xf32, #tpu.memory_space<vmem>>, vector<1x16xf32>,
        %swap3A_774 = vector.shape_cast %swap3A_773 : vector<1x16xf32> to vector<16xf32>
        %swap3A_775 = vector.shape_cast %mul3A_674 : vector<16xf32> to vector<1x16xf32>
        tpu.vector_store %arg12[%swap3A_771, %swap3A_772], %swap3A_775 {add = true, strides = array<i32>} : memref<16x1024xf32, #tpu.memory_space<vmem>>, vector<1x16xf32>,
        %get3A_776 = arith.index_cast %scan3A_192 : i32 to index
        %get3A_777 = arith.constant 832 : index
        %get3A_778 = tpu.vector_load %arg9[%get3A_776, %get3A_777] {strides = array<i32>} : memref<16x1024xf32, #tpu.memory_space<vmem>>, vector<1x16xf32>,
        %get3A_779 = vector.shape_cast %get3A_778 : vector<1x16xf32> to vector<16xf32>
        %mul3A_780 = arith.constant 3.200000e+01 : f32
        %mul3A_781 = vector.broadcast %mul3A_780 : f32 to vector<16xf32>
        %mul3A_782 = arith.mulf %get3A_779, %mul3A_781 : vector<16xf32>
        %swap3A_783 = arith.index_cast %scan3A_192 : i32 to index
        %swap3A_784 = arith.constant 704 : index
        %swap3A_785 = tpu.vector_load %arg12[%swap3A_783, %swap3A_784] {strides = array<i32>} : memref<16x1024xf32, #tpu.memory_space<vmem>>, vector<1x16xf32>,
        %swap3A_786 = vector.shape_cast %swap3A_785 : vector<1x16xf32> to vector<16xf32>
        %swap3A_787 = vector.shape_cast %mul3A_686 : vector<16xf32> to vector<1x16xf32>
        tpu.vector_store %arg12[%swap3A_783, %swap3A_784], %swap3A_787 {add = true, strides = array<i32>} : memref<16x1024xf32, #tpu.memory_space<vmem>>, vector<1x16xf32>,
        %get3A_788 = arith.index_cast %scan3A_192 : i32 to index
        %get3A_789 = arith.constant 848 : index
        %get3A_790 = tpu.vector_load %arg9[%get3A_788, %get3A_789] {strides = array<i32>} : memref<16x1024xf32, #tpu.memory_space<vmem>>, vector<1x16xf32>,
        %get3A_791 = vector.shape_cast %get3A_790 : vector<1x16xf32> to vector<16xf32>
        %mul3A_792 = arith.constant 3.200000e+01 : f32
        %mul3A_793 = vector.broadcast %mul3A_792 : f32 to vector<16xf32>
        %mul3A_794 = arith.mulf %get3A_791, %mul3A_793 : vector<16xf32>
        %swap3A_795 = arith.index_cast %scan3A_192 : i32 to index
        %swap3A_796 = arith.constant 720 : index
        %swap3A_797 = tpu.vector_load %arg12[%swap3A_795, %swap3A_796] {strides = array<i32>} : memref<16x1024xf32, #tpu.memory_space<vmem>>, vector<1x16xf32>,
        %swap3A_798 = vector.shape_cast %swap3A_797 : vector<1x16xf32> to vector<16xf32>
        %swap3A_799 = vector.shape_cast %mul3A_698 : vector<16xf32> to vector<1x16xf32>
        tpu.vector_store %arg12[%swap3A_795, %swap3A_796], %swap3A_799 {add = true, strides = array<i32>} : memref<16x1024xf32, #tpu.memory_space<vmem>>, vector<1x16xf32>,
        %get3A_800 = arith.index_cast %scan3A_192 : i32 to index
        %get3A_801 = arith.constant 864 : index
        %get3A_802 = tpu.vector_load %arg9[%get3A_800, %get3A_801] {strides = array<i32>} : memref<16x1024xf32, #tpu.memory_space<vmem>>, vector<1x16xf32>,
        %get3A_803 = vector.shape_cast %get3A_802 : vector<1x16xf32> to vector<16xf32>
        %mul3A_804 = arith.constant 3.200000e+01 : f32
        %mul3A_805 = vector.broadcast %mul3A_804 : f32 to vector<16xf32>
        %mul3A_806 = arith.mulf %get3A_803, %mul3A_805 : vector<16xf32>
        %swap3A_807 = arith.index_cast %scan3A_192 : i32 to index
        %swap3A_808 = arith.constant 736 : index
        %swap3A_809 = tpu.vector_load %arg12[%swap3A_807, %swap3A_808] {strides = array<i32>} : memref<16x1024xf32, #tpu.memory_space<vmem>>, vector<1x16xf32>,
        %swap3A_810 = vector.shape_cast %swap3A_809 : vector<1x16xf32> to vector<16xf32>
        %swap3A_811 = vector.shape_cast %mul3A_710 : vector<16xf32> to vector<1x16xf32>
        tpu.vector_store %arg12[%swap3A_807, %swap3A_808], %swap3A_811 {add = true, strides = array<i32>} : memref<16x1024xf32, #tpu.memory_space<vmem>>, vector<1x16xf32>,
        %get3A_812 = arith.index_cast %scan3A_192 : i32 to index
        %get3A_813 = arith.constant 880 : index
        %get3A_814 = tpu.vector_load %arg9[%get3A_812, %get3A_813] {strides = array<i32>} : memref<16x1024xf32, #tpu.memory_space<vmem>>, vector<1x16xf32>,
        %get3A_815 = vector.shape_cast %get3A_814 : vector<1x16xf32> to vector<16xf32>
        %mul3A_816 = arith.constant 3.200000e+01 : f32
        %mul3A_817 = vector.broadcast %mul3A_816 : f32 to vector<16xf32>
        %mul3A_818 = arith.mulf %get3A_815, %mul3A_817 : vector<16xf32>
        %swap3A_819 = arith.index_cast %scan3A_192 : i32 to index
        %swap3A_820 = arith.constant 752 : index
        %swap3A_821 = tpu.vector_load %arg12[%swap3A_819, %swap3A_820] {strides = array<i32>} : memref<16x1024xf32, #tpu.memory_space<vmem>>, vector<1x16xf32>,
        %swap3A_822 = vector.shape_cast %swap3A_821 : vector<1x16xf32> to vector<16xf32>
        %swap3A_823 = vector.shape_cast %mul3A_722 : vector<16xf32> to vector<1x16xf32>
        tpu.vector_store %arg12[%swap3A_819, %swap3A_820], %swap3A_823 {add = true, strides = array<i32>} : memref<16x1024xf32, #tpu.memory_space<vmem>>, vector<1x16xf32>,
        %get3A_824 = arith.index_cast %scan3A_192 : i32 to index
        %get3A_825 = arith.constant 896 : index
        %get3A_826 = tpu.vector_load %arg9[%get3A_824, %get3A_825] {strides = array<i32>} : memref<16x1024xf32, #tpu.memory_space<vmem>>, vector<1x16xf32>,
        %get3A_827 = vector.shape_cast %get3A_826 : vector<1x16xf32> to vector<16xf32>
        %mul3A_828 = arith.constant 3.200000e+01 : f32
        %mul3A_829 = vector.broadcast %mul3A_828 : f32 to vector<16xf32>
        %mul3A_830 = arith.mulf %get3A_827, %mul3A_829 : vector<16xf32>
        %swap3A_831 = arith.index_cast %scan3A_192 : i32 to index
        %swap3A_832 = arith.constant 768 : index
        %swap3A_833 = tpu.vector_load %arg12[%swap3A_831, %swap3A_832] {strides = array<i32>} : memref<16x1024xf32, #tpu.memory_space<vmem>>, vector<1x16xf32>,
        %swap3A_834 = vector.shape_cast %swap3A_833 : vector<1x16xf32> to vector<16xf32>
        %swap3A_835 = vector.shape_cast %mul3A_734 : vector<16xf32> to vector<1x16xf32>
        tpu.vector_store %arg12[%swap3A_831, %swap3A_832], %swap3A_835 {add = true, strides = array<i32>} : memref<16x1024xf32, #tpu.memory_space<vmem>>, vector<1x16xf32>,
        %get3A_836 = arith.index_cast %scan3A_192 : i32 to index
        %get3A_837 = arith.constant 912 : index
        %get3A_838 = tpu.vector_load %arg9[%get3A_836, %get3A_837] {strides = array<i32>} : memref<16x1024xf32, #tpu.memory_space<vmem>>, vector<1x16xf32>,
        %get3A_839 = vector.shape_cast %get3A_838 : vector<1x16xf32> to vector<16xf32>
        %mul3A_840 = arith.constant 3.200000e+01 : f32
        %mul3A_841 = vector.broadcast %mul3A_840 : f32 to vector<16xf32>
        %mul3A_842 = arith.mulf %get3A_839, %mul3A_841 : vector<16xf32>
        %swap3A_843 = arith.index_cast %scan3A_192 : i32 to index
        %swap3A_844 = arith.constant 784 : index
        %swap3A_845 = tpu.vector_load %arg12[%swap3A_843, %swap3A_844] {strides = array<i32>} : memref<16x1024xf32, #tpu.memory_space<vmem>>, vector<1x16xf32>,
        %swap3A_846 = vector.shape_cast %swap3A_845 : vector<1x16xf32> to vector<16xf32>
        %swap3A_847 = vector.shape_cast %mul3A_746 : vector<16xf32> to vector<1x16xf32>
        tpu.vector_store %arg12[%swap3A_843, %swap3A_844], %swap3A_847 {add = true, strides = array<i32>} : memref<16x1024xf32, #tpu.memory_space<vmem>>, vector<1x16xf32>,
        %get3A_848 = arith.index_cast %scan3A_192 : i32 to index
        %get3A_849 = arith.constant 928 : index
        %get3A_850 = tpu.vector_load %arg9[%get3A_848, %get3A_849] {strides = array<i32>} : memref<16x1024xf32, #tpu.memory_space<vmem>>, vector<1x16xf32>,
        %get3A_851 = vector.shape_cast %get3A_850 : vector<1x16xf32> to vector<16xf32>
        %mul3A_852 = arith.constant 3.200000e+01 : f32
        %mul3A_853 = vector.broadcast %mul3A_852 : f32 to vector<16xf32>
        %mul3A_854 = arith.mulf %get3A_851, %mul3A_853 : vector<16xf32>
        %swap3A_855 = arith.index_cast %scan3A_192 : i32 to index
        %swap3A_856 = arith.constant 800 : index
        %swap3A_857 = tpu.vector_load %arg12[%swap3A_855, %swap3A_856] {strides = array<i32>} : memref<16x1024xf32, #tpu.memory_space<vmem>>, vector<1x16xf32>,
        %swap3A_858 = vector.shape_cast %swap3A_857 : vector<1x16xf32> to vector<16xf32>
        %swap3A_859 = vector.shape_cast %mul3A_758 : vector<16xf32> to vector<1x16xf32>
        tpu.vector_store %arg12[%swap3A_855, %swap3A_856], %swap3A_859 {add = true, strides = array<i32>} : memref<16x1024xf32, #tpu.memory_space<vmem>>, vector<1x16xf32>,
        %get3A_860 = arith.index_cast %scan3A_192 : i32 to index
        %get3A_861 = arith.constant 944 : index
        %get3A_862 = tpu.vector_load %arg9[%get3A_860, %get3A_861] {strides = array<i32>} : memref<16x1024xf32, #tpu.memory_space<vmem>>, vector<1x16xf32>,
        %get3A_863 = vector.shape_cast %get3A_862 : vector<1x16xf32> to vector<16xf32>
        %mul3A_864 = arith.constant 3.200000e+01 : f32
        %mul3A_865 = vector.broadcast %mul3A_864 : f32 to vector<16xf32>
        %mul3A_866 = arith.mulf %get3A_863, %mul3A_865 : vector<16xf32>
        %swap3A_867 = arith.index_cast %scan3A_192 : i32 to index
        %swap3A_868 = arith.constant 816 : index
        %swap3A_869 = tpu.vector_load %arg12[%swap3A_867, %swap3A_868] {strides = array<i32>} : memref<16x1024xf32, #tpu.memory_space<vmem>>, vector<1x16xf32>,
        %swap3A_870 = vector.shape_cast %swap3A_869 : vector<1x16xf32> to vector<16xf32>
        %swap3A_871 = vector.shape_cast %mul3A_770 : vector<16xf32> to vector<1x16xf32>
        tpu.vector_store %arg12[%swap3A_867, %swap3A_868], %swap3A_871 {add = true, strides = array<i32>} : memref<16x1024xf32, #tpu.memory_space<vmem>>, vector<1x16xf32>,
        %get3A_872 = arith.index_cast %scan3A_192 : i32 to index
        %get3A_873 = arith.constant 960 : index
        %get3A_874 = tpu.vector_load %arg9[%get3A_872, %get3A_873] {strides = array<i32>} : memref<16x1024xf32, #tpu.memory_space<vmem>>, vector<1x16xf32>,
        %get3A_875 = vector.shape_cast %get3A_874 : vector<1x16xf32> to vector<16xf32>
        %mul3A_876 = arith.constant 3.200000e+01 : f32
        %mul3A_877 = vector.broadcast %mul3A_876 : f32 to vector<16xf32>
        %mul3A_878 = arith.mulf %get3A_875, %mul3A_877 : vector<16xf32>
        %swap3A_879 = arith.index_cast %scan3A_192 : i32 to index
        %swap3A_880 = arith.constant 832 : index
        %swap3A_881 = tpu.vector_load %arg12[%swap3A_879, %swap3A_880] {strides = array<i32>} : memref<16x1024xf32, #tpu.memory_space<vmem>>, vector<1x16xf32>,
        %swap3A_882 = vector.shape_cast %swap3A_881 : vector<1x16xf32> to vector<16xf32>
        %swap3A_883 = vector.shape_cast %mul3A_782 : vector<16xf32> to vector<1x16xf32>
        tpu.vector_store %arg12[%swap3A_879, %swap3A_880], %swap3A_883 {add = true, strides = array<i32>} : memref<16x1024xf32, #tpu.memory_space<vmem>>, vector<1x16xf32>,
        %get3A_884 = arith.index_cast %scan3A_192 : i32 to index
        %get3A_885 = arith.constant 976 : index
        %get3A_886 = tpu.vector_load %arg9[%get3A_884, %get3A_885] {strides = array<i32>} : memref<16x1024xf32, #tpu.memory_space<vmem>>, vector<1x16xf32>,
        %get3A_887 = vector.shape_cast %get3A_886 : vector<1x16xf32> to vector<16xf32>
        %mul3A_888 = arith.constant 3.200000e+01 : f32
        %mul3A_889 = vector.broadcast %mul3A_888 : f32 to vector<16xf32>
        %mul3A_890 = arith.mulf %get3A_887, %mul3A_889 : vector<16xf32>
        %swap3A_891 = arith.index_cast %scan3A_192 : i32 to index
        %swap3A_892 = arith.constant 848 : index
        %swap3A_893 = tpu.vector_load %arg12[%swap3A_891, %swap3A_892] {strides = array<i32>} : memref<16x1024xf32, #tpu.memory_space<vmem>>, vector<1x16xf32>,
        %swap3A_894 = vector.shape_cast %swap3A_893 : vector<1x16xf32> to vector<16xf32>
        %swap3A_895 = vector.shape_cast %mul3A_794 : vector<16xf32> to vector<1x16xf32>
        tpu.vector_store %arg12[%swap3A_891, %swap3A_892], %swap3A_895 {add = true, strides = array<i32>} : memref<16x1024xf32, #tpu.memory_space<vmem>>, vector<1x16xf32>,
        %get3A_896 = arith.index_cast %scan3A_192 : i32 to index
        %get3A_897 = arith.constant 992 : index
        %get3A_898 = tpu.vector_load %arg9[%get3A_896, %get3A_897] {strides = array<i32>} : memref<16x1024xf32, #tpu.memory_space<vmem>>, vector<1x16xf32>,
        %get3A_899 = vector.shape_cast %get3A_898 : vector<1x16xf32> to vector<16xf32>
        %mul3A_900 = arith.constant 3.200000e+01 : f32
        %mul3A_901 = vector.broadcast %mul3A_900 : f32 to vector<16xf32>
        %mul3A_902 = arith.mulf %get3A_899, %mul3A_901 : vector<16xf32>
        %swap3A_903 = arith.index_cast %scan3A_192 : i32 to index
        %swap3A_904 = arith.constant 864 : index
        %swap3A_905 = tpu.vector_load %arg12[%swap3A_903, %swap3A_904] {strides = array<i32>} : memref<16x1024xf32, #tpu.memory_space<vmem>>, vector<1x16xf32>,
        %swap3A_906 = vector.shape_cast %swap3A_905 : vector<1x16xf32> to vector<16xf32>
        %swap3A_907 = vector.shape_cast %mul3A_806 : vector<16xf32> to vector<1x16xf32>
        tpu.vector_store %arg12[%swap3A_903, %swap3A_904], %swap3A_907 {add = true, strides = array<i32>} : memref<16x1024xf32, #tpu.memory_space<vmem>>, vector<1x16xf32>,
        %get3A_908 = arith.index_cast %scan3A_192 : i32 to index
        %get3A_909 = arith.constant 1008 : index
        %get3A_910 = tpu.vector_load %arg9[%get3A_908, %get3A_909] {strides = array<i32>} : memref<16x1024xf32, #tpu.memory_space<vmem>>, vector<1x16xf32>,
        %get3A_911 = vector.shape_cast %get3A_910 : vector<1x16xf32> to vector<16xf32>
        %mul3A_912 = arith.constant 3.200000e+01 : f32
        %mul3A_913 = vector.broadcast %mul3A_912 : f32 to vector<16xf32>
        %mul3A_914 = arith.mulf %get3A_911, %mul3A_913 : vector<16xf32>
        %swap3A_915 = arith.index_cast %scan3A_192 : i32 to index
        %swap3A_916 = arith.constant 880 : index
        %swap3A_917 = tpu.vector_load %arg12[%swap3A_915, %swap3A_916] {strides = array<i32>} : memref<16x1024xf32, #tpu.memory_space<vmem>>, vector<1x16xf32>,
        %swap3A_918 = vector.shape_cast %swap3A_917 : vector<1x16xf32> to vector<16xf32>
        %swap3A_919 = vector.shape_cast %mul3A_818 : vector<16xf32> to vector<1x16xf32>
        tpu.vector_store %arg12[%swap3A_915, %swap3A_916], %swap3A_919 {add = true, strides = array<i32>} : memref<16x1024xf32, #tpu.memory_space<vmem>>, vector<1x16xf32>,
        %swap3A_920 = arith.index_cast %scan3A_192 : i32 to index
        %swap3A_921 = arith.constant 896 : index
        %swap3A_922 = tpu.vector_load %arg12[%swap3A_920, %swap3A_921] {strides = array<i32>} : memref<16x1024xf32, #tpu.memory_space<vmem>>, vector<1x16xf32>,
        %swap3A_923 = vector.shape_cast %swap3A_922 : vector<1x16xf32> to vector<16xf32>
        %swap3A_924 = vector.shape_cast %mul3A_830 : vector<16xf32> to vector<1x16xf32>
        tpu.vector_store %arg12[%swap3A_920, %swap3A_921], %swap3A_924 {add = true, strides = array<i32>} : memref<16x1024xf32, #tpu.memory_space<vmem>>, vector<1x16xf32>,
        %swap3A_925 = arith.index_cast %scan3A_192 : i32 to index
        %swap3A_926 = arith.constant 912 : index
        %swap3A_927 = tpu.vector_load %arg12[%swap3A_925, %swap3A_926] {strides = array<i32>} : memref<16x1024xf32, #tpu.memory_space<vmem>>, vector<1x16xf32>,
        %swap3A_928 = vector.shape_cast %swap3A_927 : vector<1x16xf32> to vector<16xf32>
        %swap3A_929 = vector.shape_cast %mul3A_842 : vector<16xf32> to vector<1x16xf32>
        tpu.vector_store %arg12[%swap3A_925, %swap3A_926], %swap3A_929 {add = true, strides = array<i32>} : memref<16x1024xf32, #tpu.memory_space<vmem>>, vector<1x16xf32>,
        %swap3A_930 = arith.index_cast %scan3A_192 : i32 to index
        %swap3A_931 = arith.constant 928 : index
        %swap3A_932 = tpu.vector_load %arg12[%swap3A_930, %swap3A_931] {strides = array<i32>} : memref<16x1024xf32, #tpu.memory_space<vmem>>, vector<1x16xf32>,
        %swap3A_933 = vector.shape_cast %swap3A_932 : vector<1x16xf32> to vector<16xf32>
        %swap3A_934 = vector.shape_cast %mul3A_854 : vector<16xf32> to vector<1x16xf32>
        tpu.vector_store %arg12[%swap3A_930, %swap3A_931], %swap3A_934 {add = true, strides = array<i32>} : memref<16x1024xf32, #tpu.memory_space<vmem>>, vector<1x16xf32>,
        %swap3A_935 = arith.index_cast %scan3A_192 : i32 to index
        %swap3A_936 = arith.constant 944 : index
        %swap3A_937 = tpu.vector_load %arg12[%swap3A_935, %swap3A_936] {strides = array<i32>} : memref<16x1024xf32, #tpu.memory_space<vmem>>, vector<1x16xf32>,
        %swap3A_938 = vector.shape_cast %swap3A_937 : vector<1x16xf32> to vector<16xf32>
        %swap3A_939 = vector.shape_cast %mul3A_866 : vector<16xf32> to vector<1x16xf32>
        tpu.vector_store %arg12[%swap3A_935, %swap3A_936], %swap3A_939 {add = true, strides = array<i32>} : memref<16x1024xf32, #tpu.memory_space<vmem>>, vector<1x16xf32>,
        %swap3A_940 = arith.index_cast %scan3A_192 : i32 to index
        %swap3A_941 = arith.constant 960 : index
        %swap3A_942 = tpu.vector_load %arg12[%swap3A_940, %swap3A_941] {strides = array<i32>} : memref<16x1024xf32, #tpu.memory_space<vmem>>, vector<1x16xf32>,
        %swap3A_943 = vector.shape_cast %swap3A_942 : vector<1x16xf32> to vector<16xf32>
        %swap3A_944 = vector.shape_cast %mul3A_878 : vector<16xf32> to vector<1x16xf32>
        tpu.vector_store %arg12[%swap3A_940, %swap3A_941], %swap3A_944 {add = true, strides = array<i32>} : memref<16x1024xf32, #tpu.memory_space<vmem>>, vector<1x16xf32>,
        %swap3A_945 = arith.index_cast %scan3A_192 : i32 to index
        %swap3A_946 = arith.constant 976 : index
        %swap3A_947 = tpu.vector_load %arg12[%swap3A_945, %swap3A_946] {strides = array<i32>} : memref<16x1024xf32, #tpu.memory_space<vmem>>, vector<1x16xf32>,
        %swap3A_948 = vector.shape_cast %swap3A_947 : vector<1x16xf32> to vector<16xf32>
        %swap3A_949 = vector.shape_cast %mul3A_890 : vector<16xf32> to vector<1x16xf32>
        tpu.vector_store %arg12[%swap3A_945, %swap3A_946], %swap3A_949 {add = true, strides = array<i32>} : memref<16x1024xf32, #tpu.memory_space<vmem>>, vector<1x16xf32>,
        %swap3A_950 = arith.index_cast %scan3A_192 : i32 to index
        %swap3A_951 = arith.constant 992 : index
        %swap3A_952 = tpu.vector_load %arg12[%swap3A_950, %swap3A_951] {strides = array<i32>} : memref<16x1024xf32, #tpu.memory_space<vmem>>, vector<1x16xf32>,
        %swap3A_953 = vector.shape_cast %swap3A_952 : vector<1x16xf32> to vector<16xf32>
        %swap3A_954 = vector.shape_cast %mul3A_902 : vector<16xf32> to vector<1x16xf32>
        tpu.vector_store %arg12[%swap3A_950, %swap3A_951], %swap3A_954 {add = true, strides = array<i32>} : memref<16x1024xf32, #tpu.memory_space<vmem>>, vector<1x16xf32>,
        %swap3A_955 = arith.index_cast %scan3A_192 : i32 to index
        %swap3A_956 = arith.constant 1008 : index
        %swap3A_957 = tpu.vector_load %arg12[%swap3A_955, %swap3A_956] {strides = array<i32>} : memref<16x1024xf32, #tpu.memory_space<vmem>>, vector<1x16xf32>,
        %swap3A_958 = vector.shape_cast %swap3A_957 : vector<1x16xf32> to vector<16xf32>
        %swap3A_959 = vector.shape_cast %mul3A_914 : vector<16xf32> to vector<1x16xf32>
        tpu.vector_store %arg12[%swap3A_955, %swap3A_956], %swap3A_959 {add = true, strides = array<i32>} : memref<16x1024xf32, #tpu.memory_space<vmem>>, vector<1x16xf32>,
        %scan3A_960 = arith.constant 0 : i32
        scf.yield %scan3A_960 : i32
      }
      %scan3A_173 = arith.constant 16 : i32
      %mul3A_174 = arith.constant 16 : i32
      %mul3A_175 = arith.muli %add3A_155, %mul3A_174 : i32
      %add3A_176 = arith.addi %mul3A_2, %mul3A_175 : i32
      %dma_start3A_177 = arith.constant 0 : i32
      %dma_start3A_178 = tpu.memref_slice %arg5[%add3A_176, %dma_start3A_177] : memref<32768x1024xf32, #tpu.memory_space<hbm>> -> memref<16x1024xf32, #tpu.memory_space<hbm>>
      %dma_start3A_179 = arith.constant 0 : i32
      %dma_start3A_180 = tpu.memref_slice %arg5[%add3A_176, %dma_start3A_179] : memref<32768x1024xf32, #tpu.memory_space<hbm>> -> memref<16x1024xf32, #tpu.memory_space<hbm>>
      tpu.enqueue_dma source(%arg12 : memref<16x1024xf32, #tpu.memory_space<vmem>>) target(%dma_start3A_180 : memref<16x1024xf32, #tpu.memory_space<hbm>>) target_semaphore(%arg21 : memref<!tpu.dma_semaphore, #tpu.memory_space<semaphore_mem>>)
      %dma_wait3A_181 = arith.constant 0 : i32
      %dma_wait3A_182 = arith.constant 0 : i32
      %dma_wait3A_183 = tpu.memref_slice %arg5[%dma_wait3A_181, %dma_wait3A_182] : memref<32768x1024xf32, #tpu.memory_space<hbm>> -> memref<16x1024xf32, #tpu.memory_space<hbm>>
      %dma_wait3A_184 = arith.constant 0 : i32
      %dma_wait3A_185 = arith.constant 0 : i32
      %dma_wait3A_186 = tpu.memref_slice %arg5[%dma_wait3A_184, %dma_wait3A_185] : memref<32768x1024xf32, #tpu.memory_space<hbm>> -> memref<16x1024xf32, #tpu.memory_space<hbm>>
      tpu.wait_dma2 semaphore(%arg20 : memref<!tpu.dma_semaphore, #tpu.memory_space<semaphore_mem>>) src(%arg11 : memref<16x1024xf32, #tpu.memory_space<vmem>>) dst(%dma_wait3A_186 : memref<16x1024xf32, #tpu.memory_space<hbm>>)
      %lt3A = arith.constant 20 : i32
      %lt3A_187 = arith.cmpi slt, %scan3A_65, %lt3A : i32
      %convert_element_type3A_188 = arith.extui %lt3A_187 : i1 to i32
      %cond3A_189 = arith.constant 0 : i32
      %cond3A_190 = arith.cmpi ne, %convert_element_type3A_188, %cond3A_189 : i32
      scf.if %cond3A_190 {
        %add3A_192 = arith.constant 2 : i32
        %add3A_193 = arith.addi %add3A_155, %add3A_192 : i32
        %mul3A_194 = arith.constant 16 : i32
        %mul3A_195 = arith.muli %add3A_193, %mul3A_194 : i32
        %dma_start3A_196 = tpu.memref_slice %arg6[%mul3A_195] : memref<1024xi32, #tpu.memory_space<vmem>> -> memref<16xi32, #tpu.memory_space<vmem>>
        %dma_start3A_197 = arith.constant 0 : i32
        %dma_start3A_198 = arith.constant 0 : i32
        %dma_start3A_199 = tpu.memref_slice %arg4[%dma_start3A_197, %dma_start3A_198] : memref<8192x1024xf32, #tpu.memory_space<hbm>> -> memref<8192x1024xf32, #tpu.memory_space<hbm>>
        tpu.enqueue_indirect_dma source(%dma_start3A_199 : memref<8192x1024xf32, #tpu.memory_space<hbm>>) target(%arg11 : memref<16x1024xf32, #tpu.memory_space<vmem>>) offsets(%dma_start3A_196 : memref<16xi32, #tpu.memory_space<vmem>>) semaphore(%arg14 : memref<!tpu.dma_semaphore, #tpu.memory_space<semaphore_mem>>)
        %mul3A_200 = arith.constant 16 : i32
        %mul3A_201 = arith.muli %add3A_193, %mul3A_200 : i32
        %add3A_202 = arith.addi %mul3A_2, %mul3A_201 : i32
        %dma_start3A_203 = arith.constant 0 : i32
        %dma_start3A_204 = tpu.memref_slice %arg2[%add3A_202, %dma_start3A_203] : memref<32768x1024xf32, #tpu.memory_space<hbm>> -> memref<16x1024xf32, #tpu.memory_space<hbm>>
        %dma_start3A_205 = arith.constant 0 : i32
        %dma_start3A_206 = tpu.memref_slice %arg2[%add3A_202, %dma_start3A_205] : memref<32768x1024xf32, #tpu.memory_space<hbm>> -> memref<16x1024xf32, #tpu.memory_space<hbm>>
        tpu.enqueue_dma source(%dma_start3A_206 : memref<16x1024xf32, #tpu.memory_space<hbm>>) target(%arg8 : memref<16x1024xf32, #tpu.memory_space<vmem>>) target_semaphore(%arg17 : memref<!tpu.dma_semaphore, #tpu.memory_space<semaphore_mem>>)
      } else {
      }
      %scan3A_191 = arith.constant 0 : i32
      scf.yield %scan3A_191 : i32
    }
    %scan3A_29 = arith.constant 21 : i32
    %dma_wait3A = arith.constant 0 : i32
    %dma_wait3A_30 = tpu.memref_slice %arg6[%dma_wait3A] : memref<1024xi32, #tpu.memory_space<vmem>> -> memref<16xi32, #tpu.memory_space<vmem>>
    %dma_wait3A_31 = arith.constant 0 : i32
    %dma_wait3A_32 = arith.constant 0 : i32
    %dma_wait3A_33 = tpu.memref_slice %arg4[%dma_wait3A_31, %dma_wait3A_32] : memref<8192x1024xf32, #tpu.memory_space<hbm>> -> memref<8192x1024xf32, #tpu.memory_space<hbm>>
    tpu.wait_indirect_dma semaphore(%arg13 : memref<!tpu.dma_semaphore, #tpu.memory_space<semaphore_mem>>) src(%dma_wait3A_33 : memref<8192x1024xf32, #tpu.memory_space<hbm>>) dst(%arg10 : memref<16x1024xf32, #tpu.memory_space<vmem>>)
    %dma_wait3A_34 = arith.constant 0 : i32
    %dma_wait3A_35 = arith.constant 0 : i32
    %dma_wait3A_36 = tpu.memref_slice %arg2[%dma_wait3A_34, %dma_wait3A_35] : memref<32768x1024xf32, #tpu.memory_space<hbm>> -> memref<16x1024xf32, #tpu.memory_space<hbm>>
    %dma_wait3A_37 = arith.constant 0 : i32
    %dma_wait3A_38 = arith.constant 0 : i32
    %dma_wait3A_39 = tpu.memref_slice %arg2[%dma_wait3A_37, %dma_wait3A_38] : memref<32768x1024xf32, #tpu.memory_space<hbm>> -> memref<16x1024xf32, #tpu.memory_space<hbm>>
    tpu.wait_dma2 semaphore(%arg16 : memref<!tpu.dma_semaphore, #tpu.memory_space<semaphore_mem>>) src(%dma_wait3A_39 : memref<16x1024xf32, #tpu.memory_space<hbm>>) dst(%arg7 : memref<16x1024xf32, #tpu.memory_space<vmem>>)
    %scan3A_40 = arith.constant 0 : i32
    %scan3A_41 = arith.constant 0 : i32
    %scan3A_42 = arith.constant 16 : i32
    %scan3A_43 = arith.addi %scan3A_41, %scan3A_42 : i32
    %scan3A_44 = arith.constant 1 : i32
    %scan3A_45 = scf.for %scan3A_65 = %scan3A_41 to %scan3A_43 step %scan3A_44 iter_args(%scan3A_66 = %scan3A_40) -> (i32)  : i32 {
      %get3A = arith.index_cast %scan3A_65 : i32 to index
      %get3A_67 = arith.constant 0 : index
      %get3A_68 = tpu.vector_load %arg7[%get3A, %get3A_67] {strides = array<i32>} : memref<16x1024xf32, #tpu.memory_space<vmem>>, vector<1x16xf32>,
      %get3A_69 = vector.shape_cast %get3A_68 : vector<1x16xf32> to vector<16xf32>
      %mul3A_70 = arith.constant 3.200000e+01 : f32
      %mul3A_71 = vector.broadcast %mul3A_70 : f32 to vector<16xf32>
      %mul3A_72 = arith.mulf %get3A_69, %mul3A_71 : vector<16xf32>
      %get3A_73 = arith.index_cast %scan3A_65 : i32 to index
      %get3A_74 = arith.constant 16 : index
      %get3A_75 = tpu.vector_load %arg7[%get3A_73, %get3A_74] {strides = array<i32>} : memref<16x1024xf32, #tpu.memory_space<vmem>>, vector<1x16xf32>,
      %get3A_76 = vector.shape_cast %get3A_75 : vector<1x16xf32> to vector<16xf32>
      %mul3A_77 = arith.constant 3.200000e+01 : f32
      %mul3A_78 = vector.broadcast %mul3A_77 : f32 to vector<16xf32>
      %mul3A_79 = arith.mulf %get3A_76, %mul3A_78 : vector<16xf32>
      %get3A_80 = arith.index_cast %scan3A_65 : i32 to index
      %get3A_81 = arith.constant 32 : index
      %get3A_82 = tpu.vector_load %arg7[%get3A_80, %get3A_81] {strides = array<i32>} : memref<16x1024xf32, #tpu.memory_space<vmem>>, vector<1x16xf32>,
      %get3A_83 = vector.shape_cast %get3A_82 : vector<1x16xf32> to vector<16xf32>
      %mul3A_84 = arith.constant 3.200000e+01 : f32
      %mul3A_85 = vector.broadcast %mul3A_84 : f32 to vector<16xf32>
      %mul3A_86 = arith.mulf %get3A_83, %mul3A_85 : vector<16xf32>
      %get3A_87 = arith.index_cast %scan3A_65 : i32 to index
      %get3A_88 = arith.constant 48 : index
      %get3A_89 = tpu.vector_load %arg7[%get3A_87, %get3A_88] {strides = array<i32>} : memref<16x1024xf32, #tpu.memory_space<vmem>>, vector<1x16xf32>,
      %get3A_90 = vector.shape_cast %get3A_89 : vector<1x16xf32> to vector<16xf32>
      %mul3A_91 = arith.constant 3.200000e+01 : f32
      %mul3A_92 = vector.broadcast %mul3A_91 : f32 to vector<16xf32>
      %mul3A_93 = arith.mulf %get3A_90, %mul3A_92 : vector<16xf32>
      %get3A_94 = arith.index_cast %scan3A_65 : i32 to index
      %get3A_95 = arith.constant 64 : index
      %get3A_96 = tpu.vector_load %arg7[%get3A_94, %get3A_95] {strides = array<i32>} : memref<16x1024xf32, #tpu.memory_space<vmem>>, vector<1x16xf32>,
      %get3A_97 = vector.shape_cast %get3A_96 : vector<1x16xf32> to vector<16xf32>
      %mul3A_98 = arith.constant 3.200000e+01 : f32
      %mul3A_99 = vector.broadcast %mul3A_98 : f32 to vector<16xf32>
      %mul3A_100 = arith.mulf %get3A_97, %mul3A_99 : vector<16xf32>
      %get3A_101 = arith.index_cast %scan3A_65 : i32 to index
      %get3A_102 = arith.constant 80 : index
      %get3A_103 = tpu.vector_load %arg7[%get3A_101, %get3A_102] {strides = array<i32>} : memref<16x1024xf32, #tpu.memory_space<vmem>>, vector<1x16xf32>,
      %get3A_104 = vector.shape_cast %get3A_103 : vector<1x16xf32> to vector<16xf32>
      %mul3A_105 = arith.constant 3.200000e+01 : f32
      %mul3A_106 = vector.broadcast %mul3A_105 : f32 to vector<16xf32>
      %mul3A_107 = arith.mulf %get3A_104, %mul3A_106 : vector<16xf32>
      %get3A_108 = arith.index_cast %scan3A_65 : i32 to index
      %get3A_109 = arith.constant 96 : index
      %get3A_110 = tpu.vector_load %arg7[%get3A_108, %get3A_109] {strides = array<i32>} : memref<16x1024xf32, #tpu.memory_space<vmem>>, vector<1x16xf32>,
      %get3A_111 = vector.shape_cast %get3A_110 : vector<1x16xf32> to vector<16xf32>
      %mul3A_112 = arith.constant 3.200000e+01 : f32
      %mul3A_113 = vector.broadcast %mul3A_112 : f32 to vector<16xf32>
      %mul3A_114 = arith.mulf %get3A_111, %mul3A_113 : vector<16xf32>
      %get3A_115 = arith.index_cast %scan3A_65 : i32 to index
      %get3A_116 = arith.constant 112 : index
      %get3A_117 = tpu.vector_load %arg7[%get3A_115, %get3A_116] {strides = array<i32>} : memref<16x1024xf32, #tpu.memory_space<vmem>>, vector<1x16xf32>,
      %get3A_118 = vector.shape_cast %get3A_117 : vector<1x16xf32> to vector<16xf32>
      %mul3A_119 = arith.constant 3.200000e+01 : f32
      %mul3A_120 = vector.broadcast %mul3A_119 : f32 to vector<16xf32>
      %mul3A_121 = arith.mulf %get3A_118, %mul3A_120 : vector<16xf32>
      %get3A_122 = arith.index_cast %scan3A_65 : i32 to index
      %get3A_123 = arith.constant 128 : index
      %get3A_124 = tpu.vector_load %arg7[%get3A_122, %get3A_123] {strides = array<i32>} : memref<16x1024xf32, #tpu.memory_space<vmem>>, vector<1x16xf32>,
      %get3A_125 = vector.shape_cast %get3A_124 : vector<1x16xf32> to vector<16xf32>
      %mul3A_126 = arith.constant 3.200000e+01 : f32
      %mul3A_127 = vector.broadcast %mul3A_126 : f32 to vector<16xf32>
      %mul3A_128 = arith.mulf %get3A_125, %mul3A_127 : vector<16xf32>
      %swap3A = arith.index_cast %scan3A_65 : i32 to index
      %swap3A_129 = arith.constant 0 : index
      %swap3A_130 = tpu.vector_load %arg10[%swap3A, %swap3A_129] {strides = array<i32>} : memref<16x1024xf32, #tpu.memory_space<vmem>>, vector<1x16xf32>,
      %swap3A_131 = vector.shape_cast %swap3A_130 : vector<1x16xf32> to vector<16xf32>
      %swap3A_132 = vector.shape_cast %mul3A_72 : vector<16xf32> to vector<1x16xf32>
      tpu.vector_store %arg10[%swap3A, %swap3A_129], %swap3A_132 {add = true, strides = array<i32>} : memref<16x1024xf32, #tpu.memory_space<vmem>>, vector<1x16xf32>,
      %get3A_133 = arith.index_cast %scan3A_65 : i32 to index
      %get3A_134 = arith.constant 144 : index
      %get3A_135 = tpu.vector_load %arg7[%get3A_133, %get3A_134] {strides = array<i32>} : memref<16x1024xf32, #tpu.memory_space<vmem>>, vector<1x16xf32>,
      %get3A_136 = vector.shape_cast %get3A_135 : vector<1x16xf32> to vector<16xf32>
      %mul3A_137 = arith.constant 3.200000e+01 : f32
      %mul3A_138 = vector.broadcast %mul3A_137 : f32 to vector<16xf32>
      %mul3A_139 = arith.mulf %get3A_136, %mul3A_138 : vector<16xf32>
      %swap3A_140 = arith.index_cast %scan3A_65 : i32 to index
      %swap3A_141 = arith.constant 16 : index
      %swap3A_142 = tpu.vector_load %arg10[%swap3A_140, %swap3A_141] {strides = array<i32>} : memref<16x1024xf32, #tpu.memory_space<vmem>>, vector<1x16xf32>,
      %swap3A_143 = vector.shape_cast %swap3A_142 : vector<1x16xf32> to vector<16xf32>
      %swap3A_144 = vector.shape_cast %mul3A_79 : vector<16xf32> to vector<1x16xf32>
      tpu.vector_store %arg10[%swap3A_140, %swap3A_141], %swap3A_144 {add = true, strides = array<i32>} : memref<16x1024xf32, #tpu.memory_space<vmem>>, vector<1x16xf32>,
      %get3A_145 = arith.index_cast %scan3A_65 : i32 to index
      %get3A_146 = arith.constant 160 : index
      %get3A_147 = tpu.vector_load %arg7[%get3A_145, %get3A_146] {strides = array<i32>} : memref<16x1024xf32, #tpu.memory_space<vmem>>, vector<1x16xf32>,
      %get3A_148 = vector.shape_cast %get3A_147 : vector<1x16xf32> to vector<16xf32>
      %mul3A_149 = arith.constant 3.200000e+01 : f32
      %mul3A_150 = vector.broadcast %mul3A_149 : f32 to vector<16xf32>
      %mul3A_151 = arith.mulf %get3A_148, %mul3A_150 : vector<16xf32>
      %swap3A_152 = arith.index_cast %scan3A_65 : i32 to index
      %swap3A_153 = arith.constant 32 : index
      %swap3A_154 = tpu.vector_load %arg10[%swap3A_152, %swap3A_153] {strides = array<i32>} : memref<16x1024xf32, #tpu.memory_space<vmem>>, vector<1x16xf32>,
      %swap3A_155 = vector.shape_cast %swap3A_154 : vector<1x16xf32> to vector<16xf32>
      %swap3A_156 = vector.shape_cast %mul3A_86 : vector<16xf32> to vector<1x16xf32>
      tpu.vector_store %arg10[%swap3A_152, %swap3A_153], %swap3A_156 {add = true, strides = array<i32>} : memref<16x1024xf32, #tpu.memory_space<vmem>>, vector<1x16xf32>,
      %get3A_157 = arith.index_cast %scan3A_65 : i32 to index
      %get3A_158 = arith.constant 176 : index
      %get3A_159 = tpu.vector_load %arg7[%get3A_157, %get3A_158] {strides = array<i32>} : memref<16x1024xf32, #tpu.memory_space<vmem>>, vector<1x16xf32>,
      %get3A_160 = vector.shape_cast %get3A_159 : vector<1x16xf32> to vector<16xf32>
      %mul3A_161 = arith.constant 3.200000e+01 : f32
      %mul3A_162 = vector.broadcast %mul3A_161 : f32 to vector<16xf32>
      %mul3A_163 = arith.mulf %get3A_160, %mul3A_162 : vector<16xf32>
      %swap3A_164 = arith.index_cast %scan3A_65 : i32 to index
      %swap3A_165 = arith.constant 48 : index
      %swap3A_166 = tpu.vector_load %arg10[%swap3A_164, %swap3A_165] {strides = array<i32>} : memref<16x1024xf32, #tpu.memory_space<vmem>>, vector<1x16xf32>,
      %swap3A_167 = vector.shape_cast %swap3A_166 : vector<1x16xf32> to vector<16xf32>
      %swap3A_168 = vector.shape_cast %mul3A_93 : vector<16xf32> to vector<1x16xf32>
      tpu.vector_store %arg10[%swap3A_164, %swap3A_165], %swap3A_168 {add = true, strides = array<i32>} : memref<16x1024xf32, #tpu.memory_space<vmem>>, vector<1x16xf32>,
      %get3A_169 = arith.index_cast %scan3A_65 : i32 to index
      %get3A_170 = arith.constant 192 : index
      %get3A_171 = tpu.vector_load %arg7[%get3A_169, %get3A_170] {strides = array<i32>} : memref<16x1024xf32, #tpu.memory_space<vmem>>, vector<1x16xf32>,
      %get3A_172 = vector.shape_cast %get3A_171 : vector<1x16xf32> to vector<16xf32>
      %mul3A_173 = arith.constant 3.200000e+01 : f32
      %mul3A_174 = vector.broadcast %mul3A_173 : f32 to vector<16xf32>
      %mul3A_175 = arith.mulf %get3A_172, %mul3A_174 : vector<16xf32>
      %swap3A_176 = arith.index_cast %scan3A_65 : i32 to index
      %swap3A_177 = arith.constant 64 : index
      %swap3A_178 = tpu.vector_load %arg10[%swap3A_176, %swap3A_177] {strides = array<i32>} : memref<16x1024xf32, #tpu.memory_space<vmem>>, vector<1x16xf32>,
      %swap3A_179 = vector.shape_cast %swap3A_178 : vector<1x16xf32> to vector<16xf32>
      %swap3A_180 = vector.shape_cast %mul3A_100 : vector<16xf32> to vector<1x16xf32>
      tpu.vector_store %arg10[%swap3A_176, %swap3A_177], %swap3A_180 {add = true, strides = array<i32>} : memref<16x1024xf32, #tpu.memory_space<vmem>>, vector<1x16xf32>,
      %get3A_181 = arith.index_cast %scan3A_65 : i32 to index
      %get3A_182 = arith.constant 208 : index
      %get3A_183 = tpu.vector_load %arg7[%get3A_181, %get3A_182] {strides = array<i32>} : memref<16x1024xf32, #tpu.memory_space<vmem>>, vector<1x16xf32>,
      %get3A_184 = vector.shape_cast %get3A_183 : vector<1x16xf32> to vector<16xf32>
      %mul3A_185 = arith.constant 3.200000e+01 : f32
      %mul3A_186 = vector.broadcast %mul3A_185 : f32 to vector<16xf32>
      %mul3A_187 = arith.mulf %get3A_184, %mul3A_186 : vector<16xf32>
      %swap3A_188 = arith.index_cast %scan3A_65 : i32 to index
      %swap3A_189 = arith.constant 80 : index
      %swap3A_190 = tpu.vector_load %arg10[%swap3A_188, %swap3A_189] {strides = array<i32>} : memref<16x1024xf32, #tpu.memory_space<vmem>>, vector<1x16xf32>,
      %swap3A_191 = vector.shape_cast %swap3A_190 : vector<1x16xf32> to vector<16xf32>
      %swap3A_192 = vector.shape_cast %mul3A_107 : vector<16xf32> to vector<1x16xf32>
      tpu.vector_store %arg10[%swap3A_188, %swap3A_189], %swap3A_192 {add = true, strides = array<i32>} : memref<16x1024xf32, #tpu.memory_space<vmem>>, vector<1x16xf32>,
      %get3A_193 = arith.index_cast %scan3A_65 : i32 to index
      %get3A_194 = arith.constant 224 : index
      %get3A_195 = tpu.vector_load %arg7[%get3A_193, %get3A_194] {strides = array<i32>} : memref<16x1024xf32, #tpu.memory_space<vmem>>, vector<1x16xf32>,
      %get3A_196 = vector.shape_cast %get3A_195 : vector<1x16xf32> to vector<16xf32>
      %mul3A_197 = arith.constant 3.200000e+01 : f32
      %mul3A_198 = vector.broadcast %mul3A_197 : f32 to vector<16xf32>
      %mul3A_199 = arith.mulf %get3A_196, %mul3A_198 : vector<16xf32>
      %swap3A_200 = arith.index_cast %scan3A_65 : i32 to index
      %swap3A_201 = arith.constant 96 : index
      %swap3A_202 = tpu.vector_load %arg10[%swap3A_200, %swap3A_201] {strides = array<i32>} : memref<16x1024xf32, #tpu.memory_space<vmem>>, vector<1x16xf32>,
      %swap3A_203 = vector.shape_cast %swap3A_202 : vector<1x16xf32> to vector<16xf32>
      %swap3A_204 = vector.shape_cast %mul3A_114 : vector<16xf32> to vector<1x16xf32>
      tpu.vector_store %arg10[%swap3A_200, %swap3A_201], %swap3A_204 {add = true, strides = array<i32>} : memref<16x1024xf32, #tpu.memory_space<vmem>>, vector<1x16xf32>,
      %get3A_205 = arith.index_cast %scan3A_65 : i32 to index
      %get3A_206 = arith.constant 240 : index
      %get3A_207 = tpu.vector_load %arg7[%get3A_205, %get3A_206] {strides = array<i32>} : memref<16x1024xf32, #tpu.memory_space<vmem>>, vector<1x16xf32>,
      %get3A_208 = vector.shape_cast %get3A_207 : vector<1x16xf32> to vector<16xf32>
      %mul3A_209 = arith.constant 3.200000e+01 : f32
      %mul3A_210 = vector.broadcast %mul3A_209 : f32 to vector<16xf32>
      %mul3A_211 = arith.mulf %get3A_208, %mul3A_210 : vector<16xf32>
      %swap3A_212 = arith.index_cast %scan3A_65 : i32 to index
      %swap3A_213 = arith.constant 112 : index
      %swap3A_214 = tpu.vector_load %arg10[%swap3A_212, %swap3A_213] {strides = array<i32>} : memref<16x1024xf32, #tpu.memory_space<vmem>>, vector<1x16xf32>,
      %swap3A_215 = vector.shape_cast %swap3A_214 : vector<1x16xf32> to vector<16xf32>
      %swap3A_216 = vector.shape_cast %mul3A_121 : vector<16xf32> to vector<1x16xf32>
      tpu.vector_store %arg10[%swap3A_212, %swap3A_213], %swap3A_216 {add = true, strides = array<i32>} : memref<16x1024xf32, #tpu.memory_space<vmem>>, vector<1x16xf32>,
      %get3A_217 = arith.index_cast %scan3A_65 : i32 to index
      %get3A_218 = arith.constant 256 : index
      %get3A_219 = tpu.vector_load %arg7[%get3A_217, %get3A_218] {strides = array<i32>} : memref<16x1024xf32, #tpu.memory_space<vmem>>, vector<1x16xf32>,
      %get3A_220 = vector.shape_cast %get3A_219 : vector<1x16xf32> to vector<16xf32>
      %mul3A_221 = arith.constant 3.200000e+01 : f32
      %mul3A_222 = vector.broadcast %mul3A_221 : f32 to vector<16xf32>
      %mul3A_223 = arith.mulf %get3A_220, %mul3A_222 : vector<16xf32>
      %swap3A_224 = arith.index_cast %scan3A_65 : i32 to index
      %swap3A_225 = arith.constant 128 : index
      %swap3A_226 = tpu.vector_load %arg10[%swap3A_224, %swap3A_225] {strides = array<i32>} : memref<16x1024xf32, #tpu.memory_space<vmem>>, vector<1x16xf32>,
      %swap3A_227 = vector.shape_cast %swap3A_226 : vector<1x16xf32> to vector<16xf32>
      %swap3A_228 = vector.shape_cast %mul3A_128 : vector<16xf32> to vector<1x16xf32>
      tpu.vector_store %arg10[%swap3A_224, %swap3A_225], %swap3A_228 {add = true, strides = array<i32>} : memref<16x1024xf32, #tpu.memory_space<vmem>>, vector<1x16xf32>,
      %get3A_229 = arith.index_cast %scan3A_65 : i32 to index
      %get3A_230 = arith.constant 272 : index
      %get3A_231 = tpu.vector_load %arg7[%get3A_229, %get3A_230] {strides = array<i32>} : memref<16x1024xf32, #tpu.memory_space<vmem>>, vector<1x16xf32>,
      %get3A_232 = vector.shape_cast %get3A_231 : vector<1x16xf32> to vector<16xf32>
      %mul3A_233 = arith.constant 3.200000e+01 : f32
      %mul3A_234 = vector.broadcast %mul3A_233 : f32 to vector<16xf32>
      %mul3A_235 = arith.mulf %get3A_232, %mul3A_234 : vector<16xf32>
      %swap3A_236 = arith.index_cast %scan3A_65 : i32 to index
      %swap3A_237 = arith.constant 144 : index
      %swap3A_238 = tpu.vector_load %arg10[%swap3A_236, %swap3A_237] {strides = array<i32>} : memref<16x1024xf32, #tpu.memory_space<vmem>>, vector<1x16xf32>,
      %swap3A_239 = vector.shape_cast %swap3A_238 : vector<1x16xf32> to vector<16xf32>
      %swap3A_240 = vector.shape_cast %mul3A_139 : vector<16xf32> to vector<1x16xf32>
      tpu.vector_store %arg10[%swap3A_236, %swap3A_237], %swap3A_240 {add = true, strides = array<i32>} : memref<16x1024xf32, #tpu.memory_space<vmem>>, vector<1x16xf32>,
      %get3A_241 = arith.index_cast %scan3A_65 : i32 to index
      %get3A_242 = arith.constant 288 : index
      %get3A_243 = tpu.vector_load %arg7[%get3A_241, %get3A_242] {strides = array<i32>} : memref<16x1024xf32, #tpu.memory_space<vmem>>, vector<1x16xf32>,
      %get3A_244 = vector.shape_cast %get3A_243 : vector<1x16xf32> to vector<16xf32>
      %mul3A_245 = arith.constant 3.200000e+01 : f32
      %mul3A_246 = vector.broadcast %mul3A_245 : f32 to vector<16xf32>
      %mul3A_247 = arith.mulf %get3A_244, %mul3A_246 : vector<16xf32>
      %swap3A_248 = arith.index_cast %scan3A_65 : i32 to index
      %swap3A_249 = arith.constant 160 : index
      %swap3A_250 = tpu.vector_load %arg10[%swap3A_248, %swap3A_249] {strides = array<i32>} : memref<16x1024xf32, #tpu.memory_space<vmem>>, vector<1x16xf32>,
      %swap3A_251 = vector.shape_cast %swap3A_250 : vector<1x16xf32> to vector<16xf32>
      %swap3A_252 = vector.shape_cast %mul3A_151 : vector<16xf32> to vector<1x16xf32>
      tpu.vector_store %arg10[%swap3A_248, %swap3A_249], %swap3A_252 {add = true, strides = array<i32>} : memref<16x1024xf32, #tpu.memory_space<vmem>>, vector<1x16xf32>,
      %get3A_253 = arith.index_cast %scan3A_65 : i32 to index
      %get3A_254 = arith.constant 304 : index
      %get3A_255 = tpu.vector_load %arg7[%get3A_253, %get3A_254] {strides = array<i32>} : memref<16x1024xf32, #tpu.memory_space<vmem>>, vector<1x16xf32>,
      %get3A_256 = vector.shape_cast %get3A_255 : vector<1x16xf32> to vector<16xf32>
      %mul3A_257 = arith.constant 3.200000e+01 : f32
      %mul3A_258 = vector.broadcast %mul3A_257 : f32 to vector<16xf32>
      %mul3A_259 = arith.mulf %get3A_256, %mul3A_258 : vector<16xf32>
      %swap3A_260 = arith.index_cast %scan3A_65 : i32 to index
      %swap3A_261 = arith.constant 176 : index
      %swap3A_262 = tpu.vector_load %arg10[%swap3A_260, %swap3A_261] {strides = array<i32>} : memref<16x1024xf32, #tpu.memory_space<vmem>>, vector<1x16xf32>,
      %swap3A_263 = vector.shape_cast %swap3A_262 : vector<1x16xf32> to vector<16xf32>
      %swap3A_264 = vector.shape_cast %mul3A_163 : vector<16xf32> to vector<1x16xf32>
      tpu.vector_store %arg10[%swap3A_260, %swap3A_261], %swap3A_264 {add = true, strides = array<i32>} : memref<16x1024xf32, #tpu.memory_space<vmem>>, vector<1x16xf32>,
      %get3A_265 = arith.index_cast %scan3A_65 : i32 to index
      %get3A_266 = arith.constant 320 : index
      %get3A_267 = tpu.vector_load %arg7[%get3A_265, %get3A_266] {strides = array<i32>} : memref<16x1024xf32, #tpu.memory_space<vmem>>, vector<1x16xf32>,
      %get3A_268 = vector.shape_cast %get3A_267 : vector<1x16xf32> to vector<16xf32>
      %mul3A_269 = arith.constant 3.200000e+01 : f32
      %mul3A_270 = vector.broadcast %mul3A_269 : f32 to vector<16xf32>
      %mul3A_271 = arith.mulf %get3A_268, %mul3A_270 : vector<16xf32>
      %swap3A_272 = arith.index_cast %scan3A_65 : i32 to index
      %swap3A_273 = arith.constant 192 : index
      %swap3A_274 = tpu.vector_load %arg10[%swap3A_272, %swap3A_273] {strides = array<i32>} : memref<16x1024xf32, #tpu.memory_space<vmem>>, vector<1x16xf32>,
      %swap3A_275 = vector.shape_cast %swap3A_274 : vector<1x16xf32> to vector<16xf32>
      %swap3A_276 = vector.shape_cast %mul3A_175 : vector<16xf32> to vector<1x16xf32>
      tpu.vector_store %arg10[%swap3A_272, %swap3A_273], %swap3A_276 {add = true, strides = array<i32>} : memref<16x1024xf32, #tpu.memory_space<vmem>>, vector<1x16xf32>,
      %get3A_277 = arith.index_cast %scan3A_65 : i32 to index
      %get3A_278 = arith.constant 336 : index
      %get3A_279 = tpu.vector_load %arg7[%get3A_277, %get3A_278] {strides = array<i32>} : memref<16x1024xf32, #tpu.memory_space<vmem>>, vector<1x16xf32>,
      %get3A_280 = vector.shape_cast %get3A_279 : vector<1x16xf32> to vector<16xf32>
      %mul3A_281 = arith.constant 3.200000e+01 : f32
      %mul3A_282 = vector.broadcast %mul3A_281 : f32 to vector<16xf32>
      %mul3A_283 = arith.mulf %get3A_280, %mul3A_282 : vector<16xf32>
      %swap3A_284 = arith.index_cast %scan3A_65 : i32 to index
      %swap3A_285 = arith.constant 208 : index
      %swap3A_286 = tpu.vector_load %arg10[%swap3A_284, %swap3A_285] {strides = array<i32>} : memref<16x1024xf32, #tpu.memory_space<vmem>>, vector<1x16xf32>,
      %swap3A_287 = vector.shape_cast %swap3A_286 : vector<1x16xf32> to vector<16xf32>
      %swap3A_288 = vector.shape_cast %mul3A_187 : vector<16xf32> to vector<1x16xf32>
      tpu.vector_store %arg10[%swap3A_284, %swap3A_285], %swap3A_288 {add = true, strides = array<i32>} : memref<16x1024xf32, #tpu.memory_space<vmem>>, vector<1x16xf32>,
      %get3A_289 = arith.index_cast %scan3A_65 : i32 to index
      %get3A_290 = arith.constant 352 : index
      %get3A_291 = tpu.vector_load %arg7[%get3A_289, %get3A_290] {strides = array<i32>} : memref<16x1024xf32, #tpu.memory_space<vmem>>, vector<1x16xf32>,
      %get3A_292 = vector.shape_cast %get3A_291 : vector<1x16xf32> to vector<16xf32>
      %mul3A_293 = arith.constant 3.200000e+01 : f32
      %mul3A_294 = vector.broadcast %mul3A_293 : f32 to vector<16xf32>
      %mul3A_295 = arith.mulf %get3A_292, %mul3A_294 : vector<16xf32>
      %swap3A_296 = arith.index_cast %scan3A_65 : i32 to index
      %swap3A_297 = arith.constant 224 : index
      %swap3A_298 = tpu.vector_load %arg10[%swap3A_296, %swap3A_297] {strides = array<i32>} : memref<16x1024xf32, #tpu.memory_space<vmem>>, vector<1x16xf32>,
      %swap3A_299 = vector.shape_cast %swap3A_298 : vector<1x16xf32> to vector<16xf32>
      %swap3A_300 = vector.shape_cast %mul3A_199 : vector<16xf32> to vector<1x16xf32>
      tpu.vector_store %arg10[%swap3A_296, %swap3A_297], %swap3A_300 {add = true, strides = array<i32>} : memref<16x1024xf32, #tpu.memory_space<vmem>>, vector<1x16xf32>,
      %get3A_301 = arith.index_cast %scan3A_65 : i32 to index
      %get3A_302 = arith.constant 368 : index
      %get3A_303 = tpu.vector_load %arg7[%get3A_301, %get3A_302] {strides = array<i32>} : memref<16x1024xf32, #tpu.memory_space<vmem>>, vector<1x16xf32>,
      %get3A_304 = vector.shape_cast %get3A_303 : vector<1x16xf32> to vector<16xf32>
      %mul3A_305 = arith.constant 3.200000e+01 : f32
      %mul3A_306 = vector.broadcast %mul3A_305 : f32 to vector<16xf32>
      %mul3A_307 = arith.mulf %get3A_304, %mul3A_306 : vector<16xf32>
      %swap3A_308 = arith.index_cast %scan3A_65 : i32 to index
      %swap3A_309 = arith.constant 240 : index
      %swap3A_310 = tpu.vector_load %arg10[%swap3A_308, %swap3A_309] {strides = array<i32>} : memref<16x1024xf32, #tpu.memory_space<vmem>>, vector<1x16xf32>,
      %swap3A_311 = vector.shape_cast %swap3A_310 : vector<1x16xf32> to vector<16xf32>
      %swap3A_312 = vector.shape_cast %mul3A_211 : vector<16xf32> to vector<1x16xf32>
      tpu.vector_store %arg10[%swap3A_308, %swap3A_309], %swap3A_312 {add = true, strides = array<i32>} : memref<16x1024xf32, #tpu.memory_space<vmem>>, vector<1x16xf32>,
      %get3A_313 = arith.index_cast %scan3A_65 : i32 to index
      %get3A_314 = arith.constant 384 : index
      %get3A_315 = tpu.vector_load %arg7[%get3A_313, %get3A_314] {strides = array<i32>} : memref<16x1024xf32, #tpu.memory_space<vmem>>, vector<1x16xf32>,
      %get3A_316 = vector.shape_cast %get3A_315 : vector<1x16xf32> to vector<16xf32>
      %mul3A_317 = arith.constant 3.200000e+01 : f32
      %mul3A_318 = vector.broadcast %mul3A_317 : f32 to vector<16xf32>
      %mul3A_319 = arith.mulf %get3A_316, %mul3A_318 : vector<16xf32>
      %swap3A_320 = arith.index_cast %scan3A_65 : i32 to index
      %swap3A_321 = arith.constant 256 : index
      %swap3A_322 = tpu.vector_load %arg10[%swap3A_320, %swap3A_321] {strides = array<i32>} : memref<16x1024xf32, #tpu.memory_space<vmem>>, vector<1x16xf32>,
      %swap3A_323 = vector.shape_cast %swap3A_322 : vector<1x16xf32> to vector<16xf32>
      %swap3A_324 = vector.shape_cast %mul3A_223 : vector<16xf32> to vector<1x16xf32>
      tpu.vector_store %arg10[%swap3A_320, %swap3A_321], %swap3A_324 {add = true, strides = array<i32>} : memref<16x1024xf32, #tpu.memory_space<vmem>>, vector<1x16xf32>,
      %get3A_325 = arith.index_cast %scan3A_65 : i32 to index
      %get3A_326 = arith.constant 400 : index
      %get3A_327 = tpu.vector_load %arg7[%get3A_325, %get3A_326] {strides = array<i32>} : memref<16x1024xf32, #tpu.memory_space<vmem>>, vector<1x16xf32>,
      %get3A_328 = vector.shape_cast %get3A_327 : vector<1x16xf32> to vector<16xf32>
      %mul3A_329 = arith.constant 3.200000e+01 : f32
      %mul3A_330 = vector.broadcast %mul3A_329 : f32 to vector<16xf32>
      %mul3A_331 = arith.mulf %get3A_328, %mul3A_330 : vector<16xf32>
      %swap3A_332 = arith.index_cast %scan3A_65 : i32 to index
      %swap3A_333 = arith.constant 272 : index
      %swap3A_334 = tpu.vector_load %arg10[%swap3A_332, %swap3A_333] {strides = array<i32>} : memref<16x1024xf32, #tpu.memory_space<vmem>>, vector<1x16xf32>,
      %swap3A_335 = vector.shape_cast %swap3A_334 : vector<1x16xf32> to vector<16xf32>
      %swap3A_336 = vector.shape_cast %mul3A_235 : vector<16xf32> to vector<1x16xf32>
      tpu.vector_store %arg10[%swap3A_332, %swap3A_333], %swap3A_336 {add = true, strides = array<i32>} : memref<16x1024xf32, #tpu.memory_space<vmem>>, vector<1x16xf32>,
      %get3A_337 = arith.index_cast %scan3A_65 : i32 to index
      %get3A_338 = arith.constant 416 : index
      %get3A_339 = tpu.vector_load %arg7[%get3A_337, %get3A_338] {strides = array<i32>} : memref<16x1024xf32, #tpu.memory_space<vmem>>, vector<1x16xf32>,
      %get3A_340 = vector.shape_cast %get3A_339 : vector<1x16xf32> to vector<16xf32>
      %mul3A_341 = arith.constant 3.200000e+01 : f32
      %mul3A_342 = vector.broadcast %mul3A_341 : f32 to vector<16xf32>
      %mul3A_343 = arith.mulf %get3A_340, %mul3A_342 : vector<16xf32>
      %swap3A_344 = arith.index_cast %scan3A_65 : i32 to index
      %swap3A_345 = arith.constant 288 : index
      %swap3A_346 = tpu.vector_load %arg10[%swap3A_344, %swap3A_345] {strides = array<i32>} : memref<16x1024xf32, #tpu.memory_space<vmem>>, vector<1x16xf32>,
      %swap3A_347 = vector.shape_cast %swap3A_346 : vector<1x16xf32> to vector<16xf32>
      %swap3A_348 = vector.shape_cast %mul3A_247 : vector<16xf32> to vector<1x16xf32>
      tpu.vector_store %arg10[%swap3A_344, %swap3A_345], %swap3A_348 {add = true, strides = array<i32>} : memref<16x1024xf32, #tpu.memory_space<vmem>>, vector<1x16xf32>,
      %get3A_349 = arith.index_cast %scan3A_65 : i32 to index
      %get3A_350 = arith.constant 432 : index
      %get3A_351 = tpu.vector_load %arg7[%get3A_349, %get3A_350] {strides = array<i32>} : memref<16x1024xf32, #tpu.memory_space<vmem>>, vector<1x16xf32>,
      %get3A_352 = vector.shape_cast %get3A_351 : vector<1x16xf32> to vector<16xf32>
      %mul3A_353 = arith.constant 3.200000e+01 : f32
      %mul3A_354 = vector.broadcast %mul3A_353 : f32 to vector<16xf32>
      %mul3A_355 = arith.mulf %get3A_352, %mul3A_354 : vector<16xf32>
      %swap3A_356 = arith.index_cast %scan3A_65 : i32 to index
      %swap3A_357 = arith.constant 304 : index
      %swap3A_358 = tpu.vector_load %arg10[%swap3A_356, %swap3A_357] {strides = array<i32>} : memref<16x1024xf32, #tpu.memory_space<vmem>>, vector<1x16xf32>,
      %swap3A_359 = vector.shape_cast %swap3A_358 : vector<1x16xf32> to vector<16xf32>
      %swap3A_360 = vector.shape_cast %mul3A_259 : vector<16xf32> to vector<1x16xf32>
      tpu.vector_store %arg10[%swap3A_356, %swap3A_357], %swap3A_360 {add = true, strides = array<i32>} : memref<16x1024xf32, #tpu.memory_space<vmem>>, vector<1x16xf32>,
      %get3A_361 = arith.index_cast %scan3A_65 : i32 to index
      %get3A_362 = arith.constant 448 : index
      %get3A_363 = tpu.vector_load %arg7[%get3A_361, %get3A_362] {strides = array<i32>} : memref<16x1024xf32, #tpu.memory_space<vmem>>, vector<1x16xf32>,
      %get3A_364 = vector.shape_cast %get3A_363 : vector<1x16xf32> to vector<16xf32>
      %mul3A_365 = arith.constant 3.200000e+01 : f32
      %mul3A_366 = vector.broadcast %mul3A_365 : f32 to vector<16xf32>
      %mul3A_367 = arith.mulf %get3A_364, %mul3A_366 : vector<16xf32>
      %swap3A_368 = arith.index_cast %scan3A_65 : i32 to index
      %swap3A_369 = arith.constant 320 : index
      %swap3A_370 = tpu.vector_load %arg10[%swap3A_368, %swap3A_369] {strides = array<i32>} : memref<16x1024xf32, #tpu.memory_space<vmem>>, vector<1x16xf32>,
      %swap3A_371 = vector.shape_cast %swap3A_370 : vector<1x16xf32> to vector<16xf32>
      %swap3A_372 = vector.shape_cast %mul3A_271 : vector<16xf32> to vector<1x16xf32>
      tpu.vector_store %arg10[%swap3A_368, %swap3A_369], %swap3A_372 {add = true, strides = array<i32>} : memref<16x1024xf32, #tpu.memory_space<vmem>>, vector<1x16xf32>,
      %get3A_373 = arith.index_cast %scan3A_65 : i32 to index
      %get3A_374 = arith.constant 464 : index
      %get3A_375 = tpu.vector_load %arg7[%get3A_373, %get3A_374] {strides = array<i32>} : memref<16x1024xf32, #tpu.memory_space<vmem>>, vector<1x16xf32>,
      %get3A_376 = vector.shape_cast %get3A_375 : vector<1x16xf32> to vector<16xf32>
      %mul3A_377 = arith.constant 3.200000e+01 : f32
      %mul3A_378 = vector.broadcast %mul3A_377 : f32 to vector<16xf32>
      %mul3A_379 = arith.mulf %get3A_376, %mul3A_378 : vector<16xf32>
      %swap3A_380 = arith.index_cast %scan3A_65 : i32 to index
      %swap3A_381 = arith.constant 336 : index
      %swap3A_382 = tpu.vector_load %arg10[%swap3A_380, %swap3A_381] {strides = array<i32>} : memref<16x1024xf32, #tpu.memory_space<vmem>>, vector<1x16xf32>,
      %swap3A_383 = vector.shape_cast %swap3A_382 : vector<1x16xf32> to vector<16xf32>
      %swap3A_384 = vector.shape_cast %mul3A_283 : vector<16xf32> to vector<1x16xf32>
      tpu.vector_store %arg10[%swap3A_380, %swap3A_381], %swap3A_384 {add = true, strides = array<i32>} : memref<16x1024xf32, #tpu.memory_space<vmem>>, vector<1x16xf32>,
      %get3A_385 = arith.index_cast %scan3A_65 : i32 to index
      %get3A_386 = arith.constant 480 : index
      %get3A_387 = tpu.vector_load %arg7[%get3A_385, %get3A_386] {strides = array<i32>} : memref<16x1024xf32, #tpu.memory_space<vmem>>, vector<1x16xf32>,
      %get3A_388 = vector.shape_cast %get3A_387 : vector<1x16xf32> to vector<16xf32>
      %mul3A_389 = arith.constant 3.200000e+01 : f32
      %mul3A_390 = vector.broadcast %mul3A_389 : f32 to vector<16xf32>
      %mul3A_391 = arith.mulf %get3A_388, %mul3A_390 : vector<16xf32>
      %swap3A_392 = arith.index_cast %scan3A_65 : i32 to index
      %swap3A_393 = arith.constant 352 : index
      %swap3A_394 = tpu.vector_load %arg10[%swap3A_392, %swap3A_393] {strides = array<i32>} : memref<16x1024xf32, #tpu.memory_space<vmem>>, vector<1x16xf32>,
      %swap3A_395 = vector.shape_cast %swap3A_394 : vector<1x16xf32> to vector<16xf32>
      %swap3A_396 = vector.shape_cast %mul3A_295 : vector<16xf32> to vector<1x16xf32>
      tpu.vector_store %arg10[%swap3A_392, %swap3A_393], %swap3A_396 {add = true, strides = array<i32>} : memref<16x1024xf32, #tpu.memory_space<vmem>>, vector<1x16xf32>,
      %get3A_397 = arith.index_cast %scan3A_65 : i32 to index
      %get3A_398 = arith.constant 496 : index
      %get3A_399 = tpu.vector_load %arg7[%get3A_397, %get3A_398] {strides = array<i32>} : memref<16x1024xf32, #tpu.memory_space<vmem>>, vector<1x16xf32>,
      %get3A_400 = vector.shape_cast %get3A_399 : vector<1x16xf32> to vector<16xf32>
      %mul3A_401 = arith.constant 3.200000e+01 : f32
      %mul3A_402 = vector.broadcast %mul3A_401 : f32 to vector<16xf32>
      %mul3A_403 = arith.mulf %get3A_400, %mul3A_402 : vector<16xf32>
      %swap3A_404 = arith.index_cast %scan3A_65 : i32 to index
      %swap3A_405 = arith.constant 368 : index
      %swap3A_406 = tpu.vector_load %arg10[%swap3A_404, %swap3A_405] {strides = array<i32>} : memref<16x1024xf32, #tpu.memory_space<vmem>>, vector<1x16xf32>,
      %swap3A_407 = vector.shape_cast %swap3A_406 : vector<1x16xf32> to vector<16xf32>
      %swap3A_408 = vector.shape_cast %mul3A_307 : vector<16xf32> to vector<1x16xf32>
      tpu.vector_store %arg10[%swap3A_404, %swap3A_405], %swap3A_408 {add = true, strides = array<i32>} : memref<16x1024xf32, #tpu.memory_space<vmem>>, vector<1x16xf32>,
      %get3A_409 = arith.index_cast %scan3A_65 : i32 to index
      %get3A_410 = arith.constant 512 : index
      %get3A_411 = tpu.vector_load %arg7[%get3A_409, %get3A_410] {strides = array<i32>} : memref<16x1024xf32, #tpu.memory_space<vmem>>, vector<1x16xf32>,
      %get3A_412 = vector.shape_cast %get3A_411 : vector<1x16xf32> to vector<16xf32>
      %mul3A_413 = arith.constant 3.200000e+01 : f32
      %mul3A_414 = vector.broadcast %mul3A_413 : f32 to vector<16xf32>
      %mul3A_415 = arith.mulf %get3A_412, %mul3A_414 : vector<16xf32>
      %swap3A_416 = arith.index_cast %scan3A_65 : i32 to index
      %swap3A_417 = arith.constant 384 : index
      %swap3A_418 = tpu.vector_load %arg10[%swap3A_416, %swap3A_417] {strides = array<i32>} : memref<16x1024xf32, #tpu.memory_space<vmem>>, vector<1x16xf32>,
      %swap3A_419 = vector.shape_cast %swap3A_418 : vector<1x16xf32> to vector<16xf32>
      %swap3A_420 = vector.shape_cast %mul3A_319 : vector<16xf32> to vector<1x16xf32>
      tpu.vector_store %arg10[%swap3A_416, %swap3A_417], %swap3A_420 {add = true, strides = array<i32>} : memref<16x1024xf32, #tpu.memory_space<vmem>>, vector<1x16xf32>,
      %get3A_421 = arith.index_cast %scan3A_65 : i32 to index
      %get3A_422 = arith.constant 528 : index
      %get3A_423 = tpu.vector_load %arg7[%get3A_421, %get3A_422] {strides = array<i32>} : memref<16x1024xf32, #tpu.memory_space<vmem>>, vector<1x16xf32>,
      %get3A_424 = vector.shape_cast %get3A_423 : vector<1x16xf32> to vector<16xf32>
      %mul3A_425 = arith.constant 3.200000e+01 : f32
      %mul3A_426 = vector.broadcast %mul3A_425 : f32 to vector<16xf32>
      %mul3A_427 = arith.mulf %get3A_424, %mul3A_426 : vector<16xf32>
      %swap3A_428 = arith.index_cast %scan3A_65 : i32 to index
      %swap3A_429 = arith.constant 400 : index
      %swap3A_430 = tpu.vector_load %arg10[%swap3A_428, %swap3A_429] {strides = array<i32>} : memref<16x1024xf32, #tpu.memory_space<vmem>>, vector<1x16xf32>,
      %swap3A_431 = vector.shape_cast %swap3A_430 : vector<1x16xf32> to vector<16xf32>
      %swap3A_432 = vector.shape_cast %mul3A_331 : vector<16xf32> to vector<1x16xf32>
      tpu.vector_store %arg10[%swap3A_428, %swap3A_429], %swap3A_432 {add = true, strides = array<i32>} : memref<16x1024xf32, #tpu.memory_space<vmem>>, vector<1x16xf32>,
      %get3A_433 = arith.index_cast %scan3A_65 : i32 to index
      %get3A_434 = arith.constant 544 : index
      %get3A_435 = tpu.vector_load %arg7[%get3A_433, %get3A_434] {strides = array<i32>} : memref<16x1024xf32, #tpu.memory_space<vmem>>, vector<1x16xf32>,
      %get3A_436 = vector.shape_cast %get3A_435 : vector<1x16xf32> to vector<16xf32>
      %mul3A_437 = arith.constant 3.200000e+01 : f32
      %mul3A_438 = vector.broadcast %mul3A_437 : f32 to vector<16xf32>
      %mul3A_439 = arith.mulf %get3A_436, %mul3A_438 : vector<16xf32>
      %swap3A_440 = arith.index_cast %scan3A_65 : i32 to index
      %swap3A_441 = arith.constant 416 : index
      %swap3A_442 = tpu.vector_load %arg10[%swap3A_440, %swap3A_441] {strides = array<i32>} : memref<16x1024xf32, #tpu.memory_space<vmem>>, vector<1x16xf32>,
      %swap3A_443 = vector.shape_cast %swap3A_442 : vector<1x16xf32> to vector<16xf32>
      %swap3A_444 = vector.shape_cast %mul3A_343 : vector<16xf32> to vector<1x16xf32>
      tpu.vector_store %arg10[%swap3A_440, %swap3A_441], %swap3A_444 {add = true, strides = array<i32>} : memref<16x1024xf32, #tpu.memory_space<vmem>>, vector<1x16xf32>,
      %get3A_445 = arith.index_cast %scan3A_65 : i32 to index
      %get3A_446 = arith.constant 560 : index
      %get3A_447 = tpu.vector_load %arg7[%get3A_445, %get3A_446] {strides = array<i32>} : memref<16x1024xf32, #tpu.memory_space<vmem>>, vector<1x16xf32>,
      %get3A_448 = vector.shape_cast %get3A_447 : vector<1x16xf32> to vector<16xf32>
      %mul3A_449 = arith.constant 3.200000e+01 : f32
      %mul3A_450 = vector.broadcast %mul3A_449 : f32 to vector<16xf32>
      %mul3A_451 = arith.mulf %get3A_448, %mul3A_450 : vector<16xf32>
      %swap3A_452 = arith.index_cast %scan3A_65 : i32 to index
      %swap3A_453 = arith.constant 432 : index
      %swap3A_454 = tpu.vector_load %arg10[%swap3A_452, %swap3A_453] {strides = array<i32>} : memref<16x1024xf32, #tpu.memory_space<vmem>>, vector<1x16xf32>,
      %swap3A_455 = vector.shape_cast %swap3A_454 : vector<1x16xf32> to vector<16xf32>
      %swap3A_456 = vector.shape_cast %mul3A_355 : vector<16xf32> to vector<1x16xf32>
      tpu.vector_store %arg10[%swap3A_452, %swap3A_453], %swap3A_456 {add = true, strides = array<i32>} : memref<16x1024xf32, #tpu.memory_space<vmem>>, vector<1x16xf32>,
      %get3A_457 = arith.index_cast %scan3A_65 : i32 to index
      %get3A_458 = arith.constant 576 : index
      %get3A_459 = tpu.vector_load %arg7[%get3A_457, %get3A_458] {strides = array<i32>} : memref<16x1024xf32, #tpu.memory_space<vmem>>, vector<1x16xf32>,
      %get3A_460 = vector.shape_cast %get3A_459 : vector<1x16xf32> to vector<16xf32>
      %mul3A_461 = arith.constant 3.200000e+01 : f32
      %mul3A_462 = vector.broadcast %mul3A_461 : f32 to vector<16xf32>
      %mul3A_463 = arith.mulf %get3A_460, %mul3A_462 : vector<16xf32>
      %swap3A_464 = arith.index_cast %scan3A_65 : i32 to index
      %swap3A_465 = arith.constant 448 : index
      %swap3A_466 = tpu.vector_load %arg10[%swap3A_464, %swap3A_465] {strides = array<i32>} : memref<16x1024xf32, #tpu.memory_space<vmem>>, vector<1x16xf32>,
      %swap3A_467 = vector.shape_cast %swap3A_466 : vector<1x16xf32> to vector<16xf32>
      %swap3A_468 = vector.shape_cast %mul3A_367 : vector<16xf32> to vector<1x16xf32>
      tpu.vector_store %arg10[%swap3A_464, %swap3A_465], %swap3A_468 {add = true, strides = array<i32>} : memref<16x1024xf32, #tpu.memory_space<vmem>>, vector<1x16xf32>,
      %get3A_469 = arith.index_cast %scan3A_65 : i32 to index
      %get3A_470 = arith.constant 592 : index
      %get3A_471 = tpu.vector_load %arg7[%get3A_469, %get3A_470] {strides = array<i32>} : memref<16x1024xf32, #tpu.memory_space<vmem>>, vector<1x16xf32>,
      %get3A_472 = vector.shape_cast %get3A_471 : vector<1x16xf32> to vector<16xf32>
      %mul3A_473 = arith.constant 3.200000e+01 : f32
      %mul3A_474 = vector.broadcast %mul3A_473 : f32 to vector<16xf32>
      %mul3A_475 = arith.mulf %get3A_472, %mul3A_474 : vector<16xf32>
      %swap3A_476 = arith.index_cast %scan3A_65 : i32 to index
      %swap3A_477 = arith.constant 464 : index
      %swap3A_478 = tpu.vector_load %arg10[%swap3A_476, %swap3A_477] {strides = array<i32>} : memref<16x1024xf32, #tpu.memory_space<vmem>>, vector<1x16xf32>,
      %swap3A_479 = vector.shape_cast %swap3A_478 : vector<1x16xf32> to vector<16xf32>
      %swap3A_480 = vector.shape_cast %mul3A_379 : vector<16xf32> to vector<1x16xf32>
      tpu.vector_store %arg10[%swap3A_476, %swap3A_477], %swap3A_480 {add = true, strides = array<i32>} : memref<16x1024xf32, #tpu.memory_space<vmem>>, vector<1x16xf32>,
      %get3A_481 = arith.index_cast %scan3A_65 : i32 to index
      %get3A_482 = arith.constant 608 : index
      %get3A_483 = tpu.vector_load %arg7[%get3A_481, %get3A_482] {strides = array<i32>} : memref<16x1024xf32, #tpu.memory_space<vmem>>, vector<1x16xf32>,
      %get3A_484 = vector.shape_cast %get3A_483 : vector<1x16xf32> to vector<16xf32>
      %mul3A_485 = arith.constant 3.200000e+01 : f32
      %mul3A_486 = vector.broadcast %mul3A_485 : f32 to vector<16xf32>
      %mul3A_487 = arith.mulf %get3A_484, %mul3A_486 : vector<16xf32>
      %swap3A_488 = arith.index_cast %scan3A_65 : i32 to index
      %swap3A_489 = arith.constant 480 : index
      %swap3A_490 = tpu.vector_load %arg10[%swap3A_488, %swap3A_489] {strides = array<i32>} : memref<16x1024xf32, #tpu.memory_space<vmem>>, vector<1x16xf32>,
      %swap3A_491 = vector.shape_cast %swap3A_490 : vector<1x16xf32> to vector<16xf32>
      %swap3A_492 = vector.shape_cast %mul3A_391 : vector<16xf32> to vector<1x16xf32>
      tpu.vector_store %arg10[%swap3A_488, %swap3A_489], %swap3A_492 {add = true, strides = array<i32>} : memref<16x1024xf32, #tpu.memory_space<vmem>>, vector<1x16xf32>,
      %get3A_493 = arith.index_cast %scan3A_65 : i32 to index
      %get3A_494 = arith.constant 624 : index
      %get3A_495 = tpu.vector_load %arg7[%get3A_493, %get3A_494] {strides = array<i32>} : memref<16x1024xf32, #tpu.memory_space<vmem>>, vector<1x16xf32>,
      %get3A_496 = vector.shape_cast %get3A_495 : vector<1x16xf32> to vector<16xf32>
      %mul3A_497 = arith.constant 3.200000e+01 : f32
      %mul3A_498 = vector.broadcast %mul3A_497 : f32 to vector<16xf32>
      %mul3A_499 = arith.mulf %get3A_496, %mul3A_498 : vector<16xf32>
      %swap3A_500 = arith.index_cast %scan3A_65 : i32 to index
      %swap3A_501 = arith.constant 496 : index
      %swap3A_502 = tpu.vector_load %arg10[%swap3A_500, %swap3A_501] {strides = array<i32>} : memref<16x1024xf32, #tpu.memory_space<vmem>>, vector<1x16xf32>,
      %swap3A_503 = vector.shape_cast %swap3A_502 : vector<1x16xf32> to vector<16xf32>
      %swap3A_504 = vector.shape_cast %mul3A_403 : vector<16xf32> to vector<1x16xf32>
      tpu.vector_store %arg10[%swap3A_500, %swap3A_501], %swap3A_504 {add = true, strides = array<i32>} : memref<16x1024xf32, #tpu.memory_space<vmem>>, vector<1x16xf32>,
      %get3A_505 = arith.index_cast %scan3A_65 : i32 to index
      %get3A_506 = arith.constant 640 : index
      %get3A_507 = tpu.vector_load %arg7[%get3A_505, %get3A_506] {strides = array<i32>} : memref<16x1024xf32, #tpu.memory_space<vmem>>, vector<1x16xf32>,
      %get3A_508 = vector.shape_cast %get3A_507 : vector<1x16xf32> to vector<16xf32>
      %mul3A_509 = arith.constant 3.200000e+01 : f32
      %mul3A_510 = vector.broadcast %mul3A_509 : f32 to vector<16xf32>
      %mul3A_511 = arith.mulf %get3A_508, %mul3A_510 : vector<16xf32>
      %swap3A_512 = arith.index_cast %scan3A_65 : i32 to index
      %swap3A_513 = arith.constant 512 : index
      %swap3A_514 = tpu.vector_load %arg10[%swap3A_512, %swap3A_513] {strides = array<i32>} : memref<16x1024xf32, #tpu.memory_space<vmem>>, vector<1x16xf32>,
      %swap3A_515 = vector.shape_cast %swap3A_514 : vector<1x16xf32> to vector<16xf32>
      %swap3A_516 = vector.shape_cast %mul3A_415 : vector<16xf32> to vector<1x16xf32>
      tpu.vector_store %arg10[%swap3A_512, %swap3A_513], %swap3A_516 {add = true, strides = array<i32>} : memref<16x1024xf32, #tpu.memory_space<vmem>>, vector<1x16xf32>,
      %get3A_517 = arith.index_cast %scan3A_65 : i32 to index
      %get3A_518 = arith.constant 656 : index
      %get3A_519 = tpu.vector_load %arg7[%get3A_517, %get3A_518] {strides = array<i32>} : memref<16x1024xf32, #tpu.memory_space<vmem>>, vector<1x16xf32>,
      %get3A_520 = vector.shape_cast %get3A_519 : vector<1x16xf32> to vector<16xf32>
      %mul3A_521 = arith.constant 3.200000e+01 : f32
      %mul3A_522 = vector.broadcast %mul3A_521 : f32 to vector<16xf32>
      %mul3A_523 = arith.mulf %get3A_520, %mul3A_522 : vector<16xf32>
      %swap3A_524 = arith.index_cast %scan3A_65 : i32 to index
      %swap3A_525 = arith.constant 528 : index
      %swap3A_526 = tpu.vector_load %arg10[%swap3A_524, %swap3A_525] {strides = array<i32>} : memref<16x1024xf32, #tpu.memory_space<vmem>>, vector<1x16xf32>,
      %swap3A_527 = vector.shape_cast %swap3A_526 : vector<1x16xf32> to vector<16xf32>
      %swap3A_528 = vector.shape_cast %mul3A_427 : vector<16xf32> to vector<1x16xf32>
      tpu.vector_store %arg10[%swap3A_524, %swap3A_525], %swap3A_528 {add = true, strides = array<i32>} : memref<16x1024xf32, #tpu.memory_space<vmem>>, vector<1x16xf32>,
      %get3A_529 = arith.index_cast %scan3A_65 : i32 to index
      %get3A_530 = arith.constant 672 : index
      %get3A_531 = tpu.vector_load %arg7[%get3A_529, %get3A_530] {strides = array<i32>} : memref<16x1024xf32, #tpu.memory_space<vmem>>, vector<1x16xf32>,
      %get3A_532 = vector.shape_cast %get3A_531 : vector<1x16xf32> to vector<16xf32>
      %mul3A_533 = arith.constant 3.200000e+01 : f32
      %mul3A_534 = vector.broadcast %mul3A_533 : f32 to vector<16xf32>
      %mul3A_535 = arith.mulf %get3A_532, %mul3A_534 : vector<16xf32>
      %swap3A_536 = arith.index_cast %scan3A_65 : i32 to index
      %swap3A_537 = arith.constant 544 : index
      %swap3A_538 = tpu.vector_load %arg10[%swap3A_536, %swap3A_537] {strides = array<i32>} : memref<16x1024xf32, #tpu.memory_space<vmem>>, vector<1x16xf32>,
      %swap3A_539 = vector.shape_cast %swap3A_538 : vector<1x16xf32> to vector<16xf32>
      %swap3A_540 = vector.shape_cast %mul3A_439 : vector<16xf32> to vector<1x16xf32>
      tpu.vector_store %arg10[%swap3A_536, %swap3A_537], %swap3A_540 {add = true, strides = array<i32>} : memref<16x1024xf32, #tpu.memory_space<vmem>>, vector<1x16xf32>,
      %get3A_541 = arith.index_cast %scan3A_65 : i32 to index
      %get3A_542 = arith.constant 688 : index
      %get3A_543 = tpu.vector_load %arg7[%get3A_541, %get3A_542] {strides = array<i32>} : memref<16x1024xf32, #tpu.memory_space<vmem>>, vector<1x16xf32>,
      %get3A_544 = vector.shape_cast %get3A_543 : vector<1x16xf32> to vector<16xf32>
      %mul3A_545 = arith.constant 3.200000e+01 : f32
      %mul3A_546 = vector.broadcast %mul3A_545 : f32 to vector<16xf32>
      %mul3A_547 = arith.mulf %get3A_544, %mul3A_546 : vector<16xf32>
      %swap3A_548 = arith.index_cast %scan3A_65 : i32 to index
      %swap3A_549 = arith.constant 560 : index
      %swap3A_550 = tpu.vector_load %arg10[%swap3A_548, %swap3A_549] {strides = array<i32>} : memref<16x1024xf32, #tpu.memory_space<vmem>>, vector<1x16xf32>,
      %swap3A_551 = vector.shape_cast %swap3A_550 : vector<1x16xf32> to vector<16xf32>
      %swap3A_552 = vector.shape_cast %mul3A_451 : vector<16xf32> to vector<1x16xf32>
      tpu.vector_store %arg10[%swap3A_548, %swap3A_549], %swap3A_552 {add = true, strides = array<i32>} : memref<16x1024xf32, #tpu.memory_space<vmem>>, vector<1x16xf32>,
      %get3A_553 = arith.index_cast %scan3A_65 : i32 to index
      %get3A_554 = arith.constant 704 : index
      %get3A_555 = tpu.vector_load %arg7[%get3A_553, %get3A_554] {strides = array<i32>} : memref<16x1024xf32, #tpu.memory_space<vmem>>, vector<1x16xf32>,
      %get3A_556 = vector.shape_cast %get3A_555 : vector<1x16xf32> to vector<16xf32>
      %mul3A_557 = arith.constant 3.200000e+01 : f32
      %mul3A_558 = vector.broadcast %mul3A_557 : f32 to vector<16xf32>
      %mul3A_559 = arith.mulf %get3A_556, %mul3A_558 : vector<16xf32>
      %swap3A_560 = arith.index_cast %scan3A_65 : i32 to index
      %swap3A_561 = arith.constant 576 : index
      %swap3A_562 = tpu.vector_load %arg10[%swap3A_560, %swap3A_561] {strides = array<i32>} : memref<16x1024xf32, #tpu.memory_space<vmem>>, vector<1x16xf32>,
      %swap3A_563 = vector.shape_cast %swap3A_562 : vector<1x16xf32> to vector<16xf32>
      %swap3A_564 = vector.shape_cast %mul3A_463 : vector<16xf32> to vector<1x16xf32>
      tpu.vector_store %arg10[%swap3A_560, %swap3A_561], %swap3A_564 {add = true, strides = array<i32>} : memref<16x1024xf32, #tpu.memory_space<vmem>>, vector<1x16xf32>,
      %get3A_565 = arith.index_cast %scan3A_65 : i32 to index
      %get3A_566 = arith.constant 720 : index
      %get3A_567 = tpu.vector_load %arg7[%get3A_565, %get3A_566] {strides = array<i32>} : memref<16x1024xf32, #tpu.memory_space<vmem>>, vector<1x16xf32>,
      %get3A_568 = vector.shape_cast %get3A_567 : vector<1x16xf32> to vector<16xf32>
      %mul3A_569 = arith.constant 3.200000e+01 : f32
      %mul3A_570 = vector.broadcast %mul3A_569 : f32 to vector<16xf32>
      %mul3A_571 = arith.mulf %get3A_568, %mul3A_570 : vector<16xf32>
      %swap3A_572 = arith.index_cast %scan3A_65 : i32 to index
      %swap3A_573 = arith.constant 592 : index
      %swap3A_574 = tpu.vector_load %arg10[%swap3A_572, %swap3A_573] {strides = array<i32>} : memref<16x1024xf32, #tpu.memory_space<vmem>>, vector<1x16xf32>,
      %swap3A_575 = vector.shape_cast %swap3A_574 : vector<1x16xf32> to vector<16xf32>
      %swap3A_576 = vector.shape_cast %mul3A_475 : vector<16xf32> to vector<1x16xf32>
      tpu.vector_store %arg10[%swap3A_572, %swap3A_573], %swap3A_576 {add = true, strides = array<i32>} : memref<16x1024xf32, #tpu.memory_space<vmem>>, vector<1x16xf32>,
      %get3A_577 = arith.index_cast %scan3A_65 : i32 to index
      %get3A_578 = arith.constant 736 : index
      %get3A_579 = tpu.vector_load %arg7[%get3A_577, %get3A_578] {strides = array<i32>} : memref<16x1024xf32, #tpu.memory_space<vmem>>, vector<1x16xf32>,
      %get3A_580 = vector.shape_cast %get3A_579 : vector<1x16xf32> to vector<16xf32>
      %mul3A_581 = arith.constant 3.200000e+01 : f32
      %mul3A_582 = vector.broadcast %mul3A_581 : f32 to vector<16xf32>
      %mul3A_583 = arith.mulf %get3A_580, %mul3A_582 : vector<16xf32>
      %swap3A_584 = arith.index_cast %scan3A_65 : i32 to index
      %swap3A_585 = arith.constant 608 : index
      %swap3A_586 = tpu.vector_load %arg10[%swap3A_584, %swap3A_585] {strides = array<i32>} : memref<16x1024xf32, #tpu.memory_space<vmem>>, vector<1x16xf32>,
      %swap3A_587 = vector.shape_cast %swap3A_586 : vector<1x16xf32> to vector<16xf32>
      %swap3A_588 = vector.shape_cast %mul3A_487 : vector<16xf32> to vector<1x16xf32>
      tpu.vector_store %arg10[%swap3A_584, %swap3A_585], %swap3A_588 {add = true, strides = array<i32>} : memref<16x1024xf32, #tpu.memory_space<vmem>>, vector<1x16xf32>,
      %get3A_589 = arith.index_cast %scan3A_65 : i32 to index
      %get3A_590 = arith.constant 752 : index
      %get3A_591 = tpu.vector_load %arg7[%get3A_589, %get3A_590] {strides = array<i32>} : memref<16x1024xf32, #tpu.memory_space<vmem>>, vector<1x16xf32>,
      %get3A_592 = vector.shape_cast %get3A_591 : vector<1x16xf32> to vector<16xf32>
      %mul3A_593 = arith.constant 3.200000e+01 : f32
      %mul3A_594 = vector.broadcast %mul3A_593 : f32 to vector<16xf32>
      %mul3A_595 = arith.mulf %get3A_592, %mul3A_594 : vector<16xf32>
      %swap3A_596 = arith.index_cast %scan3A_65 : i32 to index
      %swap3A_597 = arith.constant 624 : index
      %swap3A_598 = tpu.vector_load %arg10[%swap3A_596, %swap3A_597] {strides = array<i32>} : memref<16x1024xf32, #tpu.memory_space<vmem>>, vector<1x16xf32>,
      %swap3A_599 = vector.shape_cast %swap3A_598 : vector<1x16xf32> to vector<16xf32>
      %swap3A_600 = vector.shape_cast %mul3A_499 : vector<16xf32> to vector<1x16xf32>
      tpu.vector_store %arg10[%swap3A_596, %swap3A_597], %swap3A_600 {add = true, strides = array<i32>} : memref<16x1024xf32, #tpu.memory_space<vmem>>, vector<1x16xf32>,
      %get3A_601 = arith.index_cast %scan3A_65 : i32 to index
      %get3A_602 = arith.constant 768 : index
      %get3A_603 = tpu.vector_load %arg7[%get3A_601, %get3A_602] {strides = array<i32>} : memref<16x1024xf32, #tpu.memory_space<vmem>>, vector<1x16xf32>,
      %get3A_604 = vector.shape_cast %get3A_603 : vector<1x16xf32> to vector<16xf32>
      %mul3A_605 = arith.constant 3.200000e+01 : f32
      %mul3A_606 = vector.broadcast %mul3A_605 : f32 to vector<16xf32>
      %mul3A_607 = arith.mulf %get3A_604, %mul3A_606 : vector<16xf32>
      %swap3A_608 = arith.index_cast %scan3A_65 : i32 to index
      %swap3A_609 = arith.constant 640 : index
      %swap3A_610 = tpu.vector_load %arg10[%swap3A_608, %swap3A_609] {strides = array<i32>} : memref<16x1024xf32, #tpu.memory_space<vmem>>, vector<1x16xf32>,
      %swap3A_611 = vector.shape_cast %swap3A_610 : vector<1x16xf32> to vector<16xf32>
      %swap3A_612 = vector.shape_cast %mul3A_511 : vector<16xf32> to vector<1x16xf32>
      tpu.vector_store %arg10[%swap3A_608, %swap3A_609], %swap3A_612 {add = true, strides = array<i32>} : memref<16x1024xf32, #tpu.memory_space<vmem>>, vector<1x16xf32>,
      %get3A_613 = arith.index_cast %scan3A_65 : i32 to index
      %get3A_614 = arith.constant 784 : index
      %get3A_615 = tpu.vector_load %arg7[%get3A_613, %get3A_614] {strides = array<i32>} : memref<16x1024xf32, #tpu.memory_space<vmem>>, vector<1x16xf32>,
      %get3A_616 = vector.shape_cast %get3A_615 : vector<1x16xf32> to vector<16xf32>
      %mul3A_617 = arith.constant 3.200000e+01 : f32
      %mul3A_618 = vector.broadcast %mul3A_617 : f32 to vector<16xf32>
      %mul3A_619 = arith.mulf %get3A_616, %mul3A_618 : vector<16xf32>
      %swap3A_620 = arith.index_cast %scan3A_65 : i32 to index
      %swap3A_621 = arith.constant 656 : index
      %swap3A_622 = tpu.vector_load %arg10[%swap3A_620, %swap3A_621] {strides = array<i32>} : memref<16x1024xf32, #tpu.memory_space<vmem>>, vector<1x16xf32>,
      %swap3A_623 = vector.shape_cast %swap3A_622 : vector<1x16xf32> to vector<16xf32>
      %swap3A_624 = vector.shape_cast %mul3A_523 : vector<16xf32> to vector<1x16xf32>
      tpu.vector_store %arg10[%swap3A_620, %swap3A_621], %swap3A_624 {add = true, strides = array<i32>} : memref<16x1024xf32, #tpu.memory_space<vmem>>, vector<1x16xf32>,
      %get3A_625 = arith.index_cast %scan3A_65 : i32 to index
      %get3A_626 = arith.constant 800 : index
      %get3A_627 = tpu.vector_load %arg7[%get3A_625, %get3A_626] {strides = array<i32>} : memref<16x1024xf32, #tpu.memory_space<vmem>>, vector<1x16xf32>,
      %get3A_628 = vector.shape_cast %get3A_627 : vector<1x16xf32> to vector<16xf32>
      %mul3A_629 = arith.constant 3.200000e+01 : f32
      %mul3A_630 = vector.broadcast %mul3A_629 : f32 to vector<16xf32>
      %mul3A_631 = arith.mulf %get3A_628, %mul3A_630 : vector<16xf32>
      %swap3A_632 = arith.index_cast %scan3A_65 : i32 to index
      %swap3A_633 = arith.constant 672 : index
      %swap3A_634 = tpu.vector_load %arg10[%swap3A_632, %swap3A_633] {strides = array<i32>} : memref<16x1024xf32, #tpu.memory_space<vmem>>, vector<1x16xf32>,
      %swap3A_635 = vector.shape_cast %swap3A_634 : vector<1x16xf32> to vector<16xf32>
      %swap3A_636 = vector.shape_cast %mul3A_535 : vector<16xf32> to vector<1x16xf32>
      tpu.vector_store %arg10[%swap3A_632, %swap3A_633], %swap3A_636 {add = true, strides = array<i32>} : memref<16x1024xf32, #tpu.memory_space<vmem>>, vector<1x16xf32>,
      %get3A_637 = arith.index_cast %scan3A_65 : i32 to index
      %get3A_638 = arith.constant 816 : index
      %get3A_639 = tpu.vector_load %arg7[%get3A_637, %get3A_638] {strides = array<i32>} : memref<16x1024xf32, #tpu.memory_space<vmem>>, vector<1x16xf32>,
      %get3A_640 = vector.shape_cast %get3A_639 : vector<1x16xf32> to vector<16xf32>
      %mul3A_641 = arith.constant 3.200000e+01 : f32
      %mul3A_642 = vector.broadcast %mul3A_641 : f32 to vector<16xf32>
      %mul3A_643 = arith.mulf %get3A_640, %mul3A_642 : vector<16xf32>
      %swap3A_644 = arith.index_cast %scan3A_65 : i32 to index
      %swap3A_645 = arith.constant 688 : index
      %swap3A_646 = tpu.vector_load %arg10[%swap3A_644, %swap3A_645] {strides = array<i32>} : memref<16x1024xf32, #tpu.memory_space<vmem>>, vector<1x16xf32>,
      %swap3A_647 = vector.shape_cast %swap3A_646 : vector<1x16xf32> to vector<16xf32>
      %swap3A_648 = vector.shape_cast %mul3A_547 : vector<16xf32> to vector<1x16xf32>
      tpu.vector_store %arg10[%swap3A_644, %swap3A_645], %swap3A_648 {add = true, strides = array<i32>} : memref<16x1024xf32, #tpu.memory_space<vmem>>, vector<1x16xf32>,
      %get3A_649 = arith.index_cast %scan3A_65 : i32 to index
      %get3A_650 = arith.constant 832 : index
      %get3A_651 = tpu.vector_load %arg7[%get3A_649, %get3A_650] {strides = array<i32>} : memref<16x1024xf32, #tpu.memory_space<vmem>>, vector<1x16xf32>,
      %get3A_652 = vector.shape_cast %get3A_651 : vector<1x16xf32> to vector<16xf32>
      %mul3A_653 = arith.constant 3.200000e+01 : f32
      %mul3A_654 = vector.broadcast %mul3A_653 : f32 to vector<16xf32>
      %mul3A_655 = arith.mulf %get3A_652, %mul3A_654 : vector<16xf32>
      %swap3A_656 = arith.index_cast %scan3A_65 : i32 to index
      %swap3A_657 = arith.constant 704 : index
      %swap3A_658 = tpu.vector_load %arg10[%swap3A_656, %swap3A_657] {strides = array<i32>} : memref<16x1024xf32, #tpu.memory_space<vmem>>, vector<1x16xf32>,
      %swap3A_659 = vector.shape_cast %swap3A_658 : vector<1x16xf32> to vector<16xf32>
      %swap3A_660 = vector.shape_cast %mul3A_559 : vector<16xf32> to vector<1x16xf32>
      tpu.vector_store %arg10[%swap3A_656, %swap3A_657], %swap3A_660 {add = true, strides = array<i32>} : memref<16x1024xf32, #tpu.memory_space<vmem>>, vector<1x16xf32>,
      %get3A_661 = arith.index_cast %scan3A_65 : i32 to index
      %get3A_662 = arith.constant 848 : index
      %get3A_663 = tpu.vector_load %arg7[%get3A_661, %get3A_662] {strides = array<i32>} : memref<16x1024xf32, #tpu.memory_space<vmem>>, vector<1x16xf32>,
      %get3A_664 = vector.shape_cast %get3A_663 : vector<1x16xf32> to vector<16xf32>
      %mul3A_665 = arith.constant 3.200000e+01 : f32
      %mul3A_666 = vector.broadcast %mul3A_665 : f32 to vector<16xf32>
      %mul3A_667 = arith.mulf %get3A_664, %mul3A_666 : vector<16xf32>
      %swap3A_668 = arith.index_cast %scan3A_65 : i32 to index
      %swap3A_669 = arith.constant 720 : index
      %swap3A_670 = tpu.vector_load %arg10[%swap3A_668, %swap3A_669] {strides = array<i32>} : memref<16x1024xf32, #tpu.memory_space<vmem>>, vector<1x16xf32>,
      %swap3A_671 = vector.shape_cast %swap3A_670 : vector<1x16xf32> to vector<16xf32>
      %swap3A_672 = vector.shape_cast %mul3A_571 : vector<16xf32> to vector<1x16xf32>
      tpu.vector_store %arg10[%swap3A_668, %swap3A_669], %swap3A_672 {add = true, strides = array<i32>} : memref<16x1024xf32, #tpu.memory_space<vmem>>, vector<1x16xf32>,
      %get3A_673 = arith.index_cast %scan3A_65 : i32 to index
      %get3A_674 = arith.constant 864 : index
      %get3A_675 = tpu.vector_load %arg7[%get3A_673, %get3A_674] {strides = array<i32>} : memref<16x1024xf32, #tpu.memory_space<vmem>>, vector<1x16xf32>,
      %get3A_676 = vector.shape_cast %get3A_675 : vector<1x16xf32> to vector<16xf32>
      %mul3A_677 = arith.constant 3.200000e+01 : f32
      %mul3A_678 = vector.broadcast %mul3A_677 : f32 to vector<16xf32>
      %mul3A_679 = arith.mulf %get3A_676, %mul3A_678 : vector<16xf32>
      %swap3A_680 = arith.index_cast %scan3A_65 : i32 to index
      %swap3A_681 = arith.constant 736 : index
      %swap3A_682 = tpu.vector_load %arg10[%swap3A_680, %swap3A_681] {strides = array<i32>} : memref<16x1024xf32, #tpu.memory_space<vmem>>, vector<1x16xf32>,
      %swap3A_683 = vector.shape_cast %swap3A_682 : vector<1x16xf32> to vector<16xf32>
      %swap3A_684 = vector.shape_cast %mul3A_583 : vector<16xf32> to vector<1x16xf32>
      tpu.vector_store %arg10[%swap3A_680, %swap3A_681], %swap3A_684 {add = true, strides = array<i32>} : memref<16x1024xf32, #tpu.memory_space<vmem>>, vector<1x16xf32>,
      %get3A_685 = arith.index_cast %scan3A_65 : i32 to index
      %get3A_686 = arith.constant 880 : index
      %get3A_687 = tpu.vector_load %arg7[%get3A_685, %get3A_686] {strides = array<i32>} : memref<16x1024xf32, #tpu.memory_space<vmem>>, vector<1x16xf32>,
      %get3A_688 = vector.shape_cast %get3A_687 : vector<1x16xf32> to vector<16xf32>
      %mul3A_689 = arith.constant 3.200000e+01 : f32
      %mul3A_690 = vector.broadcast %mul3A_689 : f32 to vector<16xf32>
      %mul3A_691 = arith.mulf %get3A_688, %mul3A_690 : vector<16xf32>
      %swap3A_692 = arith.index_cast %scan3A_65 : i32 to index
      %swap3A_693 = arith.constant 752 : index
      %swap3A_694 = tpu.vector_load %arg10[%swap3A_692, %swap3A_693] {strides = array<i32>} : memref<16x1024xf32, #tpu.memory_space<vmem>>, vector<1x16xf32>,
      %swap3A_695 = vector.shape_cast %swap3A_694 : vector<1x16xf32> to vector<16xf32>
      %swap3A_696 = vector.shape_cast %mul3A_595 : vector<16xf32> to vector<1x16xf32>
      tpu.vector_store %arg10[%swap3A_692, %swap3A_693], %swap3A_696 {add = true, strides = array<i32>} : memref<16x1024xf32, #tpu.memory_space<vmem>>, vector<1x16xf32>,
      %get3A_697 = arith.index_cast %scan3A_65 : i32 to index
      %get3A_698 = arith.constant 896 : index
      %get3A_699 = tpu.vector_load %arg7[%get3A_697, %get3A_698] {strides = array<i32>} : memref<16x1024xf32, #tpu.memory_space<vmem>>, vector<1x16xf32>,
      %get3A_700 = vector.shape_cast %get3A_699 : vector<1x16xf32> to vector<16xf32>
      %mul3A_701 = arith.constant 3.200000e+01 : f32
      %mul3A_702 = vector.broadcast %mul3A_701 : f32 to vector<16xf32>
      %mul3A_703 = arith.mulf %get3A_700, %mul3A_702 : vector<16xf32>
      %swap3A_704 = arith.index_cast %scan3A_65 : i32 to index
      %swap3A_705 = arith.constant 768 : index
      %swap3A_706 = tpu.vector_load %arg10[%swap3A_704, %swap3A_705] {strides = array<i32>} : memref<16x1024xf32, #tpu.memory_space<vmem>>, vector<1x16xf32>,
      %swap3A_707 = vector.shape_cast %swap3A_706 : vector<1x16xf32> to vector<16xf32>
      %swap3A_708 = vector.shape_cast %mul3A_607 : vector<16xf32> to vector<1x16xf32>
      tpu.vector_store %arg10[%swap3A_704, %swap3A_705], %swap3A_708 {add = true, strides = array<i32>} : memref<16x1024xf32, #tpu.memory_space<vmem>>, vector<1x16xf32>,
      %get3A_709 = arith.index_cast %scan3A_65 : i32 to index
      %get3A_710 = arith.constant 912 : index
      %get3A_711 = tpu.vector_load %arg7[%get3A_709, %get3A_710] {strides = array<i32>} : memref<16x1024xf32, #tpu.memory_space<vmem>>, vector<1x16xf32>,
      %get3A_712 = vector.shape_cast %get3A_711 : vector<1x16xf32> to vector<16xf32>
      %mul3A_713 = arith.constant 3.200000e+01 : f32
      %mul3A_714 = vector.broadcast %mul3A_713 : f32 to vector<16xf32>
      %mul3A_715 = arith.mulf %get3A_712, %mul3A_714 : vector<16xf32>
      %swap3A_716 = arith.index_cast %scan3A_65 : i32 to index
      %swap3A_717 = arith.constant 784 : index
      %swap3A_718 = tpu.vector_load %arg10[%swap3A_716, %swap3A_717] {strides = array<i32>} : memref<16x1024xf32, #tpu.memory_space<vmem>>, vector<1x16xf32>,
      %swap3A_719 = vector.shape_cast %swap3A_718 : vector<1x16xf32> to vector<16xf32>
      %swap3A_720 = vector.shape_cast %mul3A_619 : vector<16xf32> to vector<1x16xf32>
      tpu.vector_store %arg10[%swap3A_716, %swap3A_717], %swap3A_720 {add = true, strides = array<i32>} : memref<16x1024xf32, #tpu.memory_space<vmem>>, vector<1x16xf32>,
      %get3A_721 = arith.index_cast %scan3A_65 : i32 to index
      %get3A_722 = arith.constant 928 : index
      %get3A_723 = tpu.vector_load %arg7[%get3A_721, %get3A_722] {strides = array<i32>} : memref<16x1024xf32, #tpu.memory_space<vmem>>, vector<1x16xf32>,
      %get3A_724 = vector.shape_cast %get3A_723 : vector<1x16xf32> to vector<16xf32>
      %mul3A_725 = arith.constant 3.200000e+01 : f32
      %mul3A_726 = vector.broadcast %mul3A_725 : f32 to vector<16xf32>
      %mul3A_727 = arith.mulf %get3A_724, %mul3A_726 : vector<16xf32>
      %swap3A_728 = arith.index_cast %scan3A_65 : i32 to index
      %swap3A_729 = arith.constant 800 : index
      %swap3A_730 = tpu.vector_load %arg10[%swap3A_728, %swap3A_729] {strides = array<i32>} : memref<16x1024xf32, #tpu.memory_space<vmem>>, vector<1x16xf32>,
      %swap3A_731 = vector.shape_cast %swap3A_730 : vector<1x16xf32> to vector<16xf32>
      %swap3A_732 = vector.shape_cast %mul3A_631 : vector<16xf32> to vector<1x16xf32>
      tpu.vector_store %arg10[%swap3A_728, %swap3A_729], %swap3A_732 {add = true, strides = array<i32>} : memref<16x1024xf32, #tpu.memory_space<vmem>>, vector<1x16xf32>,
      %get3A_733 = arith.index_cast %scan3A_65 : i32 to index
      %get3A_734 = arith.constant 944 : index
      %get3A_735 = tpu.vector_load %arg7[%get3A_733, %get3A_734] {strides = array<i32>} : memref<16x1024xf32, #tpu.memory_space<vmem>>, vector<1x16xf32>,
      %get3A_736 = vector.shape_cast %get3A_735 : vector<1x16xf32> to vector<16xf32>
      %mul3A_737 = arith.constant 3.200000e+01 : f32
      %mul3A_738 = vector.broadcast %mul3A_737 : f32 to vector<16xf32>
      %mul3A_739 = arith.mulf %get3A_736, %mul3A_738 : vector<16xf32>
      %swap3A_740 = arith.index_cast %scan3A_65 : i32 to index
      %swap3A_741 = arith.constant 816 : index
      %swap3A_742 = tpu.vector_load %arg10[%swap3A_740, %swap3A_741] {strides = array<i32>} : memref<16x1024xf32, #tpu.memory_space<vmem>>, vector<1x16xf32>,
      %swap3A_743 = vector.shape_cast %swap3A_742 : vector<1x16xf32> to vector<16xf32>
      %swap3A_744 = vector.shape_cast %mul3A_643 : vector<16xf32> to vector<1x16xf32>
      tpu.vector_store %arg10[%swap3A_740, %swap3A_741], %swap3A_744 {add = true, strides = array<i32>} : memref<16x1024xf32, #tpu.memory_space<vmem>>, vector<1x16xf32>,
      %get3A_745 = arith.index_cast %scan3A_65 : i32 to index
      %get3A_746 = arith.constant 960 : index
      %get3A_747 = tpu.vector_load %arg7[%get3A_745, %get3A_746] {strides = array<i32>} : memref<16x1024xf32, #tpu.memory_space<vmem>>, vector<1x16xf32>,
      %get3A_748 = vector.shape_cast %get3A_747 : vector<1x16xf32> to vector<16xf32>
      %mul3A_749 = arith.constant 3.200000e+01 : f32
      %mul3A_750 = vector.broadcast %mul3A_749 : f32 to vector<16xf32>
      %mul3A_751 = arith.mulf %get3A_748, %mul3A_750 : vector<16xf32>
      %swap3A_752 = arith.index_cast %scan3A_65 : i32 to index
      %swap3A_753 = arith.constant 832 : index
      %swap3A_754 = tpu.vector_load %arg10[%swap3A_752, %swap3A_753] {strides = array<i32>} : memref<16x1024xf32, #tpu.memory_space<vmem>>, vector<1x16xf32>,
      %swap3A_755 = vector.shape_cast %swap3A_754 : vector<1x16xf32> to vector<16xf32>
      %swap3A_756 = vector.shape_cast %mul3A_655 : vector<16xf32> to vector<1x16xf32>
      tpu.vector_store %arg10[%swap3A_752, %swap3A_753], %swap3A_756 {add = true, strides = array<i32>} : memref<16x1024xf32, #tpu.memory_space<vmem>>, vector<1x16xf32>,
      %get3A_757 = arith.index_cast %scan3A_65 : i32 to index
      %get3A_758 = arith.constant 976 : index
      %get3A_759 = tpu.vector_load %arg7[%get3A_757, %get3A_758] {strides = array<i32>} : memref<16x1024xf32, #tpu.memory_space<vmem>>, vector<1x16xf32>,
      %get3A_760 = vector.shape_cast %get3A_759 : vector<1x16xf32> to vector<16xf32>
      %mul3A_761 = arith.constant 3.200000e+01 : f32
      %mul3A_762 = vector.broadcast %mul3A_761 : f32 to vector<16xf32>
      %mul3A_763 = arith.mulf %get3A_760, %mul3A_762 : vector<16xf32>
      %swap3A_764 = arith.index_cast %scan3A_65 : i32 to index
      %swap3A_765 = arith.constant 848 : index
      %swap3A_766 = tpu.vector_load %arg10[%swap3A_764, %swap3A_765] {strides = array<i32>} : memref<16x1024xf32, #tpu.memory_space<vmem>>, vector<1x16xf32>,
      %swap3A_767 = vector.shape_cast %swap3A_766 : vector<1x16xf32> to vector<16xf32>
      %swap3A_768 = vector.shape_cast %mul3A_667 : vector<16xf32> to vector<1x16xf32>
      tpu.vector_store %arg10[%swap3A_764, %swap3A_765], %swap3A_768 {add = true, strides = array<i32>} : memref<16x1024xf32, #tpu.memory_space<vmem>>, vector<1x16xf32>,
      %get3A_769 = arith.index_cast %scan3A_65 : i32 to index
      %get3A_770 = arith.constant 992 : index
      %get3A_771 = tpu.vector_load %arg7[%get3A_769, %get3A_770] {strides = array<i32>} : memref<16x1024xf32, #tpu.memory_space<vmem>>, vector<1x16xf32>,
      %get3A_772 = vector.shape_cast %get3A_771 : vector<1x16xf32> to vector<16xf32>
      %mul3A_773 = arith.constant 3.200000e+01 : f32
      %mul3A_774 = vector.broadcast %mul3A_773 : f32 to vector<16xf32>
      %mul3A_775 = arith.mulf %get3A_772, %mul3A_774 : vector<16xf32>
      %swap3A_776 = arith.index_cast %scan3A_65 : i32 to index
      %swap3A_777 = arith.constant 864 : index
      %swap3A_778 = tpu.vector_load %arg10[%swap3A_776, %swap3A_777] {strides = array<i32>} : memref<16x1024xf32, #tpu.memory_space<vmem>>, vector<1x16xf32>,
      %swap3A_779 = vector.shape_cast %swap3A_778 : vector<1x16xf32> to vector<16xf32>
      %swap3A_780 = vector.shape_cast %mul3A_679 : vector<16xf32> to vector<1x16xf32>
      tpu.vector_store %arg10[%swap3A_776, %swap3A_777], %swap3A_780 {add = true, strides = array<i32>} : memref<16x1024xf32, #tpu.memory_space<vmem>>, vector<1x16xf32>,
      %get3A_781 = arith.index_cast %scan3A_65 : i32 to index
      %get3A_782 = arith.constant 1008 : index
      %get3A_783 = tpu.vector_load %arg7[%get3A_781, %get3A_782] {strides = array<i32>} : memref<16x1024xf32, #tpu.memory_space<vmem>>, vector<1x16xf32>,
      %get3A_784 = vector.shape_cast %get3A_783 : vector<1x16xf32> to vector<16xf32>
      %mul3A_785 = arith.constant 3.200000e+01 : f32
      %mul3A_786 = vector.broadcast %mul3A_785 : f32 to vector<16xf32>
      %mul3A_787 = arith.mulf %get3A_784, %mul3A_786 : vector<16xf32>
      %swap3A_788 = arith.index_cast %scan3A_65 : i32 to index
      %swap3A_789 = arith.constant 880 : index
      %swap3A_790 = tpu.vector_load %arg10[%swap3A_788, %swap3A_789] {strides = array<i32>} : memref<16x1024xf32, #tpu.memory_space<vmem>>, vector<1x16xf32>,
      %swap3A_791 = vector.shape_cast %swap3A_790 : vector<1x16xf32> to vector<16xf32>
      %swap3A_792 = vector.shape_cast %mul3A_691 : vector<16xf32> to vector<1x16xf32>
      tpu.vector_store %arg10[%swap3A_788, %swap3A_789], %swap3A_792 {add = true, strides = array<i32>} : memref<16x1024xf32, #tpu.memory_space<vmem>>, vector<1x16xf32>,
      %swap3A_793 = arith.index_cast %scan3A_65 : i32 to index
      %swap3A_794 = arith.constant 896 : index
      %swap3A_795 = tpu.vector_load %arg10[%swap3A_793, %swap3A_794] {strides = array<i32>} : memref<16x1024xf32, #tpu.memory_space<vmem>>, vector<1x16xf32>,
      %swap3A_796 = vector.shape_cast %swap3A_795 : vector<1x16xf32> to vector<16xf32>
      %swap3A_797 = vector.shape_cast %mul3A_703 : vector<16xf32> to vector<1x16xf32>
      tpu.vector_store %arg10[%swap3A_793, %swap3A_794], %swap3A_797 {add = true, strides = array<i32>} : memref<16x1024xf32, #tpu.memory_space<vmem>>, vector<1x16xf32>,
      %swap3A_798 = arith.index_cast %scan3A_65 : i32 to index
      %swap3A_799 = arith.constant 912 : index
      %swap3A_800 = tpu.vector_load %arg10[%swap3A_798, %swap3A_799] {strides = array<i32>} : memref<16x1024xf32, #tpu.memory_space<vmem>>, vector<1x16xf32>,
      %swap3A_801 = vector.shape_cast %swap3A_800 : vector<1x16xf32> to vector<16xf32>
      %swap3A_802 = vector.shape_cast %mul3A_715 : vector<16xf32> to vector<1x16xf32>
      tpu.vector_store %arg10[%swap3A_798, %swap3A_799], %swap3A_802 {add = true, strides = array<i32>} : memref<16x1024xf32, #tpu.memory_space<vmem>>, vector<1x16xf32>,
      %swap3A_803 = arith.index_cast %scan3A_65 : i32 to index
      %swap3A_804 = arith.constant 928 : index
      %swap3A_805 = tpu.vector_load %arg10[%swap3A_803, %swap3A_804] {strides = array<i32>} : memref<16x1024xf32, #tpu.memory_space<vmem>>, vector<1x16xf32>,
      %swap3A_806 = vector.shape_cast %swap3A_805 : vector<1x16xf32> to vector<16xf32>
      %swap3A_807 = vector.shape_cast %mul3A_727 : vector<16xf32> to vector<1x16xf32>
      tpu.vector_store %arg10[%swap3A_803, %swap3A_804], %swap3A_807 {add = true, strides = array<i32>} : memref<16x1024xf32, #tpu.memory_space<vmem>>, vector<1x16xf32>,
      %swap3A_808 = arith.index_cast %scan3A_65 : i32 to index
      %swap3A_809 = arith.constant 944 : index
      %swap3A_810 = tpu.vector_load %arg10[%swap3A_808, %swap3A_809] {strides = array<i32>} : memref<16x1024xf32, #tpu.memory_space<vmem>>, vector<1x16xf32>,
      %swap3A_811 = vector.shape_cast %swap3A_810 : vector<1x16xf32> to vector<16xf32>
      %swap3A_812 = vector.shape_cast %mul3A_739 : vector<16xf32> to vector<1x16xf32>
      tpu.vector_store %arg10[%swap3A_808, %swap3A_809], %swap3A_812 {add = true, strides = array<i32>} : memref<16x1024xf32, #tpu.memory_space<vmem>>, vector<1x16xf32>,
      %swap3A_813 = arith.index_cast %scan3A_65 : i32 to index
      %swap3A_814 = arith.constant 960 : index
      %swap3A_815 = tpu.vector_load %arg10[%swap3A_813, %swap3A_814] {strides = array<i32>} : memref<16x1024xf32, #tpu.memory_space<vmem>>, vector<1x16xf32>,
      %swap3A_816 = vector.shape_cast %swap3A_815 : vector<1x16xf32> to vector<16xf32>
      %swap3A_817 = vector.shape_cast %mul3A_751 : vector<16xf32> to vector<1x16xf32>
      tpu.vector_store %arg10[%swap3A_813, %swap3A_814], %swap3A_817 {add = true, strides = array<i32>} : memref<16x1024xf32, #tpu.memory_space<vmem>>, vector<1x16xf32>,
      %swap3A_818 = arith.index_cast %scan3A_65 : i32 to index
      %swap3A_819 = arith.constant 976 : index
      %swap3A_820 = tpu.vector_load %arg10[%swap3A_818, %swap3A_819] {strides = array<i32>} : memref<16x1024xf32, #tpu.memory_space<vmem>>, vector<1x16xf32>,
      %swap3A_821 = vector.shape_cast %swap3A_820 : vector<1x16xf32> to vector<16xf32>
      %swap3A_822 = vector.shape_cast %mul3A_763 : vector<16xf32> to vector<1x16xf32>
      tpu.vector_store %arg10[%swap3A_818, %swap3A_819], %swap3A_822 {add = true, strides = array<i32>} : memref<16x1024xf32, #tpu.memory_space<vmem>>, vector<1x16xf32>,
      %swap3A_823 = arith.index_cast %scan3A_65 : i32 to index
      %swap3A_824 = arith.constant 992 : index
      %swap3A_825 = tpu.vector_load %arg10[%swap3A_823, %swap3A_824] {strides = array<i32>} : memref<16x1024xf32, #tpu.memory_space<vmem>>, vector<1x16xf32>,
      %swap3A_826 = vector.shape_cast %swap3A_825 : vector<1x16xf32> to vector<16xf32>
      %swap3A_827 = vector.shape_cast %mul3A_775 : vector<16xf32> to vector<1x16xf32>
      tpu.vector_store %arg10[%swap3A_823, %swap3A_824], %swap3A_827 {add = true, strides = array<i32>} : memref<16x1024xf32, #tpu.memory_space<vmem>>, vector<1x16xf32>,
      %swap3A_828 = arith.index_cast %scan3A_65 : i32 to index
      %swap3A_829 = arith.constant 1008 : index
      %swap3A_830 = tpu.vector_load %arg10[%swap3A_828, %swap3A_829] {strides = array<i32>} : memref<16x1024xf32, #tpu.memory_space<vmem>>, vector<1x16xf32>,
      %swap3A_831 = vector.shape_cast %swap3A_830 : vector<1x16xf32> to vector<16xf32>
      %swap3A_832 = vector.shape_cast %mul3A_787 : vector<16xf32> to vector<1x16xf32>
      tpu.vector_store %arg10[%swap3A_828, %swap3A_829], %swap3A_832 {add = true, strides = array<i32>} : memref<16x1024xf32, #tpu.memory_space<vmem>>, vector<1x16xf32>,
      %scan3A_833 = arith.constant 0 : i32
      scf.yield %scan3A_833 : i32
    }
    %scan3A_46 = arith.constant 16 : i32
    %add3A_47 = arith.constant 1008 : i32
    %add3A_48 = arith.addi %mul3A_2, %add3A_47 : i32
    %dma_start3A_49 = arith.constant 0 : i32
    %dma_start3A_50 = tpu.memref_slice %arg5[%add3A_48, %dma_start3A_49] : memref<32768x1024xf32, #tpu.memory_space<hbm>> -> memref<16x1024xf32, #tpu.memory_space<hbm>>
    %dma_start3A_51 = arith.constant 0 : i32
    %dma_start3A_52 = tpu.memref_slice %arg5[%add3A_48, %dma_start3A_51] : memref<32768x1024xf32, #tpu.memory_space<hbm>> -> memref<16x1024xf32, #tpu.memory_space<hbm>>
    tpu.enqueue_dma source(%arg10 : memref<16x1024xf32, #tpu.memory_space<vmem>>) target(%dma_start3A_52 : memref<16x1024xf32, #tpu.memory_space<hbm>>) target_semaphore(%arg19 : memref<!tpu.dma_semaphore, #tpu.memory_space<semaphore_mem>>)
    %dma_wait3A_53 = arith.constant 0 : i32
    %dma_wait3A_54 = arith.constant 0 : i32
    %dma_wait3A_55 = tpu.memref_slice %arg5[%dma_wait3A_53, %dma_wait3A_54] : memref<32768x1024xf32, #tpu.memory_space<hbm>> -> memref<16x1024xf32, #tpu.memory_space<hbm>>
    %dma_wait3A_56 = arith.constant 0 : i32
    %dma_wait3A_57 = arith.constant 0 : i32
    %dma_wait3A_58 = tpu.memref_slice %arg5[%dma_wait3A_56, %dma_wait3A_57] : memref<32768x1024xf32, #tpu.memory_space<hbm>> -> memref<16x1024xf32, #tpu.memory_space<hbm>>
    tpu.wait_dma2 semaphore(%arg21 : memref<!tpu.dma_semaphore, #tpu.memory_space<semaphore_mem>>) src(%arg12 : memref<16x1024xf32, #tpu.memory_space<vmem>>) dst(%dma_wait3A_58 : memref<16x1024xf32, #tpu.memory_space<hbm>>)
    %dma_wait3A_59 = arith.constant 0 : i32
    %dma_wait3A_60 = arith.constant 0 : i32
    %dma_wait3A_61 = tpu.memref_slice %arg5[%dma_wait3A_59, %dma_wait3A_60] : memref<32768x1024xf32, #tpu.memory_space<hbm>> -> memref<16x1024xf32, #tpu.memory_space<hbm>>
    %dma_wait3A_62 = arith.constant 0 : i32
    %dma_wait3A_63 = arith.constant 0 : i32
    %dma_wait3A_64 = tpu.memref_slice %arg5[%dma_wait3A_62, %dma_wait3A_63] : memref<32768x1024xf32, #tpu.memory_space<hbm>> -> memref<16x1024xf32, #tpu.memory_space<hbm>>
    tpu.wait_dma2 semaphore(%arg19 : memref<!tpu.dma_semaphore, #tpu.memory_space<semaphore_mem>>) src(%arg10 : memref<16x1024xf32, #tpu.memory_space<vmem>>) dst(%dma_wait3A_64 : memref<16x1024xf32, #tpu.memory_space<hbm>>)
    return
  }
}

</mosaic_0001>

<sc_bundles>
// kernel: kernel.3.cloned.1.call-start
scs
__scs_entry_jumppad:
0x0: {  	(pc) =	sbr.rel $0x88, $3  }
0x1: {  	(tag) =	ssettag $0x0;
	lr =	simm.s32 $0x1  }
0x2: {  	[smem:$0x3F9E] =	sst lr;
	_ =	strace $0xD0000000  }
0x3: {  	_ = 	snop  }
0x4: {  	_ = 	snop  }
0x5: {  	_ = 	snop  }
0x6: {  	_ = 	snop  }
0x7: {  	_ = 	snop  }
__scs_overlays_trampoline_lowered:
0x8: {  	[smem:$0x3FAD] =	sst s0  }
0x9: {  	[smem:$0x3FAE] =	sst s1  }
0xa: {  	[smem:$0x3FAF] =	sst s2  }
0xb: {  	[smem:$0x3FB0] =	sst s3  }
0xc: {  	[smem:$0x3FB1] =	sst s4  }
0xd: {  	[smem:$0x3FB2] =	sst s5  }
0xe: {  	[smem:$0x3FB3] =	sst s6  }
0xf: {  	[smem:$0x3FB4] =	sst s7  }
0x10: {  	[smem:$0x3FB5] =	sst s8  }
0x11: {  	[smem:$0x3FB6] =	sst s9;
	s0 =	simm.s32 @!p0 $0x0  }
0x12: {  	s1 =	sld [smem:$0x3F9C];
	s0 =	simm.s32 @p0 $0x1  }
0x13: {  	[smem:$0x3FB7] =	sst s0;
	s0 =	simm.s32 @!p1 $0x0  }
0x14: {  	s2 =	sld [smem:$0x3F9B];
	s0 =	simm.s32 @p1 $0x1  }
0x15: {  	[smem:$0x3FB8] =	sst s0;
	s0 =	simm.s32 @!p2 $0x0  }
0x16: {  	s3 =	sld [smem:$0x3FDB];
	s0 =	simm.s32 @p2 $0x1  }
0x17: {  	s4 =	simm.s32 $0x1BF5;
	[smem:$0x3FBA] =	sst s0  }
0x18: {  	s0 =	sld [smem:$0x3F9D];
	_ =	swait.ge [sflag:s4], $0x0  }
0x19: {  	s7 =	sld [smem:$0x3F9E]  }
0x1a: {  	s8 =	sadd.s32 $0xFFFFE003, lr  }
0x1b: {  	s9 =	sadd.s32 $0xFFFFFEF7, lr;
	s5 =	simm.s32 $0xFFFFFFFF;
	p2 =	slt.u32 s8, $0xFFFFF086  }
0x1c: {  	p1 =	slt.u32 s9, $0xF7A;
	s5 =	simm.s32 @!p2 $0x0  }
0x1d: {  	s5 =	simm.s32 @p1 $0x1;
	p0 =	seq.s32 s7, s2  }
0x1e: {  	s7 =	smul.u32 @!p0 $0xF7A, s2;
	p2 =	seq.s32 @!p0 s5, $0x0  }
0x1f: {  	s9 =	smul.u32 $0xF7A, s1;
	s8 =	simm.s32 @!p0 $0x1BF5;
	p2 =	por !p2, p0  }
0x20: {  	[sflag:s8] =	ssyncset.s32 @!p0 $0xFFFFF086;
	s6 =	sadd.s32 @!p0 s3, s7;
	s7 =	simm.s32 @!p0 $0x108  }
0x21: {  	s3 =	sadd.s32 s3, s9;
	s6 =	sadd.s32 @!p0 $0x88, s6;
	s7 =	simm.s32 @p2 $0x1082  }
0x22: {  	[simem:s7], [sflag:s8] =	dma.local @!p0 [hbm:s6], $0xF7A  }
0x23: {  	s9 =	sor.u32 $0xD0000000, s2;
	s6 =	simm.s32 $0x108;
	_ =	swait.ge @!p0 [sflag:s8], $0x0  }
0x24: {  	s3 =	sadd.s32 $0x88, s3;
	s6 =	simm.s32 @!p1 $0x1082;
	[sflag:s4] =	ssyncset.s32 $0xFFFFF086  }
0x25: {  	[simem:s6], [sflag:s4] =	dma.local [hbm:s3], $0xF7A  }
0x26: {  	[smem:$0x3F9E] =	sst s1;
	(tag) =	ssettag s2;
	_ =	strace s9  }
0x27: {  	s1 =	sld [smem:$0x3FAE]  }
0x28: {  	s2 =	sld [smem:$0x3FAF]  }
0x29: {  	s4 =	sld [smem:$0x3FB1]  }
0x2a: {  	p0 =	seq.s32 s5, $0x0;
	s5 =	sld [smem:$0x3FB2]  }
0x2b: {  	s6 =	sld [smem:$0x3FB3]  }
0x2c: {  	s7 =	sld [smem:$0x3FB4]  }
0x2d: {  	s3 =	simm.s32 $0x108;
	s8 =	sld [smem:$0x3FB5]  }
0x2e: {  	s3 =	simm.s32 @!p0 $0x1082;
	s9 =	sld [smem:$0x3FB6]  }
0x2f: {  	lr =	sadd.s32 s0, s3;
	s0 =	sld [smem:$0x3FAD]  }
0x30: {  	s3 =	sld [smem:$0x3FB0]  }
0x31: {  	[smem:$0x3FB9] =	sst s10  }
0x32: {  	s10 =	sld [smem:$0x3FB7];
	_ =	sdelay $0x3  }
0x33: {  	p0 =	seq.s32 s10, $0x1;
	s10 =	sld [smem:$0x3FB9];
	_ =	sdelay $0x3  }
0x34: {  	[smem:$0x3FB9] =	sst s10  }
0x35: {  	s10 =	sld [smem:$0x3FB8];
	_ =	sdelay $0x3  }
0x36: {  	p1 =	seq.s32 s10, $0x1;
	s10 =	sld [smem:$0x3FB9];
	_ =	sdelay $0x3  }
0x37: {  	[smem:$0x3FB9] =	sst s10  }
0x38: {  	s10 =	sld [smem:$0x3FBA]  }
0x39: {  	_ = 	snop;
	(pc) =	sbr.ind lr, $3  }
0x3a: {  	_ = 	snop  }
0x3b: {  	_ = 	snop  }
0x3c: {  	p2 =	seq.s32 s10, $0x1;
	s10 =	sld [smem:$0x3FB9]  }
0x3d: {  	_ =	shalt  }
0x3e: {  	_ =	shalt  }
0x3f: {  	_ =	shalt  }
0x40: {  	_ =	shalt  }
0x41: {  	_ =	shalt  }
0x42: {  	_ =	shalt  }
0x43: {  	_ =	shalt  }
0x44: {  	_ =	shalt  }
0x45: {  	_ =	shalt  }
0x46: {  	_ =	shalt  }
0x47: {  	_ =	shalt  }
0x48: {  	_ =	shalt  }
0x49: {  	_ =	shalt  }
0x4a: {  	_ =	shalt  }
0x4b: {  	_ =	shalt  }
0x4c: {  	_ =	shalt  }
0x4d: {  	_ =	shalt  }
0x4e: {  	_ =	shalt  }
0x4f: {  	_ =	shalt  }
0x50: {  	_ =	shalt  }
0x51: {  	_ =	shalt  }
0x52: {  	_ =	shalt  }
0x53: {  	_ =	shalt  }
0x54: {  	_ =	shalt  }
0x55: {  	_ =	shalt  }
0x56: {  	_ =	shalt  }
0x57: {  	_ =	shalt  }
0x58: {  	_ =	shalt  }
0x59: {  	_ =	shalt  }
0x5a: {  	_ =	shalt  }
0x5b: {  	_ =	shalt  }
0x5c: {  	_ =	shalt  }
0x5d: {  	_ =	shalt  }
0x5e: {  	_ =	shalt  }
0x5f: {  	_ =	shalt  }
0x60: {  	_ =	shalt  }
0x61: {  	_ =	shalt  }
0x62: {  	_ =	shalt  }
0x63: {  	_ =	shalt  }
0x64: {  	_ =	shalt  }
0x65: {  	_ =	shalt  }
0x66: {  	_ =	shalt  }
0x67: {  	_ =	shalt  }
0x68: {  	_ =	shalt  }
0x69: {  	_ =	shalt  }
0x6a: {  	_ =	shalt  }
0x6b: {  	_ =	shalt  }
0x6c: {  	_ =	shalt  }
0x6d: {  	_ =	shalt  }
0x6e: {  	_ =	shalt  }
0x6f: {  	_ =	shalt  }
0x70: {  	_ =	shalt  }
0x71: {  	_ =	shalt  }
0x72: {  	_ =	shalt  }
0x73: {  	_ =	shalt  }
0x74: {  	_ =	shalt  }
0x75: {  	_ =	shalt  }
0x76: {  	_ =	shalt  }
0x77: {  	_ =	shalt  }
0x78: {  	_ =	shalt  }
0x79: {  	_ =	shalt  }
0x7a: {  	_ =	shalt  }
0x7b: {  	_ =	shalt  }
0x7c: {  	_ =	shalt  }
0x7d: {  	_ =	shalt  }
0x7e: {  	_ =	shalt  }
0x7f: {  	_ =	shalt  }
0x80: {  	_ =	shalt  }
0x81: {  	_ =	shalt  }
0x82: {  	_ =	shalt  }
0x83: {  	_ =	shalt  }
0x84: {  	_ =	shalt  }
0x85: {  	_ =	shalt  }
0x86: {  	_ =	shalt  }
0x87: {  	_ =	shalt  }
.Lfunc_end0:
.L_simem_size_0:
called_computation_lowered:
.L_overlay_start_0:
0x88: {  	s2 =	sld [smem:$0x3FD9]  }
0x89: {  	s3 =	sld [smem:$0x3FFE];
	_ =	sdelay $0x1  }
0x8a: {  	s1 =	srdreg.scid  }
0x8b: {  	s0 =	sand.u32 $0x1, s1  }
0x8c: {  	s17 =	sshll.u32 s0, $0xA;
	s2 =	sadd.s32 s3, s2  }
0x8d: {  	s2 =	sadd.s32 s2, s17  }
0x8e: {  	[smem:$0x3FC5] =	sst s2  }
0x8f: {  	_ = 	snop  }
0x90: {  	s2 =	sld [smem:$0x3FC9]  }
0x91: {  	s18 =	sld [smem:$0x3FC7]  }
0x92: {  	s4 =	sld [smem:$0x3FD0];
	(tm) =	ssettm $0x1  }
0x93: {  	s5 =	sld [smem:$0x3FFB];
	_ =	sdelay $0x3  }
0x94: {  	_ =	strace s5  }
0x95: {  	s5 =	sld [smem:$0x3FFC];
	_ =	sdelay $0x3  }
0x96: {  	_ =	strace s5  }
0x97: {  	s5 =	sld [smem:$0x3FFD];
	_ =	sdelay $0x3  }
0x98: {  	_ =	strace s5  }
0x99: {  	_ =	strace $0x8FFFFFFF  }
0x9a: {  	s19 =	sld [smem:$0x3FDB];
	_ =	sdelay $0x1  }
0x9b: {  	s6 =	simm.s32 $_scs_section_size  }
0x9c: {  	s7 =	simm.s32 $_size__tile_overlayer_lowered;
	s8 =	simm.s32 $_tile_overlayer_lowered  }
0x9d: {  	s22 =	simm.s32 $0x1BFF;
	s21 =	sshll.u32 s8, $0x1;
	s5 =	sadd.s32 s6, s19  }
0x9e: {  	s9 =	simm.s32 $0x0;
	s20 =	sshll.u32 s7, $0x1;
	s7 =	sadd.s32 s21, s5  }
0x9f: {  	[timem:s9], [sflag:s22] =	dma.local [hbm:s7], s20  }
0xa0: {  	_ =	swait.ge [sflag:s22], s20  }
0xa1: {  	s6 =	ssub.s32 $0x0, s20;
	[sflag:s22] =	ssyncset.done $0x0  }
0xa2: {  	[sflag:s22] =	ssyncadd.s32 s6;
	_ =	sdelay $0x1  }
0xa3: {  	s23 =	simm.s32 $0x1B8B  }
0xa4: {  	_ =	swait.ge [sflag:s23], $0x1  }
0xa5: {  	[sflag:s23] =	ssyncset.done $0x0  }
0xa6: {  	s25 =	simm.s32 $0x1B8E;
	s24 =	sld [smem:$0x3FFE];
	[sflag:s23] =	ssyncadd.s32 $0xFFFFFFFF  }
0xa7: {  	s26 =	simm.s32 $execute0_lowered;
	[smem:$0x3FD2] =	sst s25  }
0xa8: {  	s7 =	sshll.u32 s26, $0x1;
	_ =	strace $0x80000046;
	[dreg:$0x1] =	wrdreg $0xFFFFFFFF  }
0xa9: {  	s28 =	simm.s32 $_size_execute0_lowered;
	s5 =	sadd.s32 s5, s7;
	[dreg:$0x0] =	wrdreg $0x0  }
0xaa: {  	s7 =	sshll.u32 s28, $0x1;
	[dreg:$0x2] =	wrdreg s5  }
0xab: {  	[dreg:$0x3] =	wrdreg s7  }
0xac: {  	[dreg:$0x4] =	wrdreg $0xC0  }
0xad: {  	_ =	task [dreg:s9], $0x5FFFF  }
0xae: {  	[dreg:$0x1] =	wrdreg $0xFFFFFFFF  }
0xaf: {  	[dreg:$0x0] =	wrdreg $0x60  }
0xb0: {  	[dreg:$0x2] =	wrdreg s2  }
0xb1: {  	[dreg:$0x3] =	wrdreg s24  }
0xb2: {  	[dreg:$0x4] =	wrdreg s18  }
0xb3: {  	[dreg:$0x5] =	wrdreg s4  }
0xb4: {  	[dreg:$0x6] =	wrdreg $0x9  }
0xb5: {  	_ =	task.clear_ibuf [dreg:s9], $0x7FFFF;
	_ =	strace $0x90000046  }
0xb6: {  	s29 =	simm.s32 $0x9;
	_ =	strace $0x80000048  }
0xb7: {  	_ =	swait.ge [sflag:s29], $0x1  }
0xb8: {  	[sflag:s29] =	ssyncadd.s32 $0xFFFFFFFF  }
0xb9: {  	_ =	strace $0x90000048  }
0xba: {  	_ =	sfence  }
0xbb: {  	s30 =	sld [smem:$0x0];
	_ =	sdelay $0x2  }
0xbc: {  	s31 =	sshll.u32 s1, $0xD;
	s1 =	sshrl.u32 s1, $0x2  }
0xbd: {  	s3 =	sand.u32 $0x4000, s31;
	s1 =	sadd.s32 s1, s30  }
0xbe: {  	s0 =	sor.u32 s3, s0;
	s1 =	sshll.u32 s1, $0x11  }
0xbf: {  	s0 =	sor.u32 s1, s0  }
0xc0: {  	s0 =	sadd.s32 $0x8F2B, s0  }
0xc1: {  	[sflag:s0] =	ssyncadd.remote.s32 $0x1  }
0xc2: {  	_ =	sfence.sel $0xFFFF  }
0xc3: {  	[dreg:$0x0] =	wrdreg $0xFFFFFFFF;
	(pc) =	sbr.abs _section_cstart, $3  }
0xc4: {  	[dreg:$0x1] =	wrdreg $0xFFFFFFFF  }
0xc5: {  	_ =	task.clear_ibuf [dreg:s9], $0x2FFFF;
	_ =	strace $0x9FFFFFFF  }
0xc6: {  	(tm) =	ssettm $0x7FFFFFFF  }
0xc7: {  	_ =	shalt  }
tec
execute0_lowered:
.L_overlay_start_1:
0x0: {  	(tag) =	ssettag $0x1  }
0x1: {  	s4 =	rddreg [dreg:$0x0]  }
0x2: {  	s0 =	rddreg [dreg:$0x1];
	s2 =	srdreg.scid  }
0x3: {  	s3 =	rddreg [dreg:$0x2];
	s1 =	stileid.u32  }
0x4: {  	s10 =	rddreg [dreg:$0x3];
	s5 =	simm.s32 $0x0;
	s13 =	simm.s32 $0xC400  }
0x5: {  	s18 =	simm.s32 $0x4;
	s31 =	simm.s32 $0x2;
	s12 =	simm.s32 $0x6  }
0x6: {  	s17 =	simm.s32 $0x8;
	s14 =	simm.s32 $0x0;
	s2 =	sand.u32 $0x1, s2  }
0x7: {  	s6 =	sshll.u32 s1, $0xB;
	[smem:$0x7FF] =	sst s5;
	s8 =	sadd.s32 $0x100, s3  }
0x8: {  	s9 =	sadd.s32 $0x200, s3;
	s11 =	sadd.s32 $0x300, s3;
	s7 =	sshll.u32 s2, $0xA  }
0x9: {  	s2 =	ssub.s32 $0x2, s2;
	_ =	strace $0x80000047;
	s6 =	sor.u32 s7, s6  }
0xa: {  	s24 =	sshrl.u32 s2, $0x1;
	s7 =	sshrl.u32 s6, $0x3;
	s28 =	sor.u32 $0x10, s6  }
0xb: {  	s25 =	sshll.u32 s6, $0x7;
	s29 =	sor.u32 $0x20, s6;
	[dreg:$0x9] =	wrdreg s28  }
0xc: {  	s2 =	ssub.s32 s2, s24;
	s26 =	sadd.s32 s4, s25;
	[dreg:$0xa] =	wrdreg s29  }
0xd: {  	s0 =	sadd.s32 s7, s0;
	s30 =	smax.u32 s2, $0x1;
	[dreg:$0x6] =	wrdreg s26  }
0xe: {  	s2 =	simm.s32 $0x5;
	s0 =	sadd.s32 $0x400, s0;
	[dreg:$0xc] =	wrdreg s30  }
0xf: {  	s7 =	simm.s32 $0x3;
	s4 =	sadd.s32 $0x800, s26;
	[dreg:$0x5] =	wrdreg s0  }
0x10: {  	v2 =	vlaneseq.u32;
	s1 =	sadd.s32 $0x1000, s26;
	[dreg:$0x7] =	wrdreg s4;
	s0 =	sadd.s32 s25, s10  }
0x11: {  	vm0 =	vmmov $0xffff;
	v1 =	vshrl.u32 v2, $0x3;
	[dreg:$0x8] =	wrdreg s1;
	s4 =	smov.u32 s10;
	s0 =	sadd.s32 $0x1F800, s0  }
0x12: {  	v0 =	vand.u32 $0x7, v2;
	v2 =	vor.u32 $0x8, v2;
	v1 =	vmul.u32 $0x8, v1;
	s10 =	simm.s32 $0x1;
	[dreg:$0xb] =	wrdreg s0;
	s0 =	simm.s32 $0x7  }
.LBB2_1:
0x13: {  	[dreg:$0xd] =	wrdreg s14  }
0x14: {  	s1 =	rddreg [dreg:$0x5];
	s23 =	simm.s32 $0xA  }
0x15: {  	[tilespmem:s5], [sflag:$0xA] =	stream.linear.gather [hbm4b:s1+s5], $0x400, $0x38;
	[tilespmem:$0x18400] =	vst v63  }
0x16: {  	_ =	swait.ge [sflag:s23], $0x400  }
0x17: {  	[sflag:s23] =	ssyncset.done $0x0  }
0x18: {  	[sflag:s23] =	ssyncadd.s32 $0xFFFFFC00  }
0x19: {  	v3 =	vld [tilespmem:$0x0];
	_ =	sdelay $0x4  }
0x1a: {  	v4 =	vshll.u32 v3, $0x3  }
0x1b: {  	v3 =	vand.u32 $0x7, v3;
	v4 =	vand.u32 $0xFFFFFFC0, v4  }
0x1c: {  	v3 =	vor.u32 v3, v4  }
0x1d: {  	v4 =	vperm.xlane v3, v0;
	_ =	sdelay $0x1  }
0x1e: {  	v4 =	vadd.s32 v1, v4;
	_ =	sdelay $0x4  }
0x1f: {  	[tilespmem:s13], [sflag:$0x1] =	stream.indirect_vreg.gather [hbm4b:s3+s5], $0x80, v4, vm0, $0xb8;
	[tilespmem:$0x18400] =	vst v63  }
0x20: {  	s24 =	simm.s32 $0xCC00;
	v3 =	vperm.xlane v3, v2  }
0x21: {  	[tilespmem:s24], [sflag:$0x1] =	stream.indirect_vreg.gather [hbm4b:s8+s5], $0x80, v4, vm0, $0xb8;
	[tilespmem:$0x18400] =	vst v63  }
0x22: {  	s25 =	simm.s32 $0xD400;
	v3 =	vadd.s32 v1, v3  }
0x23: {  	[tilespmem:s25], [sflag:$0x1] =	stream.indirect_vreg.gather [hbm4b:s9+s5], $0x80, v4, vm0, $0xb8;
	[tilespmem:$0x18400] =	vst v63  }
0x24: {  	s26 =	simm.s32 $0xDC00  }
0x25: {  	[tilespmem:s26], [sflag:$0x1] =	stream.indirect_vreg.gather [hbm4b:s11+s5], $0x80, v4, vm0, $0xb8;
	[tilespmem:$0x18400] =	vst v63  }
0x26: {  	s28 =	simm.s32 $0xE400  }
0x27: {  	[tilespmem:s28], [sflag:$0x1] =	stream.indirect_vreg.gather [hbm4b:s3+s5], $0x80, v3, vm0, $0xb8;
	[tilespmem:$0x18400] =	vst v63  }
0x28: {  	s29 =	simm.s32 $0xEC00  }
0x29: {  	[tilespmem:s29], [sflag:$0x1] =	stream.indirect_vreg.gather [hbm4b:s8+s5], $0x80, v3, vm0, $0xb8;
	[tilespmem:$0x18400] =	vst v63  }
0x2a: {  	s13 =	simm.s32 $0xF400  }
0x2b: {  	[tilespmem:s13], [sflag:$0x1] =	stream.indirect_vreg.gather [hbm4b:s9+s5], $0x80, v3, vm0, $0xb8;
	[tilespmem:$0x18400] =	vst v63  }
0x2c: {  	s14 =	simm.s32 $0xFC00  }
0x2d: {  	[tilespmem:s14], [sflag:$0x1] =	stream.indirect_vreg.gather [hbm4b:s11+s5], $0x80, v3, vm0, $0xb8;
	[tilespmem:$0x18400] =	vst v63  }
0x2e: {  	s16 =	simm.s32 $0x400;
	s15 =	rddreg [dreg:$0x6]  }
0x2f: {  	[tilespmem:s16], [sflag:$0x4] =	stream.linear.gather [hbm4b:s15+s5], $0x4000, $0x38;
	[tilespmem:$0x18400] =	vst v63  }
0x30: {  	v3 =	vld [tilespmem:$0x10];
	_ =	sdelay $0x4  }
0x31: {  	v63 =	vshll.u32 v3, $0x3  }
0x32: {  	v3 =	vand.u32 $0x7, v3;
	v4 =	vand.u32 $0xFFFFFFC0, v63  }
0x33: {  	v3 =	vor.u32 v3, v4  }
0x34: {  	v4 =	vperm.xlane v3, v0;
	_ =	sdelay $0x1  }
0x35: {  	v4 =	vadd.s32 v1, v4;
	_ =	sdelay $0x3  }
0x36: {  	s19 =	simm.s32 $0x10400  }
0x37: {  	[tilespmem:s19], [sflag:$0x2] =	stream.indirect_vreg.gather [hbm4b:s3+s5], $0x80, v4, vm0, $0xb8;
	[tilespmem:$0x18400] =	vst v63  }
0x38: {  	s20 =	simm.s32 $0x10C00;
	v3 =	vperm.xlane v3, v2  }
0x39: {  	[tilespmem:s20], [sflag:$0x2] =	stream.indirect_vreg.gather [hbm4b:s8+s5], $0x80, v4, vm0, $0xb8;
	[tilespmem:$0x18400] =	vst v63  }
0x3a: {  	s21 =	simm.s32 $0x11400;
	v3 =	vadd.s32 v1, v3  }
0x3b: {  	[tilespmem:s21], [sflag:$0x2] =	stream.indirect_vreg.gather [hbm4b:s9+s5], $0x80, v4, vm0, $0xb8;
	[tilespmem:$0x18400] =	vst v63  }
0x3c: {  	s22 =	simm.s32 $0x11C00  }
0x3d: {  	[tilespmem:s22], [sflag:$0x2] =	stream.indirect_vreg.gather [hbm4b:s11+s5], $0x80, v4, vm0, $0xb8;
	[tilespmem:$0x18400] =	vst v63  }
0x3e: {  	s23 =	simm.s32 $0x12400  }
0x3f: {  	[tilespmem:s23], [sflag:$0x2] =	stream.indirect_vreg.gather [hbm4b:s3+s5], $0x80, v3, vm0, $0xb8;
	[tilespmem:$0x18400] =	vst v63  }
0x40: {  	s24 =	simm.s32 $0x12C00  }
0x41: {  	[tilespmem:s24], [sflag:$0x2] =	stream.indirect_vreg.gather [hbm4b:s8+s5], $0x80, v3, vm0, $0xb8;
	[tilespmem:$0x18400] =	vst v63  }
0x42: {  	s25 =	simm.s32 $0x13400  }
0x43: {  	[tilespmem:s25], [sflag:$0x2] =	stream.indirect_vreg.gather [hbm4b:s9+s5], $0x80, v3, vm0, $0xb8;
	[tilespmem:$0x18400] =	vst v63  }
0x44: {  	s26 =	simm.s32 $0x13C00  }
0x45: {  	[tilespmem:s26], [sflag:$0x2] =	stream.indirect_vreg.gather [hbm4b:s11+s5], $0x80, v3, vm0, $0xb8;
	[tilespmem:$0x18400] =	vst v63  }
0x46: {  	s30 =	simm.s32 $0x0;
	s28 =	rddreg [dreg:$0x7];
	s29 =	simm.s32 $0x4400  }
0x47: {  	[tilespmem:s29], [sflag:$0x5] =	stream.linear.gather [hbm4b:s28+s5], $0x4000, $0x38;
	[tilespmem:$0x18400] =	vst v63  }
.LBB2_2:
0x48: {  	_ =	swait.ge [sflag:s10], $0x4000  }
0x49: {  	[sflag:s10] =	ssyncset.done $0x0  }
0x4a: {  	[sflag:s10] =	ssyncadd.s32 $0xFFFFC000  }
0x4b: {  	s16 =	simm.s32 $0x0;
	s20 =	simm.s32 $0x0;
	_ =	swait.ge [sflag:s18], $0x4000  }
0x4c: {  	s20 =	sand.u32 $0x2000, s20;
	s21 =	sand.u32 $0x380, s16;
	[sflag:s18] =	ssyncset.done $0x0  }
0x4d: {  	s20 =	sor.u32 s21, s20;
	[sflag:s18] =	ssyncadd.s32 $0xFFFFC000  }
0x4e: {  	v3 =	vld [tilespmem:s20+$0x410]  }
0x4f: {  	v4 =	vld [tilespmem:s20+$0x460]  }
0x50: {  	v5 =	vld [tilespmem:s20+$0x400]  }
0x51: {  	v6 =	vld [tilespmem:s20+$0x450]  }
0x52: {  	v7 =	vld [tilespmem:s20+$0x420]  }
0x53: {  	v8 =	vld [tilespmem:s20+$0x440]  }
0x54: {  	v9 =	vld [tilespmem:s20+$0x430]  }
0x55: {  	v10 =	vld [tilespmem:s20+$0x470];
	v5 =	vmul.f32 $3.200000000e+01, v5  }
0x56: {  	s21 =	sor.u32 $0xC400, s20;
	v11 =	vld [tilespmem:s20+$0x800]  }
0x57: {  	v3 =	vmul.f32 $3.200000000e+01, v3;
	[tilespmem:s21+$0x0] =	vst.add.f32.msk $0xffff, v5  }
0x58: {  	s19 =	sor.u32 $0xC410, s20;
	v5 =	vld [tilespmem:s20+$0x810]  }
0x59: {  	v7 =	vmul.f32 $3.200000000e+01, v7;
	[tilespmem:s19+$0x0] =	vst.add.f32.msk $0xffff, v3  }
0x5a: {  	s22 =	sor.u32 $0xC420, s20;
	v3 =	vld [tilespmem:s20+$0x820]  }
0x5b: {  	v9 =	vmul.f32 $3.200000000e+01, v9;
	[tilespmem:s22+$0x0] =	vst.add.f32.msk $0xffff, v7  }
0x5c: {  	s23 =	sor.u32 $0xC430, s20;
	v7 =	vld [tilespmem:s20+$0x830]  }
0x5d: {  	v8 =	vmul.f32 $3.200000000e+01, v8;
	[tilespmem:s23+$0x0] =	vst.add.f32.msk $0xffff, v9  }
0x5e: {  	s24 =	sor.u32 $0xC440, s20;
	v9 =	vld [tilespmem:s20+$0x840]  }
0x5f: {  	v6 =	vmul.f32 $3.200000000e+01, v6;
	[tilespmem:s24+$0x0] =	vst.add.f32.msk $0xffff, v8  }
0x60: {  	s25 =	sor.u32 $0xC450, s20;
	v8 =	vld [tilespmem:s20+$0x850]  }
0x61: {  	v4 =	vmul.f32 $3.200000000e+01, v4;
	[tilespmem:s25+$0x0] =	vst.add.f32.msk $0xffff, v6  }
0x62: {  	s26 =	sor.u32 $0xC460, s20;
	v6 =	vld [tilespmem:s20+$0x860]  }
0x63: {  	v10 =	vmul.f32 $3.200000000e+01, v10;
	[tilespmem:s26+$0x0] =	vst.add.f32.msk $0xffff, v4  }
0x64: {  	s28 =	sor.u32 $0xC470, s20;
	v4 =	vld [tilespmem:s20+$0x870]  }
0x65: {  	v11 =	vmul.f32 $3.200000000e+01, v11;
	[tilespmem:s28+$0x0] =	vst.add.f32.msk $0xffff, v10  }
0x66: {  	s29 =	sor.u32 $0xC800, s20;
	v10 =	vld [tilespmem:s20+$0xC00]  }
0x67: {  	v5 =	vmul.f32 $3.200000000e+01, v5;
	[tilespmem:s29+$0x0] =	vst.add.f32.msk $0xffff, v11  }
0x68: {  	s1 =	sor.u32 $0xC810, s20;
	v11 =	vld [tilespmem:s20+$0xC10]  }
0x69: {  	v3 =	vmul.f32 $3.200000000e+01, v3;
	[tilespmem:s1+$0x0] =	vst.add.f32.msk $0xffff, v5  }
0x6a: {  	s13 =	sor.u32 $0xC820, s20;
	v5 =	vld [tilespmem:s20+$0xC20]  }
0x6b: {  	v7 =	vmul.f32 $3.200000000e+01, v7;
	[tilespmem:s13+$0x0] =	vst.add.f32.msk $0xffff, v3  }
0x6c: {  	s14 =	sor.u32 $0xC830, s20;
	v3 =	vld [tilespmem:s20+$0xC30]  }
0x6d: {  	v9 =	vmul.f32 $3.200000000e+01, v9;
	[tilespmem:s14+$0x0] =	vst.add.f32.msk $0xffff, v7  }
0x6e: {  	s15 =	sor.u32 $0xC840, s20;
	v7 =	vld [tilespmem:s20+$0xC40]  }
0x6f: {  	v8 =	vmul.f32 $3.200000000e+01, v8;
	[tilespmem:s15+$0x0] =	vst.add.f32.msk $0xffff, v9  }
0x70: {  	s19 =	sor.u32 $0xC850, s20;
	v9 =	vld [tilespmem:s20+$0xC50]  }
0x71: {  	v6 =	vmul.f32 $3.200000000e+01, v6;
	[tilespmem:s19+$0x0] =	vst.add.f32.msk $0xffff, v8  }
0x72: {  	s22 =	sor.u32 $0xC860, s20;
	v8 =	vld [tilespmem:s20+$0xC60]  }
0x73: {  	v4 =	vmul.f32 $3.200000000e+01, v4;
	[tilespmem:s22+$0x0] =	vst.add.f32.msk $0xffff, v6  }
0x74: {  	s23 =	sor.u32 $0xC870, s20;
	v6 =	vld [tilespmem:s20+$0xC70]  }
0x75: {  	v10 =	vmul.f32 $3.200000000e+01, v10;
	[tilespmem:s23+$0x0] =	vst.add.f32.msk $0xffff, v4  }
0x76: {  	s24 =	sor.u32 $0xCC00, s20;
	v4 =	vld [tilespmem:s20+$0x1000]  }
0x77: {  	v11 =	vmul.f32 $3.200000000e+01, v11;
	[tilespmem:s24+$0x0] =	vst.add.f32.msk $0xffff, v10  }
0x78: {  	s25 =	sor.u32 $0xCC10, s20;
	v10 =	vld [tilespmem:s20+$0x1010]  }
0x79: {  	v5 =	vmul.f32 $3.200000000e+01, v5;
	[tilespmem:s25+$0x0] =	vst.add.f32.msk $0xffff, v11  }
0x7a: {  	s26 =	sor.u32 $0xCC20, s20;
	v11 =	vld [tilespmem:s20+$0x1020]  }
0x7b: {  	v3 =	vmul.f32 $3.200000000e+01, v3;
	[tilespmem:s26+$0x0] =	vst.add.f32.msk $0xffff, v5  }
0x7c: {  	s28 =	sor.u32 $0xCC30, s20;
	v5 =	vld [tilespmem:s20+$0x1030]  }
0x7d: {  	v7 =	vmul.f32 $3.200000000e+01, v7;
	[tilespmem:s28+$0x0] =	vst.add.f32.msk $0xffff, v3  }
0x7e: {  	s29 =	sor.u32 $0xCC40, s20;
	v3 =	vld [tilespmem:s20+$0x1040]  }
0x7f: {  	v9 =	vmul.f32 $3.200000000e+01, v9;
	[tilespmem:s29+$0x0] =	vst.add.f32.msk $0xffff, v7  }
0x80: {  	s1 =	sor.u32 $0xCC50, s20;
	v7 =	vld [tilespmem:s20+$0x1050]  }
0x81: {  	v8 =	vmul.f32 $3.200000000e+01, v8;
	[tilespmem:s1+$0x0] =	vst.add.f32.msk $0xffff, v9  }
0x82: {  	s13 =	sor.u32 $0xCC60, s20;
	v9 =	vld [tilespmem:s20+$0x1060]  }
0x83: {  	v6 =	vmul.f32 $3.200000000e+01, v6;
	[tilespmem:s13+$0x0] =	vst.add.f32.msk $0xffff, v8  }
0x84: {  	s14 =	sor.u32 $0xCC70, s20;
	v8 =	vld [tilespmem:s20+$0x1070]  }
0x85: {  	v4 =	vmul.f32 $3.200000000e+01, v4;
	[tilespmem:s14+$0x0] =	vst.add.f32.msk $0xffff, v6  }
0x86: {  	s15 =	sor.u32 $0xD000, s20;
	v6 =	vld [tilespmem:s20+$0x1400]  }
0x87: {  	v10 =	vmul.f32 $3.200000000e+01, v10;
	[tilespmem:s15+$0x0] =	vst.add.f32.msk $0xffff, v4  }
0x88: {  	s19 =	sor.u32 $0xD010, s20;
	v4 =	vld [tilespmem:s20+$0x1410]  }
0x89: {  	v11 =	vmul.f32 $3.200000000e+01, v11;
	[tilespmem:s19+$0x0] =	vst.add.f32.msk $0xffff, v10  }
0x8a: {  	s22 =	sor.u32 $0xD020, s20;
	v10 =	vld [tilespmem:s20+$0x1420]  }
0x8b: {  	v5 =	vmul.f32 $3.200000000e+01, v5;
	[tilespmem:s22+$0x0] =	vst.add.f32.msk $0xffff, v11  }
0x8c: {  	s23 =	sor.u32 $0xD030, s20;
	v11 =	vld [tilespmem:s20+$0x1430]  }
0x8d: {  	v3 =	vmul.f32 $3.200000000e+01, v3;
	[tilespmem:s23+$0x0] =	vst.add.f32.msk $0xffff, v5  }
0x8e: {  	s24 =	sor.u32 $0xD040, s20;
	v5 =	vld [tilespmem:s20+$0x1440]  }
0x8f: {  	v7 =	vmul.f32 $3.200000000e+01, v7;
	[tilespmem:s24+$0x0] =	vst.add.f32.msk $0xffff, v3  }
0x90: {  	s25 =	sor.u32 $0xD050, s20;
	v3 =	vld [tilespmem:s20+$0x1450]  }
0x91: {  	v9 =	vmul.f32 $3.200000000e+01, v9;
	[tilespmem:s25+$0x0] =	vst.add.f32.msk $0xffff, v7  }
0x92: {  	s26 =	sor.u32 $0xD060, s20;
	v7 =	vld [tilespmem:s20+$0x1460]  }
0x93: {  	v8 =	vmul.f32 $3.200000000e+01, v8;
	[tilespmem:s26+$0x0] =	vst.add.f32.msk $0xffff, v9  }
0x94: {  	s28 =	sor.u32 $0xD070, s20;
	v9 =	vld [tilespmem:s20+$0x1470]  }
0x95: {  	v6 =	vmul.f32 $3.200000000e+01, v6;
	[tilespmem:s28+$0x0] =	vst.add.f32.msk $0xffff, v8  }
0x96: {  	s29 =	sor.u32 $0xD400, s20;
	v8 =	vld [tilespmem:s20+$0x1800]  }
0x97: {  	v4 =	vmul.f32 $3.200000000e+01, v4;
	[tilespmem:s29+$0x0] =	vst.add.f32.msk $0xffff, v6  }
0x98: {  	s1 =	sor.u32 $0xD410, s20;
	v6 =	vld [tilespmem:s20+$0x1810]  }
0x99: {  	v10 =	vmul.f32 $3.200000000e+01, v10;
	[tilespmem:s1+$0x0] =	vst.add.f32.msk $0xffff, v4  }
0x9a: {  	s13 =	sor.u32 $0xD420, s20;
	v4 =	vld [tilespmem:s20+$0x1820]  }
0x9b: {  	v11 =	vmul.f32 $3.200000000e+01, v11;
	[tilespmem:s13+$0x0] =	vst.add.f32.msk $0xffff, v10  }
0x9c: {  	s14 =	sor.u32 $0xD430, s20;
	v10 =	vld [tilespmem:s20+$0x1830]  }
0x9d: {  	v5 =	vmul.f32 $3.200000000e+01, v5;
	[tilespmem:s14+$0x0] =	vst.add.f32.msk $0xffff, v11  }
0x9e: {  	s15 =	sor.u32 $0xD440, s20;
	v11 =	vld [tilespmem:s20+$0x1840]  }
0x9f: {  	v3 =	vmul.f32 $3.200000000e+01, v3;
	[tilespmem:s15+$0x0] =	vst.add.f32.msk $0xffff, v5  }
0xa0: {  	s19 =	sor.u32 $0xD450, s20;
	v5 =	vld [tilespmem:s20+$0x1850]  }
0xa1: {  	v7 =	vmul.f32 $3.200000000e+01, v7;
	[tilespmem:s19+$0x0] =	vst.add.f32.msk $0xffff, v3  }
0xa2: {  	s22 =	sor.u32 $0xD460, s20;
	v3 =	vld [tilespmem:s20+$0x1860]  }
0xa3: {  	v9 =	vmul.f32 $3.200000000e+01, v9;
	[tilespmem:s22+$0x0] =	vst.add.f32.msk $0xffff, v7  }
0xa4: {  	s23 =	sor.u32 $0xD470, s20;
	v7 =	vld [tilespmem:s20+$0x1870]  }
0xa5: {  	v8 =	vmul.f32 $3.200000000e+01, v8;
	[tilespmem:s23+$0x0] =	vst.add.f32.msk $0xffff, v9  }
0xa6: {  	s24 =	sor.u32 $0xD800, s20;
	v9 =	vld [tilespmem:s20+$0x1C00]  }
0xa7: {  	v6 =	vmul.f32 $3.200000000e+01, v6;
	[tilespmem:s24+$0x0] =	vst.add.f32.msk $0xffff, v8  }
0xa8: {  	s25 =	sor.u32 $0xD810, s20;
	v8 =	vld [tilespmem:s20+$0x1C10]  }
0xa9: {  	v4 =	vmul.f32 $3.200000000e+01, v4;
	[tilespmem:s25+$0x0] =	vst.add.f32.msk $0xffff, v6  }
0xaa: {  	s26 =	sor.u32 $0xD820, s20;
	v6 =	vld [tilespmem:s20+$0x1C20]  }
0xab: {  	v10 =	vmul.f32 $3.200000000e+01, v10;
	[tilespmem:s26+$0x0] =	vst.add.f32.msk $0xffff, v4  }
0xac: {  	s28 =	sor.u32 $0xD830, s20;
	v4 =	vld [tilespmem:s20+$0x1C30]  }
0xad: {  	v11 =	vmul.f32 $3.200000000e+01, v11;
	[tilespmem:s28+$0x0] =	vst.add.f32.msk $0xffff, v10  }
0xae: {  	s29 =	sor.u32 $0xD840, s20;
	v10 =	vld [tilespmem:s20+$0x1C40]  }
0xaf: {  	v5 =	vmul.f32 $3.200000000e+01, v5;
	[tilespmem:s29+$0x0] =	vst.add.f32.msk $0xffff, v11  }
0xb0: {  	s1 =	sor.u32 $0xD850, s20;
	v11 =	vld [tilespmem:s20+$0x1C50]  }
0xb1: {  	v3 =	vmul.f32 $3.200000000e+01, v3;
	[tilespmem:s1+$0x0] =	vst.add.f32.msk $0xffff, v5  }
0xb2: {  	s13 =	sand.u32 $0x7, s16;
	s22 =	sor.u32 $0xD860, s20;
	v5 =	vld [tilespmem:s20+$0x1C60]  }
0xb3: {  	s21 =	sshll.u32 s13, $0x7;
	v7 =	vmul.f32 $3.200000000e+01, v7;
	[tilespmem:s22+$0x0] =	vst.add.f32.msk $0xffff, v3  }
0xb4: {  	s14 =	sor.u32 $0xD870, s20;
	s21 =	sadd.s32 $0x0, s21;
	v3 =	vld [tilespmem:s20+$0x1C70]  }
0xb5: {  	s15 =	sor.u32 $0x1C00, s21;
	v9 =	vmul.f32 $3.200000000e+01, v9;
	[tilespmem:s14+$0x0] =	vst.add.f32.msk $0xffff, v7  }
0xb6: {  	s23 =	sor.u32 $0xDC00, s20;
	v7 =	vld [tilespmem:s15+$0x400]  }
0xb7: {  	s19 =	sor.u32 $0x1C10, s21;
	v8 =	vmul.f32 $3.200000000e+01, v8;
	[tilespmem:s23+$0x0] =	vst.add.f32.msk $0xffff, v9  }
0xb8: {  	s24 =	sor.u32 $0xDC10, s20;
	v9 =	vld [tilespmem:s19+$0x400]  }
0xb9: {  	s28 =	sor.u32 $0x1C20, s21;
	v6 =	vmul.f32 $3.200000000e+01, v6;
	[tilespmem:s24+$0x0] =	vst.add.f32.msk $0xffff, v8  }
0xba: {  	s25 =	sor.u32 $0xDC20, s20;
	v8 =	vld [tilespmem:s28+$0x400]  }
0xbb: {  	s13 =	sor.u32 $0x1C30, s21;
	v4 =	vmul.f32 $3.200000000e+01, v4;
	[tilespmem:s25+$0x0] =	vst.add.f32.msk $0xffff, v6  }
0xbc: {  	s26 =	sor.u32 $0xDC30, s20;
	v6 =	vld [tilespmem:s13+$0x400]  }
0xbd: {  	s14 =	sor.u32 $0x1C40, s21;
	v10 =	vmul.f32 $3.200000000e+01, v10;
	[tilespmem:s26+$0x0] =	vst.add.f32.msk $0xffff, v4  }
0xbe: {  	s29 =	sor.u32 $0xDC40, s20;
	v4 =	vld [tilespmem:s14+$0x400]  }
0xbf: {  	s24 =	sor.u32 $0x1C50, s21;
	v11 =	vmul.f32 $3.200000000e+01, v11;
	[tilespmem:s29+$0x0] =	vst.add.f32.msk $0xffff, v10  }
0xc0: {  	s25 =	sor.u32 $0xDC50, s20;
	v10 =	vld [tilespmem:s24+$0x400]  }
0xc1: {  	v5 =	vmul.f32 $3.200000000e+01, v5;
	[tilespmem:s25+$0x0] =	vst.add.f32.msk $0xffff, v11;
	s25 =	sor.u32 $0x1C60, s21  }
0xc2: {  	s26 =	sor.u32 $0xDC60, s20;
	v11 =	vld [tilespmem:s25+$0x400]  }
0xc3: {  	v3 =	vmul.f32 $3.200000000e+01, v3;
	[tilespmem:s26+$0x0] =	vst.add.f32.msk $0xffff, v5;
	s26 =	sor.u32 $0x1C70, s21  }
0xc4: {  	s20 =	sor.u32 $0xDC70, s20;
	v5 =	vmul.f32 $3.200000000e+01, v7;
	v7 =	vld [tilespmem:s26+$0x400]  }
0xc5: {  	v9 =	vmul.f32 $3.200000000e+01, v9;
	[tilespmem:s20+$0x0] =	vst.add.f32.msk $0xffff, v3  }
0xc6: {  	v3 =	vmul.f32 $3.200000000e+01, v8;
	[tilespmem:s15+$0xC400] =	vst.add.f32.msk $0xffff, v5  }
0xc7: {  	v5 =	vmul.f32 $3.200000000e+01, v6;
	[tilespmem:s19+$0xC400] =	vst.add.f32.msk $0xffff, v9  }
0xc8: {  	v6 =	vmul.f32 $3.200000000e+01, v4;
	[tilespmem:s28+$0xC400] =	vst.add.f32.msk $0xffff, v3  }
0xc9: {  	v4 =	vmul.f32 $3.200000000e+01, v10;
	[tilespmem:s13+$0xC400] =	vst.add.f32.msk $0xffff, v5  }
0xca: {  	s22 =	simm.s32 $0x0;
	s21 =	simm.s32 $0xFFFFC400;
	s20 =	simm.s32 $0x80;
	v5 =	vmul.f32 $3.200000000e+01, v11;
	v3 =	vmul.f32 $3.200000000e+01, v7;
	[tilespmem:s14+$0xC400] =	vst.add.f32.msk $0xffff, v6  }
.LBB2_3:
0xcb: {  	s13 =	sadd.s32 $0x4000, s21  }
0xcc: {  	p0 =	sne.s32 s20, $0x780;
	[tilespmem:s24+$0xC400] =	vst.add.f32.msk $0xffff, v4;
	s14 =	smov.u32 s20;
	s20 =	sadd.s32 $0x80, s20  }
0xcd: {  	s13 =	sand.u32 $0x2000, s13;
	s14 =	sand.u32 $0x380, s14;
	[tilespmem:s25+$0xC400] =	vst.add.f32.msk $0xffff, v5  }
0xce: {  	s23 =	sor.u32 s14, s13;
	[tilespmem:s26+$0xC400] =	vst.add.f32.msk $0xffff, v3  }
0xcf: {  	v3 =	vld [tilespmem:s23+$0x410]  }
0xd0: {  	v4 =	vld [tilespmem:s23+$0x460]  }
0xd1: {  	v5 =	vld [tilespmem:s23+$0x400]  }
0xd2: {  	v6 =	vld [tilespmem:s23+$0x450]  }
0xd3: {  	v7 =	vld [tilespmem:s23+$0x420]  }
0xd4: {  	v8 =	vld [tilespmem:s23+$0x440]  }
0xd5: {  	v9 =	vld [tilespmem:s23+$0x430]  }
0xd6: {  	v5 =	vmul.f32 $3.200000000e+01, v5;
	v10 =	vld [tilespmem:s23+$0x470]  }
0xd7: {  	s13 =	sor.u32 $0xC400, s23;
	v11 =	vld [tilespmem:s23+$0x800]  }
0xd8: {  	v3 =	vmul.f32 $3.200000000e+01, v3;
	[tilespmem:s13+$0x0] =	vst.add.f32.msk $0xffff, v5  }
0xd9: {  	s13 =	sor.u32 $0xC410, s23;
	v5 =	vld [tilespmem:s23+$0x810]  }
0xda: {  	v7 =	vmul.f32 $3.200000000e+01, v7;
	[tilespmem:s13+$0x0] =	vst.add.f32.msk $0xffff, v3  }
0xdb: {  	s13 =	sor.u32 $0xC420, s23;
	v3 =	vld [tilespmem:s23+$0x820]  }
0xdc: {  	v9 =	vmul.f32 $3.200000000e+01, v9;
	[tilespmem:s13+$0x0] =	vst.add.f32.msk $0xffff, v7  }
0xdd: {  	s13 =	sor.u32 $0xC430, s23;
	v7 =	vld [tilespmem:s23+$0x830]  }
0xde: {  	v8 =	vmul.f32 $3.200000000e+01, v8;
	[tilespmem:s13+$0x0] =	vst.add.f32.msk $0xffff, v9  }
0xdf: {  	s13 =	sor.u32 $0xC440, s23;
	v9 =	vld [tilespmem:s23+$0x840]  }
0xe0: {  	v6 =	vmul.f32 $3.200000000e+01, v6;
	[tilespmem:s13+$0x0] =	vst.add.f32.msk $0xffff, v8  }
0xe1: {  	s13 =	sor.u32 $0xC450, s23;
	v8 =	vld [tilespmem:s23+$0x850]  }
0xe2: {  	v4 =	vmul.f32 $3.200000000e+01, v4;
	[tilespmem:s13+$0x0] =	vst.add.f32.msk $0xffff, v6  }
0xe3: {  	s13 =	sor.u32 $0xC460, s23;
	v6 =	vld [tilespmem:s23+$0x860]  }
0xe4: {  	v10 =	vmul.f32 $3.200000000e+01, v10;
	[tilespmem:s13+$0x0] =	vst.add.f32.msk $0xffff, v4  }
0xe5: {  	s13 =	sor.u32 $0xC470, s23;
	v4 =	vld [tilespmem:s23+$0x870]  }
0xe6: {  	v11 =	vmul.f32 $3.200000000e+01, v11;
	[tilespmem:s13+$0x0] =	vst.add.f32.msk $0xffff, v10  }
0xe7: {  	s13 =	sor.u32 $0xC800, s23;
	v10 =	vld [tilespmem:s23+$0xC00]  }
0xe8: {  	v5 =	vmul.f32 $3.200000000e+01, v5;
	[tilespmem:s13+$0x0] =	vst.add.f32.msk $0xffff, v11  }
0xe9: {  	s13 =	sor.u32 $0xC810, s23;
	v11 =	vld [tilespmem:s23+$0xC10]  }
0xea: {  	v3 =	vmul.f32 $3.200000000e+01, v3;
	[tilespmem:s13+$0x0] =	vst.add.f32.msk $0xffff, v5  }
0xeb: {  	s13 =	sor.u32 $0xC820, s23;
	v5 =	vld [tilespmem:s23+$0xC20]  }
0xec: {  	v7 =	vmul.f32 $3.200000000e+01, v7;
	[tilespmem:s13+$0x0] =	vst.add.f32.msk $0xffff, v3  }
0xed: {  	s13 =	sor.u32 $0xC830, s23;
	v3 =	vld [tilespmem:s23+$0xC30]  }
0xee: {  	v9 =	vmul.f32 $3.200000000e+01, v9;
	[tilespmem:s13+$0x0] =	vst.add.f32.msk $0xffff, v7  }
0xef: {  	s13 =	sor.u32 $0xC840, s23;
	v7 =	vld [tilespmem:s23+$0xC40]  }
0xf0: {  	v8 =	vmul.f32 $3.200000000e+01, v8;
	[tilespmem:s13+$0x0] =	vst.add.f32.msk $0xffff, v9  }
0xf1: {  	s13 =	sor.u32 $0xC850, s23;
	v9 =	vld [tilespmem:s23+$0xC50]  }
0xf2: {  	v6 =	vmul.f32 $3.200000000e+01, v6;
	[tilespmem:s13+$0x0] =	vst.add.f32.msk $0xffff, v8  }
0xf3: {  	s13 =	sor.u32 $0xC860, s23;
	v8 =	vld [tilespmem:s23+$0xC60]  }
0xf4: {  	v4 =	vmul.f32 $3.200000000e+01, v4;
	[tilespmem:s13+$0x0] =	vst.add.f32.msk $0xffff, v6  }
0xf5: {  	s13 =	sor.u32 $0xC870, s23;
	v6 =	vld [tilespmem:s23+$0xC70]  }
0xf6: {  	v10 =	vmul.f32 $3.200000000e+01, v10;
	[tilespmem:s13+$0x0] =	vst.add.f32.msk $0xffff, v4  }
0xf7: {  	s13 =	sor.u32 $0xCC00, s23;
	v4 =	vld [tilespmem:s23+$0x1000]  }
0xf8: {  	v11 =	vmul.f32 $3.200000000e+01, v11;
	[tilespmem:s13+$0x0] =	vst.add.f32.msk $0xffff, v10  }
0xf9: {  	s13 =	sor.u32 $0xCC10, s23;
	v10 =	vld [tilespmem:s23+$0x1010]  }
0xfa: {  	v5 =	vmul.f32 $3.200000000e+01, v5;
	[tilespmem:s13+$0x0] =	vst.add.f32.msk $0xffff, v11  }
0xfb: {  	s13 =	sor.u32 $0xCC20, s23;
	v11 =	vld [tilespmem:s23+$0x1020]  }
0xfc: {  	v3 =	vmul.f32 $3.200000000e+01, v3;
	[tilespmem:s13+$0x0] =	vst.add.f32.msk $0xffff, v5  }
0xfd: {  	s13 =	sor.u32 $0xCC30, s23;
	v5 =	vld [tilespmem:s23+$0x1030]  }
0xfe: {  	v7 =	vmul.f32 $3.200000000e+01, v7;
	[tilespmem:s13+$0x0] =	vst.add.f32.msk $0xffff, v3  }
0xff: {  	s13 =	sor.u32 $0xCC40, s23;
	v3 =	vld [tilespmem:s23+$0x1040]  }
0x100: {  	v9 =	vmul.f32 $3.200000000e+01, v9;
	[tilespmem:s13+$0x0] =	vst.add.f32.msk $0xffff, v7  }
0x101: {  	s13 =	sor.u32 $0xCC50, s23;
	v7 =	vld [tilespmem:s23+$0x1050]  }
0x102: {  	v8 =	vmul.f32 $3.200000000e+01, v8;
	[tilespmem:s13+$0x0] =	vst.add.f32.msk $0xffff, v9  }
0x103: {  	s13 =	sor.u32 $0xCC60, s23;
	v9 =	vld [tilespmem:s23+$0x1060]  }
0x104: {  	v6 =	vmul.f32 $3.200000000e+01, v6;
	[tilespmem:s13+$0x0] =	vst.add.f32.msk $0xffff, v8  }
0x105: {  	s13 =	sor.u32 $0xCC70, s23;
	v8 =	vld [tilespmem:s23+$0x1070]  }
0x106: {  	v4 =	vmul.f32 $3.200000000e+01, v4;
	[tilespmem:s13+$0x0] =	vst.add.f32.msk $0xffff, v6  }
0x107: {  	s13 =	sor.u32 $0xD000, s23;
	v6 =	vld [tilespmem:s23+$0x1400]  }
0x108: {  	v10 =	vmul.f32 $3.200000000e+01, v10;
	[tilespmem:s13+$0x0] =	vst.add.f32.msk $0xffff, v4  }
0x109: {  	s13 =	sor.u32 $0xD010, s23;
	v4 =	vld [tilespmem:s23+$0x1410]  }
0x10a: {  	v11 =	vmul.f32 $3.200000000e+01, v11;
	[tilespmem:s13+$0x0] =	vst.add.f32.msk $0xffff, v10  }
0x10b: {  	s13 =	sor.u32 $0xD020, s23;
	v10 =	vld [tilespmem:s23+$0x1420]  }
0x10c: {  	v5 =	vmul.f32 $3.200000000e+01, v5;
	[tilespmem:s13+$0x0] =	vst.add.f32.msk $0xffff, v11  }
0x10d: {  	s13 =	sor.u32 $0xD030, s23;
	v11 =	vld [tilespmem:s23+$0x1430]  }
0x10e: {  	v3 =	vmul.f32 $3.200000000e+01, v3;
	[tilespmem:s13+$0x0] =	vst.add.f32.msk $0xffff, v5  }
0x10f: {  	s13 =	sor.u32 $0xD040, s23;
	v5 =	vld [tilespmem:s23+$0x1440]  }
0x110: {  	v7 =	vmul.f32 $3.200000000e+01, v7;
	[tilespmem:s13+$0x0] =	vst.add.f32.msk $0xffff, v3  }
0x111: {  	s13 =	sor.u32 $0xD050, s23;
	v3 =	vld [tilespmem:s23+$0x1450]  }
0x112: {  	v9 =	vmul.f32 $3.200000000e+01, v9;
	[tilespmem:s13+$0x0] =	vst.add.f32.msk $0xffff, v7  }
0x113: {  	s13 =	sor.u32 $0xD060, s23;
	v7 =	vld [tilespmem:s23+$0x1460]  }
0x114: {  	v8 =	vmul.f32 $3.200000000e+01, v8;
	[tilespmem:s13+$0x0] =	vst.add.f32.msk $0xffff, v9  }
0x115: {  	s13 =	sor.u32 $0xD070, s23;
	v9 =	vld [tilespmem:s23+$0x1470]  }
0x116: {  	v6 =	vmul.f32 $3.200000000e+01, v6;
	[tilespmem:s13+$0x0] =	vst.add.f32.msk $0xffff, v8  }
0x117: {  	s13 =	sor.u32 $0xD400, s23;
	v8 =	vld [tilespmem:s23+$0x1800]  }
0x118: {  	v4 =	vmul.f32 $3.200000000e+01, v4;
	[tilespmem:s13+$0x0] =	vst.add.f32.msk $0xffff, v6  }
0x119: {  	s13 =	sor.u32 $0xD410, s23;
	v6 =	vld [tilespmem:s23+$0x1810]  }
0x11a: {  	v10 =	vmul.f32 $3.200000000e+01, v10;
	[tilespmem:s13+$0x0] =	vst.add.f32.msk $0xffff, v4  }
0x11b: {  	s13 =	sor.u32 $0xD420, s23;
	v4 =	vld [tilespmem:s23+$0x1820]  }
0x11c: {  	v11 =	vmul.f32 $3.200000000e+01, v11;
	[tilespmem:s13+$0x0] =	vst.add.f32.msk $0xffff, v10  }
0x11d: {  	s13 =	sor.u32 $0xD430, s23;
	v10 =	vld [tilespmem:s23+$0x1830]  }
0x11e: {  	v5 =	vmul.f32 $3.200000000e+01, v5;
	[tilespmem:s13+$0x0] =	vst.add.f32.msk $0xffff, v11  }
0x11f: {  	s13 =	sor.u32 $0xD440, s23;
	v11 =	vld [tilespmem:s23+$0x1840]  }
0x120: {  	v3 =	vmul.f32 $3.200000000e+01, v3;
	[tilespmem:s13+$0x0] =	vst.add.f32.msk $0xffff, v5  }
0x121: {  	s13 =	sor.u32 $0xD450, s23;
	v5 =	vld [tilespmem:s23+$0x1850]  }
0x122: {  	v7 =	vmul.f32 $3.200000000e+01, v7;
	[tilespmem:s13+$0x0] =	vst.add.f32.msk $0xffff, v3  }
0x123: {  	s13 =	sor.u32 $0xD460, s23;
	v3 =	vld [tilespmem:s23+$0x1860]  }
0x124: {  	v9 =	vmul.f32 $3.200000000e+01, v9;
	[tilespmem:s13+$0x0] =	vst.add.f32.msk $0xffff, v7  }
0x125: {  	s13 =	sor.u32 $0xD470, s23;
	v7 =	vld [tilespmem:s23+$0x1870]  }
0x126: {  	v8 =	vmul.f32 $3.200000000e+01, v8;
	[tilespmem:s13+$0x0] =	vst.add.f32.msk $0xffff, v9  }
0x127: {  	s13 =	sor.u32 $0xD800, s23;
	v9 =	vld [tilespmem:s23+$0x1C00]  }
0x128: {  	v6 =	vmul.f32 $3.200000000e+01, v6;
	[tilespmem:s13+$0x0] =	vst.add.f32.msk $0xffff, v8  }
0x129: {  	s13 =	sor.u32 $0xD810, s23;
	v8 =	vld [tilespmem:s23+$0x1C10]  }
0x12a: {  	v4 =	vmul.f32 $3.200000000e+01, v4;
	[tilespmem:s13+$0x0] =	vst.add.f32.msk $0xffff, v6  }
0x12b: {  	s13 =	sor.u32 $0xD820, s23;
	v6 =	vld [tilespmem:s23+$0x1C20]  }
0x12c: {  	v10 =	vmul.f32 $3.200000000e+01, v10;
	[tilespmem:s13+$0x0] =	vst.add.f32.msk $0xffff, v4  }
0x12d: {  	s13 =	sor.u32 $0xD830, s23;
	v4 =	vld [tilespmem:s23+$0x1C30]  }
0x12e: {  	v11 =	vmul.f32 $3.200000000e+01, v11;
	[tilespmem:s13+$0x0] =	vst.add.f32.msk $0xffff, v10  }
0x12f: {  	s13 =	sor.u32 $0xD840, s23;
	v10 =	vld [tilespmem:s23+$0x1C40]  }
0x130: {  	s16 =	sadd.s32 $0x1, s16;
	v5 =	vmul.f32 $3.200000000e+01, v5;
	[tilespmem:s13+$0x0] =	vst.add.f32.msk $0xffff, v11  }
0x131: {  	s13 =	sor.u32 $0xD850, s23;
	v11 =	vld [tilespmem:s23+$0x1C50]  }
0x132: {  	s22 =	sadd.s32 $0x400, s22;
	v3 =	vmul.f32 $3.200000000e+01, v3;
	[tilespmem:s13+$0x0] =	vst.add.f32.msk $0xffff, v5  }
0x133: {  	s14 =	sor.u32 $0xD860, s23;
	s13 =	sand.u32 $0x7, s16;
	v5 =	vld [tilespmem:s23+$0x1C60]  }
0x134: {  	v7 =	vmul.f32 $3.200000000e+01, v7;
	s13 =	sshll.u32 s13, $0x7;
	[tilespmem:s14+$0x0] =	vst.add.f32.msk $0xffff, v3  }
0x135: {  	s13 =	sadd.s32 s13, s22;
	s14 =	sor.u32 $0xD870, s23;
	v3 =	vld [tilespmem:s23+$0x1C70]  }
0x136: {  	v9 =	vmul.f32 $3.200000000e+01, v9;
	[tilespmem:s14+$0x0] =	vst.add.f32.msk $0xffff, v7;
	s14 =	sor.u32 $0x1C00, s13  }
0x137: {  	s24 =	sor.u32 $0xDC00, s23;
	v7 =	vld [tilespmem:s14+$0x400]  }
0x138: {  	v8 =	vmul.f32 $3.200000000e+01, v8;
	s28 =	sor.u32 $0x1C10, s13;
	[tilespmem:s24+$0x0] =	vst.add.f32.msk $0xffff, v9  }
0x139: {  	s24 =	sor.u32 $0xDC10, s23;
	v9 =	vld [tilespmem:s28+$0x400]  }
0x13a: {  	v6 =	vmul.f32 $3.200000000e+01, v6;
	s15 =	sor.u32 $0x1C20, s13;
	[tilespmem:s24+$0x0] =	vst.add.f32.msk $0xffff, v8  }
0x13b: {  	s24 =	sor.u32 $0xDC20, s23;
	v8 =	vld [tilespmem:s15+$0x400]  }
0x13c: {  	v4 =	vmul.f32 $3.200000000e+01, v4;
	s29 =	sor.u32 $0x1C30, s13;
	[tilespmem:s24+$0x0] =	vst.add.f32.msk $0xffff, v6  }
0x13d: {  	s24 =	sor.u32 $0xDC30, s23;
	v6 =	vld [tilespmem:s29+$0x400]  }
0x13e: {  	v10 =	vmul.f32 $3.200000000e+01, v10;
	s19 =	sor.u32 $0x1C40, s13;
	[tilespmem:s24+$0x0] =	vst.add.f32.msk $0xffff, v4  }
0x13f: {  	s24 =	sor.u32 $0xDC40, s23;
	v4 =	vld [tilespmem:s19+$0x400]  }
0x140: {  	v11 =	vmul.f32 $3.200000000e+01, v11;
	[tilespmem:s24+$0x0] =	vst.add.f32.msk $0xffff, v10;
	s24 =	sor.u32 $0x1C50, s13  }
0x141: {  	s25 =	sor.u32 $0xDC50, s23;
	v10 =	vld [tilespmem:s24+$0x400]  }
0x142: {  	v5 =	vmul.f32 $3.200000000e+01, v5;
	[tilespmem:s25+$0x0] =	vst.add.f32.msk $0xffff, v11;
	s25 =	sor.u32 $0x1C60, s13  }
0x143: {  	s26 =	sor.u32 $0xDC60, s23;
	v11 =	vld [tilespmem:s25+$0x400]  }
0x144: {  	v3 =	vmul.f32 $3.200000000e+01, v3;
	[tilespmem:s26+$0x0] =	vst.add.f32.msk $0xffff, v5;
	s26 =	sor.u32 $0x1C70, s13  }
0x145: {  	v5 =	vmul.f32 $3.200000000e+01, v7;
	s13 =	sor.u32 $0xDC70, s23;
	v7 =	vld [tilespmem:s26+$0x400]  }
0x146: {  	v9 =	vmul.f32 $3.200000000e+01, v9;
	[tilespmem:s13+$0x0] =	vst.add.f32.msk $0xffff, v3  }
.Ltmp0:
0x147: {  	v3 =	vmul.f32 $3.200000000e+01, v8;
	[tilespmem:s14+$0xC400] =	vst.add.f32.msk $0xffff, v5;
	(pc) =	sbr.rel @p0 .LBB2_3-.Ltmp0, $4  }
0x148: {  	v5 =	vmul.f32 $3.200000000e+01, v6;
	[tilespmem:s28+$0xC400] =	vst.add.f32.msk $0xffff, v9  }
0x149: {  	v6 =	vmul.f32 $3.200000000e+01, v4;
	[tilespmem:s15+$0xC400] =	vst.add.f32.msk $0xffff, v3  }
0x14a: {  	v4 =	vmul.f32 $3.200000000e+01, v10;
	v3 =	vmul.f32 $3.200000000e+01, v7;
	[tilespmem:s29+$0xC400] =	vst.add.f32.msk $0xffff, v5  }
0x14b: {  	s21 =	sadd.s32 $0x400, s21;
	v5 =	vmul.f32 $3.200000000e+01, v11;
	[tilespmem:s19+$0xC400] =	vst.add.f32.msk $0xffff, v6  }
0x14c: {  	s16 =	smul.u32 $0x30, s30;
	_ =	sdelay $0x1  }
0x14d: {  	[tilespmem:s24+$0xC400] =	vst.add.f32.msk $0xffff, v4;
	s13 =	sadd.s32 s6, s16  }
0x14e: {  	[tilespmem:s25+$0xC400] =	vst.add.f32.msk $0xffff, v5;
	s13 =	sshll.u32 s13, $0x7  }
0x14f: {  	s1 =	simm.s32 $0xC400;
	p0 =	seq.s32 s30, $0x0;
	[tilespmem:s26+$0xC400] =	vst.add.f32.msk $0xffff, v3;
	s13 =	sadd.s32 s4, s13  }
0x150: {  	[hbm4b:s13+s5] =	stream.linear.scatter [tilespmem:s1], [sflag:$0x7], $0x4000, $0x38;
	[tilespmem:$0x18400] =	vst v63  }
0x151: {  	v3 =	vld @p0 [tilespmem:$0x20];
	_ =	sdelay $0x4  }
0x152: {  	v4 =	vshll.u32 @p0 v3, $0x3  }
0x153: {  	v5 =	vlaneseq.u32 @p0;
	v3 =	vand.u32 @p0 $0x7, v3;
	v4 =	vand.u32 @p0 $0xFFFFFFC0, v4  }
0x154: {  	v6 =	vshrl.u32 @p0 v5, $0x3;
	v3 =	vor.u32 @p0 v3, v4;
	v4 =	vand.u32 @p0 $0x7, v5  }
0x155: {  	v6 =	vmul.u32 @p0 $0x8, v6;
	v4 =	vperm.xlane @p0 v3, v4;
	_ =	sdelay $0x1  }
0x156: {  	v4 =	vadd.s32 @p0 v6, v4;
	_ =	sdelay $0x3  }
0x157: {  	vm1 =	vmmov @p0 $0xffff;
	s14 =	simm.s32 @p0 $0x14400;
	s13 =	simm.s32 @p0 $0x0  }
0x158: {  	v5 =	vor.u32 @p0 $0x8, v5;
	[tilespmem:s14], [sflag:$0x3] =	stream.indirect_vreg.gather @p0 [hbm4b:s3+s13], $0x80, v4, vm1, $0xb8;
	[tilespmem:$0x18400] =	vst v63  }
0x159: {  	v3 =	vperm.xlane @p0 v3, v5;
	s14 =	simm.s32 @p0 $0x14C00  }
0x15a: {  	[tilespmem:s14], [sflag:$0x3] =	stream.indirect_vreg.gather @p0 [hbm4b:s8+s13], $0x80, v4, vm1, $0xb8;
	[tilespmem:$0x18400] =	vst v63  }
0x15b: {  	v3 =	vadd.s32 @p0 v6, v3;
	s14 =	simm.s32 @p0 $0x15400  }
0x15c: {  	[tilespmem:s14], [sflag:$0x3] =	stream.indirect_vreg.gather @p0 [hbm4b:s9+s13], $0x80, v4, vm1, $0xb8;
	[tilespmem:$0x18400] =	vst v63  }
0x15d: {  	s14 =	simm.s32 @p0 $0x15C00  }
0x15e: {  	[tilespmem:s14], [sflag:$0x3] =	stream.indirect_vreg.gather @p0 [hbm4b:s11+s13], $0x80, v4, vm1, $0xb8;
	[tilespmem:$0x18400] =	vst v63  }
0x15f: {  	s14 =	simm.s32 @p0 $0x16400  }
0x160: {  	[tilespmem:s14], [sflag:$0x3] =	stream.indirect_vreg.gather @p0 [hbm4b:s3+s13], $0x80, v3, vm1, $0xb8;
	[tilespmem:$0x18400] =	vst v63  }
0x161: {  	s14 =	simm.s32 @p0 $0x16C00  }
0x162: {  	[tilespmem:s14], [sflag:$0x3] =	stream.indirect_vreg.gather @p0 [hbm4b:s8+s13], $0x80, v3, vm1, $0xb8;
	[tilespmem:$0x18400] =	vst v63  }
0x163: {  	s14 =	simm.s32 @p0 $0x17400  }
0x164: {  	[tilespmem:s14], [sflag:$0x3] =	stream.indirect_vreg.gather @p0 [hbm4b:s9+s13], $0x80, v3, vm1, $0xb8;
	[tilespmem:$0x18400] =	vst v63  }
0x165: {  	s14 =	simm.s32 @p0 $0x17C00  }
0x166: {  	[tilespmem:s14], [sflag:$0x3] =	stream.indirect_vreg.gather @p0 [hbm4b:s11+s13], $0x80, v3, vm1, $0xb8;
	[tilespmem:$0x18400] =	vst v63  }
0x167: {  	s13 =	simm.s32 @!p0 $0x9  }
0x168: {  	_ =	swait.ge @!p0 [sflag:s13], $0x4000  }
0x169: {  	[sflag:s13] =	ssyncset.done @!p0 $0x0  }
0x16a: {  	[sflag:s13] =	ssyncadd.s32 @!p0 $0xFFFFC000  }
0x16b: {  	v3 =	vld @!p0 [tilespmem:s16+$0x20];
	_ =	sdelay $0x4  }
0x16c: {  	v4 =	vshll.u32 @!p0 v3, $0x3  }
0x16d: {  	v5 =	vlaneseq.u32 @!p0;
	v3 =	vand.u32 @!p0 $0x7, v3;
	v4 =	vand.u32 @!p0 $0xFFFFFFC0, v4  }
0x16e: {  	v6 =	vshrl.u32 @!p0 v5, $0x3;
	v3 =	vor.u32 @!p0 v3, v4;
	v4 =	vand.u32 @!p0 $0x7, v5  }
0x16f: {  	v6 =	vmul.u32 @!p0 $0x8, v6;
	v4 =	vperm.xlane @!p0 v3, v4;
	_ =	sdelay $0x1  }
0x170: {  	v4 =	vadd.s32 @!p0 v6, v4;
	_ =	sdelay $0x3  }
0x171: {  	vm1 =	vmmov @!p0 $0xffff;
	s14 =	simm.s32 @!p0 $0x14400;
	s13 =	simm.s32 @!p0 $0x0  }
0x172: {  	v5 =	vor.u32 @!p0 $0x8, v5;
	[tilespmem:s14], [sflag:$0x3] =	stream.indirect_vreg.gather @!p0 [hbm4b:s3+s13], $0x80, v4, vm1, $0xb8;
	[tilespmem:$0x18400] =	vst v63  }
0x173: {  	v3 =	vperm.xlane @!p0 v3, v5;
	s14 =	simm.s32 @!p0 $0x14C00  }
0x174: {  	[tilespmem:s14], [sflag:$0x3] =	stream.indirect_vreg.gather @!p0 [hbm4b:s8+s13], $0x80, v4, vm1, $0xb8;
	[tilespmem:$0x18400] =	vst v63  }
0x175: {  	v3 =	vadd.s32 @!p0 v6, v3;
	s14 =	simm.s32 @!p0 $0x15400  }
0x176: {  	[tilespmem:s14], [sflag:$0x3] =	stream.indirect_vreg.gather @!p0 [hbm4b:s9+s13], $0x80, v4, vm1, $0xb8;
	[tilespmem:$0x18400] =	vst v63  }
0x177: {  	s14 =	simm.s32 @!p0 $0x15C00  }
0x178: {  	[tilespmem:s14], [sflag:$0x3] =	stream.indirect_vreg.gather @!p0 [hbm4b:s11+s13], $0x80, v4, vm1, $0xb8;
	[tilespmem:$0x18400] =	vst v63  }
0x179: {  	s14 =	simm.s32 @!p0 $0x16400  }
0x17a: {  	[tilespmem:s14], [sflag:$0x3] =	stream.indirect_vreg.gather @!p0 [hbm4b:s3+s13], $0x80, v3, vm1, $0xb8;
	[tilespmem:$0x18400] =	vst v63  }
0x17b: {  	s14 =	simm.s32 @!p0 $0x16C00  }
0x17c: {  	[tilespmem:s14], [sflag:$0x3] =	stream.indirect_vreg.gather @!p0 [hbm4b:s8+s13], $0x80, v3, vm1, $0xb8;
	[tilespmem:$0x18400] =	vst v63  }
0x17d: {  	s14 =	simm.s32 @!p0 $0x17400  }
0x17e: {  	[tilespmem:s14], [sflag:$0x3] =	stream.indirect_vreg.gather @!p0 [hbm4b:s9+s13], $0x80, v3, vm1, $0xb8;
	[tilespmem:$0x18400] =	vst v63  }
0x17f: {  	s15 =	simm.s32 @!p0 $0x17C00;
	s14 =	sadd.s32 @!p0 $0x20, s16  }
0x180: {  	[tilespmem:s15], [sflag:$0x3] =	stream.indirect_vreg.gather @!p0 [hbm4b:s11+s13], $0x80, v3, vm1, $0xb8;
	[tilespmem:$0x18400] =	vst v63  }
0x181: {  	s13 =	sadd.s32 @!p0 s6, s14  }
0x182: {  	s1 =	rddreg [dreg:$0x0];
	s13 =	sshll.u32 @!p0 s13, $0x7  }
0x183: {  	s13 =	sadd.s32 @!p0 s1, s13;
	s1 =	rddreg [dreg:$0x8]  }
0x184: {  	s20 =	simm.s32 $0x0;
	s25 =	simm.s32 $0x8400;
	s13 =	smov.u32 @p0 s1  }
0x185: {  	[tilespmem:s25], [sflag:$0x6] =	stream.linear.gather [hbm4b:s13+s20], $0x4000, $0x38;
	[tilespmem:$0x18400] =	vst v63  }
0x186: {  	_ =	swait.ge [sflag:s31], $0x4000  }
0x187: {  	[sflag:s31] =	ssyncset.done $0x0  }
0x188: {  	[sflag:s31] =	ssyncadd.s32 $0xFFFFC000  }
0x189: {  	s26 =	simm.s32 $0x0;
	_ =	swait.ge [sflag:s2], $0x4000  }
0x18a: {  	s29 =	sand.u32 $0x380, s20;
	s13 =	sand.u32 $0x2000, s26;
	[sflag:s2] =	ssyncset.done $0x0  }
0x18b: {  	s21 =	sor.u32 s29, s13;
	[sflag:s2] =	ssyncadd.s32 $0xFFFFC000  }
0x18c: {  	v3 =	vld [tilespmem:s21+$0x4410]  }
0x18d: {  	v4 =	vld [tilespmem:s21+$0x4460]  }
0x18e: {  	v5 =	vld [tilespmem:s21+$0x4400]  }
0x18f: {  	v6 =	vld [tilespmem:s21+$0x4450]  }
0x190: {  	v7 =	vld [tilespmem:s21+$0x4420]  }
0x191: {  	v8 =	vld [tilespmem:s21+$0x4440]  }
0x192: {  	v9 =	vld [tilespmem:s21+$0x4430]  }
0x193: {  	v10 =	vld [tilespmem:s21+$0x4470];
	v5 =	vmul.f32 $3.200000000e+01, v5  }
0x194: {  	s13 =	sor.u32 $0x10400, s21;
	v11 =	vld [tilespmem:s21+$0x4800]  }
0x195: {  	v3 =	vmul.f32 $3.200000000e+01, v3;
	[tilespmem:s13+$0x0] =	vst.add.f32.msk $0xffff, v5  }
0x196: {  	s1 =	sor.u32 $0x10410, s21;
	v5 =	vld [tilespmem:s21+$0x4810]  }
0x197: {  	v7 =	vmul.f32 $3.200000000e+01, v7;
	[tilespmem:s1+$0x0] =	vst.add.f32.msk $0xffff, v3  }
0x198: {  	s14 =	sor.u32 $0x10420, s21;
	v3 =	vld [tilespmem:s21+$0x4820]  }
0x199: {  	v9 =	vmul.f32 $3.200000000e+01, v9;
	[tilespmem:s14+$0x0] =	vst.add.f32.msk $0xffff, v7  }
0x19a: {  	s15 =	sor.u32 $0x10430, s21;
	v7 =	vld [tilespmem:s21+$0x4830]  }
0x19b: {  	v8 =	vmul.f32 $3.200000000e+01, v8;
	[tilespmem:s15+$0x0] =	vst.add.f32.msk $0xffff, v9  }
0x19c: {  	s19 =	sor.u32 $0x10440, s21;
	v9 =	vld [tilespmem:s21+$0x4840]  }
0x19d: {  	v6 =	vmul.f32 $3.200000000e+01, v6;
	[tilespmem:s19+$0x0] =	vst.add.f32.msk $0xffff, v8  }
0x19e: {  	s22 =	sor.u32 $0x10450, s21;
	v8 =	vld [tilespmem:s21+$0x4850]  }
0x19f: {  	v4 =	vmul.f32 $3.200000000e+01, v4;
	[tilespmem:s22+$0x0] =	vst.add.f32.msk $0xffff, v6  }
0x1a0: {  	s23 =	sor.u32 $0x10460, s21;
	v6 =	vld [tilespmem:s21+$0x4860]  }
0x1a1: {  	v10 =	vmul.f32 $3.200000000e+01, v10;
	[tilespmem:s23+$0x0] =	vst.add.f32.msk $0xffff, v4  }
0x1a2: {  	s24 =	sor.u32 $0x10470, s21;
	v4 =	vld [tilespmem:s21+$0x4870]  }
0x1a3: {  	v11 =	vmul.f32 $3.200000000e+01, v11;
	[tilespmem:s24+$0x0] =	vst.add.f32.msk $0xffff, v10  }
0x1a4: {  	s25 =	sor.u32 $0x10800, s21;
	v10 =	vld [tilespmem:s21+$0x4C00]  }
0x1a5: {  	v5 =	vmul.f32 $3.200000000e+01, v5;
	[tilespmem:s25+$0x0] =	vst.add.f32.msk $0xffff, v11  }
0x1a6: {  	s26 =	sor.u32 $0x10810, s21;
	v11 =	vld [tilespmem:s21+$0x4C10]  }
0x1a7: {  	v3 =	vmul.f32 $3.200000000e+01, v3;
	[tilespmem:s26+$0x0] =	vst.add.f32.msk $0xffff, v5  }
0x1a8: {  	s29 =	sor.u32 $0x10820, s21;
	v5 =	vld [tilespmem:s21+$0x4C20]  }
0x1a9: {  	v7 =	vmul.f32 $3.200000000e+01, v7;
	[tilespmem:s29+$0x0] =	vst.add.f32.msk $0xffff, v3  }
0x1aa: {  	s1 =	sor.u32 $0x10830, s21;
	v3 =	vld [tilespmem:s21+$0x4C30]  }
0x1ab: {  	v9 =	vmul.f32 $3.200000000e+01, v9;
	[tilespmem:s1+$0x0] =	vst.add.f32.msk $0xffff, v7  }
0x1ac: {  	s14 =	sor.u32 $0x10840, s21;
	v7 =	vld [tilespmem:s21+$0x4C40]  }
0x1ad: {  	v8 =	vmul.f32 $3.200000000e+01, v8;
	[tilespmem:s14+$0x0] =	vst.add.f32.msk $0xffff, v9  }
0x1ae: {  	s15 =	sor.u32 $0x10850, s21;
	v9 =	vld [tilespmem:s21+$0x4C50]  }
0x1af: {  	v6 =	vmul.f32 $3.200000000e+01, v6;
	[tilespmem:s15+$0x0] =	vst.add.f32.msk $0xffff, v8  }
0x1b0: {  	s19 =	sor.u32 $0x10860, s21;
	v8 =	vld [tilespmem:s21+$0x4C60]  }
0x1b1: {  	v4 =	vmul.f32 $3.200000000e+01, v4;
	[tilespmem:s19+$0x0] =	vst.add.f32.msk $0xffff, v6  }
0x1b2: {  	s22 =	sor.u32 $0x10870, s21;
	v6 =	vld [tilespmem:s21+$0x4C70]  }
0x1b3: {  	v10 =	vmul.f32 $3.200000000e+01, v10;
	[tilespmem:s22+$0x0] =	vst.add.f32.msk $0xffff, v4  }
0x1b4: {  	s23 =	sor.u32 $0x10C00, s21;
	v4 =	vld [tilespmem:s21+$0x5000]  }
0x1b5: {  	v11 =	vmul.f32 $3.200000000e+01, v11;
	[tilespmem:s23+$0x0] =	vst.add.f32.msk $0xffff, v10  }
0x1b6: {  	s24 =	sor.u32 $0x10C10, s21;
	v10 =	vld [tilespmem:s21+$0x5010]  }
0x1b7: {  	v5 =	vmul.f32 $3.200000000e+01, v5;
	[tilespmem:s24+$0x0] =	vst.add.f32.msk $0xffff, v11  }
0x1b8: {  	s25 =	sor.u32 $0x10C20, s21;
	v11 =	vld [tilespmem:s21+$0x5020]  }
0x1b9: {  	v3 =	vmul.f32 $3.200000000e+01, v3;
	[tilespmem:s25+$0x0] =	vst.add.f32.msk $0xffff, v5  }
0x1ba: {  	s26 =	sor.u32 $0x10C30, s21;
	v5 =	vld [tilespmem:s21+$0x5030]  }
0x1bb: {  	v7 =	vmul.f32 $3.200000000e+01, v7;
	[tilespmem:s26+$0x0] =	vst.add.f32.msk $0xffff, v3  }
0x1bc: {  	s29 =	sor.u32 $0x10C40, s21;
	v3 =	vld [tilespmem:s21+$0x5040]  }
0x1bd: {  	v9 =	vmul.f32 $3.200000000e+01, v9;
	[tilespmem:s29+$0x0] =	vst.add.f32.msk $0xffff, v7  }
0x1be: {  	s1 =	sor.u32 $0x10C50, s21;
	v7 =	vld [tilespmem:s21+$0x5050]  }
0x1bf: {  	v8 =	vmul.f32 $3.200000000e+01, v8;
	[tilespmem:s1+$0x0] =	vst.add.f32.msk $0xffff, v9  }
0x1c0: {  	s14 =	sor.u32 $0x10C60, s21;
	v9 =	vld [tilespmem:s21+$0x5060]  }
0x1c1: {  	v6 =	vmul.f32 $3.200000000e+01, v6;
	[tilespmem:s14+$0x0] =	vst.add.f32.msk $0xffff, v8  }
0x1c2: {  	s15 =	sor.u32 $0x10C70, s21;
	v8 =	vld [tilespmem:s21+$0x5070]  }
0x1c3: {  	v4 =	vmul.f32 $3.200000000e+01, v4;
	[tilespmem:s15+$0x0] =	vst.add.f32.msk $0xffff, v6  }
0x1c4: {  	s19 =	sor.u32 $0x11000, s21;
	v6 =	vld [tilespmem:s21+$0x5400]  }
0x1c5: {  	v10 =	vmul.f32 $3.200000000e+01, v10;
	[tilespmem:s19+$0x0] =	vst.add.f32.msk $0xffff, v4  }
0x1c6: {  	s22 =	sor.u32 $0x11010, s21;
	v4 =	vld [tilespmem:s21+$0x5410]  }
0x1c7: {  	v11 =	vmul.f32 $3.200000000e+01, v11;
	[tilespmem:s22+$0x0] =	vst.add.f32.msk $0xffff, v10  }
0x1c8: {  	s23 =	sor.u32 $0x11020, s21;
	v10 =	vld [tilespmem:s21+$0x5420]  }
0x1c9: {  	v5 =	vmul.f32 $3.200000000e+01, v5;
	[tilespmem:s23+$0x0] =	vst.add.f32.msk $0xffff, v11  }
0x1ca: {  	s24 =	sor.u32 $0x11030, s21;
	v11 =	vld [tilespmem:s21+$0x5430]  }
0x1cb: {  	v3 =	vmul.f32 $3.200000000e+01, v3;
	[tilespmem:s24+$0x0] =	vst.add.f32.msk $0xffff, v5  }
0x1cc: {  	s25 =	sor.u32 $0x11040, s21;
	v5 =	vld [tilespmem:s21+$0x5440]  }
0x1cd: {  	v7 =	vmul.f32 $3.200000000e+01, v7;
	[tilespmem:s25+$0x0] =	vst.add.f32.msk $0xffff, v3  }
0x1ce: {  	s26 =	sor.u32 $0x11050, s21;
	v3 =	vld [tilespmem:s21+$0x5450]  }
0x1cf: {  	v9 =	vmul.f32 $3.200000000e+01, v9;
	[tilespmem:s26+$0x0] =	vst.add.f32.msk $0xffff, v7  }
0x1d0: {  	s29 =	sor.u32 $0x11060, s21;
	v7 =	vld [tilespmem:s21+$0x5460]  }
0x1d1: {  	v8 =	vmul.f32 $3.200000000e+01, v8;
	[tilespmem:s29+$0x0] =	vst.add.f32.msk $0xffff, v9  }
0x1d2: {  	s1 =	sor.u32 $0x11070, s21;
	v9 =	vld [tilespmem:s21+$0x5470]  }
0x1d3: {  	v6 =	vmul.f32 $3.200000000e+01, v6;
	[tilespmem:s1+$0x0] =	vst.add.f32.msk $0xffff, v8  }
0x1d4: {  	s14 =	sor.u32 $0x11400, s21;
	v8 =	vld [tilespmem:s21+$0x5800]  }
0x1d5: {  	v4 =	vmul.f32 $3.200000000e+01, v4;
	[tilespmem:s14+$0x0] =	vst.add.f32.msk $0xffff, v6  }
0x1d6: {  	s15 =	sor.u32 $0x11410, s21;
	v6 =	vld [tilespmem:s21+$0x5810]  }
0x1d7: {  	v10 =	vmul.f32 $3.200000000e+01, v10;
	[tilespmem:s15+$0x0] =	vst.add.f32.msk $0xffff, v4  }
0x1d8: {  	s19 =	sor.u32 $0x11420, s21;
	v4 =	vld [tilespmem:s21+$0x5820]  }
0x1d9: {  	v11 =	vmul.f32 $3.200000000e+01, v11;
	[tilespmem:s19+$0x0] =	vst.add.f32.msk $0xffff, v10  }
0x1da: {  	s22 =	sor.u32 $0x11430, s21;
	v10 =	vld [tilespmem:s21+$0x5830]  }
0x1db: {  	v5 =	vmul.f32 $3.200000000e+01, v5;
	[tilespmem:s22+$0x0] =	vst.add.f32.msk $0xffff, v11  }
0x1dc: {  	s23 =	sor.u32 $0x11440, s21;
	v11 =	vld [tilespmem:s21+$0x5840]  }
0x1dd: {  	v3 =	vmul.f32 $3.200000000e+01, v3;
	[tilespmem:s23+$0x0] =	vst.add.f32.msk $0xffff, v5  }
0x1de: {  	s24 =	sor.u32 $0x11450, s21;
	v5 =	vld [tilespmem:s21+$0x5850]  }
0x1df: {  	v7 =	vmul.f32 $3.200000000e+01, v7;
	[tilespmem:s24+$0x0] =	vst.add.f32.msk $0xffff, v3  }
0x1e0: {  	s25 =	sor.u32 $0x11460, s21;
	v3 =	vld [tilespmem:s21+$0x5860]  }
0x1e1: {  	v9 =	vmul.f32 $3.200000000e+01, v9;
	[tilespmem:s25+$0x0] =	vst.add.f32.msk $0xffff, v7  }
0x1e2: {  	s26 =	sor.u32 $0x11470, s21;
	v7 =	vld [tilespmem:s21+$0x5870]  }
0x1e3: {  	v8 =	vmul.f32 $3.200000000e+01, v8;
	[tilespmem:s26+$0x0] =	vst.add.f32.msk $0xffff, v9  }
0x1e4: {  	s29 =	sor.u32 $0x11800, s21;
	v9 =	vld [tilespmem:s21+$0x5C00]  }
0x1e5: {  	v6 =	vmul.f32 $3.200000000e+01, v6;
	[tilespmem:s29+$0x0] =	vst.add.f32.msk $0xffff, v8  }
0x1e6: {  	s1 =	sor.u32 $0x11810, s21;
	v8 =	vld [tilespmem:s21+$0x5C10]  }
0x1e7: {  	v4 =	vmul.f32 $3.200000000e+01, v4;
	[tilespmem:s1+$0x0] =	vst.add.f32.msk $0xffff, v6  }
0x1e8: {  	s14 =	sor.u32 $0x11820, s21;
	v6 =	vld [tilespmem:s21+$0x5C20]  }
0x1e9: {  	v10 =	vmul.f32 $3.200000000e+01, v10;
	[tilespmem:s14+$0x0] =	vst.add.f32.msk $0xffff, v4  }
0x1ea: {  	s15 =	sor.u32 $0x11830, s21;
	v4 =	vld [tilespmem:s21+$0x5C30]  }
0x1eb: {  	v11 =	vmul.f32 $3.200000000e+01, v11;
	[tilespmem:s15+$0x0] =	vst.add.f32.msk $0xffff, v10  }
0x1ec: {  	s19 =	sor.u32 $0x11840, s21;
	v10 =	vld [tilespmem:s21+$0x5C40]  }
0x1ed: {  	v5 =	vmul.f32 $3.200000000e+01, v5;
	[tilespmem:s19+$0x0] =	vst.add.f32.msk $0xffff, v11  }
0x1ee: {  	s22 =	sor.u32 $0x11850, s21;
	v11 =	vld [tilespmem:s21+$0x5C50]  }
0x1ef: {  	v3 =	vmul.f32 $3.200000000e+01, v3;
	[tilespmem:s22+$0x0] =	vst.add.f32.msk $0xffff, v5  }
0x1f0: {  	s23 =	sand.u32 $0x7, s20;
	s14 =	sor.u32 $0x11860, s21;
	v5 =	vld [tilespmem:s21+$0x5C60]  }
0x1f1: {  	s13 =	sshll.u32 s23, $0x7;
	v7 =	vmul.f32 $3.200000000e+01, v7;
	[tilespmem:s14+$0x0] =	vst.add.f32.msk $0xffff, v3  }
0x1f2: {  	s24 =	sor.u32 $0x11870, s21;
	s13 =	sadd.s32 $0x0, s13;
	v3 =	vld [tilespmem:s21+$0x5C70]  }
0x1f3: {  	v9 =	vmul.f32 $3.200000000e+01, v9;
	s14 =	sor.u32 $0x1C00, s13;
	[tilespmem:s24+$0x0] =	vst.add.f32.msk $0xffff, v7  }
0x1f4: {  	s25 =	sor.u32 $0x11C00, s21;
	v7 =	vld [tilespmem:s14+$0x4400]  }
0x1f5: {  	s15 =	sor.u32 $0x1C10, s13;
	v8 =	vmul.f32 $3.200000000e+01, v8;
	[tilespmem:s25+$0x0] =	vst.add.f32.msk $0xffff, v9  }
0x1f6: {  	s19 =	sor.u32 $0x11C10, s21;
	v9 =	vld [tilespmem:s15+$0x4400]  }
0x1f7: {  	v6 =	vmul.f32 $3.200000000e+01, v6;
	[tilespmem:s19+$0x0] =	vst.add.f32.msk $0xffff, v8;
	s19 =	sor.u32 $0x1C20, s13  }
0x1f8: {  	s22 =	sor.u32 $0x11C20, s21;
	v8 =	vld [tilespmem:s19+$0x4400]  }
0x1f9: {  	v4 =	vmul.f32 $3.200000000e+01, v4;
	[tilespmem:s22+$0x0] =	vst.add.f32.msk $0xffff, v6;
	s22 =	sor.u32 $0x1C30, s13  }
0x1fa: {  	s23 =	sor.u32 $0x11C30, s21;
	v6 =	vld [tilespmem:s22+$0x4400]  }
0x1fb: {  	v10 =	vmul.f32 $3.200000000e+01, v10;
	[tilespmem:s23+$0x0] =	vst.add.f32.msk $0xffff, v4;
	s23 =	sor.u32 $0x1C40, s13  }
0x1fc: {  	s26 =	sor.u32 $0x11C40, s21;
	v4 =	vld [tilespmem:s23+$0x4400]  }
0x1fd: {  	s25 =	sor.u32 $0x1C50, s13;
	v11 =	vmul.f32 $3.200000000e+01, v11;
	[tilespmem:s26+$0x0] =	vst.add.f32.msk $0xffff, v10  }
0x1fe: {  	s29 =	sor.u32 $0x11C50, s21;
	v10 =	vld [tilespmem:s25+$0x4400]  }
0x1ff: {  	v5 =	vmul.f32 $3.200000000e+01, v5;
	s26 =	sor.u32 $0x1C60, s13;
	[tilespmem:s29+$0x0] =	vst.add.f32.msk $0xffff, v11  }
0x200: {  	s1 =	sor.u32 $0x11C60, s21;
	v11 =	vld [tilespmem:s26+$0x4400]  }
0x201: {  	s28 =	sor.u32 $0x1C70, s13;
	v3 =	vmul.f32 $3.200000000e+01, v3;
	[tilespmem:s1+$0x0] =	vst.add.f32.msk $0xffff, v5  }
0x202: {  	s29 =	sor.u32 $0x11C70, s21;
	v5 =	vmul.f32 $3.200000000e+01, v7;
	v7 =	vld [tilespmem:s28+$0x4400]  }
0x203: {  	[tilespmem:s29+$0x0] =	vst.add.f32.msk $0xffff, v3;
	v3 =	vmul.f32 $3.200000000e+01, v9  }
0x204: {  	[tilespmem:s14+$0x10400] =	vst.add.f32.msk $0xffff, v5;
	v5 =	vmul.f32 $3.200000000e+01, v8  }
0x205: {  	[tilespmem:s15+$0x10400] =	vst.add.f32.msk $0xffff, v3;
	v3 =	vmul.f32 $3.200000000e+01, v6  }
0x206: {  	v6 =	vmul.f32 $3.200000000e+01, v4;
	[tilespmem:s19+$0x10400] =	vst.add.f32.msk $0xffff, v5  }
0x207: {  	v4 =	vmul.f32 $3.200000000e+01, v10;
	[tilespmem:s22+$0x10400] =	vst.add.f32.msk $0xffff, v3  }
0x208: {  	s21 =	simm.s32 $0x80;
	v5 =	vmul.f32 $3.200000000e+01, v11;
	s22 =	simm.s32 $0xFFFFC400;
	v3 =	vmul.f32 $3.200000000e+01, v7;
	[tilespmem:s23+$0x10400] =	vst.add.f32.msk $0xffff, v6;
	s23 =	simm.s32 $0x0  }
.LBB2_5:
0x209: {  	s13 =	sadd.s32 $0x4000, s22  }
0x20a: {  	p0 =	sne.s32 s21, $0x780;
	[tilespmem:s25+$0x10400] =	vst.add.f32.msk $0xffff, v4;
	s14 =	smov.u32 s21;
	s21 =	sadd.s32 $0x80, s21  }
0x20b: {  	s13 =	sand.u32 $0x2000, s13;
	s14 =	sand.u32 $0x380, s14;
	[tilespmem:s26+$0x10400] =	vst.add.f32.msk $0xffff, v5  }
0x20c: {  	s24 =	sor.u32 s14, s13;
	[tilespmem:s28+$0x10400] =	vst.add.f32.msk $0xffff, v3  }
0x20d: {  	v3 =	vld [tilespmem:s24+$0x4410]  }
0x20e: {  	v4 =	vld [tilespmem:s24+$0x4460]  }
0x20f: {  	v5 =	vld [tilespmem:s24+$0x4400]  }
0x210: {  	v6 =	vld [tilespmem:s24+$0x4450]  }
0x211: {  	v7 =	vld [tilespmem:s24+$0x4420]  }
0x212: {  	v8 =	vld [tilespmem:s24+$0x4440]  }
0x213: {  	v9 =	vld [tilespmem:s24+$0x4430]  }
0x214: {  	v5 =	vmul.f32 $3.200000000e+01, v5;
	v10 =	vld [tilespmem:s24+$0x4470]  }
0x215: {  	s13 =	sor.u32 $0x10400, s24;
	v11 =	vld [tilespmem:s24+$0x4800]  }
0x216: {  	v3 =	vmul.f32 $3.200000000e+01, v3;
	[tilespmem:s13+$0x0] =	vst.add.f32.msk $0xffff, v5  }
0x217: {  	s13 =	sor.u32 $0x10410, s24;
	v5 =	vld [tilespmem:s24+$0x4810]  }
0x218: {  	v7 =	vmul.f32 $3.200000000e+01, v7;
	[tilespmem:s13+$0x0] =	vst.add.f32.msk $0xffff, v3  }
0x219: {  	s13 =	sor.u32 $0x10420, s24;
	v3 =	vld [tilespmem:s24+$0x4820]  }
0x21a: {  	v9 =	vmul.f32 $3.200000000e+01, v9;
	[tilespmem:s13+$0x0] =	vst.add.f32.msk $0xffff, v7  }
0x21b: {  	s13 =	sor.u32 $0x10430, s24;
	v7 =	vld [tilespmem:s24+$0x4830]  }
0x21c: {  	v8 =	vmul.f32 $3.200000000e+01, v8;
	[tilespmem:s13+$0x0] =	vst.add.f32.msk $0xffff, v9  }
0x21d: {  	s13 =	sor.u32 $0x10440, s24;
	v9 =	vld [tilespmem:s24+$0x4840]  }
0x21e: {  	v6 =	vmul.f32 $3.200000000e+01, v6;
	[tilespmem:s13+$0x0] =	vst.add.f32.msk $0xffff, v8  }
0x21f: {  	s13 =	sor.u32 $0x10450, s24;
	v8 =	vld [tilespmem:s24+$0x4850]  }
0x220: {  	v4 =	vmul.f32 $3.200000000e+01, v4;
	[tilespmem:s13+$0x0] =	vst.add.f32.msk $0xffff, v6  }
0x221: {  	s13 =	sor.u32 $0x10460, s24;
	v6 =	vld [tilespmem:s24+$0x4860]  }
0x222: {  	v10 =	vmul.f32 $3.200000000e+01, v10;
	[tilespmem:s13+$0x0] =	vst.add.f32.msk $0xffff, v4  }
0x223: {  	s13 =	sor.u32 $0x10470, s24;
	v4 =	vld [tilespmem:s24+$0x4870]  }
0x224: {  	v11 =	vmul.f32 $3.200000000e+01, v11;
	[tilespmem:s13+$0x0] =	vst.add.f32.msk $0xffff, v10  }
0x225: {  	s13 =	sor.u32 $0x10800, s24;
	v10 =	vld [tilespmem:s24+$0x4C00]  }
0x226: {  	v5 =	vmul.f32 $3.200000000e+01, v5;
	[tilespmem:s13+$0x0] =	vst.add.f32.msk $0xffff, v11  }
0x227: {  	s13 =	sor.u32 $0x10810, s24;
	v11 =	vld [tilespmem:s24+$0x4C10]  }
0x228: {  	v3 =	vmul.f32 $3.200000000e+01, v3;
	[tilespmem:s13+$0x0] =	vst.add.f32.msk $0xffff, v5  }
0x229: {  	s13 =	sor.u32 $0x10820, s24;
	v5 =	vld [tilespmem:s24+$0x4C20]  }
0x22a: {  	v7 =	vmul.f32 $3.200000000e+01, v7;
	[tilespmem:s13+$0x0] =	vst.add.f32.msk $0xffff, v3  }
0x22b: {  	s13 =	sor.u32 $0x10830, s24;
	v3 =	vld [tilespmem:s24+$0x4C30]  }
0x22c: {  	v9 =	vmul.f32 $3.200000000e+01, v9;
	[tilespmem:s13+$0x0] =	vst.add.f32.msk $0xffff, v7  }
0x22d: {  	s13 =	sor.u32 $0x10840, s24;
	v7 =	vld [tilespmem:s24+$0x4C40]  }
0x22e: {  	v8 =	vmul.f32 $3.200000000e+01, v8;
	[tilespmem:s13+$0x0] =	vst.add.f32.msk $0xffff, v9  }
0x22f: {  	s13 =	sor.u32 $0x10850, s24;
	v9 =	vld [tilespmem:s24+$0x4C50]  }
0x230: {  	v6 =	vmul.f32 $3.200000000e+01, v6;
	[tilespmem:s13+$0x0] =	vst.add.f32.msk $0xffff, v8  }
0x231: {  	s13 =	sor.u32 $0x10860, s24;
	v8 =	vld [tilespmem:s24+$0x4C60]  }
0x232: {  	v4 =	vmul.f32 $3.200000000e+01, v4;
	[tilespmem:s13+$0x0] =	vst.add.f32.msk $0xffff, v6  }
0x233: {  	s13 =	sor.u32 $0x10870, s24;
	v6 =	vld [tilespmem:s24+$0x4C70]  }
0x234: {  	v10 =	vmul.f32 $3.200000000e+01, v10;
	[tilespmem:s13+$0x0] =	vst.add.f32.msk $0xffff, v4  }
0x235: {  	s13 =	sor.u32 $0x10C00, s24;
	v4 =	vld [tilespmem:s24+$0x5000]  }
0x236: {  	v11 =	vmul.f32 $3.200000000e+01, v11;
	[tilespmem:s13+$0x0] =	vst.add.f32.msk $0xffff, v10  }
0x237: {  	s13 =	sor.u32 $0x10C10, s24;
	v10 =	vld [tilespmem:s24+$0x5010]  }
0x238: {  	v5 =	vmul.f32 $3.200000000e+01, v5;
	[tilespmem:s13+$0x0] =	vst.add.f32.msk $0xffff, v11  }
0x239: {  	s13 =	sor.u32 $0x10C20, s24;
	v11 =	vld [tilespmem:s24+$0x5020]  }
0x23a: {  	v3 =	vmul.f32 $3.200000000e+01, v3;
	[tilespmem:s13+$0x0] =	vst.add.f32.msk $0xffff, v5  }
0x23b: {  	s13 =	sor.u32 $0x10C30, s24;
	v5 =	vld [tilespmem:s24+$0x5030]  }
0x23c: {  	v7 =	vmul.f32 $3.200000000e+01, v7;
	[tilespmem:s13+$0x0] =	vst.add.f32.msk $0xffff, v3  }
0x23d: {  	s13 =	sor.u32 $0x10C40, s24;
	v3 =	vld [tilespmem:s24+$0x5040]  }
0x23e: {  	v9 =	vmul.f32 $3.200000000e+01, v9;
	[tilespmem:s13+$0x0] =	vst.add.f32.msk $0xffff, v7  }
0x23f: {  	s13 =	sor.u32 $0x10C50, s24;
	v7 =	vld [tilespmem:s24+$0x5050]  }
0x240: {  	v8 =	vmul.f32 $3.200000000e+01, v8;
	[tilespmem:s13+$0x0] =	vst.add.f32.msk $0xffff, v9  }
0x241: {  	s13 =	sor.u32 $0x10C60, s24;
	v9 =	vld [tilespmem:s24+$0x5060]  }
0x242: {  	v6 =	vmul.f32 $3.200000000e+01, v6;
	[tilespmem:s13+$0x0] =	vst.add.f32.msk $0xffff, v8  }
0x243: {  	s13 =	sor.u32 $0x10C70, s24;
	v8 =	vld [tilespmem:s24+$0x5070]  }
0x244: {  	v4 =	vmul.f32 $3.200000000e+01, v4;
	[tilespmem:s13+$0x0] =	vst.add.f32.msk $0xffff, v6  }
0x245: {  	s13 =	sor.u32 $0x11000, s24;
	v6 =	vld [tilespmem:s24+$0x5400]  }
0x246: {  	v10 =	vmul.f32 $3.200000000e+01, v10;
	[tilespmem:s13+$0x0] =	vst.add.f32.msk $0xffff, v4  }
0x247: {  	s13 =	sor.u32 $0x11010, s24;
	v4 =	vld [tilespmem:s24+$0x5410]  }
0x248: {  	v11 =	vmul.f32 $3.200000000e+01, v11;
	[tilespmem:s13+$0x0] =	vst.add.f32.msk $0xffff, v10  }
0x249: {  	s13 =	sor.u32 $0x11020, s24;
	v10 =	vld [tilespmem:s24+$0x5420]  }
0x24a: {  	v5 =	vmul.f32 $3.200000000e+01, v5;
	[tilespmem:s13+$0x0] =	vst.add.f32.msk $0xffff, v11  }
0x24b: {  	s13 =	sor.u32 $0x11030, s24;
	v11 =	vld [tilespmem:s24+$0x5430]  }
0x24c: {  	v3 =	vmul.f32 $3.200000000e+01, v3;
	[tilespmem:s13+$0x0] =	vst.add.f32.msk $0xffff, v5  }
0x24d: {  	s13 =	sor.u32 $0x11040, s24;
	v5 =	vld [tilespmem:s24+$0x5440]  }
0x24e: {  	v7 =	vmul.f32 $3.200000000e+01, v7;
	[tilespmem:s13+$0x0] =	vst.add.f32.msk $0xffff, v3  }
0x24f: {  	s13 =	sor.u32 $0x11050, s24;
	v3 =	vld [tilespmem:s24+$0x5450]  }
0x250: {  	v9 =	vmul.f32 $3.200000000e+01, v9;
	[tilespmem:s13+$0x0] =	vst.add.f32.msk $0xffff, v7  }
0x251: {  	s13 =	sor.u32 $0x11060, s24;
	v7 =	vld [tilespmem:s24+$0x5460]  }
0x252: {  	v8 =	vmul.f32 $3.200000000e+01, v8;
	[tilespmem:s13+$0x0] =	vst.add.f32.msk $0xffff, v9  }
0x253: {  	s13 =	sor.u32 $0x11070, s24;
	v9 =	vld [tilespmem:s24+$0x5470]  }
0x254: {  	v6 =	vmul.f32 $3.200000000e+01, v6;
	[tilespmem:s13+$0x0] =	vst.add.f32.msk $0xffff, v8  }
0x255: {  	s13 =	sor.u32 $0x11400, s24;
	v8 =	vld [tilespmem:s24+$0x5800]  }
0x256: {  	v4 =	vmul.f32 $3.200000000e+01, v4;
	[tilespmem:s13+$0x0] =	vst.add.f32.msk $0xffff, v6  }
0x257: {  	s13 =	sor.u32 $0x11410, s24;
	v6 =	vld [tilespmem:s24+$0x5810]  }
0x258: {  	v10 =	vmul.f32 $3.200000000e+01, v10;
	[tilespmem:s13+$0x0] =	vst.add.f32.msk $0xffff, v4  }
0x259: {  	s13 =	sor.u32 $0x11420, s24;
	v4 =	vld [tilespmem:s24+$0x5820]  }
0x25a: {  	v11 =	vmul.f32 $3.200000000e+01, v11;
	[tilespmem:s13+$0x0] =	vst.add.f32.msk $0xffff, v10  }
0x25b: {  	s13 =	sor.u32 $0x11430, s24;
	v10 =	vld [tilespmem:s24+$0x5830]  }
0x25c: {  	v5 =	vmul.f32 $3.200000000e+01, v5;
	[tilespmem:s13+$0x0] =	vst.add.f32.msk $0xffff, v11  }
0x25d: {  	s13 =	sor.u32 $0x11440, s24;
	v11 =	vld [tilespmem:s24+$0x5840]  }
0x25e: {  	v3 =	vmul.f32 $3.200000000e+01, v3;
	[tilespmem:s13+$0x0] =	vst.add.f32.msk $0xffff, v5  }
0x25f: {  	s13 =	sor.u32 $0x11450, s24;
	v5 =	vld [tilespmem:s24+$0x5850]  }
0x260: {  	v7 =	vmul.f32 $3.200000000e+01, v7;
	[tilespmem:s13+$0x0] =	vst.add.f32.msk $0xffff, v3  }
0x261: {  	s13 =	sor.u32 $0x11460, s24;
	v3 =	vld [tilespmem:s24+$0x5860]  }
0x262: {  	v9 =	vmul.f32 $3.200000000e+01, v9;
	[tilespmem:s13+$0x0] =	vst.add.f32.msk $0xffff, v7  }
0x263: {  	s13 =	sor.u32 $0x11470, s24;
	v7 =	vld [tilespmem:s24+$0x5870]  }
0x264: {  	v8 =	vmul.f32 $3.200000000e+01, v8;
	[tilespmem:s13+$0x0] =	vst.add.f32.msk $0xffff, v9  }
0x265: {  	s13 =	sor.u32 $0x11800, s24;
	v9 =	vld [tilespmem:s24+$0x5C00]  }
0x266: {  	v6 =	vmul.f32 $3.200000000e+01, v6;
	[tilespmem:s13+$0x0] =	vst.add.f32.msk $0xffff, v8  }
0x267: {  	s13 =	sor.u32 $0x11810, s24;
	v8 =	vld [tilespmem:s24+$0x5C10]  }
0x268: {  	v4 =	vmul.f32 $3.200000000e+01, v4;
	[tilespmem:s13+$0x0] =	vst.add.f32.msk $0xffff, v6  }
0x269: {  	s13 =	sor.u32 $0x11820, s24;
	v6 =	vld [tilespmem:s24+$0x5C20]  }
0x26a: {  	v10 =	vmul.f32 $3.200000000e+01, v10;
	[tilespmem:s13+$0x0] =	vst.add.f32.msk $0xffff, v4  }
0x26b: {  	s13 =	sor.u32 $0x11830, s24;
	v4 =	vld [tilespmem:s24+$0x5C30]  }
0x26c: {  	v11 =	vmul.f32 $3.200000000e+01, v11;
	[tilespmem:s13+$0x0] =	vst.add.f32.msk $0xffff, v10  }
0x26d: {  	s13 =	sor.u32 $0x11840, s24;
	v10 =	vld [tilespmem:s24+$0x5C40]  }
0x26e: {  	s20 =	sadd.s32 $0x1, s20;
	v5 =	vmul.f32 $3.200000000e+01, v5;
	[tilespmem:s13+$0x0] =	vst.add.f32.msk $0xffff, v11  }
0x26f: {  	s13 =	sor.u32 $0x11850, s24;
	v11 =	vld [tilespmem:s24+$0x5C50]  }
0x270: {  	s23 =	sadd.s32 $0x400, s23;
	v3 =	vmul.f32 $3.200000000e+01, v3;
	[tilespmem:s13+$0x0] =	vst.add.f32.msk $0xffff, v5  }
0x271: {  	s14 =	sor.u32 $0x11860, s24;
	s13 =	sand.u32 $0x7, s20;
	v5 =	vld [tilespmem:s24+$0x5C60]  }
0x272: {  	v7 =	vmul.f32 $3.200000000e+01, v7;
	s13 =	sshll.u32 s13, $0x7;
	[tilespmem:s14+$0x0] =	vst.add.f32.msk $0xffff, v3  }
0x273: {  	s13 =	sadd.s32 s13, s23;
	s14 =	sor.u32 $0x11870, s24;
	v3 =	vld [tilespmem:s24+$0x5C70]  }
0x274: {  	v9 =	vmul.f32 $3.200000000e+01, v9;
	[tilespmem:s14+$0x0] =	vst.add.f32.msk $0xffff, v7;
	s14 =	sor.u32 $0x1C00, s13  }
0x275: {  	s15 =	sor.u32 $0x11C00, s24;
	v7 =	vld [tilespmem:s14+$0x4400]  }
0x276: {  	v8 =	vmul.f32 $3.200000000e+01, v8;
	[tilespmem:s15+$0x0] =	vst.add.f32.msk $0xffff, v9;
	s15 =	sor.u32 $0x1C10, s13  }
0x277: {  	s19 =	sor.u32 $0x11C10, s24;
	v9 =	vld [tilespmem:s15+$0x4400]  }
0x278: {  	v6 =	vmul.f32 $3.200000000e+01, v6;
	[tilespmem:s19+$0x0] =	vst.add.f32.msk $0xffff, v8;
	s19 =	sor.u32 $0x1C20, s13  }
0x279: {  	s25 =	sor.u32 $0x11C20, s24;
	v8 =	vld [tilespmem:s19+$0x4400]  }
0x27a: {  	v4 =	vmul.f32 $3.200000000e+01, v4;
	s29 =	sor.u32 $0x1C30, s13;
	[tilespmem:s25+$0x0] =	vst.add.f32.msk $0xffff, v6  }
0x27b: {  	s25 =	sor.u32 $0x11C30, s24;
	v6 =	vld [tilespmem:s29+$0x4400]  }
0x27c: {  	v10 =	vmul.f32 $3.200000000e+01, v10;
	s1 =	sor.u32 $0x1C40, s13;
	[tilespmem:s25+$0x0] =	vst.add.f32.msk $0xffff, v4  }
0x27d: {  	s25 =	sor.u32 $0x11C40, s24;
	v4 =	vld [tilespmem:s1+$0x4400]  }
0x27e: {  	v11 =	vmul.f32 $3.200000000e+01, v11;
	[tilespmem:s25+$0x0] =	vst.add.f32.msk $0xffff, v10;
	s25 =	sor.u32 $0x1C50, s13  }
0x27f: {  	s26 =	sor.u32 $0x11C50, s24;
	v10 =	vld [tilespmem:s25+$0x4400]  }
0x280: {  	v5 =	vmul.f32 $3.200000000e+01, v5;
	[tilespmem:s26+$0x0] =	vst.add.f32.msk $0xffff, v11;
	s26 =	sor.u32 $0x1C60, s13  }
0x281: {  	s28 =	sor.u32 $0x11C60, s24;
	v11 =	vld [tilespmem:s26+$0x4400]  }
0x282: {  	v3 =	vmul.f32 $3.200000000e+01, v3;
	[tilespmem:s28+$0x0] =	vst.add.f32.msk $0xffff, v5;
	s28 =	sor.u32 $0x1C70, s13  }
0x283: {  	v5 =	vmul.f32 $3.200000000e+01, v7;
	s13 =	sor.u32 $0x11C70, s24;
	v7 =	vld [tilespmem:s28+$0x4400]  }
0x284: {  	v9 =	vmul.f32 $3.200000000e+01, v9;
	[tilespmem:s13+$0x0] =	vst.add.f32.msk $0xffff, v3  }
.Ltmp1:
0x285: {  	v3 =	vmul.f32 $3.200000000e+01, v8;
	[tilespmem:s14+$0x10400] =	vst.add.f32.msk $0xffff, v5;
	(pc) =	sbr.rel @p0 .LBB2_5-.Ltmp1, $4  }
0x286: {  	v5 =	vmul.f32 $3.200000000e+01, v6;
	[tilespmem:s15+$0x10400] =	vst.add.f32.msk $0xffff, v9  }
0x287: {  	v6 =	vmul.f32 $3.200000000e+01, v4;
	[tilespmem:s19+$0x10400] =	vst.add.f32.msk $0xffff, v3  }
0x288: {  	v4 =	vmul.f32 $3.200000000e+01, v10;
	v3 =	vmul.f32 $3.200000000e+01, v7;
	[tilespmem:s29+$0x10400] =	vst.add.f32.msk $0xffff, v5  }
0x289: {  	s22 =	sadd.s32 $0x400, s22;
	v5 =	vmul.f32 $3.200000000e+01, v11;
	[tilespmem:s1+$0x10400] =	vst.add.f32.msk $0xffff, v6  }
0x28a: {  	s1 =	rddreg [dreg:$0x9]  }
0x28b: {  	[tilespmem:s25+$0x10400] =	vst.add.f32.msk $0xffff, v4;
	s1 =	sadd.s32 s16, s1  }
0x28c: {  	[tilespmem:s26+$0x10400] =	vst.add.f32.msk $0xffff, v5;
	s1 =	sshll.u32 s1, $0x7  }
0x28d: {  	s20 =	simm.s32 $0x0;
	s13 =	simm.s32 $0x10400;
	[tilespmem:s28+$0x10400] =	vst.add.f32.msk $0xffff, v3;
	s1 =	sadd.s32 s4, s1  }
0x28e: {  	[hbm4b:s1+s20] =	stream.linear.scatter [tilespmem:s13], [sflag:$0x8], $0x4000, $0x38;
	[tilespmem:$0x18400] =	vst v63  }
0x28f: {  	_ =	swait.ge [sflag:s0], $0x4000  }
0x290: {  	[sflag:s0] =	ssyncset.done $0x0  }
0x291: {  	[sflag:s0] =	ssyncadd.s32 $0xFFFFC000  }
0x292: {  	v3 =	vld [tilespmem:s16+$0x30];
	_ =	sdelay $0x4  }
0x293: {  	v4 =	vshll.u32 v3, $0x3  }
0x294: {  	v3 =	vand.u32 $0x7, v3;
	v4 =	vand.u32 $0xFFFFFFC0, v4  }
0x295: {  	v3 =	vor.u32 v3, v4  }
0x296: {  	v4 =	vperm.xlane v3, v0;
	_ =	sdelay $0x1  }
0x297: {  	v4 =	vadd.s32 v1, v4;
	_ =	sdelay $0x3  }
0x298: {  	s13 =	simm.s32 $0xC400  }
0x299: {  	[tilespmem:s13], [sflag:$0x1] =	stream.indirect_vreg.gather [hbm4b:s3+s20], $0x80, v4, vm0, $0xb8;
	[tilespmem:$0x18400] =	vst v63  }
0x29a: {  	s14 =	simm.s32 $0xCC00;
	v3 =	vperm.xlane v3, v2  }
0x29b: {  	[tilespmem:s14], [sflag:$0x1] =	stream.indirect_vreg.gather [hbm4b:s8+s20], $0x80, v4, vm0, $0xb8;
	[tilespmem:$0x18400] =	vst v63  }
0x29c: {  	s15 =	simm.s32 $0xD400;
	v3 =	vadd.s32 v1, v3  }
0x29d: {  	[tilespmem:s15], [sflag:$0x1] =	stream.indirect_vreg.gather [hbm4b:s9+s20], $0x80, v4, vm0, $0xb8;
	[tilespmem:$0x18400] =	vst v63  }
0x29e: {  	s19 =	simm.s32 $0xDC00  }
0x29f: {  	[tilespmem:s19], [sflag:$0x1] =	stream.indirect_vreg.gather [hbm4b:s11+s20], $0x80, v4, vm0, $0xb8;
	[tilespmem:$0x18400] =	vst v63  }
0x2a0: {  	s21 =	simm.s32 $0xE400  }
0x2a1: {  	[tilespmem:s21], [sflag:$0x1] =	stream.indirect_vreg.gather [hbm4b:s3+s20], $0x80, v3, vm0, $0xb8;
	[tilespmem:$0x18400] =	vst v63  }
0x2a2: {  	s22 =	simm.s32 $0xEC00;
	s24 =	sadd.s32 $0x30, s16  }
0x2a3: {  	[tilespmem:s22], [sflag:$0x1] =	stream.indirect_vreg.gather [hbm4b:s8+s20], $0x80, v3, vm0, $0xb8;
	[tilespmem:$0x18400] =	vst v63  }
0x2a4: {  	s23 =	simm.s32 $0xF400;
	s1 =	sadd.s32 s6, s24  }
0x2a5: {  	[tilespmem:s23], [sflag:$0x1] =	stream.indirect_vreg.gather [hbm4b:s9+s20], $0x80, v3, vm0, $0xb8;
	[tilespmem:$0x18400] =	vst v63  }
0x2a6: {  	s25 =	simm.s32 $0xFC00;
	s1 =	sshll.u32 s1, $0x7;
	s26 =	rddreg [dreg:$0x0]  }
0x2a7: {  	[tilespmem:s25], [sflag:$0x1] =	stream.indirect_vreg.gather [hbm4b:s11+s20], $0x80, v3, vm0, $0xb8;
	[tilespmem:$0x18400] =	vst v63  }
0x2a8: {  	s29 =	simm.s32 $0x400;
	s1 =	sadd.s32 s26, s1  }
0x2a9: {  	[tilespmem:s29], [sflag:$0x4] =	stream.linear.gather [hbm4b:s1+s20], $0x4000, $0x38;
	[tilespmem:$0x18400] =	vst v63  }
0x2aa: {  	_ =	swait.ge [sflag:s7], $0x4000  }
0x2ab: {  	[sflag:s7] =	ssyncset.done $0x0  }
0x2ac: {  	[sflag:s7] =	ssyncadd.s32 $0xFFFFC000  }
0x2ad: {  	s13 =	simm.s32 $0x0;
	_ =	swait.ge [sflag:s12], $0x4000  }
0x2ae: {  	s14 =	sand.u32 $0x380, s20;
	s1 =	sand.u32 $0x2000, s13;
	[sflag:s12] =	ssyncset.done $0x0  }
0x2af: {  	s21 =	sor.u32 s14, s1;
	[sflag:s12] =	ssyncadd.s32 $0xFFFFC000  }
0x2b0: {  	v3 =	vld [tilespmem:s21+$0x8410]  }
0x2b1: {  	v4 =	vld [tilespmem:s21+$0x8460]  }
0x2b2: {  	v5 =	vld [tilespmem:s21+$0x8400]  }
0x2b3: {  	v6 =	vld [tilespmem:s21+$0x8450]  }
0x2b4: {  	v7 =	vld [tilespmem:s21+$0x8420]  }
0x2b5: {  	v8 =	vld [tilespmem:s21+$0x8440]  }
0x2b6: {  	v9 =	vld [tilespmem:s21+$0x8430]  }
0x2b7: {  	v10 =	vld [tilespmem:s21+$0x8470];
	v5 =	vmul.f32 $3.200000000e+01, v5  }
0x2b8: {  	s1 =	sor.u32 $0x14400, s21;
	v11 =	vld [tilespmem:s21+$0x8800]  }
0x2b9: {  	v3 =	vmul.f32 $3.200000000e+01, v3;
	[tilespmem:s1+$0x0] =	vst.add.f32.msk $0xffff, v5  }
0x2ba: {  	s15 =	sor.u32 $0x14410, s21;
	v5 =	vld [tilespmem:s21+$0x8810]  }
0x2bb: {  	v7 =	vmul.f32 $3.200000000e+01, v7;
	[tilespmem:s15+$0x0] =	vst.add.f32.msk $0xffff, v3  }
0x2bc: {  	s19 =	sor.u32 $0x14420, s21;
	v3 =	vld [tilespmem:s21+$0x8820]  }
0x2bd: {  	v9 =	vmul.f32 $3.200000000e+01, v9;
	[tilespmem:s19+$0x0] =	vst.add.f32.msk $0xffff, v7  }
0x2be: {  	s22 =	sor.u32 $0x14430, s21;
	v7 =	vld [tilespmem:s21+$0x8830]  }
0x2bf: {  	v8 =	vmul.f32 $3.200000000e+01, v8;
	[tilespmem:s22+$0x0] =	vst.add.f32.msk $0xffff, v9  }
0x2c0: {  	s23 =	sor.u32 $0x14440, s21;
	v9 =	vld [tilespmem:s21+$0x8840]  }
0x2c1: {  	v6 =	vmul.f32 $3.200000000e+01, v6;
	[tilespmem:s23+$0x0] =	vst.add.f32.msk $0xffff, v8  }
0x2c2: {  	s24 =	sor.u32 $0x14450, s21;
	v8 =	vld [tilespmem:s21+$0x8850]  }
0x2c3: {  	v4 =	vmul.f32 $3.200000000e+01, v4;
	[tilespmem:s24+$0x0] =	vst.add.f32.msk $0xffff, v6  }
0x2c4: {  	s25 =	sor.u32 $0x14460, s21;
	v6 =	vld [tilespmem:s21+$0x8860]  }
0x2c5: {  	v10 =	vmul.f32 $3.200000000e+01, v10;
	[tilespmem:s25+$0x0] =	vst.add.f32.msk $0xffff, v4  }
0x2c6: {  	s26 =	sor.u32 $0x14470, s21;
	v4 =	vld [tilespmem:s21+$0x8870]  }
0x2c7: {  	v11 =	vmul.f32 $3.200000000e+01, v11;
	[tilespmem:s26+$0x0] =	vst.add.f32.msk $0xffff, v10  }
0x2c8: {  	s29 =	sor.u32 $0x14800, s21;
	v10 =	vld [tilespmem:s21+$0x8C00]  }
0x2c9: {  	v5 =	vmul.f32 $3.200000000e+01, v5;
	[tilespmem:s29+$0x0] =	vst.add.f32.msk $0xffff, v11  }
0x2ca: {  	s13 =	sor.u32 $0x14810, s21;
	v11 =	vld [tilespmem:s21+$0x8C10]  }
0x2cb: {  	v3 =	vmul.f32 $3.200000000e+01, v3;
	[tilespmem:s13+$0x0] =	vst.add.f32.msk $0xffff, v5  }
0x2cc: {  	s14 =	sor.u32 $0x14820, s21;
	v5 =	vld [tilespmem:s21+$0x8C20]  }
0x2cd: {  	v7 =	vmul.f32 $3.200000000e+01, v7;
	[tilespmem:s14+$0x0] =	vst.add.f32.msk $0xffff, v3  }
0x2ce: {  	s15 =	sor.u32 $0x14830, s21;
	v3 =	vld [tilespmem:s21+$0x8C30]  }
0x2cf: {  	v9 =	vmul.f32 $3.200000000e+01, v9;
	[tilespmem:s15+$0x0] =	vst.add.f32.msk $0xffff, v7  }
0x2d0: {  	s19 =	sor.u32 $0x14840, s21;
	v7 =	vld [tilespmem:s21+$0x8C40]  }
0x2d1: {  	v8 =	vmul.f32 $3.200000000e+01, v8;
	[tilespmem:s19+$0x0] =	vst.add.f32.msk $0xffff, v9  }
0x2d2: {  	s22 =	sor.u32 $0x14850, s21;
	v9 =	vld [tilespmem:s21+$0x8C50]  }
0x2d3: {  	v6 =	vmul.f32 $3.200000000e+01, v6;
	[tilespmem:s22+$0x0] =	vst.add.f32.msk $0xffff, v8  }
0x2d4: {  	s23 =	sor.u32 $0x14860, s21;
	v8 =	vld [tilespmem:s21+$0x8C60]  }
0x2d5: {  	v4 =	vmul.f32 $3.200000000e+01, v4;
	[tilespmem:s23+$0x0] =	vst.add.f32.msk $0xffff, v6  }
0x2d6: {  	s24 =	sor.u32 $0x14870, s21;
	v6 =	vld [tilespmem:s21+$0x8C70]  }
0x2d7: {  	v10 =	vmul.f32 $3.200000000e+01, v10;
	[tilespmem:s24+$0x0] =	vst.add.f32.msk $0xffff, v4  }
0x2d8: {  	s25 =	sor.u32 $0x14C00, s21;
	v4 =	vld [tilespmem:s21+$0x9000]  }
0x2d9: {  	v11 =	vmul.f32 $3.200000000e+01, v11;
	[tilespmem:s25+$0x0] =	vst.add.f32.msk $0xffff, v10  }
0x2da: {  	s26 =	sor.u32 $0x14C10, s21;
	v10 =	vld [tilespmem:s21+$0x9010]  }
0x2db: {  	v5 =	vmul.f32 $3.200000000e+01, v5;
	[tilespmem:s26+$0x0] =	vst.add.f32.msk $0xffff, v11  }
0x2dc: {  	s29 =	sor.u32 $0x14C20, s21;
	v11 =	vld [tilespmem:s21+$0x9020]  }
0x2dd: {  	v3 =	vmul.f32 $3.200000000e+01, v3;
	[tilespmem:s29+$0x0] =	vst.add.f32.msk $0xffff, v5  }
0x2de: {  	s13 =	sor.u32 $0x14C30, s21;
	v5 =	vld [tilespmem:s21+$0x9030]  }
0x2df: {  	v7 =	vmul.f32 $3.200000000e+01, v7;
	[tilespmem:s13+$0x0] =	vst.add.f32.msk $0xffff, v3  }
0x2e0: {  	s14 =	sor.u32 $0x14C40, s21;
	v3 =	vld [tilespmem:s21+$0x9040]  }
0x2e1: {  	v9 =	vmul.f32 $3.200000000e+01, v9;
	[tilespmem:s14+$0x0] =	vst.add.f32.msk $0xffff, v7  }
0x2e2: {  	s15 =	sor.u32 $0x14C50, s21;
	v7 =	vld [tilespmem:s21+$0x9050]  }
0x2e3: {  	v8 =	vmul.f32 $3.200000000e+01, v8;
	[tilespmem:s15+$0x0] =	vst.add.f32.msk $0xffff, v9  }
0x2e4: {  	s19 =	sor.u32 $0x14C60, s21;
	v9 =	vld [tilespmem:s21+$0x9060]  }
0x2e5: {  	v6 =	vmul.f32 $3.200000000e+01, v6;
	[tilespmem:s19+$0x0] =	vst.add.f32.msk $0xffff, v8  }
0x2e6: {  	s22 =	sor.u32 $0x14C70, s21;
	v8 =	vld [tilespmem:s21+$0x9070]  }
0x2e7: {  	v4 =	vmul.f32 $3.200000000e+01, v4;
	[tilespmem:s22+$0x0] =	vst.add.f32.msk $0xffff, v6  }
0x2e8: {  	s23 =	sor.u32 $0x15000, s21;
	v6 =	vld [tilespmem:s21+$0x9400]  }
0x2e9: {  	v10 =	vmul.f32 $3.200000000e+01, v10;
	[tilespmem:s23+$0x0] =	vst.add.f32.msk $0xffff, v4  }
0x2ea: {  	s24 =	sor.u32 $0x15010, s21;
	v4 =	vld [tilespmem:s21+$0x9410]  }
0x2eb: {  	v11 =	vmul.f32 $3.200000000e+01, v11;
	[tilespmem:s24+$0x0] =	vst.add.f32.msk $0xffff, v10  }
0x2ec: {  	s25 =	sor.u32 $0x15020, s21;
	v10 =	vld [tilespmem:s21+$0x9420]  }
0x2ed: {  	v5 =	vmul.f32 $3.200000000e+01, v5;
	[tilespmem:s25+$0x0] =	vst.add.f32.msk $0xffff, v11  }
0x2ee: {  	s26 =	sor.u32 $0x15030, s21;
	v11 =	vld [tilespmem:s21+$0x9430]  }
0x2ef: {  	v3 =	vmul.f32 $3.200000000e+01, v3;
	[tilespmem:s26+$0x0] =	vst.add.f32.msk $0xffff, v5  }
0x2f0: {  	s29 =	sor.u32 $0x15040, s21;
	v5 =	vld [tilespmem:s21+$0x9440]  }
0x2f1: {  	v7 =	vmul.f32 $3.200000000e+01, v7;
	[tilespmem:s29+$0x0] =	vst.add.f32.msk $0xffff, v3  }
0x2f2: {  	s13 =	sor.u32 $0x15050, s21;
	v3 =	vld [tilespmem:s21+$0x9450]  }
0x2f3: {  	v9 =	vmul.f32 $3.200000000e+01, v9;
	[tilespmem:s13+$0x0] =	vst.add.f32.msk $0xffff, v7  }
0x2f4: {  	s14 =	sor.u32 $0x15060, s21;
	v7 =	vld [tilespmem:s21+$0x9460]  }
0x2f5: {  	v8 =	vmul.f32 $3.200000000e+01, v8;
	[tilespmem:s14+$0x0] =	vst.add.f32.msk $0xffff, v9  }
0x2f6: {  	s15 =	sor.u32 $0x15070, s21;
	v9 =	vld [tilespmem:s21+$0x9470]  }
0x2f7: {  	v6 =	vmul.f32 $3.200000000e+01, v6;
	[tilespmem:s15+$0x0] =	vst.add.f32.msk $0xffff, v8  }
0x2f8: {  	s19 =	sor.u32 $0x15400, s21;
	v8 =	vld [tilespmem:s21+$0x9800]  }
0x2f9: {  	v4 =	vmul.f32 $3.200000000e+01, v4;
	[tilespmem:s19+$0x0] =	vst.add.f32.msk $0xffff, v6  }
0x2fa: {  	s22 =	sor.u32 $0x15410, s21;
	v6 =	vld [tilespmem:s21+$0x9810]  }
0x2fb: {  	v10 =	vmul.f32 $3.200000000e+01, v10;
	[tilespmem:s22+$0x0] =	vst.add.f32.msk $0xffff, v4  }
0x2fc: {  	s23 =	sor.u32 $0x15420, s21;
	v4 =	vld [tilespmem:s21+$0x9820]  }
0x2fd: {  	v11 =	vmul.f32 $3.200000000e+01, v11;
	[tilespmem:s23+$0x0] =	vst.add.f32.msk $0xffff, v10  }
0x2fe: {  	s24 =	sor.u32 $0x15430, s21;
	v10 =	vld [tilespmem:s21+$0x9830]  }
0x2ff: {  	v5 =	vmul.f32 $3.200000000e+01, v5;
	[tilespmem:s24+$0x0] =	vst.add.f32.msk $0xffff, v11  }
0x300: {  	s25 =	sor.u32 $0x15440, s21;
	v11 =	vld [tilespmem:s21+$0x9840]  }
0x301: {  	v3 =	vmul.f32 $3.200000000e+01, v3;
	[tilespmem:s25+$0x0] =	vst.add.f32.msk $0xffff, v5  }
0x302: {  	s26 =	sor.u32 $0x15450, s21;
	v5 =	vld [tilespmem:s21+$0x9850]  }
0x303: {  	v7 =	vmul.f32 $3.200000000e+01, v7;
	[tilespmem:s26+$0x0] =	vst.add.f32.msk $0xffff, v3  }
0x304: {  	s29 =	sor.u32 $0x15460, s21;
	v3 =	vld [tilespmem:s21+$0x9860]  }
0x305: {  	v9 =	vmul.f32 $3.200000000e+01, v9;
	[tilespmem:s29+$0x0] =	vst.add.f32.msk $0xffff, v7  }
0x306: {  	s13 =	sor.u32 $0x15470, s21;
	v7 =	vld [tilespmem:s21+$0x9870]  }
0x307: {  	v8 =	vmul.f32 $3.200000000e+01, v8;
	[tilespmem:s13+$0x0] =	vst.add.f32.msk $0xffff, v9  }
0x308: {  	s14 =	sor.u32 $0x15800, s21;
	v9 =	vld [tilespmem:s21+$0x9C00]  }
0x309: {  	v6 =	vmul.f32 $3.200000000e+01, v6;
	[tilespmem:s14+$0x0] =	vst.add.f32.msk $0xffff, v8  }
0x30a: {  	s15 =	sor.u32 $0x15810, s21;
	v8 =	vld [tilespmem:s21+$0x9C10]  }
0x30b: {  	v4 =	vmul.f32 $3.200000000e+01, v4;
	[tilespmem:s15+$0x0] =	vst.add.f32.msk $0xffff, v6  }
0x30c: {  	s19 =	sor.u32 $0x15820, s21;
	v6 =	vld [tilespmem:s21+$0x9C20]  }
0x30d: {  	v10 =	vmul.f32 $3.200000000e+01, v10;
	[tilespmem:s19+$0x0] =	vst.add.f32.msk $0xffff, v4  }
0x30e: {  	s22 =	sor.u32 $0x15830, s21;
	v4 =	vld [tilespmem:s21+$0x9C30]  }
0x30f: {  	v11 =	vmul.f32 $3.200000000e+01, v11;
	[tilespmem:s22+$0x0] =	vst.add.f32.msk $0xffff, v10  }
0x310: {  	s23 =	sor.u32 $0x15840, s21;
	v10 =	vld [tilespmem:s21+$0x9C40]  }
0x311: {  	v5 =	vmul.f32 $3.200000000e+01, v5;
	[tilespmem:s23+$0x0] =	vst.add.f32.msk $0xffff, v11  }
0x312: {  	s24 =	sor.u32 $0x15850, s21;
	v11 =	vld [tilespmem:s21+$0x9C50]  }
0x313: {  	v3 =	vmul.f32 $3.200000000e+01, v3;
	[tilespmem:s24+$0x0] =	vst.add.f32.msk $0xffff, v5  }
0x314: {  	s25 =	sand.u32 $0x7, s20;
	s13 =	sor.u32 $0x15860, s21;
	v5 =	vld [tilespmem:s21+$0x9C60]  }
0x315: {  	s1 =	sshll.u32 s25, $0x7;
	v7 =	vmul.f32 $3.200000000e+01, v7;
	[tilespmem:s13+$0x0] =	vst.add.f32.msk $0xffff, v3  }
0x316: {  	s26 =	sor.u32 $0x15870, s21;
	s1 =	sadd.s32 $0x0, s1;
	v3 =	vld [tilespmem:s21+$0x9C70]  }
0x317: {  	v9 =	vmul.f32 $3.200000000e+01, v9;
	s13 =	sor.u32 $0x1C00, s1;
	[tilespmem:s26+$0x0] =	vst.add.f32.msk $0xffff, v7  }
0x318: {  	s14 =	sor.u32 $0x15C00, s21;
	v7 =	vld [tilespmem:s13+$0x8400]  }
0x319: {  	v8 =	vmul.f32 $3.200000000e+01, v8;
	[tilespmem:s14+$0x0] =	vst.add.f32.msk $0xffff, v9;
	s14 =	sor.u32 $0x1C10, s1  }
0x31a: {  	s15 =	sor.u32 $0x15C10, s21;
	v9 =	vld [tilespmem:s14+$0x8400]  }
0x31b: {  	v6 =	vmul.f32 $3.200000000e+01, v6;
	[tilespmem:s15+$0x0] =	vst.add.f32.msk $0xffff, v8;
	s15 =	sor.u32 $0x1C20, s1  }
0x31c: {  	s19 =	sor.u32 $0x15C20, s21;
	v8 =	vld [tilespmem:s15+$0x8400]  }
0x31d: {  	v4 =	vmul.f32 $3.200000000e+01, v4;
	[tilespmem:s19+$0x0] =	vst.add.f32.msk $0xffff, v6;
	s19 =	sor.u32 $0x1C30, s1  }
0x31e: {  	s22 =	sor.u32 $0x15C30, s21;
	v6 =	vld [tilespmem:s19+$0x8400]  }
0x31f: {  	v10 =	vmul.f32 $3.200000000e+01, v10;
	[tilespmem:s22+$0x0] =	vst.add.f32.msk $0xffff, v4;
	s22 =	sor.u32 $0x1C40, s1  }
0x320: {  	s23 =	sor.u32 $0x15C40, s21;
	v4 =	vld [tilespmem:s22+$0x8400]  }
0x321: {  	s25 =	sor.u32 $0x1C50, s1;
	v11 =	vmul.f32 $3.200000000e+01, v11;
	[tilespmem:s23+$0x0] =	vst.add.f32.msk $0xffff, v10  }
0x322: {  	s29 =	sor.u32 $0x15C50, s21;
	v10 =	vld [tilespmem:s25+$0x8400]  }
0x323: {  	s26 =	sor.u32 $0x1C60, s1;
	v5 =	vmul.f32 $3.200000000e+01, v5;
	[tilespmem:s29+$0x0] =	vst.add.f32.msk $0xffff, v11  }
0x324: {  	s24 =	sor.u32 $0x15C60, s21;
	v11 =	vld [tilespmem:s26+$0x8400]  }
0x325: {  	s28 =	sor.u32 $0x1C70, s1;
	v3 =	vmul.f32 $3.200000000e+01, v3;
	[tilespmem:s24+$0x0] =	vst.add.f32.msk $0xffff, v5  }
0x326: {  	s29 =	sor.u32 $0x15C70, s21;
	v5 =	vmul.f32 $3.200000000e+01, v7;
	v7 =	vld [tilespmem:s28+$0x8400]  }
0x327: {  	[tilespmem:s29+$0x0] =	vst.add.f32.msk $0xffff, v3;
	v3 =	vmul.f32 $3.200000000e+01, v9  }
0x328: {  	[tilespmem:s13+$0x14400] =	vst.add.f32.msk $0xffff, v5;
	v5 =	vmul.f32 $3.200000000e+01, v8  }
0x329: {  	[tilespmem:s14+$0x14400] =	vst.add.f32.msk $0xffff, v3;
	v3 =	vmul.f32 $3.200000000e+01, v6  }
0x32a: {  	v6 =	vmul.f32 $3.200000000e+01, v4;
	[tilespmem:s15+$0x14400] =	vst.add.f32.msk $0xffff, v5  }
0x32b: {  	v4 =	vmul.f32 $3.200000000e+01, v10;
	[tilespmem:s19+$0x14400] =	vst.add.f32.msk $0xffff, v3  }
0x32c: {  	s23 =	simm.s32 $0x0;
	s21 =	simm.s32 $0x80;
	v5 =	vmul.f32 $3.200000000e+01, v11;
	v3 =	vmul.f32 $3.200000000e+01, v7;
	[tilespmem:s22+$0x14400] =	vst.add.f32.msk $0xffff, v6;
	s22 =	simm.s32 $0xFFFFC400  }
.LBB2_7:
0x32d: {  	s1 =	sadd.s32 $0x4000, s22  }
0x32e: {  	p0 =	sne.s32 s21, $0x780;
	[tilespmem:s25+$0x14400] =	vst.add.f32.msk $0xffff, v4;
	s13 =	smov.u32 s21;
	s21 =	sadd.s32 $0x80, s21  }
0x32f: {  	s1 =	sand.u32 $0x2000, s1;
	s13 =	sand.u32 $0x380, s13;
	[tilespmem:s26+$0x14400] =	vst.add.f32.msk $0xffff, v5  }
0x330: {  	s24 =	sor.u32 s13, s1;
	[tilespmem:s28+$0x14400] =	vst.add.f32.msk $0xffff, v3  }
0x331: {  	v3 =	vld [tilespmem:s24+$0x8410]  }
0x332: {  	v4 =	vld [tilespmem:s24+$0x8460]  }
0x333: {  	v5 =	vld [tilespmem:s24+$0x8400]  }
0x334: {  	v6 =	vld [tilespmem:s24+$0x8450]  }
0x335: {  	v7 =	vld [tilespmem:s24+$0x8420]  }
0x336: {  	v8 =	vld [tilespmem:s24+$0x8440]  }
0x337: {  	v9 =	vld [tilespmem:s24+$0x8430]  }
0x338: {  	v5 =	vmul.f32 $3.200000000e+01, v5;
	v10 =	vld [tilespmem:s24+$0x8470]  }
0x339: {  	s1 =	sor.u32 $0x14400, s24;
	v11 =	vld [tilespmem:s24+$0x8800]  }
0x33a: {  	v3 =	vmul.f32 $3.200000000e+01, v3;
	[tilespmem:s1+$0x0] =	vst.add.f32.msk $0xffff, v5  }
0x33b: {  	s1 =	sor.u32 $0x14410, s24;
	v5 =	vld [tilespmem:s24+$0x8810]  }
0x33c: {  	v7 =	vmul.f32 $3.200000000e+01, v7;
	[tilespmem:s1+$0x0] =	vst.add.f32.msk $0xffff, v3  }
0x33d: {  	s1 =	sor.u32 $0x14420, s24;
	v3 =	vld [tilespmem:s24+$0x8820]  }
0x33e: {  	v9 =	vmul.f32 $3.200000000e+01, v9;
	[tilespmem:s1+$0x0] =	vst.add.f32.msk $0xffff, v7  }
0x33f: {  	s1 =	sor.u32 $0x14430, s24;
	v7 =	vld [tilespmem:s24+$0x8830]  }
0x340: {  	v8 =	vmul.f32 $3.200000000e+01, v8;
	[tilespmem:s1+$0x0] =	vst.add.f32.msk $0xffff, v9  }
0x341: {  	s1 =	sor.u32 $0x14440, s24;
	v9 =	vld [tilespmem:s24+$0x8840]  }
0x342: {  	v6 =	vmul.f32 $3.200000000e+01, v6;
	[tilespmem:s1+$0x0] =	vst.add.f32.msk $0xffff, v8  }
0x343: {  	s1 =	sor.u32 $0x14450, s24;
	v8 =	vld [tilespmem:s24+$0x8850]  }
0x344: {  	v4 =	vmul.f32 $3.200000000e+01, v4;
	[tilespmem:s1+$0x0] =	vst.add.f32.msk $0xffff, v6  }
0x345: {  	s1 =	sor.u32 $0x14460, s24;
	v6 =	vld [tilespmem:s24+$0x8860]  }
0x346: {  	v10 =	vmul.f32 $3.200000000e+01, v10;
	[tilespmem:s1+$0x0] =	vst.add.f32.msk $0xffff, v4  }
0x347: {  	s1 =	sor.u32 $0x14470, s24;
	v4 =	vld [tilespmem:s24+$0x8870]  }
0x348: {  	v11 =	vmul.f32 $3.200000000e+01, v11;
	[tilespmem:s1+$0x0] =	vst.add.f32.msk $0xffff, v10  }
0x349: {  	s1 =	sor.u32 $0x14800, s24;
	v10 =	vld [tilespmem:s24+$0x8C00]  }
0x34a: {  	v5 =	vmul.f32 $3.200000000e+01, v5;
	[tilespmem:s1+$0x0] =	vst.add.f32.msk $0xffff, v11  }
0x34b: {  	s1 =	sor.u32 $0x14810, s24;
	v11 =	vld [tilespmem:s24+$0x8C10]  }
0x34c: {  	v3 =	vmul.f32 $3.200000000e+01, v3;
	[tilespmem:s1+$0x0] =	vst.add.f32.msk $0xffff, v5  }
0x34d: {  	s1 =	sor.u32 $0x14820, s24;
	v5 =	vld [tilespmem:s24+$0x8C20]  }
0x34e: {  	v7 =	vmul.f32 $3.200000000e+01, v7;
	[tilespmem:s1+$0x0] =	vst.add.f32.msk $0xffff, v3  }
0x34f: {  	s1 =	sor.u32 $0x14830, s24;
	v3 =	vld [tilespmem:s24+$0x8C30]  }
0x350: {  	v9 =	vmul.f32 $3.200000000e+01, v9;
	[tilespmem:s1+$0x0] =	vst.add.f32.msk $0xffff, v7  }
0x351: {  	s1 =	sor.u32 $0x14840, s24;
	v7 =	vld [tilespmem:s24+$0x8C40]  }
0x352: {  	v8 =	vmul.f32 $3.200000000e+01, v8;
	[tilespmem:s1+$0x0] =	vst.add.f32.msk $0xffff, v9  }
0x353: {  	s1 =	sor.u32 $0x14850, s24;
	v9 =	vld [tilespmem:s24+$0x8C50]  }
0x354: {  	v6 =	vmul.f32 $3.200000000e+01, v6;
	[tilespmem:s1+$0x0] =	vst.add.f32.msk $0xffff, v8  }
0x355: {  	s1 =	sor.u32 $0x14860, s24;
	v8 =	vld [tilespmem:s24+$0x8C60]  }
0x356: {  	v4 =	vmul.f32 $3.200000000e+01, v4;
	[tilespmem:s1+$0x0] =	vst.add.f32.msk $0xffff, v6  }
0x357: {  	s1 =	sor.u32 $0x14870, s24;
	v6 =	vld [tilespmem:s24+$0x8C70]  }
0x358: {  	v10 =	vmul.f32 $3.200000000e+01, v10;
	[tilespmem:s1+$0x0] =	vst.add.f32.msk $0xffff, v4  }
0x359: {  	s1 =	sor.u32 $0x14C00, s24;
	v4 =	vld [tilespmem:s24+$0x9000]  }
0x35a: {  	v11 =	vmul.f32 $3.200000000e+01, v11;
	[tilespmem:s1+$0x0] =	vst.add.f32.msk $0xffff, v10  }
0x35b: {  	s1 =	sor.u32 $0x14C10, s24;
	v10 =	vld [tilespmem:s24+$0x9010]  }
0x35c: {  	v5 =	vmul.f32 $3.200000000e+01, v5;
	[tilespmem:s1+$0x0] =	vst.add.f32.msk $0xffff, v11  }
0x35d: {  	s1 =	sor.u32 $0x14C20, s24;
	v11 =	vld [tilespmem:s24+$0x9020]  }
0x35e: {  	v3 =	vmul.f32 $3.200000000e+01, v3;
	[tilespmem:s1+$0x0] =	vst.add.f32.msk $0xffff, v5  }
0x35f: {  	s1 =	sor.u32 $0x14C30, s24;
	v5 =	vld [tilespmem:s24+$0x9030]  }
0x360: {  	v7 =	vmul.f32 $3.200000000e+01, v7;
	[tilespmem:s1+$0x0] =	vst.add.f32.msk $0xffff, v3  }
0x361: {  	s1 =	sor.u32 $0x14C40, s24;
	v3 =	vld [tilespmem:s24+$0x9040]  }
0x362: {  	v9 =	vmul.f32 $3.200000000e+01, v9;
	[tilespmem:s1+$0x0] =	vst.add.f32.msk $0xffff, v7  }
0x363: {  	s1 =	sor.u32 $0x14C50, s24;
	v7 =	vld [tilespmem:s24+$0x9050]  }
0x364: {  	v8 =	vmul.f32 $3.200000000e+01, v8;
	[tilespmem:s1+$0x0] =	vst.add.f32.msk $0xffff, v9  }
0x365: {  	s1 =	sor.u32 $0x14C60, s24;
	v9 =	vld [tilespmem:s24+$0x9060]  }
0x366: {  	v6 =	vmul.f32 $3.200000000e+01, v6;
	[tilespmem:s1+$0x0] =	vst.add.f32.msk $0xffff, v8  }
0x367: {  	s1 =	sor.u32 $0x14C70, s24;
	v8 =	vld [tilespmem:s24+$0x9070]  }
0x368: {  	v4 =	vmul.f32 $3.200000000e+01, v4;
	[tilespmem:s1+$0x0] =	vst.add.f32.msk $0xffff, v6  }
0x369: {  	s1 =	sor.u32 $0x15000, s24;
	v6 =	vld [tilespmem:s24+$0x9400]  }
0x36a: {  	v10 =	vmul.f32 $3.200000000e+01, v10;
	[tilespmem:s1+$0x0] =	vst.add.f32.msk $0xffff, v4  }
0x36b: {  	s1 =	sor.u32 $0x15010, s24;
	v4 =	vld [tilespmem:s24+$0x9410]  }
0x36c: {  	v11 =	vmul.f32 $3.200000000e+01, v11;
	[tilespmem:s1+$0x0] =	vst.add.f32.msk $0xffff, v10  }
0x36d: {  	s1 =	sor.u32 $0x15020, s24;
	v10 =	vld [tilespmem:s24+$0x9420]  }
0x36e: {  	v5 =	vmul.f32 $3.200000000e+01, v5;
	[tilespmem:s1+$0x0] =	vst.add.f32.msk $0xffff, v11  }
0x36f: {  	s1 =	sor.u32 $0x15030, s24;
	v11 =	vld [tilespmem:s24+$0x9430]  }
0x370: {  	v3 =	vmul.f32 $3.200000000e+01, v3;
	[tilespmem:s1+$0x0] =	vst.add.f32.msk $0xffff, v5  }
0x371: {  	s1 =	sor.u32 $0x15040, s24;
	v5 =	vld [tilespmem:s24+$0x9440]  }
0x372: {  	v7 =	vmul.f32 $3.200000000e+01, v7;
	[tilespmem:s1+$0x0] =	vst.add.f32.msk $0xffff, v3  }
0x373: {  	s1 =	sor.u32 $0x15050, s24;
	v3 =	vld [tilespmem:s24+$0x9450]  }
0x374: {  	v9 =	vmul.f32 $3.200000000e+01, v9;
	[tilespmem:s1+$0x0] =	vst.add.f32.msk $0xffff, v7  }
0x375: {  	s1 =	sor.u32 $0x15060, s24;
	v7 =	vld [tilespmem:s24+$0x9460]  }
0x376: {  	v8 =	vmul.f32 $3.200000000e+01, v8;
	[tilespmem:s1+$0x0] =	vst.add.f32.msk $0xffff, v9  }
0x377: {  	s1 =	sor.u32 $0x15070, s24;
	v9 =	vld [tilespmem:s24+$0x9470]  }
0x378: {  	v6 =	vmul.f32 $3.200000000e+01, v6;
	[tilespmem:s1+$0x0] =	vst.add.f32.msk $0xffff, v8  }
0x379: {  	s1 =	sor.u32 $0x15400, s24;
	v8 =	vld [tilespmem:s24+$0x9800]  }
0x37a: {  	v4 =	vmul.f32 $3.200000000e+01, v4;
	[tilespmem:s1+$0x0] =	vst.add.f32.msk $0xffff, v6  }
0x37b: {  	s1 =	sor.u32 $0x15410, s24;
	v6 =	vld [tilespmem:s24+$0x9810]  }
0x37c: {  	v10 =	vmul.f32 $3.200000000e+01, v10;
	[tilespmem:s1+$0x0] =	vst.add.f32.msk $0xffff, v4  }
0x37d: {  	s1 =	sor.u32 $0x15420, s24;
	v4 =	vld [tilespmem:s24+$0x9820]  }
0x37e: {  	v11 =	vmul.f32 $3.200000000e+01, v11;
	[tilespmem:s1+$0x0] =	vst.add.f32.msk $0xffff, v10  }
0x37f: {  	s1 =	sor.u32 $0x15430, s24;
	v10 =	vld [tilespmem:s24+$0x9830]  }
0x380: {  	v5 =	vmul.f32 $3.200000000e+01, v5;
	[tilespmem:s1+$0x0] =	vst.add.f32.msk $0xffff, v11  }
0x381: {  	s1 =	sor.u32 $0x15440, s24;
	v11 =	vld [tilespmem:s24+$0x9840]  }
0x382: {  	v3 =	vmul.f32 $3.200000000e+01, v3;
	[tilespmem:s1+$0x0] =	vst.add.f32.msk $0xffff, v5  }
0x383: {  	s1 =	sor.u32 $0x15450, s24;
	v5 =	vld [tilespmem:s24+$0x9850]  }
0x384: {  	v7 =	vmul.f32 $3.200000000e+01, v7;
	[tilespmem:s1+$0x0] =	vst.add.f32.msk $0xffff, v3  }
0x385: {  	s1 =	sor.u32 $0x15460, s24;
	v3 =	vld [tilespmem:s24+$0x9860]  }
0x386: {  	v9 =	vmul.f32 $3.200000000e+01, v9;
	[tilespmem:s1+$0x0] =	vst.add.f32.msk $0xffff, v7  }
0x387: {  	s1 =	sor.u32 $0x15470, s24;
	v7 =	vld [tilespmem:s24+$0x9870]  }
0x388: {  	v8 =	vmul.f32 $3.200000000e+01, v8;
	[tilespmem:s1+$0x0] =	vst.add.f32.msk $0xffff, v9  }
0x389: {  	s1 =	sor.u32 $0x15800, s24;
	v9 =	vld [tilespmem:s24+$0x9C00]  }
0x38a: {  	v6 =	vmul.f32 $3.200000000e+01, v6;
	[tilespmem:s1+$0x0] =	vst.add.f32.msk $0xffff, v8  }
0x38b: {  	s1 =	sor.u32 $0x15810, s24;
	v8 =	vld [tilespmem:s24+$0x9C10]  }
0x38c: {  	v4 =	vmul.f32 $3.200000000e+01, v4;
	[tilespmem:s1+$0x0] =	vst.add.f32.msk $0xffff, v6  }
0x38d: {  	s1 =	sor.u32 $0x15820, s24;
	v6 =	vld [tilespmem:s24+$0x9C20]  }
0x38e: {  	v10 =	vmul.f32 $3.200000000e+01, v10;
	[tilespmem:s1+$0x0] =	vst.add.f32.msk $0xffff, v4  }
0x38f: {  	s1 =	sor.u32 $0x15830, s24;
	v4 =	vld [tilespmem:s24+$0x9C30]  }
0x390: {  	v11 =	vmul.f32 $3.200000000e+01, v11;
	[tilespmem:s1+$0x0] =	vst.add.f32.msk $0xffff, v10  }
0x391: {  	s1 =	sor.u32 $0x15840, s24;
	v10 =	vld [tilespmem:s24+$0x9C40]  }
0x392: {  	s20 =	sadd.s32 $0x1, s20;
	v5 =	vmul.f32 $3.200000000e+01, v5;
	[tilespmem:s1+$0x0] =	vst.add.f32.msk $0xffff, v11  }
0x393: {  	s1 =	sor.u32 $0x15850, s24;
	v11 =	vld [tilespmem:s24+$0x9C50]  }
0x394: {  	s23 =	sadd.s32 $0x400, s23;
	v3 =	vmul.f32 $3.200000000e+01, v3;
	[tilespmem:s1+$0x0] =	vst.add.f32.msk $0xffff, v5  }
0x395: {  	s13 =	sor.u32 $0x15860, s24;
	s1 =	sand.u32 $0x7, s20;
	v5 =	vld [tilespmem:s24+$0x9C60]  }
0x396: {  	v7 =	vmul.f32 $3.200000000e+01, v7;
	s1 =	sshll.u32 s1, $0x7;
	[tilespmem:s13+$0x0] =	vst.add.f32.msk $0xffff, v3  }
0x397: {  	s1 =	sadd.s32 s1, s23;
	s13 =	sor.u32 $0x15870, s24;
	v3 =	vld [tilespmem:s24+$0x9C70]  }
0x398: {  	v9 =	vmul.f32 $3.200000000e+01, v9;
	[tilespmem:s13+$0x0] =	vst.add.f32.msk $0xffff, v7;
	s13 =	sor.u32 $0x1C00, s1  }
0x399: {  	s14 =	sor.u32 $0x15C00, s24;
	v7 =	vld [tilespmem:s13+$0x8400]  }
0x39a: {  	v8 =	vmul.f32 $3.200000000e+01, v8;
	[tilespmem:s14+$0x0] =	vst.add.f32.msk $0xffff, v9;
	s14 =	sor.u32 $0x1C10, s1  }
0x39b: {  	s15 =	sor.u32 $0x15C10, s24;
	v9 =	vld [tilespmem:s14+$0x8400]  }
0x39c: {  	v6 =	vmul.f32 $3.200000000e+01, v6;
	[tilespmem:s15+$0x0] =	vst.add.f32.msk $0xffff, v8;
	s15 =	sor.u32 $0x1C20, s1  }
0x39d: {  	s19 =	sor.u32 $0x15C20, s24;
	v8 =	vld [tilespmem:s15+$0x8400]  }
0x39e: {  	v4 =	vmul.f32 $3.200000000e+01, v4;
	[tilespmem:s19+$0x0] =	vst.add.f32.msk $0xffff, v6;
	s19 =	sor.u32 $0x1C30, s1  }
0x39f: {  	s25 =	sor.u32 $0x15C30, s24;
	v6 =	vld [tilespmem:s19+$0x8400]  }
0x3a0: {  	v10 =	vmul.f32 $3.200000000e+01, v10;
	s29 =	sor.u32 $0x1C40, s1;
	[tilespmem:s25+$0x0] =	vst.add.f32.msk $0xffff, v4  }
0x3a1: {  	s25 =	sor.u32 $0x15C40, s24;
	v4 =	vld [tilespmem:s29+$0x8400]  }
0x3a2: {  	v11 =	vmul.f32 $3.200000000e+01, v11;
	[tilespmem:s25+$0x0] =	vst.add.f32.msk $0xffff, v10;
	s25 =	sor.u32 $0x1C50, s1  }
0x3a3: {  	s26 =	sor.u32 $0x15C50, s24;
	v10 =	vld [tilespmem:s25+$0x8400]  }
0x3a4: {  	v5 =	vmul.f32 $3.200000000e+01, v5;
	[tilespmem:s26+$0x0] =	vst.add.f32.msk $0xffff, v11;
	s26 =	sor.u32 $0x1C60, s1  }
0x3a5: {  	s28 =	sor.u32 $0x15C60, s24;
	v11 =	vld [tilespmem:s26+$0x8400]  }
0x3a6: {  	v3 =	vmul.f32 $3.200000000e+01, v3;
	[tilespmem:s28+$0x0] =	vst.add.f32.msk $0xffff, v5;
	s28 =	sor.u32 $0x1C70, s1  }
0x3a7: {  	v5 =	vmul.f32 $3.200000000e+01, v7;
	s1 =	sor.u32 $0x15C70, s24;
	v7 =	vld [tilespmem:s28+$0x8400]  }
0x3a8: {  	v9 =	vmul.f32 $3.200000000e+01, v9;
	[tilespmem:s1+$0x0] =	vst.add.f32.msk $0xffff, v3  }
.Ltmp2:
0x3a9: {  	v3 =	vmul.f32 $3.200000000e+01, v8;
	[tilespmem:s13+$0x14400] =	vst.add.f32.msk $0xffff, v5;
	(pc) =	sbr.rel @p0 .LBB2_7-.Ltmp2, $4  }
0x3aa: {  	v5 =	vmul.f32 $3.200000000e+01, v6;
	[tilespmem:s14+$0x14400] =	vst.add.f32.msk $0xffff, v9  }
0x3ab: {  	v6 =	vmul.f32 $3.200000000e+01, v4;
	[tilespmem:s15+$0x14400] =	vst.add.f32.msk $0xffff, v3  }
0x3ac: {  	v4 =	vmul.f32 $3.200000000e+01, v10;
	v3 =	vmul.f32 $3.200000000e+01, v7;
	[tilespmem:s19+$0x14400] =	vst.add.f32.msk $0xffff, v5  }
0x3ad: {  	s22 =	sadd.s32 $0x400, s22;
	v5 =	vmul.f32 $3.200000000e+01, v11;
	[tilespmem:s29+$0x14400] =	vst.add.f32.msk $0xffff, v6  }
0x3ae: {  	s1 =	rddreg [dreg:$0xa]  }
0x3af: {  	[tilespmem:s25+$0x14400] =	vst.add.f32.msk $0xffff, v4;
	s1 =	sadd.s32 s16, s1  }
0x3b0: {  	p0 =	seq.s32 s30, $0x14;
	[tilespmem:s26+$0x14400] =	vst.add.f32.msk $0xffff, v5;
	s1 =	sshll.u32 s1, $0x7  }
.Ltmp3:
0x3b1: {  	s13 =	simm.s32 $0x14400;
	[tilespmem:s28+$0x14400] =	vst.add.f32.msk $0xffff, v3;
	s1 =	sadd.s32 s4, s1;
	(pc) =	sbr.rel @p0 .LBB2_10-.Ltmp3, $4  }
0x3b2: {  	[hbm4b:s1+s5] =	stream.linear.scatter [tilespmem:s13], [sflag:$0x9], $0x4000, $0x38;
	[tilespmem:$0x18400] =	vst v63  }
0x3b3: {  	_ =	swait.ge [sflag:s17], $0x4000  }
0x3b4: {  	[sflag:s17] =	ssyncset.done $0x0  }
0x3b5: {  	[sflag:s17] =	ssyncadd.s32 $0xFFFFC000  }
0x3b6: {  	v3 =	vld [tilespmem:s16+$0x40];
	_ =	sdelay $0x4  }
0x3b7: {  	v4 =	vshll.u32 v3, $0x3  }
0x3b8: {  	v3 =	vand.u32 $0x7, v3;
	v4 =	vand.u32 $0xFFFFFFC0, v4  }
0x3b9: {  	v3 =	vor.u32 v3, v4  }
0x3ba: {  	v4 =	vperm.xlane v3, v0;
	_ =	sdelay $0x1  }
0x3bb: {  	v4 =	vadd.s32 v1, v4;
	_ =	sdelay $0x3  }
0x3bc: {  	s1 =	simm.s32 $0x10400  }
0x3bd: {  	[tilespmem:s1], [sflag:$0x2] =	stream.indirect_vreg.gather [hbm4b:s3+s5], $0x80, v4, vm0, $0xb8;
	[tilespmem:$0x18400] =	vst v63  }
0x3be: {  	s20 =	simm.s32 $0x10C00;
	v3 =	vperm.xlane v3, v2  }
0x3bf: {  	[tilespmem:s20], [sflag:$0x2] =	stream.indirect_vreg.gather [hbm4b:s8+s5], $0x80, v4, vm0, $0xb8;
	[tilespmem:$0x18400] =	vst v63  }
0x3c0: {  	s21 =	simm.s32 $0x11400;
	v3 =	vadd.s32 v1, v3  }
0x3c1: {  	[tilespmem:s21], [sflag:$0x2] =	stream.indirect_vreg.gather [hbm4b:s9+s5], $0x80, v4, vm0, $0xb8;
	[tilespmem:$0x18400] =	vst v63  }
0x3c2: {  	s22 =	simm.s32 $0x11C00  }
0x3c3: {  	[tilespmem:s22], [sflag:$0x2] =	stream.indirect_vreg.gather [hbm4b:s11+s5], $0x80, v4, vm0, $0xb8;
	[tilespmem:$0x18400] =	vst v63  }
0x3c4: {  	s23 =	simm.s32 $0x12400  }
0x3c5: {  	[tilespmem:s23], [sflag:$0x2] =	stream.indirect_vreg.gather [hbm4b:s3+s5], $0x80, v3, vm0, $0xb8;
	[tilespmem:$0x18400] =	vst v63  }
0x3c6: {  	s24 =	simm.s32 $0x12C00  }
0x3c7: {  	[tilespmem:s24], [sflag:$0x2] =	stream.indirect_vreg.gather [hbm4b:s8+s5], $0x80, v3, vm0, $0xb8;
	[tilespmem:$0x18400] =	vst v63  }
0x3c8: {  	s25 =	simm.s32 $0x13400;
	s26 =	sadd.s32 $0x40, s16  }
0x3c9: {  	[tilespmem:s25], [sflag:$0x2] =	stream.indirect_vreg.gather [hbm4b:s9+s5], $0x80, v3, vm0, $0xb8;
	[tilespmem:$0x18400] =	vst v63  }
.Ltmp4:
0x3ca: {  	s1 =	sadd.s32 s6, s26;
	(pc) =	sbr.rel .LBB2_2-.Ltmp4, $4  }
0x3cb: {  	s13 =	simm.s32 $0x13C00;
	s28 =	rddreg [dreg:$0x0];
	s1 =	sshll.u32 s1, $0x7  }
0x3cc: {  	[tilespmem:s13], [sflag:$0x2] =	stream.indirect_vreg.gather [hbm4b:s11+s5], $0x80, v3, vm0, $0xb8;
	[tilespmem:$0x18400] =	vst v63  }
0x3cd: {  	s29 =	simm.s32 $0x4400;
	s30 =	sadd.s32 $0x1, s30;
	s1 =	sadd.s32 s28, s1  }
0x3ce: {  	[tilespmem:s29], [sflag:$0x5] =	stream.linear.gather [hbm4b:s1+s5], $0x4000, $0x38;
	[tilespmem:$0x18400] =	vst v63  }
.LBB2_10:
0x3cf: {  	_ =	swait.ge [sflag:s10], $0x4000  }
0x3d0: {  	[sflag:s10] =	ssyncset.done $0x0  }
0x3d1: {  	[sflag:s10] =	ssyncadd.s32 $0xFFFFC000  }
0x3d2: {  	s16 =	simm.s32 $0x0;
	s1 =	simm.s32 $0x0;
	_ =	swait.ge [sflag:s18], $0x4000  }
0x3d3: {  	s1 =	sand.u32 $0x2000, s1;
	s13 =	sand.u32 $0x380, s16;
	[sflag:s18] =	ssyncset.done $0x0  }
0x3d4: {  	s20 =	sor.u32 s13, s1;
	[sflag:s18] =	ssyncadd.s32 $0xFFFFC000  }
0x3d5: {  	v3 =	vld [tilespmem:s20+$0x410]  }
0x3d6: {  	v4 =	vld [tilespmem:s20+$0x460]  }
0x3d7: {  	v5 =	vld [tilespmem:s20+$0x400]  }
0x3d8: {  	v6 =	vld [tilespmem:s20+$0x450]  }
0x3d9: {  	v7 =	vld [tilespmem:s20+$0x420]  }
0x3da: {  	v8 =	vld [tilespmem:s20+$0x440]  }
0x3db: {  	v9 =	vld [tilespmem:s20+$0x430]  }
0x3dc: {  	v10 =	vld [tilespmem:s20+$0x470];
	v5 =	vmul.f32 $3.200000000e+01, v5  }
0x3dd: {  	s1 =	sor.u32 $0xC400, s20;
	v11 =	vld [tilespmem:s20+$0x800]  }
0x3de: {  	v3 =	vmul.f32 $3.200000000e+01, v3;
	[tilespmem:s1+$0x0] =	vst.add.f32.msk $0xffff, v5  }
0x3df: {  	s29 =	sor.u32 $0xC410, s20;
	v5 =	vld [tilespmem:s20+$0x810]  }
0x3e0: {  	v7 =	vmul.f32 $3.200000000e+01, v7;
	[tilespmem:s29+$0x0] =	vst.add.f32.msk $0xffff, v3  }
0x3e1: {  	s30 =	sor.u32 $0xC420, s20;
	v3 =	vld [tilespmem:s20+$0x820]  }
0x3e2: {  	v9 =	vmul.f32 $3.200000000e+01, v9;
	[tilespmem:s30+$0x0] =	vst.add.f32.msk $0xffff, v7  }
0x3e3: {  	s13 =	sor.u32 $0xC430, s20;
	v7 =	vld [tilespmem:s20+$0x830]  }
0x3e4: {  	v8 =	vmul.f32 $3.200000000e+01, v8;
	[tilespmem:s13+$0x0] =	vst.add.f32.msk $0xffff, v9  }
0x3e5: {  	s14 =	sor.u32 $0xC440, s20;
	v9 =	vld [tilespmem:s20+$0x840]  }
0x3e6: {  	v6 =	vmul.f32 $3.200000000e+01, v6;
	[tilespmem:s14+$0x0] =	vst.add.f32.msk $0xffff, v8  }
0x3e7: {  	s15 =	sor.u32 $0xC450, s20;
	v8 =	vld [tilespmem:s20+$0x850]  }
0x3e8: {  	v4 =	vmul.f32 $3.200000000e+01, v4;
	[tilespmem:s15+$0x0] =	vst.add.f32.msk $0xffff, v6  }
0x3e9: {  	s19 =	sor.u32 $0xC460, s20;
	v6 =	vld [tilespmem:s20+$0x860]  }
0x3ea: {  	v10 =	vmul.f32 $3.200000000e+01, v10;
	[tilespmem:s19+$0x0] =	vst.add.f32.msk $0xffff, v4  }
0x3eb: {  	s21 =	sor.u32 $0xC470, s20;
	v4 =	vld [tilespmem:s20+$0x870]  }
0x3ec: {  	v11 =	vmul.f32 $3.200000000e+01, v11;
	[tilespmem:s21+$0x0] =	vst.add.f32.msk $0xffff, v10  }
0x3ed: {  	s22 =	sor.u32 $0xC800, s20;
	v10 =	vld [tilespmem:s20+$0xC00]  }
0x3ee: {  	v5 =	vmul.f32 $3.200000000e+01, v5;
	[tilespmem:s22+$0x0] =	vst.add.f32.msk $0xffff, v11  }
0x3ef: {  	s23 =	sor.u32 $0xC810, s20;
	v11 =	vld [tilespmem:s20+$0xC10]  }
0x3f0: {  	v3 =	vmul.f32 $3.200000000e+01, v3;
	[tilespmem:s23+$0x0] =	vst.add.f32.msk $0xffff, v5  }
0x3f1: {  	s24 =	sor.u32 $0xC820, s20;
	v5 =	vld [tilespmem:s20+$0xC20]  }
0x3f2: {  	v7 =	vmul.f32 $3.200000000e+01, v7;
	[tilespmem:s24+$0x0] =	vst.add.f32.msk $0xffff, v3  }
0x3f3: {  	s25 =	sor.u32 $0xC830, s20;
	v3 =	vld [tilespmem:s20+$0xC30]  }
0x3f4: {  	v9 =	vmul.f32 $3.200000000e+01, v9;
	[tilespmem:s25+$0x0] =	vst.add.f32.msk $0xffff, v7  }
0x3f5: {  	s26 =	sor.u32 $0xC840, s20;
	v7 =	vld [tilespmem:s20+$0xC40]  }
0x3f6: {  	v8 =	vmul.f32 $3.200000000e+01, v8;
	[tilespmem:s26+$0x0] =	vst.add.f32.msk $0xffff, v9  }
0x3f7: {  	s28 =	sor.u32 $0xC850, s20;
	v9 =	vld [tilespmem:s20+$0xC50]  }
0x3f8: {  	v6 =	vmul.f32 $3.200000000e+01, v6;
	[tilespmem:s28+$0x0] =	vst.add.f32.msk $0xffff, v8  }
0x3f9: {  	s29 =	sor.u32 $0xC860, s20;
	v8 =	vld [tilespmem:s20+$0xC60]  }
0x3fa: {  	v4 =	vmul.f32 $3.200000000e+01, v4;
	[tilespmem:s29+$0x0] =	vst.add.f32.msk $0xffff, v6  }
0x3fb: {  	s30 =	sor.u32 $0xC870, s20;
	v6 =	vld [tilespmem:s20+$0xC70]  }
0x3fc: {  	v10 =	vmul.f32 $3.200000000e+01, v10;
	[tilespmem:s30+$0x0] =	vst.add.f32.msk $0xffff, v4  }
0x3fd: {  	s13 =	sor.u32 $0xCC00, s20;
	v4 =	vld [tilespmem:s20+$0x1000]  }
0x3fe: {  	v11 =	vmul.f32 $3.200000000e+01, v11;
	[tilespmem:s13+$0x0] =	vst.add.f32.msk $0xffff, v10  }
0x3ff: {  	s14 =	sor.u32 $0xCC10, s20;
	v10 =	vld [tilespmem:s20+$0x1010]  }
0x400: {  	v5 =	vmul.f32 $3.200000000e+01, v5;
	[tilespmem:s14+$0x0] =	vst.add.f32.msk $0xffff, v11  }
0x401: {  	s15 =	sor.u32 $0xCC20, s20;
	v11 =	vld [tilespmem:s20+$0x1020]  }
0x402: {  	v3 =	vmul.f32 $3.200000000e+01, v3;
	[tilespmem:s15+$0x0] =	vst.add.f32.msk $0xffff, v5  }
0x403: {  	s19 =	sor.u32 $0xCC30, s20;
	v5 =	vld [tilespmem:s20+$0x1030]  }
0x404: {  	v7 =	vmul.f32 $3.200000000e+01, v7;
	[tilespmem:s19+$0x0] =	vst.add.f32.msk $0xffff, v3  }
0x405: {  	s21 =	sor.u32 $0xCC40, s20;
	v3 =	vld [tilespmem:s20+$0x1040]  }
0x406: {  	v9 =	vmul.f32 $3.200000000e+01, v9;
	[tilespmem:s21+$0x0] =	vst.add.f32.msk $0xffff, v7  }
0x407: {  	s22 =	sor.u32 $0xCC50, s20;
	v7 =	vld [tilespmem:s20+$0x1050]  }
0x408: {  	v8 =	vmul.f32 $3.200000000e+01, v8;
	[tilespmem:s22+$0x0] =	vst.add.f32.msk $0xffff, v9  }
0x409: {  	s23 =	sor.u32 $0xCC60, s20;
	v9 =	vld [tilespmem:s20+$0x1060]  }
0x40a: {  	v6 =	vmul.f32 $3.200000000e+01, v6;
	[tilespmem:s23+$0x0] =	vst.add.f32.msk $0xffff, v8  }
0x40b: {  	s24 =	sor.u32 $0xCC70, s20;
	v8 =	vld [tilespmem:s20+$0x1070]  }
0x40c: {  	v4 =	vmul.f32 $3.200000000e+01, v4;
	[tilespmem:s24+$0x0] =	vst.add.f32.msk $0xffff, v6  }
0x40d: {  	s25 =	sor.u32 $0xD000, s20;
	v6 =	vld [tilespmem:s20+$0x1400]  }
0x40e: {  	v10 =	vmul.f32 $3.200000000e+01, v10;
	[tilespmem:s25+$0x0] =	vst.add.f32.msk $0xffff, v4  }
0x40f: {  	s26 =	sor.u32 $0xD010, s20;
	v4 =	vld [tilespmem:s20+$0x1410]  }
0x410: {  	v11 =	vmul.f32 $3.200000000e+01, v11;
	[tilespmem:s26+$0x0] =	vst.add.f32.msk $0xffff, v10  }
0x411: {  	s28 =	sor.u32 $0xD020, s20;
	v10 =	vld [tilespmem:s20+$0x1420]  }
0x412: {  	v5 =	vmul.f32 $3.200000000e+01, v5;
	[tilespmem:s28+$0x0] =	vst.add.f32.msk $0xffff, v11  }
0x413: {  	s29 =	sor.u32 $0xD030, s20;
	v11 =	vld [tilespmem:s20+$0x1430]  }
0x414: {  	v3 =	vmul.f32 $3.200000000e+01, v3;
	[tilespmem:s29+$0x0] =	vst.add.f32.msk $0xffff, v5  }
0x415: {  	s30 =	sor.u32 $0xD040, s20;
	v5 =	vld [tilespmem:s20+$0x1440]  }
0x416: {  	v7 =	vmul.f32 $3.200000000e+01, v7;
	[tilespmem:s30+$0x0] =	vst.add.f32.msk $0xffff, v3  }
0x417: {  	s13 =	sor.u32 $0xD050, s20;
	v3 =	vld [tilespmem:s20+$0x1450]  }
0x418: {  	v9 =	vmul.f32 $3.200000000e+01, v9;
	[tilespmem:s13+$0x0] =	vst.add.f32.msk $0xffff, v7  }
0x419: {  	s14 =	sor.u32 $0xD060, s20;
	v7 =	vld [tilespmem:s20+$0x1460]  }
0x41a: {  	v8 =	vmul.f32 $3.200000000e+01, v8;
	[tilespmem:s14+$0x0] =	vst.add.f32.msk $0xffff, v9  }
0x41b: {  	s15 =	sor.u32 $0xD070, s20;
	v9 =	vld [tilespmem:s20+$0x1470]  }
0x41c: {  	v6 =	vmul.f32 $3.200000000e+01, v6;
	[tilespmem:s15+$0x0] =	vst.add.f32.msk $0xffff, v8  }
0x41d: {  	s19 =	sor.u32 $0xD400, s20;
	v8 =	vld [tilespmem:s20+$0x1800]  }
0x41e: {  	v4 =	vmul.f32 $3.200000000e+01, v4;
	[tilespmem:s19+$0x0] =	vst.add.f32.msk $0xffff, v6  }
0x41f: {  	s21 =	sor.u32 $0xD410, s20;
	v6 =	vld [tilespmem:s20+$0x1810]  }
0x420: {  	v10 =	vmul.f32 $3.200000000e+01, v10;
	[tilespmem:s21+$0x0] =	vst.add.f32.msk $0xffff, v4  }
0x421: {  	s22 =	sor.u32 $0xD420, s20;
	v4 =	vld [tilespmem:s20+$0x1820]  }
0x422: {  	v11 =	vmul.f32 $3.200000000e+01, v11;
	[tilespmem:s22+$0x0] =	vst.add.f32.msk $0xffff, v10  }
0x423: {  	s23 =	sor.u32 $0xD430, s20;
	v10 =	vld [tilespmem:s20+$0x1830]  }
0x424: {  	v5 =	vmul.f32 $3.200000000e+01, v5;
	[tilespmem:s23+$0x0] =	vst.add.f32.msk $0xffff, v11  }
0x425: {  	s24 =	sor.u32 $0xD440, s20;
	v11 =	vld [tilespmem:s20+$0x1840]  }
0x426: {  	v3 =	vmul.f32 $3.200000000e+01, v3;
	[tilespmem:s24+$0x0] =	vst.add.f32.msk $0xffff, v5  }
0x427: {  	s25 =	sor.u32 $0xD450, s20;
	v5 =	vld [tilespmem:s20+$0x1850]  }
0x428: {  	v7 =	vmul.f32 $3.200000000e+01, v7;
	[tilespmem:s25+$0x0] =	vst.add.f32.msk $0xffff, v3  }
0x429: {  	s26 =	sor.u32 $0xD460, s20;
	v3 =	vld [tilespmem:s20+$0x1860]  }
0x42a: {  	v9 =	vmul.f32 $3.200000000e+01, v9;
	[tilespmem:s26+$0x0] =	vst.add.f32.msk $0xffff, v7  }
0x42b: {  	s28 =	sor.u32 $0xD470, s20;
	v7 =	vld [tilespmem:s20+$0x1870]  }
0x42c: {  	v8 =	vmul.f32 $3.200000000e+01, v8;
	[tilespmem:s28+$0x0] =	vst.add.f32.msk $0xffff, v9  }
0x42d: {  	s29 =	sor.u32 $0xD800, s20;
	v9 =	vld [tilespmem:s20+$0x1C00]  }
0x42e: {  	v6 =	vmul.f32 $3.200000000e+01, v6;
	[tilespmem:s29+$0x0] =	vst.add.f32.msk $0xffff, v8  }
0x42f: {  	s30 =	sor.u32 $0xD810, s20;
	v8 =	vld [tilespmem:s20+$0x1C10]  }
0x430: {  	v4 =	vmul.f32 $3.200000000e+01, v4;
	[tilespmem:s30+$0x0] =	vst.add.f32.msk $0xffff, v6  }
0x431: {  	s13 =	sor.u32 $0xD820, s20;
	v6 =	vld [tilespmem:s20+$0x1C20]  }
0x432: {  	v10 =	vmul.f32 $3.200000000e+01, v10;
	[tilespmem:s13+$0x0] =	vst.add.f32.msk $0xffff, v4  }
0x433: {  	s14 =	sor.u32 $0xD830, s20;
	v4 =	vld [tilespmem:s20+$0x1C30]  }
0x434: {  	v11 =	vmul.f32 $3.200000000e+01, v11;
	[tilespmem:s14+$0x0] =	vst.add.f32.msk $0xffff, v10  }
0x435: {  	s15 =	sor.u32 $0xD840, s20;
	v10 =	vld [tilespmem:s20+$0x1C40]  }
0x436: {  	v5 =	vmul.f32 $3.200000000e+01, v5;
	[tilespmem:s15+$0x0] =	vst.add.f32.msk $0xffff, v11  }
0x437: {  	s19 =	sor.u32 $0xD850, s20;
	v11 =	vld [tilespmem:s20+$0x1C50]  }
0x438: {  	v3 =	vmul.f32 $3.200000000e+01, v3;
	[tilespmem:s19+$0x0] =	vst.add.f32.msk $0xffff, v5  }
0x439: {  	s21 =	sand.u32 $0x7, s16;
	s13 =	sor.u32 $0xD860, s20;
	v5 =	vld [tilespmem:s20+$0x1C60]  }
0x43a: {  	s1 =	sshll.u32 s21, $0x7;
	v7 =	vmul.f32 $3.200000000e+01, v7;
	[tilespmem:s13+$0x0] =	vst.add.f32.msk $0xffff, v3  }
0x43b: {  	s22 =	sor.u32 $0xD870, s20;
	s1 =	sadd.s32 $0x0, s1;
	v3 =	vld [tilespmem:s20+$0x1C70]  }
0x43c: {  	v9 =	vmul.f32 $3.200000000e+01, v9;
	s13 =	sor.u32 $0x1C00, s1;
	[tilespmem:s22+$0x0] =	vst.add.f32.msk $0xffff, v7  }
0x43d: {  	s14 =	sor.u32 $0xDC00, s20;
	v7 =	vld [tilespmem:s13+$0x400]  }
0x43e: {  	v8 =	vmul.f32 $3.200000000e+01, v8;
	[tilespmem:s14+$0x0] =	vst.add.f32.msk $0xffff, v9;
	s14 =	sor.u32 $0x1C10, s1  }
0x43f: {  	s15 =	sor.u32 $0xDC10, s20;
	v9 =	vld [tilespmem:s14+$0x400]  }
0x440: {  	v6 =	vmul.f32 $3.200000000e+01, v6;
	[tilespmem:s15+$0x0] =	vst.add.f32.msk $0xffff, v8;
	s15 =	sor.u32 $0x1C20, s1  }
0x441: {  	s19 =	sor.u32 $0xDC20, s20;
	v8 =	vld [tilespmem:s15+$0x400]  }
0x442: {  	v4 =	vmul.f32 $3.200000000e+01, v4;
	[tilespmem:s19+$0x0] =	vst.add.f32.msk $0xffff, v6;
	s19 =	sor.u32 $0x1C30, s1  }
0x443: {  	s21 =	sor.u32 $0xDC30, s20;
	v6 =	vld [tilespmem:s19+$0x400]  }
0x444: {  	s23 =	sor.u32 $0x1C40, s1;
	v10 =	vmul.f32 $3.200000000e+01, v10;
	[tilespmem:s21+$0x0] =	vst.add.f32.msk $0xffff, v4  }
0x445: {  	s22 =	sor.u32 $0xDC40, s20;
	v4 =	vld [tilespmem:s23+$0x400]  }
0x446: {  	s24 =	sor.u32 $0x1C50, s1;
	v11 =	vmul.f32 $3.200000000e+01, v11;
	[tilespmem:s22+$0x0] =	vst.add.f32.msk $0xffff, v10  }
0x447: {  	s28 =	sor.u32 $0xDC50, s20;
	v10 =	vld [tilespmem:s24+$0x400]  }
0x448: {  	s25 =	sor.u32 $0x1C60, s1;
	v5 =	vmul.f32 $3.200000000e+01, v5;
	[tilespmem:s28+$0x0] =	vst.add.f32.msk $0xffff, v11  }
0x449: {  	s29 =	sor.u32 $0xDC60, s20;
	v11 =	vld [tilespmem:s25+$0x400]  }
0x44a: {  	s26 =	sor.u32 $0x1C70, s1;
	v3 =	vmul.f32 $3.200000000e+01, v3;
	[tilespmem:s29+$0x0] =	vst.add.f32.msk $0xffff, v5  }
0x44b: {  	s30 =	sor.u32 $0xDC70, s20;
	v5 =	vmul.f32 $3.200000000e+01, v7;
	v7 =	vld [tilespmem:s26+$0x400]  }
0x44c: {  	v9 =	vmul.f32 $3.200000000e+01, v9;
	[tilespmem:s30+$0x0] =	vst.add.f32.msk $0xffff, v3  }
0x44d: {  	v3 =	vmul.f32 $3.200000000e+01, v8;
	[tilespmem:s13+$0xC400] =	vst.add.f32.msk $0xffff, v5  }
0x44e: {  	v5 =	vmul.f32 $3.200000000e+01, v6;
	[tilespmem:s14+$0xC400] =	vst.add.f32.msk $0xffff, v9  }
0x44f: {  	v6 =	vmul.f32 $3.200000000e+01, v4;
	[tilespmem:s15+$0xC400] =	vst.add.f32.msk $0xffff, v3  }
0x450: {  	v4 =	vmul.f32 $3.200000000e+01, v10;
	[tilespmem:s19+$0xC400] =	vst.add.f32.msk $0xffff, v5  }
0x451: {  	s20 =	simm.s32 $0x80;
	s21 =	simm.s32 $0xFFFFC400;
	s22 =	simm.s32 $0x0;
	v5 =	vmul.f32 $3.200000000e+01, v11;
	v3 =	vmul.f32 $3.200000000e+01, v7;
	[tilespmem:s23+$0xC400] =	vst.add.f32.msk $0xffff, v6  }
.LBB2_11:
0x452: {  	s1 =	sadd.s32 $0x4000, s21  }
0x453: {  	p0 =	sne.s32 s20, $0x780;
	[tilespmem:s24+$0xC400] =	vst.add.f32.msk $0xffff, v4;
	s13 =	smov.u32 s20;
	s20 =	sadd.s32 $0x80, s20  }
0x454: {  	s1 =	sand.u32 $0x2000, s1;
	s13 =	sand.u32 $0x380, s13;
	[tilespmem:s25+$0xC400] =	vst.add.f32.msk $0xffff, v5  }
0x455: {  	s23 =	sor.u32 s13, s1;
	[tilespmem:s26+$0xC400] =	vst.add.f32.msk $0xffff, v3  }
0x456: {  	v3 =	vld [tilespmem:s23+$0x410]  }
0x457: {  	v4 =	vld [tilespmem:s23+$0x460]  }
0x458: {  	v5 =	vld [tilespmem:s23+$0x400]  }
0x459: {  	v6 =	vld [tilespmem:s23+$0x450]  }
0x45a: {  	v7 =	vld [tilespmem:s23+$0x420]  }
0x45b: {  	v8 =	vld [tilespmem:s23+$0x440]  }
0x45c: {  	v9 =	vld [tilespmem:s23+$0x430]  }
0x45d: {  	v5 =	vmul.f32 $3.200000000e+01, v5;
	v10 =	vld [tilespmem:s23+$0x470]  }
0x45e: {  	s1 =	sor.u32 $0xC400, s23;
	v11 =	vld [tilespmem:s23+$0x800]  }
0x45f: {  	v3 =	vmul.f32 $3.200000000e+01, v3;
	[tilespmem:s1+$0x0] =	vst.add.f32.msk $0xffff, v5  }
0x460: {  	s1 =	sor.u32 $0xC410, s23;
	v5 =	vld [tilespmem:s23+$0x810]  }
0x461: {  	v7 =	vmul.f32 $3.200000000e+01, v7;
	[tilespmem:s1+$0x0] =	vst.add.f32.msk $0xffff, v3  }
0x462: {  	s1 =	sor.u32 $0xC420, s23;
	v3 =	vld [tilespmem:s23+$0x820]  }
0x463: {  	v9 =	vmul.f32 $3.200000000e+01, v9;
	[tilespmem:s1+$0x0] =	vst.add.f32.msk $0xffff, v7  }
0x464: {  	s1 =	sor.u32 $0xC430, s23;
	v7 =	vld [tilespmem:s23+$0x830]  }
0x465: {  	v8 =	vmul.f32 $3.200000000e+01, v8;
	[tilespmem:s1+$0x0] =	vst.add.f32.msk $0xffff, v9  }
0x466: {  	s1 =	sor.u32 $0xC440, s23;
	v9 =	vld [tilespmem:s23+$0x840]  }
0x467: {  	v6 =	vmul.f32 $3.200000000e+01, v6;
	[tilespmem:s1+$0x0] =	vst.add.f32.msk $0xffff, v8  }
0x468: {  	s1 =	sor.u32 $0xC450, s23;
	v8 =	vld [tilespmem:s23+$0x850]  }
0x469: {  	v4 =	vmul.f32 $3.200000000e+01, v4;
	[tilespmem:s1+$0x0] =	vst.add.f32.msk $0xffff, v6  }
0x46a: {  	s1 =	sor.u32 $0xC460, s23;
	v6 =	vld [tilespmem:s23+$0x860]  }
0x46b: {  	v10 =	vmul.f32 $3.200000000e+01, v10;
	[tilespmem:s1+$0x0] =	vst.add.f32.msk $0xffff, v4  }
0x46c: {  	s1 =	sor.u32 $0xC470, s23;
	v4 =	vld [tilespmem:s23+$0x870]  }
0x46d: {  	v11 =	vmul.f32 $3.200000000e+01, v11;
	[tilespmem:s1+$0x0] =	vst.add.f32.msk $0xffff, v10  }
0x46e: {  	s1 =	sor.u32 $0xC800, s23;
	v10 =	vld [tilespmem:s23+$0xC00]  }
0x46f: {  	v5 =	vmul.f32 $3.200000000e+01, v5;
	[tilespmem:s1+$0x0] =	vst.add.f32.msk $0xffff, v11  }
0x470: {  	s1 =	sor.u32 $0xC810, s23;
	v11 =	vld [tilespmem:s23+$0xC10]  }
0x471: {  	v3 =	vmul.f32 $3.200000000e+01, v3;
	[tilespmem:s1+$0x0] =	vst.add.f32.msk $0xffff, v5  }
0x472: {  	s1 =	sor.u32 $0xC820, s23;
	v5 =	vld [tilespmem:s23+$0xC20]  }
0x473: {  	v7 =	vmul.f32 $3.200000000e+01, v7;
	[tilespmem:s1+$0x0] =	vst.add.f32.msk $0xffff, v3  }
0x474: {  	s1 =	sor.u32 $0xC830, s23;
	v3 =	vld [tilespmem:s23+$0xC30]  }
0x475: {  	v9 =	vmul.f32 $3.200000000e+01, v9;
	[tilespmem:s1+$0x0] =	vst.add.f32.msk $0xffff, v7  }
0x476: {  	s1 =	sor.u32 $0xC840, s23;
	v7 =	vld [tilespmem:s23+$0xC40]  }
0x477: {  	v8 =	vmul.f32 $3.200000000e+01, v8;
	[tilespmem:s1+$0x0] =	vst.add.f32.msk $0xffff, v9  }
0x478: {  	s1 =	sor.u32 $0xC850, s23;
	v9 =	vld [tilespmem:s23+$0xC50]  }
0x479: {  	v6 =	vmul.f32 $3.200000000e+01, v6;
	[tilespmem:s1+$0x0] =	vst.add.f32.msk $0xffff, v8  }
0x47a: {  	s1 =	sor.u32 $0xC860, s23;
	v8 =	vld [tilespmem:s23+$0xC60]  }
0x47b: {  	v4 =	vmul.f32 $3.200000000e+01, v4;
	[tilespmem:s1+$0x0] =	vst.add.f32.msk $0xffff, v6  }
0x47c: {  	s1 =	sor.u32 $0xC870, s23;
	v6 =	vld [tilespmem:s23+$0xC70]  }
0x47d: {  	v10 =	vmul.f32 $3.200000000e+01, v10;
	[tilespmem:s1+$0x0] =	vst.add.f32.msk $0xffff, v4  }
0x47e: {  	s1 =	sor.u32 $0xCC00, s23;
	v4 =	vld [tilespmem:s23+$0x1000]  }
0x47f: {  	v11 =	vmul.f32 $3.200000000e+01, v11;
	[tilespmem:s1+$0x0] =	vst.add.f32.msk $0xffff, v10  }
0x480: {  	s1 =	sor.u32 $0xCC10, s23;
	v10 =	vld [tilespmem:s23+$0x1010]  }
0x481: {  	v5 =	vmul.f32 $3.200000000e+01, v5;
	[tilespmem:s1+$0x0] =	vst.add.f32.msk $0xffff, v11  }
0x482: {  	s1 =	sor.u32 $0xCC20, s23;
	v11 =	vld [tilespmem:s23+$0x1020]  }
0x483: {  	v3 =	vmul.f32 $3.200000000e+01, v3;
	[tilespmem:s1+$0x0] =	vst.add.f32.msk $0xffff, v5  }
0x484: {  	s1 =	sor.u32 $0xCC30, s23;
	v5 =	vld [tilespmem:s23+$0x1030]  }
0x485: {  	v7 =	vmul.f32 $3.200000000e+01, v7;
	[tilespmem:s1+$0x0] =	vst.add.f32.msk $0xffff, v3  }
0x486: {  	s1 =	sor.u32 $0xCC40, s23;
	v3 =	vld [tilespmem:s23+$0x1040]  }
0x487: {  	v9 =	vmul.f32 $3.200000000e+01, v9;
	[tilespmem:s1+$0x0] =	vst.add.f32.msk $0xffff, v7  }
0x488: {  	s1 =	sor.u32 $0xCC50, s23;
	v7 =	vld [tilespmem:s23+$0x1050]  }
0x489: {  	v8 =	vmul.f32 $3.200000000e+01, v8;
	[tilespmem:s1+$0x0] =	vst.add.f32.msk $0xffff, v9  }
0x48a: {  	s1 =	sor.u32 $0xCC60, s23;
	v9 =	vld [tilespmem:s23+$0x1060]  }
0x48b: {  	v6 =	vmul.f32 $3.200000000e+01, v6;
	[tilespmem:s1+$0x0] =	vst.add.f32.msk $0xffff, v8  }
0x48c: {  	s1 =	sor.u32 $0xCC70, s23;
	v8 =	vld [tilespmem:s23+$0x1070]  }
0x48d: {  	v4 =	vmul.f32 $3.200000000e+01, v4;
	[tilespmem:s1+$0x0] =	vst.add.f32.msk $0xffff, v6  }
0x48e: {  	s1 =	sor.u32 $0xD000, s23;
	v6 =	vld [tilespmem:s23+$0x1400]  }
0x48f: {  	v10 =	vmul.f32 $3.200000000e+01, v10;
	[tilespmem:s1+$0x0] =	vst.add.f32.msk $0xffff, v4  }
0x490: {  	s1 =	sor.u32 $0xD010, s23;
	v4 =	vld [tilespmem:s23+$0x1410]  }
0x491: {  	v11 =	vmul.f32 $3.200000000e+01, v11;
	[tilespmem:s1+$0x0] =	vst.add.f32.msk $0xffff, v10  }
0x492: {  	s1 =	sor.u32 $0xD020, s23;
	v10 =	vld [tilespmem:s23+$0x1420]  }
0x493: {  	v5 =	vmul.f32 $3.200000000e+01, v5;
	[tilespmem:s1+$0x0] =	vst.add.f32.msk $0xffff, v11  }
0x494: {  	s1 =	sor.u32 $0xD030, s23;
	v11 =	vld [tilespmem:s23+$0x1430]  }
0x495: {  	v3 =	vmul.f32 $3.200000000e+01, v3;
	[tilespmem:s1+$0x0] =	vst.add.f32.msk $0xffff, v5  }
0x496: {  	s1 =	sor.u32 $0xD040, s23;
	v5 =	vld [tilespmem:s23+$0x1440]  }
0x497: {  	v7 =	vmul.f32 $3.200000000e+01, v7;
	[tilespmem:s1+$0x0] =	vst.add.f32.msk $0xffff, v3  }
0x498: {  	s1 =	sor.u32 $0xD050, s23;
	v3 =	vld [tilespmem:s23+$0x1450]  }
0x499: {  	v9 =	vmul.f32 $3.200000000e+01, v9;
	[tilespmem:s1+$0x0] =	vst.add.f32.msk $0xffff, v7  }
0x49a: {  	s1 =	sor.u32 $0xD060, s23;
	v7 =	vld [tilespmem:s23+$0x1460]  }
0x49b: {  	v8 =	vmul.f32 $3.200000000e+01, v8;
	[tilespmem:s1+$0x0] =	vst.add.f32.msk $0xffff, v9  }
0x49c: {  	s1 =	sor.u32 $0xD070, s23;
	v9 =	vld [tilespmem:s23+$0x1470]  }
0x49d: {  	v6 =	vmul.f32 $3.200000000e+01, v6;
	[tilespmem:s1+$0x0] =	vst.add.f32.msk $0xffff, v8  }
0x49e: {  	s1 =	sor.u32 $0xD400, s23;
	v8 =	vld [tilespmem:s23+$0x1800]  }
0x49f: {  	v4 =	vmul.f32 $3.200000000e+01, v4;
	[tilespmem:s1+$0x0] =	vst.add.f32.msk $0xffff, v6  }
0x4a0: {  	s1 =	sor.u32 $0xD410, s23;
	v6 =	vld [tilespmem:s23+$0x1810]  }
0x4a1: {  	v10 =	vmul.f32 $3.200000000e+01, v10;
	[tilespmem:s1+$0x0] =	vst.add.f32.msk $0xffff, v4  }
0x4a2: {  	s1 =	sor.u32 $0xD420, s23;
	v4 =	vld [tilespmem:s23+$0x1820]  }
0x4a3: {  	v11 =	vmul.f32 $3.200000000e+01, v11;
	[tilespmem:s1+$0x0] =	vst.add.f32.msk $0xffff, v10  }
0x4a4: {  	s1 =	sor.u32 $0xD430, s23;
	v10 =	vld [tilespmem:s23+$0x1830]  }
0x4a5: {  	v5 =	vmul.f32 $3.200000000e+01, v5;
	[tilespmem:s1+$0x0] =	vst.add.f32.msk $0xffff, v11  }
0x4a6: {  	s1 =	sor.u32 $0xD440, s23;
	v11 =	vld [tilespmem:s23+$0x1840]  }
0x4a7: {  	v3 =	vmul.f32 $3.200000000e+01, v3;
	[tilespmem:s1+$0x0] =	vst.add.f32.msk $0xffff, v5  }
0x4a8: {  	s1 =	sor.u32 $0xD450, s23;
	v5 =	vld [tilespmem:s23+$0x1850]  }
0x4a9: {  	v7 =	vmul.f32 $3.200000000e+01, v7;
	[tilespmem:s1+$0x0] =	vst.add.f32.msk $0xffff, v3  }
0x4aa: {  	s1 =	sor.u32 $0xD460, s23;
	v3 =	vld [tilespmem:s23+$0x1860]  }
0x4ab: {  	v9 =	vmul.f32 $3.200000000e+01, v9;
	[tilespmem:s1+$0x0] =	vst.add.f32.msk $0xffff, v7  }
0x4ac: {  	s1 =	sor.u32 $0xD470, s23;
	v7 =	vld [tilespmem:s23+$0x1870]  }
0x4ad: {  	v8 =	vmul.f32 $3.200000000e+01, v8;
	[tilespmem:s1+$0x0] =	vst.add.f32.msk $0xffff, v9  }
0x4ae: {  	s1 =	sor.u32 $0xD800, s23;
	v9 =	vld [tilespmem:s23+$0x1C00]  }
0x4af: {  	v6 =	vmul.f32 $3.200000000e+01, v6;
	[tilespmem:s1+$0x0] =	vst.add.f32.msk $0xffff, v8  }
0x4b0: {  	s1 =	sor.u32 $0xD810, s23;
	v8 =	vld [tilespmem:s23+$0x1C10]  }
0x4b1: {  	v4 =	vmul.f32 $3.200000000e+01, v4;
	[tilespmem:s1+$0x0] =	vst.add.f32.msk $0xffff, v6  }
0x4b2: {  	s1 =	sor.u32 $0xD820, s23;
	v6 =	vld [tilespmem:s23+$0x1C20]  }
0x4b3: {  	v10 =	vmul.f32 $3.200000000e+01, v10;
	[tilespmem:s1+$0x0] =	vst.add.f32.msk $0xffff, v4  }
0x4b4: {  	s1 =	sor.u32 $0xD830, s23;
	v4 =	vld [tilespmem:s23+$0x1C30]  }
0x4b5: {  	v11 =	vmul.f32 $3.200000000e+01, v11;
	[tilespmem:s1+$0x0] =	vst.add.f32.msk $0xffff, v10  }
0x4b6: {  	s1 =	sor.u32 $0xD840, s23;
	v10 =	vld [tilespmem:s23+$0x1C40]  }
0x4b7: {  	s16 =	sadd.s32 $0x1, s16;
	v5 =	vmul.f32 $3.200000000e+01, v5;
	[tilespmem:s1+$0x0] =	vst.add.f32.msk $0xffff, v11  }
0x4b8: {  	s1 =	sor.u32 $0xD850, s23;
	v11 =	vld [tilespmem:s23+$0x1C50]  }
0x4b9: {  	s22 =	sadd.s32 $0x400, s22;
	v3 =	vmul.f32 $3.200000000e+01, v3;
	[tilespmem:s1+$0x0] =	vst.add.f32.msk $0xffff, v5  }
0x4ba: {  	s13 =	sor.u32 $0xD860, s23;
	s1 =	sand.u32 $0x7, s16;
	v5 =	vld [tilespmem:s23+$0x1C60]  }
0x4bb: {  	v7 =	vmul.f32 $3.200000000e+01, v7;
	s1 =	sshll.u32 s1, $0x7;
	[tilespmem:s13+$0x0] =	vst.add.f32.msk $0xffff, v3  }
0x4bc: {  	s1 =	sadd.s32 s1, s22;
	s13 =	sor.u32 $0xD870, s23;
	v3 =	vld [tilespmem:s23+$0x1C70]  }
0x4bd: {  	v9 =	vmul.f32 $3.200000000e+01, v9;
	[tilespmem:s13+$0x0] =	vst.add.f32.msk $0xffff, v7;
	s13 =	sor.u32 $0x1C00, s1  }
0x4be: {  	s14 =	sor.u32 $0xDC00, s23;
	v7 =	vld [tilespmem:s13+$0x400]  }
0x4bf: {  	v8 =	vmul.f32 $3.200000000e+01, v8;
	[tilespmem:s14+$0x0] =	vst.add.f32.msk $0xffff, v9;
	s14 =	sor.u32 $0x1C10, s1  }
0x4c0: {  	s15 =	sor.u32 $0xDC10, s23;
	v9 =	vld [tilespmem:s14+$0x400]  }
0x4c1: {  	v6 =	vmul.f32 $3.200000000e+01, v6;
	[tilespmem:s15+$0x0] =	vst.add.f32.msk $0xffff, v8;
	s15 =	sor.u32 $0x1C20, s1  }
0x4c2: {  	s19 =	sor.u32 $0xDC20, s23;
	v8 =	vld [tilespmem:s15+$0x400]  }
0x4c3: {  	v4 =	vmul.f32 $3.200000000e+01, v4;
	[tilespmem:s19+$0x0] =	vst.add.f32.msk $0xffff, v6;
	s19 =	sor.u32 $0x1C30, s1  }
0x4c4: {  	s24 =	sor.u32 $0xDC30, s23;
	v6 =	vld [tilespmem:s19+$0x400]  }
0x4c5: {  	v10 =	vmul.f32 $3.200000000e+01, v10;
	s28 =	sor.u32 $0x1C40, s1;
	[tilespmem:s24+$0x0] =	vst.add.f32.msk $0xffff, v4  }
0x4c6: {  	s24 =	sor.u32 $0xDC40, s23;
	v4 =	vld [tilespmem:s28+$0x400]  }
0x4c7: {  	v11 =	vmul.f32 $3.200000000e+01, v11;
	[tilespmem:s24+$0x0] =	vst.add.f32.msk $0xffff, v10;
	s24 =	sor.u32 $0x1C50, s1  }
0x4c8: {  	s25 =	sor.u32 $0xDC50, s23;
	v10 =	vld [tilespmem:s24+$0x400]  }
0x4c9: {  	v5 =	vmul.f32 $3.200000000e+01, v5;
	[tilespmem:s25+$0x0] =	vst.add.f32.msk $0xffff, v11;
	s25 =	sor.u32 $0x1C60, s1  }
0x4ca: {  	s26 =	sor.u32 $0xDC60, s23;
	v11 =	vld [tilespmem:s25+$0x400]  }
0x4cb: {  	v3 =	vmul.f32 $3.200000000e+01, v3;
	[tilespmem:s26+$0x0] =	vst.add.f32.msk $0xffff, v5;
	s26 =	sor.u32 $0x1C70, s1  }
0x4cc: {  	v5 =	vmul.f32 $3.200000000e+01, v7;
	s1 =	sor.u32 $0xDC70, s23;
	v7 =	vld [tilespmem:s26+$0x400]  }
0x4cd: {  	v9 =	vmul.f32 $3.200000000e+01, v9;
	[tilespmem:s1+$0x0] =	vst.add.f32.msk $0xffff, v3  }
.Ltmp5:
0x4ce: {  	v3 =	vmul.f32 $3.200000000e+01, v8;
	[tilespmem:s13+$0xC400] =	vst.add.f32.msk $0xffff, v5;
	(pc) =	sbr.rel @p0 .LBB2_11-.Ltmp5, $4  }
0x4cf: {  	v5 =	vmul.f32 $3.200000000e+01, v6;
	[tilespmem:s14+$0xC400] =	vst.add.f32.msk $0xffff, v9  }
0x4d0: {  	v6 =	vmul.f32 $3.200000000e+01, v4;
	[tilespmem:s15+$0xC400] =	vst.add.f32.msk $0xffff, v3  }
0x4d1: {  	v4 =	vmul.f32 $3.200000000e+01, v10;
	v3 =	vmul.f32 $3.200000000e+01, v7;
	[tilespmem:s19+$0xC400] =	vst.add.f32.msk $0xffff, v5  }
0x4d2: {  	s21 =	sadd.s32 $0x400, s21;
	v5 =	vmul.f32 $3.200000000e+01, v11;
	[tilespmem:s28+$0xC400] =	vst.add.f32.msk $0xffff, v6  }
0x4d3: {  	[tilespmem:s24+$0xC400] =	vst.add.f32.msk $0xffff, v4  }
0x4d4: {  	[tilespmem:s25+$0xC400] =	vst.add.f32.msk $0xffff, v5  }
0x4d5: {  	s1 =	rddreg [dreg:$0xb];
	s13 =	simm.s32 $0xC400;
	s29 =	simm.s32 $0x9;
	[tilespmem:s26+$0xC400] =	vst.add.f32.msk $0xffff, v3  }
0x4d6: {  	[hbm4b:s1+s5] =	stream.linear.scatter [tilespmem:s13], [sflag:$0x7], $0x4000, $0x38;
	[tilespmem:$0x18400] =	vst v63  }
0x4d7: {  	_ =	swait.ge [sflag:s29], $0x4000  }
0x4d8: {  	[sflag:s29] =	ssyncset.done $0x0  }
0x4d9: {  	[sflag:s29] =	ssyncadd.s32 $0xFFFFC000  }
0x4da: {  	_ =	swait.ge [sflag:s0], $0x4000  }
0x4db: {  	s14 =	rddreg [dreg:$0xd]  }
0x4dc: {  	s30 =	rddreg [dreg:$0xc];
	s14 =	sadd.s32 $0x1, s14  }
0x4dd: {  	p0 =	sne.s32 s14, s30  }
.Ltmp6:
0x4de: {  	_ = 	snop;
	(pc) =	sbr.rel @p0 .LBB2_1-.Ltmp6, $3  }
0x4df: {  	_ =	sdelay $0x1  }
0x4e0: {  	[sflag:s0] =	ssyncset.done $0x0  }
0x4e1: {  	[sflag:s0] =	ssyncadd.s32 $0xFFFFC000  }
0x4e2: {  	_ =	sfence.sel $0x180000  }
0x4e3: {  	[bflag:$0x0] =	sbarrier.arrive $0xFFFF  }
0x4e4: {  	_ =	strace $0x90000047  }
0x4e5: {  	s0 =	stileid.u32;
	[bflag:$0x2] =	sbarrier.arrive $0xFFFF  }
0x4e6: {  	p0 =	sne.s32 s0, $0x0;
	s0 =	rddreg [dreg:$0x4]  }
0x4e7: {  	s0 =	sadd.s32 @!p0 $0x100000, s0  }
0x4e8: {  	[sflag:s0] =	ssyncadd.tile.s32 @!p0 $0x1;
	_ =	shalt  }
.Lfunc_end2:
_tile_overlayer_lowered:
.L_overlay_start_2:
0x4e9: {  	(tag) =	ssettag $0x2  }
0x4ea: {  	s0 =	rddreg [dreg:$0x0];
	s2 =	stileid.u32  }
0x4eb: {  	s1 =	rddreg [dreg:$0x1];
	p0 =	sne.s32 s2, $0x0  }
0x4ec: {  	s3 =	rddreg [dreg:$0x2];
	[bflag:$0x3] =	sbarrier.arrive $0xFFFF;
	s2 =	simm.s32 @!p0 $0x1C0A  }
0x4ed: {  	[timem:s3], [sflag:s2] =	dma.local @!p0 [hbm:s0], s1  }
0x4ee: {  	s0 =	simm.s32 @!p0 $0xA  }
0x4ef: {  	_ =	swait.ge @!p0 [sflag:s0], s1  }
0x4f0: {  	s1 =	ssub.s32 @!p0 $0x0, s1;
	[sflag:s0] =	ssyncset.done @!p0 $0x0  }
0x4f1: {  	[sflag:s0] =	ssyncadd.s32 @!p0 s1  }
0x4f2: {  	[bflag:$0x3] =	sbarrier.arrive $0xFFFF  }
0x4f3: {  	_ =	shalt  }

</sc_bundles>
